<compile_context>
chip_gen: v7x
topology: tpu7x:2x2x1
jax: 0.10.2.dev20260603
libtpu: 0.0.44.dev20260713+nightly
codegen_flags: <defaults>
</compile_context>

<pallas_src>
import functools

import jax
import jax.numpy as jnp
from jax import lax
from jax.experimental import pallas as pl
from jax.experimental.pallas import tpu as pltpu
from jax.experimental.pallas import tpu_sc as plsc

B = 16384
D = 64
NC = 2
NS = 16
NW = NC * NS
BPW = B // NW
L = 16
CH = D // L
GROUPS = BPW // L
HALF = BPW // 2
GPH = GROUPS // 2


def _dist_mult_body(hidx_hbm, ridx_hbm, tidx_hbm, ent_hbm, rel_hbm,
                    score_hbm, part_hbm,
                    hraw_v, rraw_v, traw_v, hpix_v, rpix_v, tpix_v,
                    hbuf, tbuf, rbuf, score_v, part_v, sem0, sem1):
    wid = lax.axis_index("s") * NC + lax.axis_index("c")
    base = wid * BPW

    pltpu.sync_copy(hidx_hbm.at[pl.ds(base, BPW)], hraw_v)
    pltpu.sync_copy(tidx_hbm.at[pl.ds(base, BPW)], traw_v)
    pltpu.sync_copy(ridx_hbm.at[pl.ds(base, BPW)], rraw_v)

    for raw, pix in ((hraw_v, hpix_v), (traw_v, tpix_v), (rraw_v, rpix_v)):
        for q in range(4):
            for k in range(8):
                v = raw[pl.ds(q * 128 + k * L, L)]
                pix[q, pl.ds(k * L, L)] = v - jnp.where(
                    v >= H, jnp.int32(H), jnp.int32(0))

    def fire(q, sem):
        dst = pl.ds(lax.rem(q, 2) * 128, 128)
        pltpu.async_copy(ent_hbm.at[hpix_v.at[q]], hbuf.at[dst], sem)
        pltpu.async_copy(ent_hbm.at[tpix_v.at[q]], tbuf.at[dst], sem)
        pltpu.async_copy(rel_hbm.at[rpix_v.at[q]], rbuf.at[dst], sem)

    def drain(sem):
        for buf in (hbuf, tbuf, rbuf):
            pltpu.make_async_copy(
                ent_hbm.at[pl.ds(0, 128)],
                buf.at[pl.ds(0, 128)], sem).wait()

    lane = jnp.arange(L, dtype=jnp.int32)
    masks = [lane == i for i in range(L)]

    GPQ = 8
    fire(0, sem0)

    def step(g, sq_acc):
        @pl.when(lax.rem(g, GPQ) == 0)
        def _():
            q = g // GPQ
            par = lax.rem(q, 2)

            @pl.when(q < 3)
            def _():
                @pl.when(par == 0)
                def _():
                    fire(q + 1, sem1)

                @pl.when(par == 1)
                def _():
                    fire(q + 1, sem0)

            @pl.when(par == 0)
            def _():
                drain(sem0)

            @pl.when(par == 1)
            def _():
                drain(sem1)

        hv = hraw_v[pl.ds(g * L, L)]
        tv = traw_v[pl.ds(g * L, L)]
        rv = rraw_v[pl.ds(g * L, L)]
        grow = lax.rem(g, 2 * GPQ) * L
        acc = jnp.zeros((L,), jnp.float32)
        for i in range(L):
            rowv = jnp.full((L,), grow + i, jnp.int32)
            hc = jnp.where(hv[i] >= H, D, 0) + lane
            tc = jnp.where(tv[i] >= H, D, 0) + lane
            rc = jnp.where(rv[i] >= H, D, 0) + lane
            racc = jnp.zeros((L,), jnp.float32)
            for k in range(CH):
                h = plsc.load_gather(hbuf, [rowv, hc + k * L])
                t = plsc.load_gather(tbuf, [rowv, tc + k * L])
                r = plsc.load_gather(rbuf, [rowv, rc + k * L])
                racc = racc + h * t * r
                sq_acc = sq_acc + h * h + t * t + r * r
            acc = jnp.where(masks[i], jnp.sum(racc), acc)
        score_v[pl.ds(g * L, L)] = -acc
        return sq_acc

    sq_acc = lax.fori_loop(0, GROUPS, step, jnp.zeros((L,), jnp.float32))

    part_v[...] = sq_acc
    pltpu.sync_copy(score_v, score_hbm.at[pl.ds(base, BPW)])
    pltpu.sync_copy(part_v, part_hbm.at[wid])


@jax.jit
def _dist_mult_sc(h_idx, r_idx, t_idx, ent_p, rel_p):
    mesh = plsc.VectorSubcoreMesh(core_axis_name="c", subcore_axis_name="s")
    call = functools.partial(
        pl.kernel,
        mesh=mesh,
        compiler_params=pltpu.CompilerParams(
            needs_layout_passes=False, use_tc_tiling_on_sc=True),
        out_type=[
            jax.ShapeDtypeStruct((B,), jnp.float32),
            jax.ShapeDtypeStruct((NW, L), jnp.float32),
        ],
        scratch_types=[
            pltpu.VMEM((BPW,), jnp.int32),
            pltpu.VMEM((BPW,), jnp.int32),
            pltpu.VMEM((BPW,), jnp.int32),
            pltpu.VMEM((4, 128), jnp.int32),
            pltpu.VMEM((4, 128), jnp.int32),
            pltpu.VMEM((4, 128), jnp.int32),
            pltpu.VMEM((HALF, 2 * D), jnp.float32),
            pltpu.VMEM((HALF, 2 * D), jnp.float32),
            pltpu.VMEM((HALF, 2 * D), jnp.float32),
            pltpu.VMEM((BPW,), jnp.float32),
            pltpu.VMEM((L,), jnp.float32),
            pltpu.SemaphoreType.DMA,
            pltpu.SemaphoreType.DMA,
        ],
    )(_dist_mult_body)
    return call(h_idx, r_idx, t_idx, ent_p, rel_p)


NE = 1000000
CW = 16384
NCHUNK = 31
H = NCHUNK * CW


def _repack_body(lo_ref, hi_ref, out_ref):
    eye = jnp.eye(D, dtype=jnp.float32)
    out_ref[:, 0:D] = jax.lax.dot_general(
        lo_ref[...], eye, (((0,), (0,)), ((), ())),
        preferred_element_type=jnp.float32)
    out_ref[:, D:2 * D] = jax.lax.dot_general(
        hi_ref[...], eye, (((0,), (0,)), ((), ())),
        preferred_element_type=jnp.float32)


def _repack(table_t):
    last_blk = (NE - 1) // CW
    return pl.pallas_call(
        _repack_body,
        grid=(NCHUNK,),
        in_specs=[
            pl.BlockSpec((D, CW), lambda i: (0, i)),
            pl.BlockSpec((D, CW),
                         lambda i: (0, jnp.minimum(i + NCHUNK, last_blk))),
        ],
        out_specs=pl.BlockSpec((CW, 2 * D), lambda i: (i, 0)),
        out_shape=jax.ShapeDtypeStruct((H, 2 * D), jnp.float32),
    )(table_t, table_t)


def kernel(batch_input, ent_embeddings, rel_embeddings):
    bi = batch_input.astype(jnp.int32)
    h_idx = bi[:, 0]
    r_idx = bi[:, 1]
    t_idx = bi[:, 2]
    ent_p = _repack(ent_embeddings.T)
    rel_p = _repack(rel_embeddings.T)
    score, part = _dist_mult_sc(h_idx, r_idx, t_idx, ent_p, rel_p)
    regul = jnp.sum(part) / jnp.float32(B * D)
    return (score, regul)

# --- scband reference (transcript-rebuilt; emitter-appended) ---
"""Pipeline reference for scband-dist-mult-76519137345815 (READ-ONLY COPY).

The authoritative reference and input builder live on the scoring server;
editing this copy changes nothing except your own understanding.
"""

import jax, jax.numpy as jnp
import numpy as np

N_ENTITY = 1000000
N_RELATION = 1000000
EMB_DIM = 64
BATCH = 16384


def _xavier_uniform(key, shape):
    fan_in, fan_out = shape[1], shape[0]
    limit = float(np.sqrt(6.0 / (fan_in + fan_out)))
    return jax.random.uniform(key, shape, dtype=jnp.float32, minval=-limit, maxval=limit)


def setup_inputs(seed: int = 0) -> dict:
    key = jax.random.key(seed)
    k1, k2, k3 = jax.random.split(key, 3)
    batch_input = jax.random.randint(k1, (BATCH, 3), 0, N_ENTITY, dtype=jnp.int64) if jax.config.read('jax_enable_x64') else jax.random.randint(k1, (BATCH, 3), 0, N_ENTITY, dtype=jnp.int32)
    ent_embeddings = _xavier_uniform(k2, (N_ENTITY, EMB_DIM))
    rel_embeddings = _xavier_uniform(k3, (N_RELATION, EMB_DIM))
    return {"batch_input": batch_input, "ent_embeddings": ent_embeddings, "rel_embeddings": rel_embeddings}


def reference(batch_input, ent_embeddings, rel_embeddings):
    batch_h = batch_input[:, 0]
    batch_t = batch_input[:, 2]
    batch_r = batch_input[:, 1]
    h_re = jnp.take(ent_embeddings, batch_h, axis=0)
    t_re = jnp.take(ent_embeddings, batch_t, axis=0)
    r_re = jnp.take(rel_embeddings, batch_r, axis=0)
    score = -jnp.sum(h_re * t_re * r_re, axis=-1)
    regul = jnp.mean(h_re ** 2) + jnp.mean(t_re ** 2) + jnp.mean(r_re ** 2)
    return (score, regul)

if __name__ == "__main__":
    import jax
    _d = setup_inputs()
    print(jax.jit(kernel)(*tuple(_d.values())))

</pallas_src>

<mosaic_0001>
#map = affine_map<(d0, d1) -> (0)>
#map1 = affine_map<(d0, d1) -> (0, 0)>
module attributes {stable_mosaic.version = 14 : i64} {
  func.func @_dist_mult_body(%arg0: i32, %arg1: i32, %arg2: memref<16384xi32, #tpu.memory_space<hbm>>, %arg3: memref<16384xi32, #tpu.memory_space<hbm>>, %arg4: memref<16384xi32, #tpu.memory_space<hbm>>, %arg5: memref<507904x128xf32, #tpu.memory_space<hbm>>, %arg6: memref<507904x128xf32, #tpu.memory_space<hbm>>, %arg7: memref<16384xf32, #tpu.memory_space<hbm>>, %arg8: memref<32x16xf32, #tpu.memory_space<hbm>>, %arg9: memref<512xi32, #tpu.memory_space<vmem>>, %arg10: memref<512xi32, #tpu.memory_space<vmem>>, %arg11: memref<512xi32, #tpu.memory_space<vmem>>, %arg12: memref<4x128xi32, #tpu.memory_space<vmem>>, %arg13: memref<4x128xi32, #tpu.memory_space<vmem>>, %arg14: memref<4x128xi32, #tpu.memory_space<vmem>>, %arg15: memref<256x128xf32, #tpu.memory_space<vmem>>, %arg16: memref<256x128xf32, #tpu.memory_space<vmem>>, %arg17: memref<256x128xf32, #tpu.memory_space<vmem>>, %arg18: memref<512xf32, #tpu.memory_space<vmem>>, %arg19: memref<16xf32, #tpu.memory_space<vmem>>, %arg20: memref<!tpu.dma_semaphore, #tpu.memory_space<semaphore_mem>>, %arg21: memref<!tpu.dma_semaphore, #tpu.memory_space<semaphore_mem>>) attributes {dimension_semantics = [#tpu.dimension_semantics<core_parallel>, #tpu.dimension_semantics<subcore_parallel>], iteration_bounds = array<i64: 2, 16>, scalar_prefetch = 0 : i64, scratch_operands = 13 : i64, tpu.core_type = #tpu.core_type<sc_vector_subcore>, window_params = [{transform_indices = #map}, {transform_indices = #map}, {transform_indices = #map}, {transform_indices = #map1}, {transform_indices = #map1}, {transform_indices = #map}, {transform_indices = #map1}]} {
    %mul3A = arith.constant 2 : i32
    %mul3A_0 = arith.muli %arg1, %mul3A : i32
    %add3A = arith.addi %mul3A_0, %arg0 : i32
    %mul3A_1 = arith.constant 512 : i32
    %mul3A_2 = arith.muli %add3A, %mul3A_1 : i32
    "tpu.region"() ({
      %run_scoped3A = tpu.sem_alloc : memref<!tpu.dma_semaphore, #tpu.memory_space<semaphore_mem>>
      %dma_start3A_1522 = tpu.memref_slice %arg2[%mul3A_2] : memref<16384xi32, #tpu.memory_space<hbm>> -> memref<512xi32, #tpu.memory_space<hbm>>
      %dma_start3A_1523 = tpu.memref_slice %arg2[%mul3A_2] : memref<16384xi32, #tpu.memory_space<hbm>> -> memref<512xi32, #tpu.memory_space<hbm>>
      tpu.enqueue_dma source(%dma_start3A_1523 : memref<512xi32, #tpu.memory_space<hbm>>) target(%arg9 : memref<512xi32, #tpu.memory_space<vmem>>) target_semaphore(%run_scoped3A : memref<!tpu.dma_semaphore, #tpu.memory_space<semaphore_mem>>)
      %dma_wait3A = tpu.memref_slice %arg2[%mul3A_2] : memref<16384xi32, #tpu.memory_space<hbm>> -> memref<512xi32, #tpu.memory_space<hbm>>
      %dma_wait3A_1524 = tpu.memref_slice %arg2[%mul3A_2] : memref<16384xi32, #tpu.memory_space<hbm>> -> memref<512xi32, #tpu.memory_space<hbm>>
      tpu.wait_dma2 semaphore(%run_scoped3A : memref<!tpu.dma_semaphore, #tpu.memory_space<semaphore_mem>>) src(%dma_wait3A_1524 : memref<512xi32, #tpu.memory_space<hbm>>) dst(%arg9 : memref<512xi32, #tpu.memory_space<vmem>>)
      tpu.yield
    }) : () -> ()
    "tpu.region"() ({
      %run_scoped3A = tpu.sem_alloc : memref<!tpu.dma_semaphore, #tpu.memory_space<semaphore_mem>>
      %dma_start3A_1522 = tpu.memref_slice %arg4[%mul3A_2] : memref<16384xi32, #tpu.memory_space<hbm>> -> memref<512xi32, #tpu.memory_space<hbm>>
      %dma_start3A_1523 = tpu.memref_slice %arg4[%mul3A_2] : memref<16384xi32, #tpu.memory_space<hbm>> -> memref<512xi32, #tpu.memory_space<hbm>>
      tpu.enqueue_dma source(%dma_start3A_1523 : memref<512xi32, #tpu.memory_space<hbm>>) target(%arg11 : memref<512xi32, #tpu.memory_space<vmem>>) target_semaphore(%run_scoped3A : memref<!tpu.dma_semaphore, #tpu.memory_space<semaphore_mem>>)
      %dma_wait3A = tpu.memref_slice %arg4[%mul3A_2] : memref<16384xi32, #tpu.memory_space<hbm>> -> memref<512xi32, #tpu.memory_space<hbm>>
      %dma_wait3A_1524 = tpu.memref_slice %arg4[%mul3A_2] : memref<16384xi32, #tpu.memory_space<hbm>> -> memref<512xi32, #tpu.memory_space<hbm>>
      tpu.wait_dma2 semaphore(%run_scoped3A : memref<!tpu.dma_semaphore, #tpu.memory_space<semaphore_mem>>) src(%dma_wait3A_1524 : memref<512xi32, #tpu.memory_space<hbm>>) dst(%arg11 : memref<512xi32, #tpu.memory_space<vmem>>)
      tpu.yield
    }) : () -> ()
    "tpu.region"() ({
      %run_scoped3A = tpu.sem_alloc : memref<!tpu.dma_semaphore, #tpu.memory_space<semaphore_mem>>
      %dma_start3A_1522 = tpu.memref_slice %arg3[%mul3A_2] : memref<16384xi32, #tpu.memory_space<hbm>> -> memref<512xi32, #tpu.memory_space<hbm>>
      %dma_start3A_1523 = tpu.memref_slice %arg3[%mul3A_2] : memref<16384xi32, #tpu.memory_space<hbm>> -> memref<512xi32, #tpu.memory_space<hbm>>
      tpu.enqueue_dma source(%dma_start3A_1523 : memref<512xi32, #tpu.memory_space<hbm>>) target(%arg10 : memref<512xi32, #tpu.memory_space<vmem>>) target_semaphore(%run_scoped3A : memref<!tpu.dma_semaphore, #tpu.memory_space<semaphore_mem>>)
      %dma_wait3A = tpu.memref_slice %arg3[%mul3A_2] : memref<16384xi32, #tpu.memory_space<hbm>> -> memref<512xi32, #tpu.memory_space<hbm>>
      %dma_wait3A_1524 = tpu.memref_slice %arg3[%mul3A_2] : memref<16384xi32, #tpu.memory_space<hbm>> -> memref<512xi32, #tpu.memory_space<hbm>>
      tpu.wait_dma2 semaphore(%run_scoped3A : memref<!tpu.dma_semaphore, #tpu.memory_space<semaphore_mem>>) src(%dma_wait3A_1524 : memref<512xi32, #tpu.memory_space<hbm>>) dst(%arg10 : memref<512xi32, #tpu.memory_space<vmem>>)
      tpu.yield
    }) : () -> ()
    %get3A = arith.constant 0 : index
    %get3A_3 = tpu.vector_load %arg9[%get3A] {strides = array<i32>} : memref<512xi32, #tpu.memory_space<vmem>>, vector<16xi32>,
    %ge3A = arith.constant 507904 : i32
    %ge3A_4 = vector.broadcast %ge3A : i32 to vector<16xi32>
    %ge3A_5 = arith.cmpi sge, %get3A_3, %ge3A_4 : vector<16xi32>
    %jit3A = arith.constant 507904 : i32
    %jit3A_6 = arith.constant 0 : i32
    %broadcast_in_dim3A = vector.broadcast %jit3A : i32 to vector<16xi32>
    %broadcast_in_dim3A_7 = vector.broadcast %jit3A_6 : i32 to vector<16xi32>
    %select_n3A = arith.select %ge3A_5, %broadcast_in_dim3A, %broadcast_in_dim3A_7 : vector<16xi1>, vector<16xi32>
    %sub3A = arith.subi %get3A_3, %select_n3A : vector<16xi32>
    %swap3A = arith.constant 0 : i32
    %swap3A_8 = arith.index_cast %swap3A : i32 to index
    %swap3A_9 = arith.constant 0 : index
    %swap3A_10 = tpu.vector_load %arg12[%swap3A_8, %swap3A_9] {strides = array<i32>} : memref<4x128xi32, #tpu.memory_space<vmem>>, vector<16xi32>,
    tpu.vector_store %arg12[%swap3A_8, %swap3A_9], %sub3A {strides = array<i32>} : memref<4x128xi32, #tpu.memory_space<vmem>>, vector<16xi32>,
    %get3A_11 = arith.constant 16 : index
    %get3A_12 = tpu.vector_load %arg9[%get3A_11] {strides = array<i32>} : memref<512xi32, #tpu.memory_space<vmem>>, vector<16xi32>,
    %ge3A_13 = arith.constant 507904 : i32
    %ge3A_14 = vector.broadcast %ge3A_13 : i32 to vector<16xi32>
    %ge3A_15 = arith.cmpi sge, %get3A_12, %ge3A_14 : vector<16xi32>
    %jit3A_16 = arith.constant 507904 : i32
    %jit3A_17 = arith.constant 0 : i32
    %broadcast_in_dim3A_18 = vector.broadcast %jit3A_16 : i32 to vector<16xi32>
    %broadcast_in_dim3A_19 = vector.broadcast %jit3A_17 : i32 to vector<16xi32>
    %select_n3A_20 = arith.select %ge3A_15, %broadcast_in_dim3A_18, %broadcast_in_dim3A_19 : vector<16xi1>, vector<16xi32>
    %sub3A_21 = arith.subi %get3A_12, %select_n3A_20 : vector<16xi32>
    %swap3A_22 = arith.constant 0 : i32
    %swap3A_23 = arith.index_cast %swap3A_22 : i32 to index
    %swap3A_24 = arith.constant 16 : index
    %swap3A_25 = tpu.vector_load %arg12[%swap3A_23, %swap3A_24] {strides = array<i32>} : memref<4x128xi32, #tpu.memory_space<vmem>>, vector<16xi32>,
    tpu.vector_store %arg12[%swap3A_23, %swap3A_24], %sub3A_21 {strides = array<i32>} : memref<4x128xi32, #tpu.memory_space<vmem>>, vector<16xi32>,
    %get3A_26 = arith.constant 32 : index
    %get3A_27 = tpu.vector_load %arg9[%get3A_26] {strides = array<i32>} : memref<512xi32, #tpu.memory_space<vmem>>, vector<16xi32>,
    %ge3A_28 = arith.constant 507904 : i32
    %ge3A_29 = vector.broadcast %ge3A_28 : i32 to vector<16xi32>
    %ge3A_30 = arith.cmpi sge, %get3A_27, %ge3A_29 : vector<16xi32>
    %jit3A_31 = arith.constant 507904 : i32
    %jit3A_32 = arith.constant 0 : i32
    %broadcast_in_dim3A_33 = vector.broadcast %jit3A_31 : i32 to vector<16xi32>
    %broadcast_in_dim3A_34 = vector.broadcast %jit3A_32 : i32 to vector<16xi32>
    %select_n3A_35 = arith.select %ge3A_30, %broadcast_in_dim3A_33, %broadcast_in_dim3A_34 : vector<16xi1>, vector<16xi32>
    %sub3A_36 = arith.subi %get3A_27, %select_n3A_35 : vector<16xi32>
    %swap3A_37 = arith.constant 0 : i32
    %swap3A_38 = arith.index_cast %swap3A_37 : i32 to index
    %swap3A_39 = arith.constant 32 : index
    %swap3A_40 = tpu.vector_load %arg12[%swap3A_38, %swap3A_39] {strides = array<i32>} : memref<4x128xi32, #tpu.memory_space<vmem>>, vector<16xi32>,
    tpu.vector_store %arg12[%swap3A_38, %swap3A_39], %sub3A_36 {strides = array<i32>} : memref<4x128xi32, #tpu.memory_space<vmem>>, vector<16xi32>,
    %get3A_41 = arith.constant 48 : index
    %get3A_42 = tpu.vector_load %arg9[%get3A_41] {strides = array<i32>} : memref<512xi32, #tpu.memory_space<vmem>>, vector<16xi32>,
    %ge3A_43 = arith.constant 507904 : i32
    %ge3A_44 = vector.broadcast %ge3A_43 : i32 to vector<16xi32>
    %ge3A_45 = arith.cmpi sge, %get3A_42, %ge3A_44 : vector<16xi32>
    %jit3A_46 = arith.constant 507904 : i32
    %jit3A_47 = arith.constant 0 : i32
    %broadcast_in_dim3A_48 = vector.broadcast %jit3A_46 : i32 to vector<16xi32>
    %broadcast_in_dim3A_49 = vector.broadcast %jit3A_47 : i32 to vector<16xi32>
    %select_n3A_50 = arith.select %ge3A_45, %broadcast_in_dim3A_48, %broadcast_in_dim3A_49 : vector<16xi1>, vector<16xi32>
    %sub3A_51 = arith.subi %get3A_42, %select_n3A_50 : vector<16xi32>
    %swap3A_52 = arith.constant 0 : i32
    %swap3A_53 = arith.index_cast %swap3A_52 : i32 to index
    %swap3A_54 = arith.constant 48 : index
    %swap3A_55 = tpu.vector_load %arg12[%swap3A_53, %swap3A_54] {strides = array<i32>} : memref<4x128xi32, #tpu.memory_space<vmem>>, vector<16xi32>,
    tpu.vector_store %arg12[%swap3A_53, %swap3A_54], %sub3A_51 {strides = array<i32>} : memref<4x128xi32, #tpu.memory_space<vmem>>, vector<16xi32>,
    %get3A_56 = arith.constant 64 : index
    %get3A_57 = tpu.vector_load %arg9[%get3A_56] {strides = array<i32>} : memref<512xi32, #tpu.memory_space<vmem>>, vector<16xi32>,
    %ge3A_58 = arith.constant 507904 : i32
    %ge3A_59 = vector.broadcast %ge3A_58 : i32 to vector<16xi32>
    %ge3A_60 = arith.cmpi sge, %get3A_57, %ge3A_59 : vector<16xi32>
    %jit3A_61 = arith.constant 507904 : i32
    %jit3A_62 = arith.constant 0 : i32
    %broadcast_in_dim3A_63 = vector.broadcast %jit3A_61 : i32 to vector<16xi32>
    %broadcast_in_dim3A_64 = vector.broadcast %jit3A_62 : i32 to vector<16xi32>
    %select_n3A_65 = arith.select %ge3A_60, %broadcast_in_dim3A_63, %broadcast_in_dim3A_64 : vector<16xi1>, vector<16xi32>
    %sub3A_66 = arith.subi %get3A_57, %select_n3A_65 : vector<16xi32>
    %swap3A_67 = arith.constant 0 : i32
    %swap3A_68 = arith.index_cast %swap3A_67 : i32 to index
    %swap3A_69 = arith.constant 64 : index
    %swap3A_70 = tpu.vector_load %arg12[%swap3A_68, %swap3A_69] {strides = array<i32>} : memref<4x128xi32, #tpu.memory_space<vmem>>, vector<16xi32>,
    tpu.vector_store %arg12[%swap3A_68, %swap3A_69], %sub3A_66 {strides = array<i32>} : memref<4x128xi32, #tpu.memory_space<vmem>>, vector<16xi32>,
    %get3A_71 = arith.constant 80 : index
    %get3A_72 = tpu.vector_load %arg9[%get3A_71] {strides = array<i32>} : memref<512xi32, #tpu.memory_space<vmem>>, vector<16xi32>,
    %ge3A_73 = arith.constant 507904 : i32
    %ge3A_74 = vector.broadcast %ge3A_73 : i32 to vector<16xi32>
    %ge3A_75 = arith.cmpi sge, %get3A_72, %ge3A_74 : vector<16xi32>
    %jit3A_76 = arith.constant 507904 : i32
    %jit3A_77 = arith.constant 0 : i32
    %broadcast_in_dim3A_78 = vector.broadcast %jit3A_76 : i32 to vector<16xi32>
    %broadcast_in_dim3A_79 = vector.broadcast %jit3A_77 : i32 to vector<16xi32>
    %select_n3A_80 = arith.select %ge3A_75, %broadcast_in_dim3A_78, %broadcast_in_dim3A_79 : vector<16xi1>, vector<16xi32>
    %sub3A_81 = arith.subi %get3A_72, %select_n3A_80 : vector<16xi32>
    %swap3A_82 = arith.constant 0 : i32
    %swap3A_83 = arith.index_cast %swap3A_82 : i32 to index
    %swap3A_84 = arith.constant 80 : index
    %swap3A_85 = tpu.vector_load %arg12[%swap3A_83, %swap3A_84] {strides = array<i32>} : memref<4x128xi32, #tpu.memory_space<vmem>>, vector<16xi32>,
    tpu.vector_store %arg12[%swap3A_83, %swap3A_84], %sub3A_81 {strides = array<i32>} : memref<4x128xi32, #tpu.memory_space<vmem>>, vector<16xi32>,
    %get3A_86 = arith.constant 96 : index
    %get3A_87 = tpu.vector_load %arg9[%get3A_86] {strides = array<i32>} : memref<512xi32, #tpu.memory_space<vmem>>, vector<16xi32>,
    %ge3A_88 = arith.constant 507904 : i32
    %ge3A_89 = vector.broadcast %ge3A_88 : i32 to vector<16xi32>
    %ge3A_90 = arith.cmpi sge, %get3A_87, %ge3A_89 : vector<16xi32>
    %jit3A_91 = arith.constant 507904 : i32
    %jit3A_92 = arith.constant 0 : i32
    %broadcast_in_dim3A_93 = vector.broadcast %jit3A_91 : i32 to vector<16xi32>
    %broadcast_in_dim3A_94 = vector.broadcast %jit3A_92 : i32 to vector<16xi32>
    %select_n3A_95 = arith.select %ge3A_90, %broadcast_in_dim3A_93, %broadcast_in_dim3A_94 : vector<16xi1>, vector<16xi32>
    %sub3A_96 = arith.subi %get3A_87, %select_n3A_95 : vector<16xi32>
    %swap3A_97 = arith.constant 0 : i32
    %swap3A_98 = arith.index_cast %swap3A_97 : i32 to index
    %swap3A_99 = arith.constant 96 : index
    %swap3A_100 = tpu.vector_load %arg12[%swap3A_98, %swap3A_99] {strides = array<i32>} : memref<4x128xi32, #tpu.memory_space<vmem>>, vector<16xi32>,
    tpu.vector_store %arg12[%swap3A_98, %swap3A_99], %sub3A_96 {strides = array<i32>} : memref<4x128xi32, #tpu.memory_space<vmem>>, vector<16xi32>,
    %get3A_101 = arith.constant 112 : index
    %get3A_102 = tpu.vector_load %arg9[%get3A_101] {strides = array<i32>} : memref<512xi32, #tpu.memory_space<vmem>>, vector<16xi32>,
    %ge3A_103 = arith.constant 507904 : i32
    %ge3A_104 = vector.broadcast %ge3A_103 : i32 to vector<16xi32>
    %ge3A_105 = arith.cmpi sge, %get3A_102, %ge3A_104 : vector<16xi32>
    %jit3A_106 = arith.constant 507904 : i32
    %jit3A_107 = arith.constant 0 : i32
    %broadcast_in_dim3A_108 = vector.broadcast %jit3A_106 : i32 to vector<16xi32>
    %broadcast_in_dim3A_109 = vector.broadcast %jit3A_107 : i32 to vector<16xi32>
    %select_n3A_110 = arith.select %ge3A_105, %broadcast_in_dim3A_108, %broadcast_in_dim3A_109 : vector<16xi1>, vector<16xi32>
    %sub3A_111 = arith.subi %get3A_102, %select_n3A_110 : vector<16xi32>
    %swap3A_112 = arith.constant 0 : i32
    %swap3A_113 = arith.index_cast %swap3A_112 : i32 to index
    %swap3A_114 = arith.constant 112 : index
    %swap3A_115 = tpu.vector_load %arg12[%swap3A_113, %swap3A_114] {strides = array<i32>} : memref<4x128xi32, #tpu.memory_space<vmem>>, vector<16xi32>,
    tpu.vector_store %arg12[%swap3A_113, %swap3A_114], %sub3A_111 {strides = array<i32>} : memref<4x128xi32, #tpu.memory_space<vmem>>, vector<16xi32>,
    %get3A_116 = arith.constant 128 : index
    %get3A_117 = tpu.vector_load %arg9[%get3A_116] {strides = array<i32>} : memref<512xi32, #tpu.memory_space<vmem>>, vector<16xi32>,
    %ge3A_118 = arith.constant 507904 : i32
    %ge3A_119 = vector.broadcast %ge3A_118 : i32 to vector<16xi32>
    %ge3A_120 = arith.cmpi sge, %get3A_117, %ge3A_119 : vector<16xi32>
    %jit3A_121 = arith.constant 507904 : i32
    %jit3A_122 = arith.constant 0 : i32
    %broadcast_in_dim3A_123 = vector.broadcast %jit3A_121 : i32 to vector<16xi32>
    %broadcast_in_dim3A_124 = vector.broadcast %jit3A_122 : i32 to vector<16xi32>
    %select_n3A_125 = arith.select %ge3A_120, %broadcast_in_dim3A_123, %broadcast_in_dim3A_124 : vector<16xi1>, vector<16xi32>
    %sub3A_126 = arith.subi %get3A_117, %select_n3A_125 : vector<16xi32>
    %swap3A_127 = arith.constant 1 : i32
    %swap3A_128 = arith.index_cast %swap3A_127 : i32 to index
    %swap3A_129 = arith.constant 0 : index
    %swap3A_130 = tpu.vector_load %arg12[%swap3A_128, %swap3A_129] {strides = array<i32>} : memref<4x128xi32, #tpu.memory_space<vmem>>, vector<16xi32>,
    tpu.vector_store %arg12[%swap3A_128, %swap3A_129], %sub3A_126 {strides = array<i32>} : memref<4x128xi32, #tpu.memory_space<vmem>>, vector<16xi32>,
    %get3A_131 = arith.constant 144 : index
    %get3A_132 = tpu.vector_load %arg9[%get3A_131] {strides = array<i32>} : memref<512xi32, #tpu.memory_space<vmem>>, vector<16xi32>,
    %ge3A_133 = arith.constant 507904 : i32
    %ge3A_134 = vector.broadcast %ge3A_133 : i32 to vector<16xi32>
    %ge3A_135 = arith.cmpi sge, %get3A_132, %ge3A_134 : vector<16xi32>
    %jit3A_136 = arith.constant 507904 : i32
    %jit3A_137 = arith.constant 0 : i32
    %broadcast_in_dim3A_138 = vector.broadcast %jit3A_136 : i32 to vector<16xi32>
    %broadcast_in_dim3A_139 = vector.broadcast %jit3A_137 : i32 to vector<16xi32>
    %select_n3A_140 = arith.select %ge3A_135, %broadcast_in_dim3A_138, %broadcast_in_dim3A_139 : vector<16xi1>, vector<16xi32>
    %sub3A_141 = arith.subi %get3A_132, %select_n3A_140 : vector<16xi32>
    %swap3A_142 = arith.constant 1 : i32
    %swap3A_143 = arith.index_cast %swap3A_142 : i32 to index
    %swap3A_144 = arith.constant 16 : index
    %swap3A_145 = tpu.vector_load %arg12[%swap3A_143, %swap3A_144] {strides = array<i32>} : memref<4x128xi32, #tpu.memory_space<vmem>>, vector<16xi32>,
    tpu.vector_store %arg12[%swap3A_143, %swap3A_144], %sub3A_141 {strides = array<i32>} : memref<4x128xi32, #tpu.memory_space<vmem>>, vector<16xi32>,
    %get3A_146 = arith.constant 160 : index
    %get3A_147 = tpu.vector_load %arg9[%get3A_146] {strides = array<i32>} : memref<512xi32, #tpu.memory_space<vmem>>, vector<16xi32>,
    %ge3A_148 = arith.constant 507904 : i32
    %ge3A_149 = vector.broadcast %ge3A_148 : i32 to vector<16xi32>
    %ge3A_150 = arith.cmpi sge, %get3A_147, %ge3A_149 : vector<16xi32>
    %jit3A_151 = arith.constant 507904 : i32
    %jit3A_152 = arith.constant 0 : i32
    %broadcast_in_dim3A_153 = vector.broadcast %jit3A_151 : i32 to vector<16xi32>
    %broadcast_in_dim3A_154 = vector.broadcast %jit3A_152 : i32 to vector<16xi32>
    %select_n3A_155 = arith.select %ge3A_150, %broadcast_in_dim3A_153, %broadcast_in_dim3A_154 : vector<16xi1>, vector<16xi32>
    %sub3A_156 = arith.subi %get3A_147, %select_n3A_155 : vector<16xi32>
    %swap3A_157 = arith.constant 1 : i32
    %swap3A_158 = arith.index_cast %swap3A_157 : i32 to index
    %swap3A_159 = arith.constant 32 : index
    %swap3A_160 = tpu.vector_load %arg12[%swap3A_158, %swap3A_159] {strides = array<i32>} : memref<4x128xi32, #tpu.memory_space<vmem>>, vector<16xi32>,
    tpu.vector_store %arg12[%swap3A_158, %swap3A_159], %sub3A_156 {strides = array<i32>} : memref<4x128xi32, #tpu.memory_space<vmem>>, vector<16xi32>,
    %get3A_161 = arith.constant 176 : index
    %get3A_162 = tpu.vector_load %arg9[%get3A_161] {strides = array<i32>} : memref<512xi32, #tpu.memory_space<vmem>>, vector<16xi32>,
    %ge3A_163 = arith.constant 507904 : i32
    %ge3A_164 = vector.broadcast %ge3A_163 : i32 to vector<16xi32>
    %ge3A_165 = arith.cmpi sge, %get3A_162, %ge3A_164 : vector<16xi32>
    %jit3A_166 = arith.constant 507904 : i32
    %jit3A_167 = arith.constant 0 : i32
    %broadcast_in_dim3A_168 = vector.broadcast %jit3A_166 : i32 to vector<16xi32>
    %broadcast_in_dim3A_169 = vector.broadcast %jit3A_167 : i32 to vector<16xi32>
    %select_n3A_170 = arith.select %ge3A_165, %broadcast_in_dim3A_168, %broadcast_in_dim3A_169 : vector<16xi1>, vector<16xi32>
    %sub3A_171 = arith.subi %get3A_162, %select_n3A_170 : vector<16xi32>
    %swap3A_172 = arith.constant 1 : i32
    %swap3A_173 = arith.index_cast %swap3A_172 : i32 to index
    %swap3A_174 = arith.constant 48 : index
    %swap3A_175 = tpu.vector_load %arg12[%swap3A_173, %swap3A_174] {strides = array<i32>} : memref<4x128xi32, #tpu.memory_space<vmem>>, vector<16xi32>,
    tpu.vector_store %arg12[%swap3A_173, %swap3A_174], %sub3A_171 {strides = array<i32>} : memref<4x128xi32, #tpu.memory_space<vmem>>, vector<16xi32>,
    %get3A_176 = arith.constant 192 : index
    %get3A_177 = tpu.vector_load %arg9[%get3A_176] {strides = array<i32>} : memref<512xi32, #tpu.memory_space<vmem>>, vector<16xi32>,
    %ge3A_178 = arith.constant 507904 : i32
    %ge3A_179 = vector.broadcast %ge3A_178 : i32 to vector<16xi32>
    %ge3A_180 = arith.cmpi sge, %get3A_177, %ge3A_179 : vector<16xi32>
    %jit3A_181 = arith.constant 507904 : i32
    %jit3A_182 = arith.constant 0 : i32
    %broadcast_in_dim3A_183 = vector.broadcast %jit3A_181 : i32 to vector<16xi32>
    %broadcast_in_dim3A_184 = vector.broadcast %jit3A_182 : i32 to vector<16xi32>
    %select_n3A_185 = arith.select %ge3A_180, %broadcast_in_dim3A_183, %broadcast_in_dim3A_184 : vector<16xi1>, vector<16xi32>
    %sub3A_186 = arith.subi %get3A_177, %select_n3A_185 : vector<16xi32>
    %swap3A_187 = arith.constant 1 : i32
    %swap3A_188 = arith.index_cast %swap3A_187 : i32 to index
    %swap3A_189 = arith.constant 64 : index
    %swap3A_190 = tpu.vector_load %arg12[%swap3A_188, %swap3A_189] {strides = array<i32>} : memref<4x128xi32, #tpu.memory_space<vmem>>, vector<16xi32>,
    tpu.vector_store %arg12[%swap3A_188, %swap3A_189], %sub3A_186 {strides = array<i32>} : memref<4x128xi32, #tpu.memory_space<vmem>>, vector<16xi32>,
    %get3A_191 = arith.constant 208 : index
    %get3A_192 = tpu.vector_load %arg9[%get3A_191] {strides = array<i32>} : memref<512xi32, #tpu.memory_space<vmem>>, vector<16xi32>,
    %ge3A_193 = arith.constant 507904 : i32
    %ge3A_194 = vector.broadcast %ge3A_193 : i32 to vector<16xi32>
    %ge3A_195 = arith.cmpi sge, %get3A_192, %ge3A_194 : vector<16xi32>
    %jit3A_196 = arith.constant 507904 : i32
    %jit3A_197 = arith.constant 0 : i32
    %broadcast_in_dim3A_198 = vector.broadcast %jit3A_196 : i32 to vector<16xi32>
    %broadcast_in_dim3A_199 = vector.broadcast %jit3A_197 : i32 to vector<16xi32>
    %select_n3A_200 = arith.select %ge3A_195, %broadcast_in_dim3A_198, %broadcast_in_dim3A_199 : vector<16xi1>, vector<16xi32>
    %sub3A_201 = arith.subi %get3A_192, %select_n3A_200 : vector<16xi32>
    %swap3A_202 = arith.constant 1 : i32
    %swap3A_203 = arith.index_cast %swap3A_202 : i32 to index
    %swap3A_204 = arith.constant 80 : index
    %swap3A_205 = tpu.vector_load %arg12[%swap3A_203, %swap3A_204] {strides = array<i32>} : memref<4x128xi32, #tpu.memory_space<vmem>>, vector<16xi32>,
    tpu.vector_store %arg12[%swap3A_203, %swap3A_204], %sub3A_201 {strides = array<i32>} : memref<4x128xi32, #tpu.memory_space<vmem>>, vector<16xi32>,
    %get3A_206 = arith.constant 224 : index
    %get3A_207 = tpu.vector_load %arg9[%get3A_206] {strides = array<i32>} : memref<512xi32, #tpu.memory_space<vmem>>, vector<16xi32>,
    %ge3A_208 = arith.constant 507904 : i32
    %ge3A_209 = vector.broadcast %ge3A_208 : i32 to vector<16xi32>
    %ge3A_210 = arith.cmpi sge, %get3A_207, %ge3A_209 : vector<16xi32>
    %jit3A_211 = arith.constant 507904 : i32
    %jit3A_212 = arith.constant 0 : i32
    %broadcast_in_dim3A_213 = vector.broadcast %jit3A_211 : i32 to vector<16xi32>
    %broadcast_in_dim3A_214 = vector.broadcast %jit3A_212 : i32 to vector<16xi32>
    %select_n3A_215 = arith.select %ge3A_210, %broadcast_in_dim3A_213, %broadcast_in_dim3A_214 : vector<16xi1>, vector<16xi32>
    %sub3A_216 = arith.subi %get3A_207, %select_n3A_215 : vector<16xi32>
    %swap3A_217 = arith.constant 1 : i32
    %swap3A_218 = arith.index_cast %swap3A_217 : i32 to index
    %swap3A_219 = arith.constant 96 : index
    %swap3A_220 = tpu.vector_load %arg12[%swap3A_218, %swap3A_219] {strides = array<i32>} : memref<4x128xi32, #tpu.memory_space<vmem>>, vector<16xi32>,
    tpu.vector_store %arg12[%swap3A_218, %swap3A_219], %sub3A_216 {strides = array<i32>} : memref<4x128xi32, #tpu.memory_space<vmem>>, vector<16xi32>,
    %get3A_221 = arith.constant 240 : index
    %get3A_222 = tpu.vector_load %arg9[%get3A_221] {strides = array<i32>} : memref<512xi32, #tpu.memory_space<vmem>>, vector<16xi32>,
    %ge3A_223 = arith.constant 507904 : i32
    %ge3A_224 = vector.broadcast %ge3A_223 : i32 to vector<16xi32>
    %ge3A_225 = arith.cmpi sge, %get3A_222, %ge3A_224 : vector<16xi32>
    %jit3A_226 = arith.constant 507904 : i32
    %jit3A_227 = arith.constant 0 : i32
    %broadcast_in_dim3A_228 = vector.broadcast %jit3A_226 : i32 to vector<16xi32>
    %broadcast_in_dim3A_229 = vector.broadcast %jit3A_227 : i32 to vector<16xi32>
    %select_n3A_230 = arith.select %ge3A_225, %broadcast_in_dim3A_228, %broadcast_in_dim3A_229 : vector<16xi1>, vector<16xi32>
    %sub3A_231 = arith.subi %get3A_222, %select_n3A_230 : vector<16xi32>
    %swap3A_232 = arith.constant 1 : i32
    %swap3A_233 = arith.index_cast %swap3A_232 : i32 to index
    %swap3A_234 = arith.constant 112 : index
    %swap3A_235 = tpu.vector_load %arg12[%swap3A_233, %swap3A_234] {strides = array<i32>} : memref<4x128xi32, #tpu.memory_space<vmem>>, vector<16xi32>,
    tpu.vector_store %arg12[%swap3A_233, %swap3A_234], %sub3A_231 {strides = array<i32>} : memref<4x128xi32, #tpu.memory_space<vmem>>, vector<16xi32>,
    %get3A_236 = arith.constant 256 : index
    %get3A_237 = tpu.vector_load %arg9[%get3A_236] {strides = array<i32>} : memref<512xi32, #tpu.memory_space<vmem>>, vector<16xi32>,
    %ge3A_238 = arith.constant 507904 : i32
    %ge3A_239 = vector.broadcast %ge3A_238 : i32 to vector<16xi32>
    %ge3A_240 = arith.cmpi sge, %get3A_237, %ge3A_239 : vector<16xi32>
    %jit3A_241 = arith.constant 507904 : i32
    %jit3A_242 = arith.constant 0 : i32
    %broadcast_in_dim3A_243 = vector.broadcast %jit3A_241 : i32 to vector<16xi32>
    %broadcast_in_dim3A_244 = vector.broadcast %jit3A_242 : i32 to vector<16xi32>
    %select_n3A_245 = arith.select %ge3A_240, %broadcast_in_dim3A_243, %broadcast_in_dim3A_244 : vector<16xi1>, vector<16xi32>
    %sub3A_246 = arith.subi %get3A_237, %select_n3A_245 : vector<16xi32>
    %swap3A_247 = arith.constant 2 : i32
    %swap3A_248 = arith.index_cast %swap3A_247 : i32 to index
    %swap3A_249 = arith.constant 0 : index
    %swap3A_250 = tpu.vector_load %arg12[%swap3A_248, %swap3A_249] {strides = array<i32>} : memref<4x128xi32, #tpu.memory_space<vmem>>, vector<16xi32>,
    tpu.vector_store %arg12[%swap3A_248, %swap3A_249], %sub3A_246 {strides = array<i32>} : memref<4x128xi32, #tpu.memory_space<vmem>>, vector<16xi32>,
    %get3A_251 = arith.constant 272 : index
    %get3A_252 = tpu.vector_load %arg9[%get3A_251] {strides = array<i32>} : memref<512xi32, #tpu.memory_space<vmem>>, vector<16xi32>,
    %ge3A_253 = arith.constant 507904 : i32
    %ge3A_254 = vector.broadcast %ge3A_253 : i32 to vector<16xi32>
    %ge3A_255 = arith.cmpi sge, %get3A_252, %ge3A_254 : vector<16xi32>
    %jit3A_256 = arith.constant 507904 : i32
    %jit3A_257 = arith.constant 0 : i32
    %broadcast_in_dim3A_258 = vector.broadcast %jit3A_256 : i32 to vector<16xi32>
    %broadcast_in_dim3A_259 = vector.broadcast %jit3A_257 : i32 to vector<16xi32>
    %select_n3A_260 = arith.select %ge3A_255, %broadcast_in_dim3A_258, %broadcast_in_dim3A_259 : vector<16xi1>, vector<16xi32>
    %sub3A_261 = arith.subi %get3A_252, %select_n3A_260 : vector<16xi32>
    %swap3A_262 = arith.constant 2 : i32
    %swap3A_263 = arith.index_cast %swap3A_262 : i32 to index
    %swap3A_264 = arith.constant 16 : index
    %swap3A_265 = tpu.vector_load %arg12[%swap3A_263, %swap3A_264] {strides = array<i32>} : memref<4x128xi32, #tpu.memory_space<vmem>>, vector<16xi32>,
    tpu.vector_store %arg12[%swap3A_263, %swap3A_264], %sub3A_261 {strides = array<i32>} : memref<4x128xi32, #tpu.memory_space<vmem>>, vector<16xi32>,
    %get3A_266 = arith.constant 288 : index
    %get3A_267 = tpu.vector_load %arg9[%get3A_266] {strides = array<i32>} : memref<512xi32, #tpu.memory_space<vmem>>, vector<16xi32>,
    %ge3A_268 = arith.constant 507904 : i32
    %ge3A_269 = vector.broadcast %ge3A_268 : i32 to vector<16xi32>
    %ge3A_270 = arith.cmpi sge, %get3A_267, %ge3A_269 : vector<16xi32>
    %jit3A_271 = arith.constant 507904 : i32
    %jit3A_272 = arith.constant 0 : i32
    %broadcast_in_dim3A_273 = vector.broadcast %jit3A_271 : i32 to vector<16xi32>
    %broadcast_in_dim3A_274 = vector.broadcast %jit3A_272 : i32 to vector<16xi32>
    %select_n3A_275 = arith.select %ge3A_270, %broadcast_in_dim3A_273, %broadcast_in_dim3A_274 : vector<16xi1>, vector<16xi32>
    %sub3A_276 = arith.subi %get3A_267, %select_n3A_275 : vector<16xi32>
    %swap3A_277 = arith.constant 2 : i32
    %swap3A_278 = arith.index_cast %swap3A_277 : i32 to index
    %swap3A_279 = arith.constant 32 : index
    %swap3A_280 = tpu.vector_load %arg12[%swap3A_278, %swap3A_279] {strides = array<i32>} : memref<4x128xi32, #tpu.memory_space<vmem>>, vector<16xi32>,
    tpu.vector_store %arg12[%swap3A_278, %swap3A_279], %sub3A_276 {strides = array<i32>} : memref<4x128xi32, #tpu.memory_space<vmem>>, vector<16xi32>,
    %get3A_281 = arith.constant 304 : index
    %get3A_282 = tpu.vector_load %arg9[%get3A_281] {strides = array<i32>} : memref<512xi32, #tpu.memory_space<vmem>>, vector<16xi32>,
    %ge3A_283 = arith.constant 507904 : i32
    %ge3A_284 = vector.broadcast %ge3A_283 : i32 to vector<16xi32>
    %ge3A_285 = arith.cmpi sge, %get3A_282, %ge3A_284 : vector<16xi32>
    %jit3A_286 = arith.constant 507904 : i32
    %jit3A_287 = arith.constant 0 : i32
    %broadcast_in_dim3A_288 = vector.broadcast %jit3A_286 : i32 to vector<16xi32>
    %broadcast_in_dim3A_289 = vector.broadcast %jit3A_287 : i32 to vector<16xi32>
    %select_n3A_290 = arith.select %ge3A_285, %broadcast_in_dim3A_288, %broadcast_in_dim3A_289 : vector<16xi1>, vector<16xi32>
    %sub3A_291 = arith.subi %get3A_282, %select_n3A_290 : vector<16xi32>
    %swap3A_292 = arith.constant 2 : i32
    %swap3A_293 = arith.index_cast %swap3A_292 : i32 to index
    %swap3A_294 = arith.constant 48 : index
    %swap3A_295 = tpu.vector_load %arg12[%swap3A_293, %swap3A_294] {strides = array<i32>} : memref<4x128xi32, #tpu.memory_space<vmem>>, vector<16xi32>,
    tpu.vector_store %arg12[%swap3A_293, %swap3A_294], %sub3A_291 {strides = array<i32>} : memref<4x128xi32, #tpu.memory_space<vmem>>, vector<16xi32>,
    %get3A_296 = arith.constant 320 : index
    %get3A_297 = tpu.vector_load %arg9[%get3A_296] {strides = array<i32>} : memref<512xi32, #tpu.memory_space<vmem>>, vector<16xi32>,
    %ge3A_298 = arith.constant 507904 : i32
    %ge3A_299 = vector.broadcast %ge3A_298 : i32 to vector<16xi32>
    %ge3A_300 = arith.cmpi sge, %get3A_297, %ge3A_299 : vector<16xi32>
    %jit3A_301 = arith.constant 507904 : i32
    %jit3A_302 = arith.constant 0 : i32
    %broadcast_in_dim3A_303 = vector.broadcast %jit3A_301 : i32 to vector<16xi32>
    %broadcast_in_dim3A_304 = vector.broadcast %jit3A_302 : i32 to vector<16xi32>
    %select_n3A_305 = arith.select %ge3A_300, %broadcast_in_dim3A_303, %broadcast_in_dim3A_304 : vector<16xi1>, vector<16xi32>
    %sub3A_306 = arith.subi %get3A_297, %select_n3A_305 : vector<16xi32>
    %swap3A_307 = arith.constant 2 : i32
    %swap3A_308 = arith.index_cast %swap3A_307 : i32 to index
    %swap3A_309 = arith.constant 64 : index
    %swap3A_310 = tpu.vector_load %arg12[%swap3A_308, %swap3A_309] {strides = array<i32>} : memref<4x128xi32, #tpu.memory_space<vmem>>, vector<16xi32>,
    tpu.vector_store %arg12[%swap3A_308, %swap3A_309], %sub3A_306 {strides = array<i32>} : memref<4x128xi32, #tpu.memory_space<vmem>>, vector<16xi32>,
    %get3A_311 = arith.constant 336 : index
    %get3A_312 = tpu.vector_load %arg9[%get3A_311] {strides = array<i32>} : memref<512xi32, #tpu.memory_space<vmem>>, vector<16xi32>,
    %ge3A_313 = arith.constant 507904 : i32
    %ge3A_314 = vector.broadcast %ge3A_313 : i32 to vector<16xi32>
    %ge3A_315 = arith.cmpi sge, %get3A_312, %ge3A_314 : vector<16xi32>
    %jit3A_316 = arith.constant 507904 : i32
    %jit3A_317 = arith.constant 0 : i32
    %broadcast_in_dim3A_318 = vector.broadcast %jit3A_316 : i32 to vector<16xi32>
    %broadcast_in_dim3A_319 = vector.broadcast %jit3A_317 : i32 to vector<16xi32>
    %select_n3A_320 = arith.select %ge3A_315, %broadcast_in_dim3A_318, %broadcast_in_dim3A_319 : vector<16xi1>, vector<16xi32>
    %sub3A_321 = arith.subi %get3A_312, %select_n3A_320 : vector<16xi32>
    %swap3A_322 = arith.constant 2 : i32
    %swap3A_323 = arith.index_cast %swap3A_322 : i32 to index
    %swap3A_324 = arith.constant 80 : index
    %swap3A_325 = tpu.vector_load %arg12[%swap3A_323, %swap3A_324] {strides = array<i32>} : memref<4x128xi32, #tpu.memory_space<vmem>>, vector<16xi32>,
    tpu.vector_store %arg12[%swap3A_323, %swap3A_324], %sub3A_321 {strides = array<i32>} : memref<4x128xi32, #tpu.memory_space<vmem>>, vector<16xi32>,
    %get3A_326 = arith.constant 352 : index
    %get3A_327 = tpu.vector_load %arg9[%get3A_326] {strides = array<i32>} : memref<512xi32, #tpu.memory_space<vmem>>, vector<16xi32>,
    %ge3A_328 = arith.constant 507904 : i32
    %ge3A_329 = vector.broadcast %ge3A_328 : i32 to vector<16xi32>
    %ge3A_330 = arith.cmpi sge, %get3A_327, %ge3A_329 : vector<16xi32>
    %jit3A_331 = arith.constant 507904 : i32
    %jit3A_332 = arith.constant 0 : i32
    %broadcast_in_dim3A_333 = vector.broadcast %jit3A_331 : i32 to vector<16xi32>
    %broadcast_in_dim3A_334 = vector.broadcast %jit3A_332 : i32 to vector<16xi32>
    %select_n3A_335 = arith.select %ge3A_330, %broadcast_in_dim3A_333, %broadcast_in_dim3A_334 : vector<16xi1>, vector<16xi32>
    %sub3A_336 = arith.subi %get3A_327, %select_n3A_335 : vector<16xi32>
    %swap3A_337 = arith.constant 2 : i32
    %swap3A_338 = arith.index_cast %swap3A_337 : i32 to index
    %swap3A_339 = arith.constant 96 : index
    %swap3A_340 = tpu.vector_load %arg12[%swap3A_338, %swap3A_339] {strides = array<i32>} : memref<4x128xi32, #tpu.memory_space<vmem>>, vector<16xi32>,
    tpu.vector_store %arg12[%swap3A_338, %swap3A_339], %sub3A_336 {strides = array<i32>} : memref<4x128xi32, #tpu.memory_space<vmem>>, vector<16xi32>,
    %get3A_341 = arith.constant 368 : index
    %get3A_342 = tpu.vector_load %arg9[%get3A_341] {strides = array<i32>} : memref<512xi32, #tpu.memory_space<vmem>>, vector<16xi32>,
    %ge3A_343 = arith.constant 507904 : i32
    %ge3A_344 = vector.broadcast %ge3A_343 : i32 to vector<16xi32>
    %ge3A_345 = arith.cmpi sge, %get3A_342, %ge3A_344 : vector<16xi32>
    %jit3A_346 = arith.constant 507904 : i32
    %jit3A_347 = arith.constant 0 : i32
    %broadcast_in_dim3A_348 = vector.broadcast %jit3A_346 : i32 to vector<16xi32>
    %broadcast_in_dim3A_349 = vector.broadcast %jit3A_347 : i32 to vector<16xi32>
    %select_n3A_350 = arith.select %ge3A_345, %broadcast_in_dim3A_348, %broadcast_in_dim3A_349 : vector<16xi1>, vector<16xi32>
    %sub3A_351 = arith.subi %get3A_342, %select_n3A_350 : vector<16xi32>
    %swap3A_352 = arith.constant 2 : i32
    %swap3A_353 = arith.index_cast %swap3A_352 : i32 to index
    %swap3A_354 = arith.constant 112 : index
    %swap3A_355 = tpu.vector_load %arg12[%swap3A_353, %swap3A_354] {strides = array<i32>} : memref<4x128xi32, #tpu.memory_space<vmem>>, vector<16xi32>,
    tpu.vector_store %arg12[%swap3A_353, %swap3A_354], %sub3A_351 {strides = array<i32>} : memref<4x128xi32, #tpu.memory_space<vmem>>, vector<16xi32>,
    %get3A_356 = arith.constant 384 : index
    %get3A_357 = tpu.vector_load %arg9[%get3A_356] {strides = array<i32>} : memref<512xi32, #tpu.memory_space<vmem>>, vector<16xi32>,
    %ge3A_358 = arith.constant 507904 : i32
    %ge3A_359 = vector.broadcast %ge3A_358 : i32 to vector<16xi32>
    %ge3A_360 = arith.cmpi sge, %get3A_357, %ge3A_359 : vector<16xi32>
    %jit3A_361 = arith.constant 507904 : i32
    %jit3A_362 = arith.constant 0 : i32
    %broadcast_in_dim3A_363 = vector.broadcast %jit3A_361 : i32 to vector<16xi32>
    %broadcast_in_dim3A_364 = vector.broadcast %jit3A_362 : i32 to vector<16xi32>
    %select_n3A_365 = arith.select %ge3A_360, %broadcast_in_dim3A_363, %broadcast_in_dim3A_364 : vector<16xi1>, vector<16xi32>
    %sub3A_366 = arith.subi %get3A_357, %select_n3A_365 : vector<16xi32>
    %swap3A_367 = arith.constant 3 : i32
    %swap3A_368 = arith.index_cast %swap3A_367 : i32 to index
    %swap3A_369 = arith.constant 0 : index
    %swap3A_370 = tpu.vector_load %arg12[%swap3A_368, %swap3A_369] {strides = array<i32>} : memref<4x128xi32, #tpu.memory_space<vmem>>, vector<16xi32>,
    tpu.vector_store %arg12[%swap3A_368, %swap3A_369], %sub3A_366 {strides = array<i32>} : memref<4x128xi32, #tpu.memory_space<vmem>>, vector<16xi32>,
    %get3A_371 = arith.constant 400 : index
    %get3A_372 = tpu.vector_load %arg9[%get3A_371] {strides = array<i32>} : memref<512xi32, #tpu.memory_space<vmem>>, vector<16xi32>,
    %ge3A_373 = arith.constant 507904 : i32
    %ge3A_374 = vector.broadcast %ge3A_373 : i32 to vector<16xi32>
    %ge3A_375 = arith.cmpi sge, %get3A_372, %ge3A_374 : vector<16xi32>
    %jit3A_376 = arith.constant 507904 : i32
    %jit3A_377 = arith.constant 0 : i32
    %broadcast_in_dim3A_378 = vector.broadcast %jit3A_376 : i32 to vector<16xi32>
    %broadcast_in_dim3A_379 = vector.broadcast %jit3A_377 : i32 to vector<16xi32>
    %select_n3A_380 = arith.select %ge3A_375, %broadcast_in_dim3A_378, %broadcast_in_dim3A_379 : vector<16xi1>, vector<16xi32>
    %sub3A_381 = arith.subi %get3A_372, %select_n3A_380 : vector<16xi32>
    %swap3A_382 = arith.constant 3 : i32
    %swap3A_383 = arith.index_cast %swap3A_382 : i32 to index
    %swap3A_384 = arith.constant 16 : index
    %swap3A_385 = tpu.vector_load %arg12[%swap3A_383, %swap3A_384] {strides = array<i32>} : memref<4x128xi32, #tpu.memory_space<vmem>>, vector<16xi32>,
    tpu.vector_store %arg12[%swap3A_383, %swap3A_384], %sub3A_381 {strides = array<i32>} : memref<4x128xi32, #tpu.memory_space<vmem>>, vector<16xi32>,
    %get3A_386 = arith.constant 416 : index
    %get3A_387 = tpu.vector_load %arg9[%get3A_386] {strides = array<i32>} : memref<512xi32, #tpu.memory_space<vmem>>, vector<16xi32>,
    %ge3A_388 = arith.constant 507904 : i32
    %ge3A_389 = vector.broadcast %ge3A_388 : i32 to vector<16xi32>
    %ge3A_390 = arith.cmpi sge, %get3A_387, %ge3A_389 : vector<16xi32>
    %jit3A_391 = arith.constant 507904 : i32
    %jit3A_392 = arith.constant 0 : i32
    %broadcast_in_dim3A_393 = vector.broadcast %jit3A_391 : i32 to vector<16xi32>
    %broadcast_in_dim3A_394 = vector.broadcast %jit3A_392 : i32 to vector<16xi32>
    %select_n3A_395 = arith.select %ge3A_390, %broadcast_in_dim3A_393, %broadcast_in_dim3A_394 : vector<16xi1>, vector<16xi32>
    %sub3A_396 = arith.subi %get3A_387, %select_n3A_395 : vector<16xi32>
    %swap3A_397 = arith.constant 3 : i32
    %swap3A_398 = arith.index_cast %swap3A_397 : i32 to index
    %swap3A_399 = arith.constant 32 : index
    %swap3A_400 = tpu.vector_load %arg12[%swap3A_398, %swap3A_399] {strides = array<i32>} : memref<4x128xi32, #tpu.memory_space<vmem>>, vector<16xi32>,
    tpu.vector_store %arg12[%swap3A_398, %swap3A_399], %sub3A_396 {strides = array<i32>} : memref<4x128xi32, #tpu.memory_space<vmem>>, vector<16xi32>,
    %get3A_401 = arith.constant 432 : index
    %get3A_402 = tpu.vector_load %arg9[%get3A_401] {strides = array<i32>} : memref<512xi32, #tpu.memory_space<vmem>>, vector<16xi32>,
    %ge3A_403 = arith.constant 507904 : i32
    %ge3A_404 = vector.broadcast %ge3A_403 : i32 to vector<16xi32>
    %ge3A_405 = arith.cmpi sge, %get3A_402, %ge3A_404 : vector<16xi32>
    %jit3A_406 = arith.constant 507904 : i32
    %jit3A_407 = arith.constant 0 : i32
    %broadcast_in_dim3A_408 = vector.broadcast %jit3A_406 : i32 to vector<16xi32>
    %broadcast_in_dim3A_409 = vector.broadcast %jit3A_407 : i32 to vector<16xi32>
    %select_n3A_410 = arith.select %ge3A_405, %broadcast_in_dim3A_408, %broadcast_in_dim3A_409 : vector<16xi1>, vector<16xi32>
    %sub3A_411 = arith.subi %get3A_402, %select_n3A_410 : vector<16xi32>
    %swap3A_412 = arith.constant 3 : i32
    %swap3A_413 = arith.index_cast %swap3A_412 : i32 to index
    %swap3A_414 = arith.constant 48 : index
    %swap3A_415 = tpu.vector_load %arg12[%swap3A_413, %swap3A_414] {strides = array<i32>} : memref<4x128xi32, #tpu.memory_space<vmem>>, vector<16xi32>,
    tpu.vector_store %arg12[%swap3A_413, %swap3A_414], %sub3A_411 {strides = array<i32>} : memref<4x128xi32, #tpu.memory_space<vmem>>, vector<16xi32>,
    %get3A_416 = arith.constant 448 : index
    %get3A_417 = tpu.vector_load %arg9[%get3A_416] {strides = array<i32>} : memref<512xi32, #tpu.memory_space<vmem>>, vector<16xi32>,
    %ge3A_418 = arith.constant 507904 : i32
    %ge3A_419 = vector.broadcast %ge3A_418 : i32 to vector<16xi32>
    %ge3A_420 = arith.cmpi sge, %get3A_417, %ge3A_419 : vector<16xi32>
    %jit3A_421 = arith.constant 507904 : i32
    %jit3A_422 = arith.constant 0 : i32
    %broadcast_in_dim3A_423 = vector.broadcast %jit3A_421 : i32 to vector<16xi32>
    %broadcast_in_dim3A_424 = vector.broadcast %jit3A_422 : i32 to vector<16xi32>
    %select_n3A_425 = arith.select %ge3A_420, %broadcast_in_dim3A_423, %broadcast_in_dim3A_424 : vector<16xi1>, vector<16xi32>
    %sub3A_426 = arith.subi %get3A_417, %select_n3A_425 : vector<16xi32>
    %swap3A_427 = arith.constant 3 : i32
    %swap3A_428 = arith.index_cast %swap3A_427 : i32 to index
    %swap3A_429 = arith.constant 64 : index
    %swap3A_430 = tpu.vector_load %arg12[%swap3A_428, %swap3A_429] {strides = array<i32>} : memref<4x128xi32, #tpu.memory_space<vmem>>, vector<16xi32>,
    tpu.vector_store %arg12[%swap3A_428, %swap3A_429], %sub3A_426 {strides = array<i32>} : memref<4x128xi32, #tpu.memory_space<vmem>>, vector<16xi32>,
    %get3A_431 = arith.constant 464 : index
    %get3A_432 = tpu.vector_load %arg9[%get3A_431] {strides = array<i32>} : memref<512xi32, #tpu.memory_space<vmem>>, vector<16xi32>,
    %ge3A_433 = arith.constant 507904 : i32
    %ge3A_434 = vector.broadcast %ge3A_433 : i32 to vector<16xi32>
    %ge3A_435 = arith.cmpi sge, %get3A_432, %ge3A_434 : vector<16xi32>
    %jit3A_436 = arith.constant 507904 : i32
    %jit3A_437 = arith.constant 0 : i32
    %broadcast_in_dim3A_438 = vector.broadcast %jit3A_436 : i32 to vector<16xi32>
    %broadcast_in_dim3A_439 = vector.broadcast %jit3A_437 : i32 to vector<16xi32>
    %select_n3A_440 = arith.select %ge3A_435, %broadcast_in_dim3A_438, %broadcast_in_dim3A_439 : vector<16xi1>, vector<16xi32>
    %sub3A_441 = arith.subi %get3A_432, %select_n3A_440 : vector<16xi32>
    %swap3A_442 = arith.constant 3 : i32
    %swap3A_443 = arith.index_cast %swap3A_442 : i32 to index
    %swap3A_444 = arith.constant 80 : index
    %swap3A_445 = tpu.vector_load %arg12[%swap3A_443, %swap3A_444] {strides = array<i32>} : memref<4x128xi32, #tpu.memory_space<vmem>>, vector<16xi32>,
    tpu.vector_store %arg12[%swap3A_443, %swap3A_444], %sub3A_441 {strides = array<i32>} : memref<4x128xi32, #tpu.memory_space<vmem>>, vector<16xi32>,
    %get3A_446 = arith.constant 480 : index
    %get3A_447 = tpu.vector_load %arg9[%get3A_446] {strides = array<i32>} : memref<512xi32, #tpu.memory_space<vmem>>, vector<16xi32>,
    %ge3A_448 = arith.constant 507904 : i32
    %ge3A_449 = vector.broadcast %ge3A_448 : i32 to vector<16xi32>
    %ge3A_450 = arith.cmpi sge, %get3A_447, %ge3A_449 : vector<16xi32>
    %jit3A_451 = arith.constant 507904 : i32
    %jit3A_452 = arith.constant 0 : i32
    %broadcast_in_dim3A_453 = vector.broadcast %jit3A_451 : i32 to vector<16xi32>
    %broadcast_in_dim3A_454 = vector.broadcast %jit3A_452 : i32 to vector<16xi32>
    %select_n3A_455 = arith.select %ge3A_450, %broadcast_in_dim3A_453, %broadcast_in_dim3A_454 : vector<16xi1>, vector<16xi32>
    %sub3A_456 = arith.subi %get3A_447, %select_n3A_455 : vector<16xi32>
    %swap3A_457 = arith.constant 3 : i32
    %swap3A_458 = arith.index_cast %swap3A_457 : i32 to index
    %swap3A_459 = arith.constant 96 : index
    %swap3A_460 = tpu.vector_load %arg12[%swap3A_458, %swap3A_459] {strides = array<i32>} : memref<4x128xi32, #tpu.memory_space<vmem>>, vector<16xi32>,
    tpu.vector_store %arg12[%swap3A_458, %swap3A_459], %sub3A_456 {strides = array<i32>} : memref<4x128xi32, #tpu.memory_space<vmem>>, vector<16xi32>,
    %get3A_461 = arith.constant 496 : index
    %get3A_462 = tpu.vector_load %arg9[%get3A_461] {strides = array<i32>} : memref<512xi32, #tpu.memory_space<vmem>>, vector<16xi32>,
    %ge3A_463 = arith.constant 507904 : i32
    %ge3A_464 = vector.broadcast %ge3A_463 : i32 to vector<16xi32>
    %ge3A_465 = arith.cmpi sge, %get3A_462, %ge3A_464 : vector<16xi32>
    %jit3A_466 = arith.constant 507904 : i32
    %jit3A_467 = arith.constant 0 : i32
    %broadcast_in_dim3A_468 = vector.broadcast %jit3A_466 : i32 to vector<16xi32>
    %broadcast_in_dim3A_469 = vector.broadcast %jit3A_467 : i32 to vector<16xi32>
    %select_n3A_470 = arith.select %ge3A_465, %broadcast_in_dim3A_468, %broadcast_in_dim3A_469 : vector<16xi1>, vector<16xi32>
    %sub3A_471 = arith.subi %get3A_462, %select_n3A_470 : vector<16xi32>
    %swap3A_472 = arith.constant 3 : i32
    %swap3A_473 = arith.index_cast %swap3A_472 : i32 to index
    %swap3A_474 = arith.constant 112 : index
    %swap3A_475 = tpu.vector_load %arg12[%swap3A_473, %swap3A_474] {strides = array<i32>} : memref<4x128xi32, #tpu.memory_space<vmem>>, vector<16xi32>,
    tpu.vector_store %arg12[%swap3A_473, %swap3A_474], %sub3A_471 {strides = array<i32>} : memref<4x128xi32, #tpu.memory_space<vmem>>, vector<16xi32>,
    %get3A_476 = arith.constant 0 : index
    %get3A_477 = tpu.vector_load %arg11[%get3A_476] {strides = array<i32>} : memref<512xi32, #tpu.memory_space<vmem>>, vector<16xi32>,
    %ge3A_478 = arith.constant 507904 : i32
    %ge3A_479 = vector.broadcast %ge3A_478 : i32 to vector<16xi32>
    %ge3A_480 = arith.cmpi sge, %get3A_477, %ge3A_479 : vector<16xi32>
    %jit3A_481 = arith.constant 507904 : i32
    %jit3A_482 = arith.constant 0 : i32
    %broadcast_in_dim3A_483 = vector.broadcast %jit3A_481 : i32 to vector<16xi32>
    %broadcast_in_dim3A_484 = vector.broadcast %jit3A_482 : i32 to vector<16xi32>
    %select_n3A_485 = arith.select %ge3A_480, %broadcast_in_dim3A_483, %broadcast_in_dim3A_484 : vector<16xi1>, vector<16xi32>
    %sub3A_486 = arith.subi %get3A_477, %select_n3A_485 : vector<16xi32>
    %swap3A_487 = arith.constant 0 : i32
    %swap3A_488 = arith.index_cast %swap3A_487 : i32 to index
    %swap3A_489 = arith.constant 0 : index
    %swap3A_490 = tpu.vector_load %arg14[%swap3A_488, %swap3A_489] {strides = array<i32>} : memref<4x128xi32, #tpu.memory_space<vmem>>, vector<16xi32>,
    tpu.vector_store %arg14[%swap3A_488, %swap3A_489], %sub3A_486 {strides = array<i32>} : memref<4x128xi32, #tpu.memory_space<vmem>>, vector<16xi32>,
    %get3A_491 = arith.constant 16 : index
    %get3A_492 = tpu.vector_load %arg11[%get3A_491] {strides = array<i32>} : memref<512xi32, #tpu.memory_space<vmem>>, vector<16xi32>,
    %ge3A_493 = arith.constant 507904 : i32
    %ge3A_494 = vector.broadcast %ge3A_493 : i32 to vector<16xi32>
    %ge3A_495 = arith.cmpi sge, %get3A_492, %ge3A_494 : vector<16xi32>
    %jit3A_496 = arith.constant 507904 : i32
    %jit3A_497 = arith.constant 0 : i32
    %broadcast_in_dim3A_498 = vector.broadcast %jit3A_496 : i32 to vector<16xi32>
    %broadcast_in_dim3A_499 = vector.broadcast %jit3A_497 : i32 to vector<16xi32>
    %select_n3A_500 = arith.select %ge3A_495, %broadcast_in_dim3A_498, %broadcast_in_dim3A_499 : vector<16xi1>, vector<16xi32>
    %sub3A_501 = arith.subi %get3A_492, %select_n3A_500 : vector<16xi32>
    %swap3A_502 = arith.constant 0 : i32
    %swap3A_503 = arith.index_cast %swap3A_502 : i32 to index
    %swap3A_504 = arith.constant 16 : index
    %swap3A_505 = tpu.vector_load %arg14[%swap3A_503, %swap3A_504] {strides = array<i32>} : memref<4x128xi32, #tpu.memory_space<vmem>>, vector<16xi32>,
    tpu.vector_store %arg14[%swap3A_503, %swap3A_504], %sub3A_501 {strides = array<i32>} : memref<4x128xi32, #tpu.memory_space<vmem>>, vector<16xi32>,
    %get3A_506 = arith.constant 32 : index
    %get3A_507 = tpu.vector_load %arg11[%get3A_506] {strides = array<i32>} : memref<512xi32, #tpu.memory_space<vmem>>, vector<16xi32>,
    %ge3A_508 = arith.constant 507904 : i32
    %ge3A_509 = vector.broadcast %ge3A_508 : i32 to vector<16xi32>
    %ge3A_510 = arith.cmpi sge, %get3A_507, %ge3A_509 : vector<16xi32>
    %jit3A_511 = arith.constant 507904 : i32
    %jit3A_512 = arith.constant 0 : i32
    %broadcast_in_dim3A_513 = vector.broadcast %jit3A_511 : i32 to vector<16xi32>
    %broadcast_in_dim3A_514 = vector.broadcast %jit3A_512 : i32 to vector<16xi32>
    %select_n3A_515 = arith.select %ge3A_510, %broadcast_in_dim3A_513, %broadcast_in_dim3A_514 : vector<16xi1>, vector<16xi32>
    %sub3A_516 = arith.subi %get3A_507, %select_n3A_515 : vector<16xi32>
    %swap3A_517 = arith.constant 0 : i32
    %swap3A_518 = arith.index_cast %swap3A_517 : i32 to index
    %swap3A_519 = arith.constant 32 : index
    %swap3A_520 = tpu.vector_load %arg14[%swap3A_518, %swap3A_519] {strides = array<i32>} : memref<4x128xi32, #tpu.memory_space<vmem>>, vector<16xi32>,
    tpu.vector_store %arg14[%swap3A_518, %swap3A_519], %sub3A_516 {strides = array<i32>} : memref<4x128xi32, #tpu.memory_space<vmem>>, vector<16xi32>,
    %get3A_521 = arith.constant 48 : index
    %get3A_522 = tpu.vector_load %arg11[%get3A_521] {strides = array<i32>} : memref<512xi32, #tpu.memory_space<vmem>>, vector<16xi32>,
    %ge3A_523 = arith.constant 507904 : i32
    %ge3A_524 = vector.broadcast %ge3A_523 : i32 to vector<16xi32>
    %ge3A_525 = arith.cmpi sge, %get3A_522, %ge3A_524 : vector<16xi32>
    %jit3A_526 = arith.constant 507904 : i32
    %jit3A_527 = arith.constant 0 : i32
    %broadcast_in_dim3A_528 = vector.broadcast %jit3A_526 : i32 to vector<16xi32>
    %broadcast_in_dim3A_529 = vector.broadcast %jit3A_527 : i32 to vector<16xi32>
    %select_n3A_530 = arith.select %ge3A_525, %broadcast_in_dim3A_528, %broadcast_in_dim3A_529 : vector<16xi1>, vector<16xi32>
    %sub3A_531 = arith.subi %get3A_522, %select_n3A_530 : vector<16xi32>
    %swap3A_532 = arith.constant 0 : i32
    %swap3A_533 = arith.index_cast %swap3A_532 : i32 to index
    %swap3A_534 = arith.constant 48 : index
    %swap3A_535 = tpu.vector_load %arg14[%swap3A_533, %swap3A_534] {strides = array<i32>} : memref<4x128xi32, #tpu.memory_space<vmem>>, vector<16xi32>,
    tpu.vector_store %arg14[%swap3A_533, %swap3A_534], %sub3A_531 {strides = array<i32>} : memref<4x128xi32, #tpu.memory_space<vmem>>, vector<16xi32>,
    %get3A_536 = arith.constant 64 : index
    %get3A_537 = tpu.vector_load %arg11[%get3A_536] {strides = array<i32>} : memref<512xi32, #tpu.memory_space<vmem>>, vector<16xi32>,
    %ge3A_538 = arith.constant 507904 : i32
    %ge3A_539 = vector.broadcast %ge3A_538 : i32 to vector<16xi32>
    %ge3A_540 = arith.cmpi sge, %get3A_537, %ge3A_539 : vector<16xi32>
    %jit3A_541 = arith.constant 507904 : i32
    %jit3A_542 = arith.constant 0 : i32
    %broadcast_in_dim3A_543 = vector.broadcast %jit3A_541 : i32 to vector<16xi32>
    %broadcast_in_dim3A_544 = vector.broadcast %jit3A_542 : i32 to vector<16xi32>
    %select_n3A_545 = arith.select %ge3A_540, %broadcast_in_dim3A_543, %broadcast_in_dim3A_544 : vector<16xi1>, vector<16xi32>
    %sub3A_546 = arith.subi %get3A_537, %select_n3A_545 : vector<16xi32>
    %swap3A_547 = arith.constant 0 : i32
    %swap3A_548 = arith.index_cast %swap3A_547 : i32 to index
    %swap3A_549 = arith.constant 64 : index
    %swap3A_550 = tpu.vector_load %arg14[%swap3A_548, %swap3A_549] {strides = array<i32>} : memref<4x128xi32, #tpu.memory_space<vmem>>, vector<16xi32>,
    tpu.vector_store %arg14[%swap3A_548, %swap3A_549], %sub3A_546 {strides = array<i32>} : memref<4x128xi32, #tpu.memory_space<vmem>>, vector<16xi32>,
    %get3A_551 = arith.constant 80 : index
    %get3A_552 = tpu.vector_load %arg11[%get3A_551] {strides = array<i32>} : memref<512xi32, #tpu.memory_space<vmem>>, vector<16xi32>,
    %ge3A_553 = arith.constant 507904 : i32
    %ge3A_554 = vector.broadcast %ge3A_553 : i32 to vector<16xi32>
    %ge3A_555 = arith.cmpi sge, %get3A_552, %ge3A_554 : vector<16xi32>
    %jit3A_556 = arith.constant 507904 : i32
    %jit3A_557 = arith.constant 0 : i32
    %broadcast_in_dim3A_558 = vector.broadcast %jit3A_556 : i32 to vector<16xi32>
    %broadcast_in_dim3A_559 = vector.broadcast %jit3A_557 : i32 to vector<16xi32>
    %select_n3A_560 = arith.select %ge3A_555, %broadcast_in_dim3A_558, %broadcast_in_dim3A_559 : vector<16xi1>, vector<16xi32>
    %sub3A_561 = arith.subi %get3A_552, %select_n3A_560 : vector<16xi32>
    %swap3A_562 = arith.constant 0 : i32
    %swap3A_563 = arith.index_cast %swap3A_562 : i32 to index
    %swap3A_564 = arith.constant 80 : index
    %swap3A_565 = tpu.vector_load %arg14[%swap3A_563, %swap3A_564] {strides = array<i32>} : memref<4x128xi32, #tpu.memory_space<vmem>>, vector<16xi32>,
    tpu.vector_store %arg14[%swap3A_563, %swap3A_564], %sub3A_561 {strides = array<i32>} : memref<4x128xi32, #tpu.memory_space<vmem>>, vector<16xi32>,
    %get3A_566 = arith.constant 96 : index
    %get3A_567 = tpu.vector_load %arg11[%get3A_566] {strides = array<i32>} : memref<512xi32, #tpu.memory_space<vmem>>, vector<16xi32>,
    %ge3A_568 = arith.constant 507904 : i32
    %ge3A_569 = vector.broadcast %ge3A_568 : i32 to vector<16xi32>
    %ge3A_570 = arith.cmpi sge, %get3A_567, %ge3A_569 : vector<16xi32>
    %jit3A_571 = arith.constant 507904 : i32
    %jit3A_572 = arith.constant 0 : i32
    %broadcast_in_dim3A_573 = vector.broadcast %jit3A_571 : i32 to vector<16xi32>
    %broadcast_in_dim3A_574 = vector.broadcast %jit3A_572 : i32 to vector<16xi32>
    %select_n3A_575 = arith.select %ge3A_570, %broadcast_in_dim3A_573, %broadcast_in_dim3A_574 : vector<16xi1>, vector<16xi32>
    %sub3A_576 = arith.subi %get3A_567, %select_n3A_575 : vector<16xi32>
    %swap3A_577 = arith.constant 0 : i32
    %swap3A_578 = arith.index_cast %swap3A_577 : i32 to index
    %swap3A_579 = arith.constant 96 : index
    %swap3A_580 = tpu.vector_load %arg14[%swap3A_578, %swap3A_579] {strides = array<i32>} : memref<4x128xi32, #tpu.memory_space<vmem>>, vector<16xi32>,
    tpu.vector_store %arg14[%swap3A_578, %swap3A_579], %sub3A_576 {strides = array<i32>} : memref<4x128xi32, #tpu.memory_space<vmem>>, vector<16xi32>,
    %get3A_581 = arith.constant 112 : index
    %get3A_582 = tpu.vector_load %arg11[%get3A_581] {strides = array<i32>} : memref<512xi32, #tpu.memory_space<vmem>>, vector<16xi32>,
    %ge3A_583 = arith.constant 507904 : i32
    %ge3A_584 = vector.broadcast %ge3A_583 : i32 to vector<16xi32>
    %ge3A_585 = arith.cmpi sge, %get3A_582, %ge3A_584 : vector<16xi32>
    %jit3A_586 = arith.constant 507904 : i32
    %jit3A_587 = arith.constant 0 : i32
    %broadcast_in_dim3A_588 = vector.broadcast %jit3A_586 : i32 to vector<16xi32>
    %broadcast_in_dim3A_589 = vector.broadcast %jit3A_587 : i32 to vector<16xi32>
    %select_n3A_590 = arith.select %ge3A_585, %broadcast_in_dim3A_588, %broadcast_in_dim3A_589 : vector<16xi1>, vector<16xi32>
    %sub3A_591 = arith.subi %get3A_582, %select_n3A_590 : vector<16xi32>
    %swap3A_592 = arith.constant 0 : i32
    %swap3A_593 = arith.index_cast %swap3A_592 : i32 to index
    %swap3A_594 = arith.constant 112 : index
    %swap3A_595 = tpu.vector_load %arg14[%swap3A_593, %swap3A_594] {strides = array<i32>} : memref<4x128xi32, #tpu.memory_space<vmem>>, vector<16xi32>,
    tpu.vector_store %arg14[%swap3A_593, %swap3A_594], %sub3A_591 {strides = array<i32>} : memref<4x128xi32, #tpu.memory_space<vmem>>, vector<16xi32>,
    %get3A_596 = arith.constant 128 : index
    %get3A_597 = tpu.vector_load %arg11[%get3A_596] {strides = array<i32>} : memref<512xi32, #tpu.memory_space<vmem>>, vector<16xi32>,
    %ge3A_598 = arith.constant 507904 : i32
    %ge3A_599 = vector.broadcast %ge3A_598 : i32 to vector<16xi32>
    %ge3A_600 = arith.cmpi sge, %get3A_597, %ge3A_599 : vector<16xi32>
    %jit3A_601 = arith.constant 507904 : i32
    %jit3A_602 = arith.constant 0 : i32
    %broadcast_in_dim3A_603 = vector.broadcast %jit3A_601 : i32 to vector<16xi32>
    %broadcast_in_dim3A_604 = vector.broadcast %jit3A_602 : i32 to vector<16xi32>
    %select_n3A_605 = arith.select %ge3A_600, %broadcast_in_dim3A_603, %broadcast_in_dim3A_604 : vector<16xi1>, vector<16xi32>
    %sub3A_606 = arith.subi %get3A_597, %select_n3A_605 : vector<16xi32>
    %swap3A_607 = arith.constant 1 : i32
    %swap3A_608 = arith.index_cast %swap3A_607 : i32 to index
    %swap3A_609 = arith.constant 0 : index
    %swap3A_610 = tpu.vector_load %arg14[%swap3A_608, %swap3A_609] {strides = array<i32>} : memref<4x128xi32, #tpu.memory_space<vmem>>, vector<16xi32>,
    tpu.vector_store %arg14[%swap3A_608, %swap3A_609], %sub3A_606 {strides = array<i32>} : memref<4x128xi32, #tpu.memory_space<vmem>>, vector<16xi32>,
    %get3A_611 = arith.constant 144 : index
    %get3A_612 = tpu.vector_load %arg11[%get3A_611] {strides = array<i32>} : memref<512xi32, #tpu.memory_space<vmem>>, vector<16xi32>,
    %ge3A_613 = arith.constant 507904 : i32
    %ge3A_614 = vector.broadcast %ge3A_613 : i32 to vector<16xi32>
    %ge3A_615 = arith.cmpi sge, %get3A_612, %ge3A_614 : vector<16xi32>
    %jit3A_616 = arith.constant 507904 : i32
    %jit3A_617 = arith.constant 0 : i32
    %broadcast_in_dim3A_618 = vector.broadcast %jit3A_616 : i32 to vector<16xi32>
    %broadcast_in_dim3A_619 = vector.broadcast %jit3A_617 : i32 to vector<16xi32>
    %select_n3A_620 = arith.select %ge3A_615, %broadcast_in_dim3A_618, %broadcast_in_dim3A_619 : vector<16xi1>, vector<16xi32>
    %sub3A_621 = arith.subi %get3A_612, %select_n3A_620 : vector<16xi32>
    %swap3A_622 = arith.constant 1 : i32
    %swap3A_623 = arith.index_cast %swap3A_622 : i32 to index
    %swap3A_624 = arith.constant 16 : index
    %swap3A_625 = tpu.vector_load %arg14[%swap3A_623, %swap3A_624] {strides = array<i32>} : memref<4x128xi32, #tpu.memory_space<vmem>>, vector<16xi32>,
    tpu.vector_store %arg14[%swap3A_623, %swap3A_624], %sub3A_621 {strides = array<i32>} : memref<4x128xi32, #tpu.memory_space<vmem>>, vector<16xi32>,
    %get3A_626 = arith.constant 160 : index
    %get3A_627 = tpu.vector_load %arg11[%get3A_626] {strides = array<i32>} : memref<512xi32, #tpu.memory_space<vmem>>, vector<16xi32>,
    %ge3A_628 = arith.constant 507904 : i32
    %ge3A_629 = vector.broadcast %ge3A_628 : i32 to vector<16xi32>
    %ge3A_630 = arith.cmpi sge, %get3A_627, %ge3A_629 : vector<16xi32>
    %jit3A_631 = arith.constant 507904 : i32
    %jit3A_632 = arith.constant 0 : i32
    %broadcast_in_dim3A_633 = vector.broadcast %jit3A_631 : i32 to vector<16xi32>
    %broadcast_in_dim3A_634 = vector.broadcast %jit3A_632 : i32 to vector<16xi32>
    %select_n3A_635 = arith.select %ge3A_630, %broadcast_in_dim3A_633, %broadcast_in_dim3A_634 : vector<16xi1>, vector<16xi32>
    %sub3A_636 = arith.subi %get3A_627, %select_n3A_635 : vector<16xi32>
    %swap3A_637 = arith.constant 1 : i32
    %swap3A_638 = arith.index_cast %swap3A_637 : i32 to index
    %swap3A_639 = arith.constant 32 : index
    %swap3A_640 = tpu.vector_load %arg14[%swap3A_638, %swap3A_639] {strides = array<i32>} : memref<4x128xi32, #tpu.memory_space<vmem>>, vector<16xi32>,
    tpu.vector_store %arg14[%swap3A_638, %swap3A_639], %sub3A_636 {strides = array<i32>} : memref<4x128xi32, #tpu.memory_space<vmem>>, vector<16xi32>,
    %get3A_641 = arith.constant 176 : index
    %get3A_642 = tpu.vector_load %arg11[%get3A_641] {strides = array<i32>} : memref<512xi32, #tpu.memory_space<vmem>>, vector<16xi32>,
    %ge3A_643 = arith.constant 507904 : i32
    %ge3A_644 = vector.broadcast %ge3A_643 : i32 to vector<16xi32>
    %ge3A_645 = arith.cmpi sge, %get3A_642, %ge3A_644 : vector<16xi32>
    %jit3A_646 = arith.constant 507904 : i32
    %jit3A_647 = arith.constant 0 : i32
    %broadcast_in_dim3A_648 = vector.broadcast %jit3A_646 : i32 to vector<16xi32>
    %broadcast_in_dim3A_649 = vector.broadcast %jit3A_647 : i32 to vector<16xi32>
    %select_n3A_650 = arith.select %ge3A_645, %broadcast_in_dim3A_648, %broadcast_in_dim3A_649 : vector<16xi1>, vector<16xi32>
    %sub3A_651 = arith.subi %get3A_642, %select_n3A_650 : vector<16xi32>
    %swap3A_652 = arith.constant 1 : i32
    %swap3A_653 = arith.index_cast %swap3A_652 : i32 to index
    %swap3A_654 = arith.constant 48 : index
    %swap3A_655 = tpu.vector_load %arg14[%swap3A_653, %swap3A_654] {strides = array<i32>} : memref<4x128xi32, #tpu.memory_space<vmem>>, vector<16xi32>,
    tpu.vector_store %arg14[%swap3A_653, %swap3A_654], %sub3A_651 {strides = array<i32>} : memref<4x128xi32, #tpu.memory_space<vmem>>, vector<16xi32>,
    %get3A_656 = arith.constant 192 : index
    %get3A_657 = tpu.vector_load %arg11[%get3A_656] {strides = array<i32>} : memref<512xi32, #tpu.memory_space<vmem>>, vector<16xi32>,
    %ge3A_658 = arith.constant 507904 : i32
    %ge3A_659 = vector.broadcast %ge3A_658 : i32 to vector<16xi32>
    %ge3A_660 = arith.cmpi sge, %get3A_657, %ge3A_659 : vector<16xi32>
    %jit3A_661 = arith.constant 507904 : i32
    %jit3A_662 = arith.constant 0 : i32
    %broadcast_in_dim3A_663 = vector.broadcast %jit3A_661 : i32 to vector<16xi32>
    %broadcast_in_dim3A_664 = vector.broadcast %jit3A_662 : i32 to vector<16xi32>
    %select_n3A_665 = arith.select %ge3A_660, %broadcast_in_dim3A_663, %broadcast_in_dim3A_664 : vector<16xi1>, vector<16xi32>
    %sub3A_666 = arith.subi %get3A_657, %select_n3A_665 : vector<16xi32>
    %swap3A_667 = arith.constant 1 : i32
    %swap3A_668 = arith.index_cast %swap3A_667 : i32 to index
    %swap3A_669 = arith.constant 64 : index
    %swap3A_670 = tpu.vector_load %arg14[%swap3A_668, %swap3A_669] {strides = array<i32>} : memref<4x128xi32, #tpu.memory_space<vmem>>, vector<16xi32>,
    tpu.vector_store %arg14[%swap3A_668, %swap3A_669], %sub3A_666 {strides = array<i32>} : memref<4x128xi32, #tpu.memory_space<vmem>>, vector<16xi32>,
    %get3A_671 = arith.constant 208 : index
    %get3A_672 = tpu.vector_load %arg11[%get3A_671] {strides = array<i32>} : memref<512xi32, #tpu.memory_space<vmem>>, vector<16xi32>,
    %ge3A_673 = arith.constant 507904 : i32
    %ge3A_674 = vector.broadcast %ge3A_673 : i32 to vector<16xi32>
    %ge3A_675 = arith.cmpi sge, %get3A_672, %ge3A_674 : vector<16xi32>
    %jit3A_676 = arith.constant 507904 : i32
    %jit3A_677 = arith.constant 0 : i32
    %broadcast_in_dim3A_678 = vector.broadcast %jit3A_676 : i32 to vector<16xi32>
    %broadcast_in_dim3A_679 = vector.broadcast %jit3A_677 : i32 to vector<16xi32>
    %select_n3A_680 = arith.select %ge3A_675, %broadcast_in_dim3A_678, %broadcast_in_dim3A_679 : vector<16xi1>, vector<16xi32>
    %sub3A_681 = arith.subi %get3A_672, %select_n3A_680 : vector<16xi32>
    %swap3A_682 = arith.constant 1 : i32
    %swap3A_683 = arith.index_cast %swap3A_682 : i32 to index
    %swap3A_684 = arith.constant 80 : index
    %swap3A_685 = tpu.vector_load %arg14[%swap3A_683, %swap3A_684] {strides = array<i32>} : memref<4x128xi32, #tpu.memory_space<vmem>>, vector<16xi32>,
    tpu.vector_store %arg14[%swap3A_683, %swap3A_684], %sub3A_681 {strides = array<i32>} : memref<4x128xi32, #tpu.memory_space<vmem>>, vector<16xi32>,
    %get3A_686 = arith.constant 224 : index
    %get3A_687 = tpu.vector_load %arg11[%get3A_686] {strides = array<i32>} : memref<512xi32, #tpu.memory_space<vmem>>, vector<16xi32>,
    %ge3A_688 = arith.constant 507904 : i32
    %ge3A_689 = vector.broadcast %ge3A_688 : i32 to vector<16xi32>
    %ge3A_690 = arith.cmpi sge, %get3A_687, %ge3A_689 : vector<16xi32>
    %jit3A_691 = arith.constant 507904 : i32
    %jit3A_692 = arith.constant 0 : i32
    %broadcast_in_dim3A_693 = vector.broadcast %jit3A_691 : i32 to vector<16xi32>
    %broadcast_in_dim3A_694 = vector.broadcast %jit3A_692 : i32 to vector<16xi32>
    %select_n3A_695 = arith.select %ge3A_690, %broadcast_in_dim3A_693, %broadcast_in_dim3A_694 : vector<16xi1>, vector<16xi32>
    %sub3A_696 = arith.subi %get3A_687, %select_n3A_695 : vector<16xi32>
    %swap3A_697 = arith.constant 1 : i32
    %swap3A_698 = arith.index_cast %swap3A_697 : i32 to index
    %swap3A_699 = arith.constant 96 : index
    %swap3A_700 = tpu.vector_load %arg14[%swap3A_698, %swap3A_699] {strides = array<i32>} : memref<4x128xi32, #tpu.memory_space<vmem>>, vector<16xi32>,
    tpu.vector_store %arg14[%swap3A_698, %swap3A_699], %sub3A_696 {strides = array<i32>} : memref<4x128xi32, #tpu.memory_space<vmem>>, vector<16xi32>,
    %get3A_701 = arith.constant 240 : index
    %get3A_702 = tpu.vector_load %arg11[%get3A_701] {strides = array<i32>} : memref<512xi32, #tpu.memory_space<vmem>>, vector<16xi32>,
    %ge3A_703 = arith.constant 507904 : i32
    %ge3A_704 = vector.broadcast %ge3A_703 : i32 to vector<16xi32>
    %ge3A_705 = arith.cmpi sge, %get3A_702, %ge3A_704 : vector<16xi32>
    %jit3A_706 = arith.constant 507904 : i32
    %jit3A_707 = arith.constant 0 : i32
    %broadcast_in_dim3A_708 = vector.broadcast %jit3A_706 : i32 to vector<16xi32>
    %broadcast_in_dim3A_709 = vector.broadcast %jit3A_707 : i32 to vector<16xi32>
    %select_n3A_710 = arith.select %ge3A_705, %broadcast_in_dim3A_708, %broadcast_in_dim3A_709 : vector<16xi1>, vector<16xi32>
    %sub3A_711 = arith.subi %get3A_702, %select_n3A_710 : vector<16xi32>
    %swap3A_712 = arith.constant 1 : i32
    %swap3A_713 = arith.index_cast %swap3A_712 : i32 to index
    %swap3A_714 = arith.constant 112 : index
    %swap3A_715 = tpu.vector_load %arg14[%swap3A_713, %swap3A_714] {strides = array<i32>} : memref<4x128xi32, #tpu.memory_space<vmem>>, vector<16xi32>,
    tpu.vector_store %arg14[%swap3A_713, %swap3A_714], %sub3A_711 {strides = array<i32>} : memref<4x128xi32, #tpu.memory_space<vmem>>, vector<16xi32>,
    %get3A_716 = arith.constant 256 : index
    %get3A_717 = tpu.vector_load %arg11[%get3A_716] {strides = array<i32>} : memref<512xi32, #tpu.memory_space<vmem>>, vector<16xi32>,
    %ge3A_718 = arith.constant 507904 : i32
    %ge3A_719 = vector.broadcast %ge3A_718 : i32 to vector<16xi32>
    %ge3A_720 = arith.cmpi sge, %get3A_717, %ge3A_719 : vector<16xi32>
    %jit3A_721 = arith.constant 507904 : i32
    %jit3A_722 = arith.constant 0 : i32
    %broadcast_in_dim3A_723 = vector.broadcast %jit3A_721 : i32 to vector<16xi32>
    %broadcast_in_dim3A_724 = vector.broadcast %jit3A_722 : i32 to vector<16xi32>
    %select_n3A_725 = arith.select %ge3A_720, %broadcast_in_dim3A_723, %broadcast_in_dim3A_724 : vector<16xi1>, vector<16xi32>
    %sub3A_726 = arith.subi %get3A_717, %select_n3A_725 : vector<16xi32>
    %swap3A_727 = arith.constant 2 : i32
    %swap3A_728 = arith.index_cast %swap3A_727 : i32 to index
    %swap3A_729 = arith.constant 0 : index
    %swap3A_730 = tpu.vector_load %arg14[%swap3A_728, %swap3A_729] {strides = array<i32>} : memref<4x128xi32, #tpu.memory_space<vmem>>, vector<16xi32>,
    tpu.vector_store %arg14[%swap3A_728, %swap3A_729], %sub3A_726 {strides = array<i32>} : memref<4x128xi32, #tpu.memory_space<vmem>>, vector<16xi32>,
    %get3A_731 = arith.constant 272 : index
    %get3A_732 = tpu.vector_load %arg11[%get3A_731] {strides = array<i32>} : memref<512xi32, #tpu.memory_space<vmem>>, vector<16xi32>,
    %ge3A_733 = arith.constant 507904 : i32
    %ge3A_734 = vector.broadcast %ge3A_733 : i32 to vector<16xi32>
    %ge3A_735 = arith.cmpi sge, %get3A_732, %ge3A_734 : vector<16xi32>
    %jit3A_736 = arith.constant 507904 : i32
    %jit3A_737 = arith.constant 0 : i32
    %broadcast_in_dim3A_738 = vector.broadcast %jit3A_736 : i32 to vector<16xi32>
    %broadcast_in_dim3A_739 = vector.broadcast %jit3A_737 : i32 to vector<16xi32>
    %select_n3A_740 = arith.select %ge3A_735, %broadcast_in_dim3A_738, %broadcast_in_dim3A_739 : vector<16xi1>, vector<16xi32>
    %sub3A_741 = arith.subi %get3A_732, %select_n3A_740 : vector<16xi32>
    %swap3A_742 = arith.constant 2 : i32
    %swap3A_743 = arith.index_cast %swap3A_742 : i32 to index
    %swap3A_744 = arith.constant 16 : index
    %swap3A_745 = tpu.vector_load %arg14[%swap3A_743, %swap3A_744] {strides = array<i32>} : memref<4x128xi32, #tpu.memory_space<vmem>>, vector<16xi32>,
    tpu.vector_store %arg14[%swap3A_743, %swap3A_744], %sub3A_741 {strides = array<i32>} : memref<4x128xi32, #tpu.memory_space<vmem>>, vector<16xi32>,
    %get3A_746 = arith.constant 288 : index
    %get3A_747 = tpu.vector_load %arg11[%get3A_746] {strides = array<i32>} : memref<512xi32, #tpu.memory_space<vmem>>, vector<16xi32>,
    %ge3A_748 = arith.constant 507904 : i32
    %ge3A_749 = vector.broadcast %ge3A_748 : i32 to vector<16xi32>
    %ge3A_750 = arith.cmpi sge, %get3A_747, %ge3A_749 : vector<16xi32>
    %jit3A_751 = arith.constant 507904 : i32
    %jit3A_752 = arith.constant 0 : i32
    %broadcast_in_dim3A_753 = vector.broadcast %jit3A_751 : i32 to vector<16xi32>
    %broadcast_in_dim3A_754 = vector.broadcast %jit3A_752 : i32 to vector<16xi32>
    %select_n3A_755 = arith.select %ge3A_750, %broadcast_in_dim3A_753, %broadcast_in_dim3A_754 : vector<16xi1>, vector<16xi32>
    %sub3A_756 = arith.subi %get3A_747, %select_n3A_755 : vector<16xi32>
    %swap3A_757 = arith.constant 2 : i32
    %swap3A_758 = arith.index_cast %swap3A_757 : i32 to index
    %swap3A_759 = arith.constant 32 : index
    %swap3A_760 = tpu.vector_load %arg14[%swap3A_758, %swap3A_759] {strides = array<i32>} : memref<4x128xi32, #tpu.memory_space<vmem>>, vector<16xi32>,
    tpu.vector_store %arg14[%swap3A_758, %swap3A_759], %sub3A_756 {strides = array<i32>} : memref<4x128xi32, #tpu.memory_space<vmem>>, vector<16xi32>,
    %get3A_761 = arith.constant 304 : index
    %get3A_762 = tpu.vector_load %arg11[%get3A_761] {strides = array<i32>} : memref<512xi32, #tpu.memory_space<vmem>>, vector<16xi32>,
    %ge3A_763 = arith.constant 507904 : i32
    %ge3A_764 = vector.broadcast %ge3A_763 : i32 to vector<16xi32>
    %ge3A_765 = arith.cmpi sge, %get3A_762, %ge3A_764 : vector<16xi32>
    %jit3A_766 = arith.constant 507904 : i32
    %jit3A_767 = arith.constant 0 : i32
    %broadcast_in_dim3A_768 = vector.broadcast %jit3A_766 : i32 to vector<16xi32>
    %broadcast_in_dim3A_769 = vector.broadcast %jit3A_767 : i32 to vector<16xi32>
    %select_n3A_770 = arith.select %ge3A_765, %broadcast_in_dim3A_768, %broadcast_in_dim3A_769 : vector<16xi1>, vector<16xi32>
    %sub3A_771 = arith.subi %get3A_762, %select_n3A_770 : vector<16xi32>
    %swap3A_772 = arith.constant 2 : i32
    %swap3A_773 = arith.index_cast %swap3A_772 : i32 to index
    %swap3A_774 = arith.constant 48 : index
    %swap3A_775 = tpu.vector_load %arg14[%swap3A_773, %swap3A_774] {strides = array<i32>} : memref<4x128xi32, #tpu.memory_space<vmem>>, vector<16xi32>,
    tpu.vector_store %arg14[%swap3A_773, %swap3A_774], %sub3A_771 {strides = array<i32>} : memref<4x128xi32, #tpu.memory_space<vmem>>, vector<16xi32>,
    %get3A_776 = arith.constant 320 : index
    %get3A_777 = tpu.vector_load %arg11[%get3A_776] {strides = array<i32>} : memref<512xi32, #tpu.memory_space<vmem>>, vector<16xi32>,
    %ge3A_778 = arith.constant 507904 : i32
    %ge3A_779 = vector.broadcast %ge3A_778 : i32 to vector<16xi32>
    %ge3A_780 = arith.cmpi sge, %get3A_777, %ge3A_779 : vector<16xi32>
    %jit3A_781 = arith.constant 507904 : i32
    %jit3A_782 = arith.constant 0 : i32
    %broadcast_in_dim3A_783 = vector.broadcast %jit3A_781 : i32 to vector<16xi32>
    %broadcast_in_dim3A_784 = vector.broadcast %jit3A_782 : i32 to vector<16xi32>
    %select_n3A_785 = arith.select %ge3A_780, %broadcast_in_dim3A_783, %broadcast_in_dim3A_784 : vector<16xi1>, vector<16xi32>
    %sub3A_786 = arith.subi %get3A_777, %select_n3A_785 : vector<16xi32>
    %swap3A_787 = arith.constant 2 : i32
    %swap3A_788 = arith.index_cast %swap3A_787 : i32 to index
    %swap3A_789 = arith.constant 64 : index
    %swap3A_790 = tpu.vector_load %arg14[%swap3A_788, %swap3A_789] {strides = array<i32>} : memref<4x128xi32, #tpu.memory_space<vmem>>, vector<16xi32>,
    tpu.vector_store %arg14[%swap3A_788, %swap3A_789], %sub3A_786 {strides = array<i32>} : memref<4x128xi32, #tpu.memory_space<vmem>>, vector<16xi32>,
    %get3A_791 = arith.constant 336 : index
    %get3A_792 = tpu.vector_load %arg11[%get3A_791] {strides = array<i32>} : memref<512xi32, #tpu.memory_space<vmem>>, vector<16xi32>,
    %ge3A_793 = arith.constant 507904 : i32
    %ge3A_794 = vector.broadcast %ge3A_793 : i32 to vector<16xi32>
    %ge3A_795 = arith.cmpi sge, %get3A_792, %ge3A_794 : vector<16xi32>
    %jit3A_796 = arith.constant 507904 : i32
    %jit3A_797 = arith.constant 0 : i32
    %broadcast_in_dim3A_798 = vector.broadcast %jit3A_796 : i32 to vector<16xi32>
    %broadcast_in_dim3A_799 = vector.broadcast %jit3A_797 : i32 to vector<16xi32>
    %select_n3A_800 = arith.select %ge3A_795, %broadcast_in_dim3A_798, %broadcast_in_dim3A_799 : vector<16xi1>, vector<16xi32>
    %sub3A_801 = arith.subi %get3A_792, %select_n3A_800 : vector<16xi32>
    %swap3A_802 = arith.constant 2 : i32
    %swap3A_803 = arith.index_cast %swap3A_802 : i32 to index
    %swap3A_804 = arith.constant 80 : index
    %swap3A_805 = tpu.vector_load %arg14[%swap3A_803, %swap3A_804] {strides = array<i32>} : memref<4x128xi32, #tpu.memory_space<vmem>>, vector<16xi32>,
    tpu.vector_store %arg14[%swap3A_803, %swap3A_804], %sub3A_801 {strides = array<i32>} : memref<4x128xi32, #tpu.memory_space<vmem>>, vector<16xi32>,
    %get3A_806 = arith.constant 352 : index
    %get3A_807 = tpu.vector_load %arg11[%get3A_806] {strides = array<i32>} : memref<512xi32, #tpu.memory_space<vmem>>, vector<16xi32>,
    %ge3A_808 = arith.constant 507904 : i32
    %ge3A_809 = vector.broadcast %ge3A_808 : i32 to vector<16xi32>
    %ge3A_810 = arith.cmpi sge, %get3A_807, %ge3A_809 : vector<16xi32>
    %jit3A_811 = arith.constant 507904 : i32
    %jit3A_812 = arith.constant 0 : i32
    %broadcast_in_dim3A_813 = vector.broadcast %jit3A_811 : i32 to vector<16xi32>
    %broadcast_in_dim3A_814 = vector.broadcast %jit3A_812 : i32 to vector<16xi32>
    %select_n3A_815 = arith.select %ge3A_810, %broadcast_in_dim3A_813, %broadcast_in_dim3A_814 : vector<16xi1>, vector<16xi32>
    %sub3A_816 = arith.subi %get3A_807, %select_n3A_815 : vector<16xi32>
    %swap3A_817 = arith.constant 2 : i32
    %swap3A_818 = arith.index_cast %swap3A_817 : i32 to index
    %swap3A_819 = arith.constant 96 : index
    %swap3A_820 = tpu.vector_load %arg14[%swap3A_818, %swap3A_819] {strides = array<i32>} : memref<4x128xi32, #tpu.memory_space<vmem>>, vector<16xi32>,
    tpu.vector_store %arg14[%swap3A_818, %swap3A_819], %sub3A_816 {strides = array<i32>} : memref<4x128xi32, #tpu.memory_space<vmem>>, vector<16xi32>,
    %get3A_821 = arith.constant 368 : index
    %get3A_822 = tpu.vector_load %arg11[%get3A_821] {strides = array<i32>} : memref<512xi32, #tpu.memory_space<vmem>>, vector<16xi32>,
    %ge3A_823 = arith.constant 507904 : i32
    %ge3A_824 = vector.broadcast %ge3A_823 : i32 to vector<16xi32>
    %ge3A_825 = arith.cmpi sge, %get3A_822, %ge3A_824 : vector<16xi32>
    %jit3A_826 = arith.constant 507904 : i32
    %jit3A_827 = arith.constant 0 : i32
    %broadcast_in_dim3A_828 = vector.broadcast %jit3A_826 : i32 to vector<16xi32>
    %broadcast_in_dim3A_829 = vector.broadcast %jit3A_827 : i32 to vector<16xi32>
    %select_n3A_830 = arith.select %ge3A_825, %broadcast_in_dim3A_828, %broadcast_in_dim3A_829 : vector<16xi1>, vector<16xi32>
    %sub3A_831 = arith.subi %get3A_822, %select_n3A_830 : vector<16xi32>
    %swap3A_832 = arith.constant 2 : i32
    %swap3A_833 = arith.index_cast %swap3A_832 : i32 to index
    %swap3A_834 = arith.constant 112 : index
    %swap3A_835 = tpu.vector_load %arg14[%swap3A_833, %swap3A_834] {strides = array<i32>} : memref<4x128xi32, #tpu.memory_space<vmem>>, vector<16xi32>,
    tpu.vector_store %arg14[%swap3A_833, %swap3A_834], %sub3A_831 {strides = array<i32>} : memref<4x128xi32, #tpu.memory_space<vmem>>, vector<16xi32>,
    %get3A_836 = arith.constant 384 : index
    %get3A_837 = tpu.vector_load %arg11[%get3A_836] {strides = array<i32>} : memref<512xi32, #tpu.memory_space<vmem>>, vector<16xi32>,
    %ge3A_838 = arith.constant 507904 : i32
    %ge3A_839 = vector.broadcast %ge3A_838 : i32 to vector<16xi32>
    %ge3A_840 = arith.cmpi sge, %get3A_837, %ge3A_839 : vector<16xi32>
    %jit3A_841 = arith.constant 507904 : i32
    %jit3A_842 = arith.constant 0 : i32
    %broadcast_in_dim3A_843 = vector.broadcast %jit3A_841 : i32 to vector<16xi32>
    %broadcast_in_dim3A_844 = vector.broadcast %jit3A_842 : i32 to vector<16xi32>
    %select_n3A_845 = arith.select %ge3A_840, %broadcast_in_dim3A_843, %broadcast_in_dim3A_844 : vector<16xi1>, vector<16xi32>
    %sub3A_846 = arith.subi %get3A_837, %select_n3A_845 : vector<16xi32>
    %swap3A_847 = arith.constant 3 : i32
    %swap3A_848 = arith.index_cast %swap3A_847 : i32 to index
    %swap3A_849 = arith.constant 0 : index
    %swap3A_850 = tpu.vector_load %arg14[%swap3A_848, %swap3A_849] {strides = array<i32>} : memref<4x128xi32, #tpu.memory_space<vmem>>, vector<16xi32>,
    tpu.vector_store %arg14[%swap3A_848, %swap3A_849], %sub3A_846 {strides = array<i32>} : memref<4x128xi32, #tpu.memory_space<vmem>>, vector<16xi32>,
    %get3A_851 = arith.constant 400 : index
    %get3A_852 = tpu.vector_load %arg11[%get3A_851] {strides = array<i32>} : memref<512xi32, #tpu.memory_space<vmem>>, vector<16xi32>,
    %ge3A_853 = arith.constant 507904 : i32
    %ge3A_854 = vector.broadcast %ge3A_853 : i32 to vector<16xi32>
    %ge3A_855 = arith.cmpi sge, %get3A_852, %ge3A_854 : vector<16xi32>
    %jit3A_856 = arith.constant 507904 : i32
    %jit3A_857 = arith.constant 0 : i32
    %broadcast_in_dim3A_858 = vector.broadcast %jit3A_856 : i32 to vector<16xi32>
    %broadcast_in_dim3A_859 = vector.broadcast %jit3A_857 : i32 to vector<16xi32>
    %select_n3A_860 = arith.select %ge3A_855, %broadcast_in_dim3A_858, %broadcast_in_dim3A_859 : vector<16xi1>, vector<16xi32>
    %sub3A_861 = arith.subi %get3A_852, %select_n3A_860 : vector<16xi32>
    %swap3A_862 = arith.constant 3 : i32
    %swap3A_863 = arith.index_cast %swap3A_862 : i32 to index
    %swap3A_864 = arith.constant 16 : index
    %swap3A_865 = tpu.vector_load %arg14[%swap3A_863, %swap3A_864] {strides = array<i32>} : memref<4x128xi32, #tpu.memory_space<vmem>>, vector<16xi32>,
    tpu.vector_store %arg14[%swap3A_863, %swap3A_864], %sub3A_861 {strides = array<i32>} : memref<4x128xi32, #tpu.memory_space<vmem>>, vector<16xi32>,
    %get3A_866 = arith.constant 416 : index
    %get3A_867 = tpu.vector_load %arg11[%get3A_866] {strides = array<i32>} : memref<512xi32, #tpu.memory_space<vmem>>, vector<16xi32>,
    %ge3A_868 = arith.constant 507904 : i32
    %ge3A_869 = vector.broadcast %ge3A_868 : i32 to vector<16xi32>
    %ge3A_870 = arith.cmpi sge, %get3A_867, %ge3A_869 : vector<16xi32>
    %jit3A_871 = arith.constant 507904 : i32
    %jit3A_872 = arith.constant 0 : i32
    %broadcast_in_dim3A_873 = vector.broadcast %jit3A_871 : i32 to vector<16xi32>
    %broadcast_in_dim3A_874 = vector.broadcast %jit3A_872 : i32 to vector<16xi32>
    %select_n3A_875 = arith.select %ge3A_870, %broadcast_in_dim3A_873, %broadcast_in_dim3A_874 : vector<16xi1>, vector<16xi32>
    %sub3A_876 = arith.subi %get3A_867, %select_n3A_875 : vector<16xi32>
    %swap3A_877 = arith.constant 3 : i32
    %swap3A_878 = arith.index_cast %swap3A_877 : i32 to index
    %swap3A_879 = arith.constant 32 : index
    %swap3A_880 = tpu.vector_load %arg14[%swap3A_878, %swap3A_879] {strides = array<i32>} : memref<4x128xi32, #tpu.memory_space<vmem>>, vector<16xi32>,
    tpu.vector_store %arg14[%swap3A_878, %swap3A_879], %sub3A_876 {strides = array<i32>} : memref<4x128xi32, #tpu.memory_space<vmem>>, vector<16xi32>,
    %get3A_881 = arith.constant 432 : index
    %get3A_882 = tpu.vector_load %arg11[%get3A_881] {strides = array<i32>} : memref<512xi32, #tpu.memory_space<vmem>>, vector<16xi32>,
    %ge3A_883 = arith.constant 507904 : i32
    %ge3A_884 = vector.broadcast %ge3A_883 : i32 to vector<16xi32>
    %ge3A_885 = arith.cmpi sge, %get3A_882, %ge3A_884 : vector<16xi32>
    %jit3A_886 = arith.constant 507904 : i32
    %jit3A_887 = arith.constant 0 : i32
    %broadcast_in_dim3A_888 = vector.broadcast %jit3A_886 : i32 to vector<16xi32>
    %broadcast_in_dim3A_889 = vector.broadcast %jit3A_887 : i32 to vector<16xi32>
    %select_n3A_890 = arith.select %ge3A_885, %broadcast_in_dim3A_888, %broadcast_in_dim3A_889 : vector<16xi1>, vector<16xi32>
    %sub3A_891 = arith.subi %get3A_882, %select_n3A_890 : vector<16xi32>
    %swap3A_892 = arith.constant 3 : i32
    %swap3A_893 = arith.index_cast %swap3A_892 : i32 to index
    %swap3A_894 = arith.constant 48 : index
    %swap3A_895 = tpu.vector_load %arg14[%swap3A_893, %swap3A_894] {strides = array<i32>} : memref<4x128xi32, #tpu.memory_space<vmem>>, vector<16xi32>,
    tpu.vector_store %arg14[%swap3A_893, %swap3A_894], %sub3A_891 {strides = array<i32>} : memref<4x128xi32, #tpu.memory_space<vmem>>, vector<16xi32>,
    %get3A_896 = arith.constant 448 : index
    %get3A_897 = tpu.vector_load %arg11[%get3A_896] {strides = array<i32>} : memref<512xi32, #tpu.memory_space<vmem>>, vector<16xi32>,
    %ge3A_898 = arith.constant 507904 : i32
    %ge3A_899 = vector.broadcast %ge3A_898 : i32 to vector<16xi32>
    %ge3A_900 = arith.cmpi sge, %get3A_897, %ge3A_899 : vector<16xi32>
    %jit3A_901 = arith.constant 507904 : i32
    %jit3A_902 = arith.constant 0 : i32
    %broadcast_in_dim3A_903 = vector.broadcast %jit3A_901 : i32 to vector<16xi32>
    %broadcast_in_dim3A_904 = vector.broadcast %jit3A_902 : i32 to vector<16xi32>
    %select_n3A_905 = arith.select %ge3A_900, %broadcast_in_dim3A_903, %broadcast_in_dim3A_904 : vector<16xi1>, vector<16xi32>
    %sub3A_906 = arith.subi %get3A_897, %select_n3A_905 : vector<16xi32>
    %swap3A_907 = arith.constant 3 : i32
    %swap3A_908 = arith.index_cast %swap3A_907 : i32 to index
    %swap3A_909 = arith.constant 64 : index
    %swap3A_910 = tpu.vector_load %arg14[%swap3A_908, %swap3A_909] {strides = array<i32>} : memref<4x128xi32, #tpu.memory_space<vmem>>, vector<16xi32>,
    tpu.vector_store %arg14[%swap3A_908, %swap3A_909], %sub3A_906 {strides = array<i32>} : memref<4x128xi32, #tpu.memory_space<vmem>>, vector<16xi32>,
    %get3A_911 = arith.constant 464 : index
    %get3A_912 = tpu.vector_load %arg11[%get3A_911] {strides = array<i32>} : memref<512xi32, #tpu.memory_space<vmem>>, vector<16xi32>,
    %ge3A_913 = arith.constant 507904 : i32
    %ge3A_914 = vector.broadcast %ge3A_913 : i32 to vector<16xi32>
    %ge3A_915 = arith.cmpi sge, %get3A_912, %ge3A_914 : vector<16xi32>
    %jit3A_916 = arith.constant 507904 : i32
    %jit3A_917 = arith.constant 0 : i32
    %broadcast_in_dim3A_918 = vector.broadcast %jit3A_916 : i32 to vector<16xi32>
    %broadcast_in_dim3A_919 = vector.broadcast %jit3A_917 : i32 to vector<16xi32>
    %select_n3A_920 = arith.select %ge3A_915, %broadcast_in_dim3A_918, %broadcast_in_dim3A_919 : vector<16xi1>, vector<16xi32>
    %sub3A_921 = arith.subi %get3A_912, %select_n3A_920 : vector<16xi32>
    %swap3A_922 = arith.constant 3 : i32
    %swap3A_923 = arith.index_cast %swap3A_922 : i32 to index
    %swap3A_924 = arith.constant 80 : index
    %swap3A_925 = tpu.vector_load %arg14[%swap3A_923, %swap3A_924] {strides = array<i32>} : memref<4x128xi32, #tpu.memory_space<vmem>>, vector<16xi32>,
    tpu.vector_store %arg14[%swap3A_923, %swap3A_924], %sub3A_921 {strides = array<i32>} : memref<4x128xi32, #tpu.memory_space<vmem>>, vector<16xi32>,
    %get3A_926 = arith.constant 480 : index
    %get3A_927 = tpu.vector_load %arg11[%get3A_926] {strides = array<i32>} : memref<512xi32, #tpu.memory_space<vmem>>, vector<16xi32>,
    %ge3A_928 = arith.constant 507904 : i32
    %ge3A_929 = vector.broadcast %ge3A_928 : i32 to vector<16xi32>
    %ge3A_930 = arith.cmpi sge, %get3A_927, %ge3A_929 : vector<16xi32>
    %jit3A_931 = arith.constant 507904 : i32
    %jit3A_932 = arith.constant 0 : i32
    %broadcast_in_dim3A_933 = vector.broadcast %jit3A_931 : i32 to vector<16xi32>
    %broadcast_in_dim3A_934 = vector.broadcast %jit3A_932 : i32 to vector<16xi32>
    %select_n3A_935 = arith.select %ge3A_930, %broadcast_in_dim3A_933, %broadcast_in_dim3A_934 : vector<16xi1>, vector<16xi32>
    %sub3A_936 = arith.subi %get3A_927, %select_n3A_935 : vector<16xi32>
    %swap3A_937 = arith.constant 3 : i32
    %swap3A_938 = arith.index_cast %swap3A_937 : i32 to index
    %swap3A_939 = arith.constant 96 : index
    %swap3A_940 = tpu.vector_load %arg14[%swap3A_938, %swap3A_939] {strides = array<i32>} : memref<4x128xi32, #tpu.memory_space<vmem>>, vector<16xi32>,
    tpu.vector_store %arg14[%swap3A_938, %swap3A_939], %sub3A_936 {strides = array<i32>} : memref<4x128xi32, #tpu.memory_space<vmem>>, vector<16xi32>,
    %get3A_941 = arith.constant 496 : index
    %get3A_942 = tpu.vector_load %arg11[%get3A_941] {strides = array<i32>} : memref<512xi32, #tpu.memory_space<vmem>>, vector<16xi32>,
    %ge3A_943 = arith.constant 507904 : i32
    %ge3A_944 = vector.broadcast %ge3A_943 : i32 to vector<16xi32>
    %ge3A_945 = arith.cmpi sge, %get3A_942, %ge3A_944 : vector<16xi32>
    %jit3A_946 = arith.constant 507904 : i32
    %jit3A_947 = arith.constant 0 : i32
    %broadcast_in_dim3A_948 = vector.broadcast %jit3A_946 : i32 to vector<16xi32>
    %broadcast_in_dim3A_949 = vector.broadcast %jit3A_947 : i32 to vector<16xi32>
    %select_n3A_950 = arith.select %ge3A_945, %broadcast_in_dim3A_948, %broadcast_in_dim3A_949 : vector<16xi1>, vector<16xi32>
    %sub3A_951 = arith.subi %get3A_942, %select_n3A_950 : vector<16xi32>
    %swap3A_952 = arith.constant 3 : i32
    %swap3A_953 = arith.index_cast %swap3A_952 : i32 to index
    %swap3A_954 = arith.constant 112 : index
    %swap3A_955 = tpu.vector_load %arg14[%swap3A_953, %swap3A_954] {strides = array<i32>} : memref<4x128xi32, #tpu.memory_space<vmem>>, vector<16xi32>,
    tpu.vector_store %arg14[%swap3A_953, %swap3A_954], %sub3A_951 {strides = array<i32>} : memref<4x128xi32, #tpu.memory_space<vmem>>, vector<16xi32>,
    %get3A_956 = arith.constant 0 : index
    %get3A_957 = tpu.vector_load %arg10[%get3A_956] {strides = array<i32>} : memref<512xi32, #tpu.memory_space<vmem>>, vector<16xi32>,
    %ge3A_958 = arith.constant 507904 : i32
    %ge3A_959 = vector.broadcast %ge3A_958 : i32 to vector<16xi32>
    %ge3A_960 = arith.cmpi sge, %get3A_957, %ge3A_959 : vector<16xi32>
    %jit3A_961 = arith.constant 507904 : i32
    %jit3A_962 = arith.constant 0 : i32
    %broadcast_in_dim3A_963 = vector.broadcast %jit3A_961 : i32 to vector<16xi32>
    %broadcast_in_dim3A_964 = vector.broadcast %jit3A_962 : i32 to vector<16xi32>
    %select_n3A_965 = arith.select %ge3A_960, %broadcast_in_dim3A_963, %broadcast_in_dim3A_964 : vector<16xi1>, vector<16xi32>
    %sub3A_966 = arith.subi %get3A_957, %select_n3A_965 : vector<16xi32>
    %swap3A_967 = arith.constant 0 : i32
    %swap3A_968 = arith.index_cast %swap3A_967 : i32 to index
    %swap3A_969 = arith.constant 0 : index
    %swap3A_970 = tpu.vector_load %arg13[%swap3A_968, %swap3A_969] {strides = array<i32>} : memref<4x128xi32, #tpu.memory_space<vmem>>, vector<16xi32>,
    tpu.vector_store %arg13[%swap3A_968, %swap3A_969], %sub3A_966 {strides = array<i32>} : memref<4x128xi32, #tpu.memory_space<vmem>>, vector<16xi32>,
    %get3A_971 = arith.constant 16 : index
    %get3A_972 = tpu.vector_load %arg10[%get3A_971] {strides = array<i32>} : memref<512xi32, #tpu.memory_space<vmem>>, vector<16xi32>,
    %ge3A_973 = arith.constant 507904 : i32
    %ge3A_974 = vector.broadcast %ge3A_973 : i32 to vector<16xi32>
    %ge3A_975 = arith.cmpi sge, %get3A_972, %ge3A_974 : vector<16xi32>
    %jit3A_976 = arith.constant 507904 : i32
    %jit3A_977 = arith.constant 0 : i32
    %broadcast_in_dim3A_978 = vector.broadcast %jit3A_976 : i32 to vector<16xi32>
    %broadcast_in_dim3A_979 = vector.broadcast %jit3A_977 : i32 to vector<16xi32>
    %select_n3A_980 = arith.select %ge3A_975, %broadcast_in_dim3A_978, %broadcast_in_dim3A_979 : vector<16xi1>, vector<16xi32>
    %sub3A_981 = arith.subi %get3A_972, %select_n3A_980 : vector<16xi32>
    %swap3A_982 = arith.constant 0 : i32
    %swap3A_983 = arith.index_cast %swap3A_982 : i32 to index
    %swap3A_984 = arith.constant 16 : index
    %swap3A_985 = tpu.vector_load %arg13[%swap3A_983, %swap3A_984] {strides = array<i32>} : memref<4x128xi32, #tpu.memory_space<vmem>>, vector<16xi32>,
    tpu.vector_store %arg13[%swap3A_983, %swap3A_984], %sub3A_981 {strides = array<i32>} : memref<4x128xi32, #tpu.memory_space<vmem>>, vector<16xi32>,
    %get3A_986 = arith.constant 32 : index
    %get3A_987 = tpu.vector_load %arg10[%get3A_986] {strides = array<i32>} : memref<512xi32, #tpu.memory_space<vmem>>, vector<16xi32>,
    %ge3A_988 = arith.constant 507904 : i32
    %ge3A_989 = vector.broadcast %ge3A_988 : i32 to vector<16xi32>
    %ge3A_990 = arith.cmpi sge, %get3A_987, %ge3A_989 : vector<16xi32>
    %jit3A_991 = arith.constant 507904 : i32
    %jit3A_992 = arith.constant 0 : i32
    %broadcast_in_dim3A_993 = vector.broadcast %jit3A_991 : i32 to vector<16xi32>
    %broadcast_in_dim3A_994 = vector.broadcast %jit3A_992 : i32 to vector<16xi32>
    %select_n3A_995 = arith.select %ge3A_990, %broadcast_in_dim3A_993, %broadcast_in_dim3A_994 : vector<16xi1>, vector<16xi32>
    %sub3A_996 = arith.subi %get3A_987, %select_n3A_995 : vector<16xi32>
    %swap3A_997 = arith.constant 0 : i32
    %swap3A_998 = arith.index_cast %swap3A_997 : i32 to index
    %swap3A_999 = arith.constant 32 : index
    %swap3A_1000 = tpu.vector_load %arg13[%swap3A_998, %swap3A_999] {strides = array<i32>} : memref<4x128xi32, #tpu.memory_space<vmem>>, vector<16xi32>,
    tpu.vector_store %arg13[%swap3A_998, %swap3A_999], %sub3A_996 {strides = array<i32>} : memref<4x128xi32, #tpu.memory_space<vmem>>, vector<16xi32>,
    %get3A_1001 = arith.constant 48 : index
    %get3A_1002 = tpu.vector_load %arg10[%get3A_1001] {strides = array<i32>} : memref<512xi32, #tpu.memory_space<vmem>>, vector<16xi32>,
    %ge3A_1003 = arith.constant 507904 : i32
    %ge3A_1004 = vector.broadcast %ge3A_1003 : i32 to vector<16xi32>
    %ge3A_1005 = arith.cmpi sge, %get3A_1002, %ge3A_1004 : vector<16xi32>
    %jit3A_1006 = arith.constant 507904 : i32
    %jit3A_1007 = arith.constant 0 : i32
    %broadcast_in_dim3A_1008 = vector.broadcast %jit3A_1006 : i32 to vector<16xi32>
    %broadcast_in_dim3A_1009 = vector.broadcast %jit3A_1007 : i32 to vector<16xi32>
    %select_n3A_1010 = arith.select %ge3A_1005, %broadcast_in_dim3A_1008, %broadcast_in_dim3A_1009 : vector<16xi1>, vector<16xi32>
    %sub3A_1011 = arith.subi %get3A_1002, %select_n3A_1010 : vector<16xi32>
    %swap3A_1012 = arith.constant 0 : i32
    %swap3A_1013 = arith.index_cast %swap3A_1012 : i32 to index
    %swap3A_1014 = arith.constant 48 : index
    %swap3A_1015 = tpu.vector_load %arg13[%swap3A_1013, %swap3A_1014] {strides = array<i32>} : memref<4x128xi32, #tpu.memory_space<vmem>>, vector<16xi32>,
    tpu.vector_store %arg13[%swap3A_1013, %swap3A_1014], %sub3A_1011 {strides = array<i32>} : memref<4x128xi32, #tpu.memory_space<vmem>>, vector<16xi32>,
    %get3A_1016 = arith.constant 64 : index
    %get3A_1017 = tpu.vector_load %arg10[%get3A_1016] {strides = array<i32>} : memref<512xi32, #tpu.memory_space<vmem>>, vector<16xi32>,
    %ge3A_1018 = arith.constant 507904 : i32
    %ge3A_1019 = vector.broadcast %ge3A_1018 : i32 to vector<16xi32>
    %ge3A_1020 = arith.cmpi sge, %get3A_1017, %ge3A_1019 : vector<16xi32>
    %jit3A_1021 = arith.constant 507904 : i32
    %jit3A_1022 = arith.constant 0 : i32
    %broadcast_in_dim3A_1023 = vector.broadcast %jit3A_1021 : i32 to vector<16xi32>
    %broadcast_in_dim3A_1024 = vector.broadcast %jit3A_1022 : i32 to vector<16xi32>
    %select_n3A_1025 = arith.select %ge3A_1020, %broadcast_in_dim3A_1023, %broadcast_in_dim3A_1024 : vector<16xi1>, vector<16xi32>
    %sub3A_1026 = arith.subi %get3A_1017, %select_n3A_1025 : vector<16xi32>
    %swap3A_1027 = arith.constant 0 : i32
    %swap3A_1028 = arith.index_cast %swap3A_1027 : i32 to index
    %swap3A_1029 = arith.constant 64 : index
    %swap3A_1030 = tpu.vector_load %arg13[%swap3A_1028, %swap3A_1029] {strides = array<i32>} : memref<4x128xi32, #tpu.memory_space<vmem>>, vector<16xi32>,
    tpu.vector_store %arg13[%swap3A_1028, %swap3A_1029], %sub3A_1026 {strides = array<i32>} : memref<4x128xi32, #tpu.memory_space<vmem>>, vector<16xi32>,
    %get3A_1031 = arith.constant 80 : index
    %get3A_1032 = tpu.vector_load %arg10[%get3A_1031] {strides = array<i32>} : memref<512xi32, #tpu.memory_space<vmem>>, vector<16xi32>,
    %ge3A_1033 = arith.constant 507904 : i32
    %ge3A_1034 = vector.broadcast %ge3A_1033 : i32 to vector<16xi32>
    %ge3A_1035 = arith.cmpi sge, %get3A_1032, %ge3A_1034 : vector<16xi32>
    %jit3A_1036 = arith.constant 507904 : i32
    %jit3A_1037 = arith.constant 0 : i32
    %broadcast_in_dim3A_1038 = vector.broadcast %jit3A_1036 : i32 to vector<16xi32>
    %broadcast_in_dim3A_1039 = vector.broadcast %jit3A_1037 : i32 to vector<16xi32>
    %select_n3A_1040 = arith.select %ge3A_1035, %broadcast_in_dim3A_1038, %broadcast_in_dim3A_1039 : vector<16xi1>, vector<16xi32>
    %sub3A_1041 = arith.subi %get3A_1032, %select_n3A_1040 : vector<16xi32>
    %swap3A_1042 = arith.constant 0 : i32
    %swap3A_1043 = arith.index_cast %swap3A_1042 : i32 to index
    %swap3A_1044 = arith.constant 80 : index
    %swap3A_1045 = tpu.vector_load %arg13[%swap3A_1043, %swap3A_1044] {strides = array<i32>} : memref<4x128xi32, #tpu.memory_space<vmem>>, vector<16xi32>,
    tpu.vector_store %arg13[%swap3A_1043, %swap3A_1044], %sub3A_1041 {strides = array<i32>} : memref<4x128xi32, #tpu.memory_space<vmem>>, vector<16xi32>,
    %get3A_1046 = arith.constant 96 : index
    %get3A_1047 = tpu.vector_load %arg10[%get3A_1046] {strides = array<i32>} : memref<512xi32, #tpu.memory_space<vmem>>, vector<16xi32>,
    %ge3A_1048 = arith.constant 507904 : i32
    %ge3A_1049 = vector.broadcast %ge3A_1048 : i32 to vector<16xi32>
    %ge3A_1050 = arith.cmpi sge, %get3A_1047, %ge3A_1049 : vector<16xi32>
    %jit3A_1051 = arith.constant 507904 : i32
    %jit3A_1052 = arith.constant 0 : i32
    %broadcast_in_dim3A_1053 = vector.broadcast %jit3A_1051 : i32 to vector<16xi32>
    %broadcast_in_dim3A_1054 = vector.broadcast %jit3A_1052 : i32 to vector<16xi32>
    %select_n3A_1055 = arith.select %ge3A_1050, %broadcast_in_dim3A_1053, %broadcast_in_dim3A_1054 : vector<16xi1>, vector<16xi32>
    %sub3A_1056 = arith.subi %get3A_1047, %select_n3A_1055 : vector<16xi32>
    %swap3A_1057 = arith.constant 0 : i32
    %swap3A_1058 = arith.index_cast %swap3A_1057 : i32 to index
    %swap3A_1059 = arith.constant 96 : index
    %swap3A_1060 = tpu.vector_load %arg13[%swap3A_1058, %swap3A_1059] {strides = array<i32>} : memref<4x128xi32, #tpu.memory_space<vmem>>, vector<16xi32>,
    tpu.vector_store %arg13[%swap3A_1058, %swap3A_1059], %sub3A_1056 {strides = array<i32>} : memref<4x128xi32, #tpu.memory_space<vmem>>, vector<16xi32>,
    %get3A_1061 = arith.constant 112 : index
    %get3A_1062 = tpu.vector_load %arg10[%get3A_1061] {strides = array<i32>} : memref<512xi32, #tpu.memory_space<vmem>>, vector<16xi32>,
    %ge3A_1063 = arith.constant 507904 : i32
    %ge3A_1064 = vector.broadcast %ge3A_1063 : i32 to vector<16xi32>
    %ge3A_1065 = arith.cmpi sge, %get3A_1062, %ge3A_1064 : vector<16xi32>
    %jit3A_1066 = arith.constant 507904 : i32
    %jit3A_1067 = arith.constant 0 : i32
    %broadcast_in_dim3A_1068 = vector.broadcast %jit3A_1066 : i32 to vector<16xi32>
    %broadcast_in_dim3A_1069 = vector.broadcast %jit3A_1067 : i32 to vector<16xi32>
    %select_n3A_1070 = arith.select %ge3A_1065, %broadcast_in_dim3A_1068, %broadcast_in_dim3A_1069 : vector<16xi1>, vector<16xi32>
    %sub3A_1071 = arith.subi %get3A_1062, %select_n3A_1070 : vector<16xi32>
    %swap3A_1072 = arith.constant 0 : i32
    %swap3A_1073 = arith.index_cast %swap3A_1072 : i32 to index
    %swap3A_1074 = arith.constant 112 : index
    %swap3A_1075 = tpu.vector_load %arg13[%swap3A_1073, %swap3A_1074] {strides = array<i32>} : memref<4x128xi32, #tpu.memory_space<vmem>>, vector<16xi32>,
    tpu.vector_store %arg13[%swap3A_1073, %swap3A_1074], %sub3A_1071 {strides = array<i32>} : memref<4x128xi32, #tpu.memory_space<vmem>>, vector<16xi32>,
    %get3A_1076 = arith.constant 128 : index
    %get3A_1077 = tpu.vector_load %arg10[%get3A_1076] {strides = array<i32>} : memref<512xi32, #tpu.memory_space<vmem>>, vector<16xi32>,
    %ge3A_1078 = arith.constant 507904 : i32
    %ge3A_1079 = vector.broadcast %ge3A_1078 : i32 to vector<16xi32>
    %ge3A_1080 = arith.cmpi sge, %get3A_1077, %ge3A_1079 : vector<16xi32>
    %jit3A_1081 = arith.constant 507904 : i32
    %jit3A_1082 = arith.constant 0 : i32
    %broadcast_in_dim3A_1083 = vector.broadcast %jit3A_1081 : i32 to vector<16xi32>
    %broadcast_in_dim3A_1084 = vector.broadcast %jit3A_1082 : i32 to vector<16xi32>
    %select_n3A_1085 = arith.select %ge3A_1080, %broadcast_in_dim3A_1083, %broadcast_in_dim3A_1084 : vector<16xi1>, vector<16xi32>
    %sub3A_1086 = arith.subi %get3A_1077, %select_n3A_1085 : vector<16xi32>
    %swap3A_1087 = arith.constant 1 : i32
    %swap3A_1088 = arith.index_cast %swap3A_1087 : i32 to index
    %swap3A_1089 = arith.constant 0 : index
    %swap3A_1090 = tpu.vector_load %arg13[%swap3A_1088, %swap3A_1089] {strides = array<i32>} : memref<4x128xi32, #tpu.memory_space<vmem>>, vector<16xi32>,
    tpu.vector_store %arg13[%swap3A_1088, %swap3A_1089], %sub3A_1086 {strides = array<i32>} : memref<4x128xi32, #tpu.memory_space<vmem>>, vector<16xi32>,
    %get3A_1091 = arith.constant 144 : index
    %get3A_1092 = tpu.vector_load %arg10[%get3A_1091] {strides = array<i32>} : memref<512xi32, #tpu.memory_space<vmem>>, vector<16xi32>,
    %ge3A_1093 = arith.constant 507904 : i32
    %ge3A_1094 = vector.broadcast %ge3A_1093 : i32 to vector<16xi32>
    %ge3A_1095 = arith.cmpi sge, %get3A_1092, %ge3A_1094 : vector<16xi32>
    %jit3A_1096 = arith.constant 507904 : i32
    %jit3A_1097 = arith.constant 0 : i32
    %broadcast_in_dim3A_1098 = vector.broadcast %jit3A_1096 : i32 to vector<16xi32>
    %broadcast_in_dim3A_1099 = vector.broadcast %jit3A_1097 : i32 to vector<16xi32>
    %select_n3A_1100 = arith.select %ge3A_1095, %broadcast_in_dim3A_1098, %broadcast_in_dim3A_1099 : vector<16xi1>, vector<16xi32>
    %sub3A_1101 = arith.subi %get3A_1092, %select_n3A_1100 : vector<16xi32>
    %swap3A_1102 = arith.constant 1 : i32
    %swap3A_1103 = arith.index_cast %swap3A_1102 : i32 to index
    %swap3A_1104 = arith.constant 16 : index
    %swap3A_1105 = tpu.vector_load %arg13[%swap3A_1103, %swap3A_1104] {strides = array<i32>} : memref<4x128xi32, #tpu.memory_space<vmem>>, vector<16xi32>,
    tpu.vector_store %arg13[%swap3A_1103, %swap3A_1104], %sub3A_1101 {strides = array<i32>} : memref<4x128xi32, #tpu.memory_space<vmem>>, vector<16xi32>,
    %get3A_1106 = arith.constant 160 : index
    %get3A_1107 = tpu.vector_load %arg10[%get3A_1106] {strides = array<i32>} : memref<512xi32, #tpu.memory_space<vmem>>, vector<16xi32>,
    %ge3A_1108 = arith.constant 507904 : i32
    %ge3A_1109 = vector.broadcast %ge3A_1108 : i32 to vector<16xi32>
    %ge3A_1110 = arith.cmpi sge, %get3A_1107, %ge3A_1109 : vector<16xi32>
    %jit3A_1111 = arith.constant 507904 : i32
    %jit3A_1112 = arith.constant 0 : i32
    %broadcast_in_dim3A_1113 = vector.broadcast %jit3A_1111 : i32 to vector<16xi32>
    %broadcast_in_dim3A_1114 = vector.broadcast %jit3A_1112 : i32 to vector<16xi32>
    %select_n3A_1115 = arith.select %ge3A_1110, %broadcast_in_dim3A_1113, %broadcast_in_dim3A_1114 : vector<16xi1>, vector<16xi32>
    %sub3A_1116 = arith.subi %get3A_1107, %select_n3A_1115 : vector<16xi32>
    %swap3A_1117 = arith.constant 1 : i32
    %swap3A_1118 = arith.index_cast %swap3A_1117 : i32 to index
    %swap3A_1119 = arith.constant 32 : index
    %swap3A_1120 = tpu.vector_load %arg13[%swap3A_1118, %swap3A_1119] {strides = array<i32>} : memref<4x128xi32, #tpu.memory_space<vmem>>, vector<16xi32>,
    tpu.vector_store %arg13[%swap3A_1118, %swap3A_1119], %sub3A_1116 {strides = array<i32>} : memref<4x128xi32, #tpu.memory_space<vmem>>, vector<16xi32>,
    %get3A_1121 = arith.constant 176 : index
    %get3A_1122 = tpu.vector_load %arg10[%get3A_1121] {strides = array<i32>} : memref<512xi32, #tpu.memory_space<vmem>>, vector<16xi32>,
    %ge3A_1123 = arith.constant 507904 : i32
    %ge3A_1124 = vector.broadcast %ge3A_1123 : i32 to vector<16xi32>
    %ge3A_1125 = arith.cmpi sge, %get3A_1122, %ge3A_1124 : vector<16xi32>
    %jit3A_1126 = arith.constant 507904 : i32
    %jit3A_1127 = arith.constant 0 : i32
    %broadcast_in_dim3A_1128 = vector.broadcast %jit3A_1126 : i32 to vector<16xi32>
    %broadcast_in_dim3A_1129 = vector.broadcast %jit3A_1127 : i32 to vector<16xi32>
    %select_n3A_1130 = arith.select %ge3A_1125, %broadcast_in_dim3A_1128, %broadcast_in_dim3A_1129 : vector<16xi1>, vector<16xi32>
    %sub3A_1131 = arith.subi %get3A_1122, %select_n3A_1130 : vector<16xi32>
    %swap3A_1132 = arith.constant 1 : i32
    %swap3A_1133 = arith.index_cast %swap3A_1132 : i32 to index
    %swap3A_1134 = arith.constant 48 : index
    %swap3A_1135 = tpu.vector_load %arg13[%swap3A_1133, %swap3A_1134] {strides = array<i32>} : memref<4x128xi32, #tpu.memory_space<vmem>>, vector<16xi32>,
    tpu.vector_store %arg13[%swap3A_1133, %swap3A_1134], %sub3A_1131 {strides = array<i32>} : memref<4x128xi32, #tpu.memory_space<vmem>>, vector<16xi32>,
    %get3A_1136 = arith.constant 192 : index
    %get3A_1137 = tpu.vector_load %arg10[%get3A_1136] {strides = array<i32>} : memref<512xi32, #tpu.memory_space<vmem>>, vector<16xi32>,
    %ge3A_1138 = arith.constant 507904 : i32
    %ge3A_1139 = vector.broadcast %ge3A_1138 : i32 to vector<16xi32>
    %ge3A_1140 = arith.cmpi sge, %get3A_1137, %ge3A_1139 : vector<16xi32>
    %jit3A_1141 = arith.constant 507904 : i32
    %jit3A_1142 = arith.constant 0 : i32
    %broadcast_in_dim3A_1143 = vector.broadcast %jit3A_1141 : i32 to vector<16xi32>
    %broadcast_in_dim3A_1144 = vector.broadcast %jit3A_1142 : i32 to vector<16xi32>
    %select_n3A_1145 = arith.select %ge3A_1140, %broadcast_in_dim3A_1143, %broadcast_in_dim3A_1144 : vector<16xi1>, vector<16xi32>
    %sub3A_1146 = arith.subi %get3A_1137, %select_n3A_1145 : vector<16xi32>
    %swap3A_1147 = arith.constant 1 : i32
    %swap3A_1148 = arith.index_cast %swap3A_1147 : i32 to index
    %swap3A_1149 = arith.constant 64 : index
    %swap3A_1150 = tpu.vector_load %arg13[%swap3A_1148, %swap3A_1149] {strides = array<i32>} : memref<4x128xi32, #tpu.memory_space<vmem>>, vector<16xi32>,
    tpu.vector_store %arg13[%swap3A_1148, %swap3A_1149], %sub3A_1146 {strides = array<i32>} : memref<4x128xi32, #tpu.memory_space<vmem>>, vector<16xi32>,
    %get3A_1151 = arith.constant 208 : index
    %get3A_1152 = tpu.vector_load %arg10[%get3A_1151] {strides = array<i32>} : memref<512xi32, #tpu.memory_space<vmem>>, vector<16xi32>,
    %ge3A_1153 = arith.constant 507904 : i32
    %ge3A_1154 = vector.broadcast %ge3A_1153 : i32 to vector<16xi32>
    %ge3A_1155 = arith.cmpi sge, %get3A_1152, %ge3A_1154 : vector<16xi32>
    %jit3A_1156 = arith.constant 507904 : i32
    %jit3A_1157 = arith.constant 0 : i32
    %broadcast_in_dim3A_1158 = vector.broadcast %jit3A_1156 : i32 to vector<16xi32>
    %broadcast_in_dim3A_1159 = vector.broadcast %jit3A_1157 : i32 to vector<16xi32>
    %select_n3A_1160 = arith.select %ge3A_1155, %broadcast_in_dim3A_1158, %broadcast_in_dim3A_1159 : vector<16xi1>, vector<16xi32>
    %sub3A_1161 = arith.subi %get3A_1152, %select_n3A_1160 : vector<16xi32>
    %swap3A_1162 = arith.constant 1 : i32
    %swap3A_1163 = arith.index_cast %swap3A_1162 : i32 to index
    %swap3A_1164 = arith.constant 80 : index
    %swap3A_1165 = tpu.vector_load %arg13[%swap3A_1163, %swap3A_1164] {strides = array<i32>} : memref<4x128xi32, #tpu.memory_space<vmem>>, vector<16xi32>,
    tpu.vector_store %arg13[%swap3A_1163, %swap3A_1164], %sub3A_1161 {strides = array<i32>} : memref<4x128xi32, #tpu.memory_space<vmem>>, vector<16xi32>,
    %get3A_1166 = arith.constant 224 : index
    %get3A_1167 = tpu.vector_load %arg10[%get3A_1166] {strides = array<i32>} : memref<512xi32, #tpu.memory_space<vmem>>, vector<16xi32>,
    %ge3A_1168 = arith.constant 507904 : i32
    %ge3A_1169 = vector.broadcast %ge3A_1168 : i32 to vector<16xi32>
    %ge3A_1170 = arith.cmpi sge, %get3A_1167, %ge3A_1169 : vector<16xi32>
    %jit3A_1171 = arith.constant 507904 : i32
    %jit3A_1172 = arith.constant 0 : i32
    %broadcast_in_dim3A_1173 = vector.broadcast %jit3A_1171 : i32 to vector<16xi32>
    %broadcast_in_dim3A_1174 = vector.broadcast %jit3A_1172 : i32 to vector<16xi32>
    %select_n3A_1175 = arith.select %ge3A_1170, %broadcast_in_dim3A_1173, %broadcast_in_dim3A_1174 : vector<16xi1>, vector<16xi32>
    %sub3A_1176 = arith.subi %get3A_1167, %select_n3A_1175 : vector<16xi32>
    %swap3A_1177 = arith.constant 1 : i32
    %swap3A_1178 = arith.index_cast %swap3A_1177 : i32 to index
    %swap3A_1179 = arith.constant 96 : index
    %swap3A_1180 = tpu.vector_load %arg13[%swap3A_1178, %swap3A_1179] {strides = array<i32>} : memref<4x128xi32, #tpu.memory_space<vmem>>, vector<16xi32>,
    tpu.vector_store %arg13[%swap3A_1178, %swap3A_1179], %sub3A_1176 {strides = array<i32>} : memref<4x128xi32, #tpu.memory_space<vmem>>, vector<16xi32>,
    %get3A_1181 = arith.constant 240 : index
    %get3A_1182 = tpu.vector_load %arg10[%get3A_1181] {strides = array<i32>} : memref<512xi32, #tpu.memory_space<vmem>>, vector<16xi32>,
    %ge3A_1183 = arith.constant 507904 : i32
    %ge3A_1184 = vector.broadcast %ge3A_1183 : i32 to vector<16xi32>
    %ge3A_1185 = arith.cmpi sge, %get3A_1182, %ge3A_1184 : vector<16xi32>
    %jit3A_1186 = arith.constant 507904 : i32
    %jit3A_1187 = arith.constant 0 : i32
    %broadcast_in_dim3A_1188 = vector.broadcast %jit3A_1186 : i32 to vector<16xi32>
    %broadcast_in_dim3A_1189 = vector.broadcast %jit3A_1187 : i32 to vector<16xi32>
    %select_n3A_1190 = arith.select %ge3A_1185, %broadcast_in_dim3A_1188, %broadcast_in_dim3A_1189 : vector<16xi1>, vector<16xi32>
    %sub3A_1191 = arith.subi %get3A_1182, %select_n3A_1190 : vector<16xi32>
    %swap3A_1192 = arith.constant 1 : i32
    %swap3A_1193 = arith.index_cast %swap3A_1192 : i32 to index
    %swap3A_1194 = arith.constant 112 : index
    %swap3A_1195 = tpu.vector_load %arg13[%swap3A_1193, %swap3A_1194] {strides = array<i32>} : memref<4x128xi32, #tpu.memory_space<vmem>>, vector<16xi32>,
    tpu.vector_store %arg13[%swap3A_1193, %swap3A_1194], %sub3A_1191 {strides = array<i32>} : memref<4x128xi32, #tpu.memory_space<vmem>>, vector<16xi32>,
    %get3A_1196 = arith.constant 256 : index
    %get3A_1197 = tpu.vector_load %arg10[%get3A_1196] {strides = array<i32>} : memref<512xi32, #tpu.memory_space<vmem>>, vector<16xi32>,
    %ge3A_1198 = arith.constant 507904 : i32
    %ge3A_1199 = vector.broadcast %ge3A_1198 : i32 to vector<16xi32>
    %ge3A_1200 = arith.cmpi sge, %get3A_1197, %ge3A_1199 : vector<16xi32>
    %jit3A_1201 = arith.constant 507904 : i32
    %jit3A_1202 = arith.constant 0 : i32
    %broadcast_in_dim3A_1203 = vector.broadcast %jit3A_1201 : i32 to vector<16xi32>
    %broadcast_in_dim3A_1204 = vector.broadcast %jit3A_1202 : i32 to vector<16xi32>
    %select_n3A_1205 = arith.select %ge3A_1200, %broadcast_in_dim3A_1203, %broadcast_in_dim3A_1204 : vector<16xi1>, vector<16xi32>
    %sub3A_1206 = arith.subi %get3A_1197, %select_n3A_1205 : vector<16xi32>
    %swap3A_1207 = arith.constant 2 : i32
    %swap3A_1208 = arith.index_cast %swap3A_1207 : i32 to index
    %swap3A_1209 = arith.constant 0 : index
    %swap3A_1210 = tpu.vector_load %arg13[%swap3A_1208, %swap3A_1209] {strides = array<i32>} : memref<4x128xi32, #tpu.memory_space<vmem>>, vector<16xi32>,
    tpu.vector_store %arg13[%swap3A_1208, %swap3A_1209], %sub3A_1206 {strides = array<i32>} : memref<4x128xi32, #tpu.memory_space<vmem>>, vector<16xi32>,
    %get3A_1211 = arith.constant 272 : index
    %get3A_1212 = tpu.vector_load %arg10[%get3A_1211] {strides = array<i32>} : memref<512xi32, #tpu.memory_space<vmem>>, vector<16xi32>,
    %ge3A_1213 = arith.constant 507904 : i32
    %ge3A_1214 = vector.broadcast %ge3A_1213 : i32 to vector<16xi32>
    %ge3A_1215 = arith.cmpi sge, %get3A_1212, %ge3A_1214 : vector<16xi32>
    %jit3A_1216 = arith.constant 507904 : i32
    %jit3A_1217 = arith.constant 0 : i32
    %broadcast_in_dim3A_1218 = vector.broadcast %jit3A_1216 : i32 to vector<16xi32>
    %broadcast_in_dim3A_1219 = vector.broadcast %jit3A_1217 : i32 to vector<16xi32>
    %select_n3A_1220 = arith.select %ge3A_1215, %broadcast_in_dim3A_1218, %broadcast_in_dim3A_1219 : vector<16xi1>, vector<16xi32>
    %sub3A_1221 = arith.subi %get3A_1212, %select_n3A_1220 : vector<16xi32>
    %swap3A_1222 = arith.constant 2 : i32
    %swap3A_1223 = arith.index_cast %swap3A_1222 : i32 to index
    %swap3A_1224 = arith.constant 16 : index
    %swap3A_1225 = tpu.vector_load %arg13[%swap3A_1223, %swap3A_1224] {strides = array<i32>} : memref<4x128xi32, #tpu.memory_space<vmem>>, vector<16xi32>,
    tpu.vector_store %arg13[%swap3A_1223, %swap3A_1224], %sub3A_1221 {strides = array<i32>} : memref<4x128xi32, #tpu.memory_space<vmem>>, vector<16xi32>,
    %get3A_1226 = arith.constant 288 : index
    %get3A_1227 = tpu.vector_load %arg10[%get3A_1226] {strides = array<i32>} : memref<512xi32, #tpu.memory_space<vmem>>, vector<16xi32>,
    %ge3A_1228 = arith.constant 507904 : i32
    %ge3A_1229 = vector.broadcast %ge3A_1228 : i32 to vector<16xi32>
    %ge3A_1230 = arith.cmpi sge, %get3A_1227, %ge3A_1229 : vector<16xi32>
    %jit3A_1231 = arith.constant 507904 : i32
    %jit3A_1232 = arith.constant 0 : i32
    %broadcast_in_dim3A_1233 = vector.broadcast %jit3A_1231 : i32 to vector<16xi32>
    %broadcast_in_dim3A_1234 = vector.broadcast %jit3A_1232 : i32 to vector<16xi32>
    %select_n3A_1235 = arith.select %ge3A_1230, %broadcast_in_dim3A_1233, %broadcast_in_dim3A_1234 : vector<16xi1>, vector<16xi32>
    %sub3A_1236 = arith.subi %get3A_1227, %select_n3A_1235 : vector<16xi32>
    %swap3A_1237 = arith.constant 2 : i32
    %swap3A_1238 = arith.index_cast %swap3A_1237 : i32 to index
    %swap3A_1239 = arith.constant 32 : index
    %swap3A_1240 = tpu.vector_load %arg13[%swap3A_1238, %swap3A_1239] {strides = array<i32>} : memref<4x128xi32, #tpu.memory_space<vmem>>, vector<16xi32>,
    tpu.vector_store %arg13[%swap3A_1238, %swap3A_1239], %sub3A_1236 {strides = array<i32>} : memref<4x128xi32, #tpu.memory_space<vmem>>, vector<16xi32>,
    %get3A_1241 = arith.constant 304 : index
    %get3A_1242 = tpu.vector_load %arg10[%get3A_1241] {strides = array<i32>} : memref<512xi32, #tpu.memory_space<vmem>>, vector<16xi32>,
    %ge3A_1243 = arith.constant 507904 : i32
    %ge3A_1244 = vector.broadcast %ge3A_1243 : i32 to vector<16xi32>
    %ge3A_1245 = arith.cmpi sge, %get3A_1242, %ge3A_1244 : vector<16xi32>
    %jit3A_1246 = arith.constant 507904 : i32
    %jit3A_1247 = arith.constant 0 : i32
    %broadcast_in_dim3A_1248 = vector.broadcast %jit3A_1246 : i32 to vector<16xi32>
    %broadcast_in_dim3A_1249 = vector.broadcast %jit3A_1247 : i32 to vector<16xi32>
    %select_n3A_1250 = arith.select %ge3A_1245, %broadcast_in_dim3A_1248, %broadcast_in_dim3A_1249 : vector<16xi1>, vector<16xi32>
    %sub3A_1251 = arith.subi %get3A_1242, %select_n3A_1250 : vector<16xi32>
    %swap3A_1252 = arith.constant 2 : i32
    %swap3A_1253 = arith.index_cast %swap3A_1252 : i32 to index
    %swap3A_1254 = arith.constant 48 : index
    %swap3A_1255 = tpu.vector_load %arg13[%swap3A_1253, %swap3A_1254] {strides = array<i32>} : memref<4x128xi32, #tpu.memory_space<vmem>>, vector<16xi32>,
    tpu.vector_store %arg13[%swap3A_1253, %swap3A_1254], %sub3A_1251 {strides = array<i32>} : memref<4x128xi32, #tpu.memory_space<vmem>>, vector<16xi32>,
    %get3A_1256 = arith.constant 320 : index
    %get3A_1257 = tpu.vector_load %arg10[%get3A_1256] {strides = array<i32>} : memref<512xi32, #tpu.memory_space<vmem>>, vector<16xi32>,
    %ge3A_1258 = arith.constant 507904 : i32
    %ge3A_1259 = vector.broadcast %ge3A_1258 : i32 to vector<16xi32>
    %ge3A_1260 = arith.cmpi sge, %get3A_1257, %ge3A_1259 : vector<16xi32>
    %jit3A_1261 = arith.constant 507904 : i32
    %jit3A_1262 = arith.constant 0 : i32
    %broadcast_in_dim3A_1263 = vector.broadcast %jit3A_1261 : i32 to vector<16xi32>
    %broadcast_in_dim3A_1264 = vector.broadcast %jit3A_1262 : i32 to vector<16xi32>
    %select_n3A_1265 = arith.select %ge3A_1260, %broadcast_in_dim3A_1263, %broadcast_in_dim3A_1264 : vector<16xi1>, vector<16xi32>
    %sub3A_1266 = arith.subi %get3A_1257, %select_n3A_1265 : vector<16xi32>
    %swap3A_1267 = arith.constant 2 : i32
    %swap3A_1268 = arith.index_cast %swap3A_1267 : i32 to index
    %swap3A_1269 = arith.constant 64 : index
    %swap3A_1270 = tpu.vector_load %arg13[%swap3A_1268, %swap3A_1269] {strides = array<i32>} : memref<4x128xi32, #tpu.memory_space<vmem>>, vector<16xi32>,
    tpu.vector_store %arg13[%swap3A_1268, %swap3A_1269], %sub3A_1266 {strides = array<i32>} : memref<4x128xi32, #tpu.memory_space<vmem>>, vector<16xi32>,
    %get3A_1271 = arith.constant 336 : index
    %get3A_1272 = tpu.vector_load %arg10[%get3A_1271] {strides = array<i32>} : memref<512xi32, #tpu.memory_space<vmem>>, vector<16xi32>,
    %ge3A_1273 = arith.constant 507904 : i32
    %ge3A_1274 = vector.broadcast %ge3A_1273 : i32 to vector<16xi32>
    %ge3A_1275 = arith.cmpi sge, %get3A_1272, %ge3A_1274 : vector<16xi32>
    %jit3A_1276 = arith.constant 507904 : i32
    %jit3A_1277 = arith.constant 0 : i32
    %broadcast_in_dim3A_1278 = vector.broadcast %jit3A_1276 : i32 to vector<16xi32>
    %broadcast_in_dim3A_1279 = vector.broadcast %jit3A_1277 : i32 to vector<16xi32>
    %select_n3A_1280 = arith.select %ge3A_1275, %broadcast_in_dim3A_1278, %broadcast_in_dim3A_1279 : vector<16xi1>, vector<16xi32>
    %sub3A_1281 = arith.subi %get3A_1272, %select_n3A_1280 : vector<16xi32>
    %swap3A_1282 = arith.constant 2 : i32
    %swap3A_1283 = arith.index_cast %swap3A_1282 : i32 to index
    %swap3A_1284 = arith.constant 80 : index
    %swap3A_1285 = tpu.vector_load %arg13[%swap3A_1283, %swap3A_1284] {strides = array<i32>} : memref<4x128xi32, #tpu.memory_space<vmem>>, vector<16xi32>,
    tpu.vector_store %arg13[%swap3A_1283, %swap3A_1284], %sub3A_1281 {strides = array<i32>} : memref<4x128xi32, #tpu.memory_space<vmem>>, vector<16xi32>,
    %get3A_1286 = arith.constant 352 : index
    %get3A_1287 = tpu.vector_load %arg10[%get3A_1286] {strides = array<i32>} : memref<512xi32, #tpu.memory_space<vmem>>, vector<16xi32>,
    %ge3A_1288 = arith.constant 507904 : i32
    %ge3A_1289 = vector.broadcast %ge3A_1288 : i32 to vector<16xi32>
    %ge3A_1290 = arith.cmpi sge, %get3A_1287, %ge3A_1289 : vector<16xi32>
    %jit3A_1291 = arith.constant 507904 : i32
    %jit3A_1292 = arith.constant 0 : i32
    %broadcast_in_dim3A_1293 = vector.broadcast %jit3A_1291 : i32 to vector<16xi32>
    %broadcast_in_dim3A_1294 = vector.broadcast %jit3A_1292 : i32 to vector<16xi32>
    %select_n3A_1295 = arith.select %ge3A_1290, %broadcast_in_dim3A_1293, %broadcast_in_dim3A_1294 : vector<16xi1>, vector<16xi32>
    %sub3A_1296 = arith.subi %get3A_1287, %select_n3A_1295 : vector<16xi32>
    %swap3A_1297 = arith.constant 2 : i32
    %swap3A_1298 = arith.index_cast %swap3A_1297 : i32 to index
    %swap3A_1299 = arith.constant 96 : index
    %swap3A_1300 = tpu.vector_load %arg13[%swap3A_1298, %swap3A_1299] {strides = array<i32>} : memref<4x128xi32, #tpu.memory_space<vmem>>, vector<16xi32>,
    tpu.vector_store %arg13[%swap3A_1298, %swap3A_1299], %sub3A_1296 {strides = array<i32>} : memref<4x128xi32, #tpu.memory_space<vmem>>, vector<16xi32>,
    %get3A_1301 = arith.constant 368 : index
    %get3A_1302 = tpu.vector_load %arg10[%get3A_1301] {strides = array<i32>} : memref<512xi32, #tpu.memory_space<vmem>>, vector<16xi32>,
    %ge3A_1303 = arith.constant 507904 : i32
    %ge3A_1304 = vector.broadcast %ge3A_1303 : i32 to vector<16xi32>
    %ge3A_1305 = arith.cmpi sge, %get3A_1302, %ge3A_1304 : vector<16xi32>
    %jit3A_1306 = arith.constant 507904 : i32
    %jit3A_1307 = arith.constant 0 : i32
    %broadcast_in_dim3A_1308 = vector.broadcast %jit3A_1306 : i32 to vector<16xi32>
    %broadcast_in_dim3A_1309 = vector.broadcast %jit3A_1307 : i32 to vector<16xi32>
    %select_n3A_1310 = arith.select %ge3A_1305, %broadcast_in_dim3A_1308, %broadcast_in_dim3A_1309 : vector<16xi1>, vector<16xi32>
    %sub3A_1311 = arith.subi %get3A_1302, %select_n3A_1310 : vector<16xi32>
    %swap3A_1312 = arith.constant 2 : i32
    %swap3A_1313 = arith.index_cast %swap3A_1312 : i32 to index
    %swap3A_1314 = arith.constant 112 : index
    %swap3A_1315 = tpu.vector_load %arg13[%swap3A_1313, %swap3A_1314] {strides = array<i32>} : memref<4x128xi32, #tpu.memory_space<vmem>>, vector<16xi32>,
    tpu.vector_store %arg13[%swap3A_1313, %swap3A_1314], %sub3A_1311 {strides = array<i32>} : memref<4x128xi32, #tpu.memory_space<vmem>>, vector<16xi32>,
    %get3A_1316 = arith.constant 384 : index
    %get3A_1317 = tpu.vector_load %arg10[%get3A_1316] {strides = array<i32>} : memref<512xi32, #tpu.memory_space<vmem>>, vector<16xi32>,
    %ge3A_1318 = arith.constant 507904 : i32
    %ge3A_1319 = vector.broadcast %ge3A_1318 : i32 to vector<16xi32>
    %ge3A_1320 = arith.cmpi sge, %get3A_1317, %ge3A_1319 : vector<16xi32>
    %jit3A_1321 = arith.constant 507904 : i32
    %jit3A_1322 = arith.constant 0 : i32
    %broadcast_in_dim3A_1323 = vector.broadcast %jit3A_1321 : i32 to vector<16xi32>
    %broadcast_in_dim3A_1324 = vector.broadcast %jit3A_1322 : i32 to vector<16xi32>
    %select_n3A_1325 = arith.select %ge3A_1320, %broadcast_in_dim3A_1323, %broadcast_in_dim3A_1324 : vector<16xi1>, vector<16xi32>
    %sub3A_1326 = arith.subi %get3A_1317, %select_n3A_1325 : vector<16xi32>
    %swap3A_1327 = arith.constant 3 : i32
    %swap3A_1328 = arith.index_cast %swap3A_1327 : i32 to index
    %swap3A_1329 = arith.constant 0 : index
    %swap3A_1330 = tpu.vector_load %arg13[%swap3A_1328, %swap3A_1329] {strides = array<i32>} : memref<4x128xi32, #tpu.memory_space<vmem>>, vector<16xi32>,
    tpu.vector_store %arg13[%swap3A_1328, %swap3A_1329], %sub3A_1326 {strides = array<i32>} : memref<4x128xi32, #tpu.memory_space<vmem>>, vector<16xi32>,
    %get3A_1331 = arith.constant 400 : index
    %get3A_1332 = tpu.vector_load %arg10[%get3A_1331] {strides = array<i32>} : memref<512xi32, #tpu.memory_space<vmem>>, vector<16xi32>,
    %ge3A_1333 = arith.constant 507904 : i32
    %ge3A_1334 = vector.broadcast %ge3A_1333 : i32 to vector<16xi32>
    %ge3A_1335 = arith.cmpi sge, %get3A_1332, %ge3A_1334 : vector<16xi32>
    %jit3A_1336 = arith.constant 507904 : i32
    %jit3A_1337 = arith.constant 0 : i32
    %broadcast_in_dim3A_1338 = vector.broadcast %jit3A_1336 : i32 to vector<16xi32>
    %broadcast_in_dim3A_1339 = vector.broadcast %jit3A_1337 : i32 to vector<16xi32>
    %select_n3A_1340 = arith.select %ge3A_1335, %broadcast_in_dim3A_1338, %broadcast_in_dim3A_1339 : vector<16xi1>, vector<16xi32>
    %sub3A_1341 = arith.subi %get3A_1332, %select_n3A_1340 : vector<16xi32>
    %swap3A_1342 = arith.constant 3 : i32
    %swap3A_1343 = arith.index_cast %swap3A_1342 : i32 to index
    %swap3A_1344 = arith.constant 16 : index
    %swap3A_1345 = tpu.vector_load %arg13[%swap3A_1343, %swap3A_1344] {strides = array<i32>} : memref<4x128xi32, #tpu.memory_space<vmem>>, vector<16xi32>,
    tpu.vector_store %arg13[%swap3A_1343, %swap3A_1344], %sub3A_1341 {strides = array<i32>} : memref<4x128xi32, #tpu.memory_space<vmem>>, vector<16xi32>,
    %get3A_1346 = arith.constant 416 : index
    %get3A_1347 = tpu.vector_load %arg10[%get3A_1346] {strides = array<i32>} : memref<512xi32, #tpu.memory_space<vmem>>, vector<16xi32>,
    %ge3A_1348 = arith.constant 507904 : i32
    %ge3A_1349 = vector.broadcast %ge3A_1348 : i32 to vector<16xi32>
    %ge3A_1350 = arith.cmpi sge, %get3A_1347, %ge3A_1349 : vector<16xi32>
    %jit3A_1351 = arith.constant 507904 : i32
    %jit3A_1352 = arith.constant 0 : i32
    %broadcast_in_dim3A_1353 = vector.broadcast %jit3A_1351 : i32 to vector<16xi32>
    %broadcast_in_dim3A_1354 = vector.broadcast %jit3A_1352 : i32 to vector<16xi32>
    %select_n3A_1355 = arith.select %ge3A_1350, %broadcast_in_dim3A_1353, %broadcast_in_dim3A_1354 : vector<16xi1>, vector<16xi32>
    %sub3A_1356 = arith.subi %get3A_1347, %select_n3A_1355 : vector<16xi32>
    %swap3A_1357 = arith.constant 3 : i32
    %swap3A_1358 = arith.index_cast %swap3A_1357 : i32 to index
    %swap3A_1359 = arith.constant 32 : index
    %swap3A_1360 = tpu.vector_load %arg13[%swap3A_1358, %swap3A_1359] {strides = array<i32>} : memref<4x128xi32, #tpu.memory_space<vmem>>, vector<16xi32>,
    tpu.vector_store %arg13[%swap3A_1358, %swap3A_1359], %sub3A_1356 {strides = array<i32>} : memref<4x128xi32, #tpu.memory_space<vmem>>, vector<16xi32>,
    %get3A_1361 = arith.constant 432 : index
    %get3A_1362 = tpu.vector_load %arg10[%get3A_1361] {strides = array<i32>} : memref<512xi32, #tpu.memory_space<vmem>>, vector<16xi32>,
    %ge3A_1363 = arith.constant 507904 : i32
    %ge3A_1364 = vector.broadcast %ge3A_1363 : i32 to vector<16xi32>
    %ge3A_1365 = arith.cmpi sge, %get3A_1362, %ge3A_1364 : vector<16xi32>
    %jit3A_1366 = arith.constant 507904 : i32
    %jit3A_1367 = arith.constant 0 : i32
    %broadcast_in_dim3A_1368 = vector.broadcast %jit3A_1366 : i32 to vector<16xi32>
    %broadcast_in_dim3A_1369 = vector.broadcast %jit3A_1367 : i32 to vector<16xi32>
    %select_n3A_1370 = arith.select %ge3A_1365, %broadcast_in_dim3A_1368, %broadcast_in_dim3A_1369 : vector<16xi1>, vector<16xi32>
    %sub3A_1371 = arith.subi %get3A_1362, %select_n3A_1370 : vector<16xi32>
    %swap3A_1372 = arith.constant 3 : i32
    %swap3A_1373 = arith.index_cast %swap3A_1372 : i32 to index
    %swap3A_1374 = arith.constant 48 : index
    %swap3A_1375 = tpu.vector_load %arg13[%swap3A_1373, %swap3A_1374] {strides = array<i32>} : memref<4x128xi32, #tpu.memory_space<vmem>>, vector<16xi32>,
    tpu.vector_store %arg13[%swap3A_1373, %swap3A_1374], %sub3A_1371 {strides = array<i32>} : memref<4x128xi32, #tpu.memory_space<vmem>>, vector<16xi32>,
    %get3A_1376 = arith.constant 448 : index
    %get3A_1377 = tpu.vector_load %arg10[%get3A_1376] {strides = array<i32>} : memref<512xi32, #tpu.memory_space<vmem>>, vector<16xi32>,
    %ge3A_1378 = arith.constant 507904 : i32
    %ge3A_1379 = vector.broadcast %ge3A_1378 : i32 to vector<16xi32>
    %ge3A_1380 = arith.cmpi sge, %get3A_1377, %ge3A_1379 : vector<16xi32>
    %jit3A_1381 = arith.constant 507904 : i32
    %jit3A_1382 = arith.constant 0 : i32
    %broadcast_in_dim3A_1383 = vector.broadcast %jit3A_1381 : i32 to vector<16xi32>
    %broadcast_in_dim3A_1384 = vector.broadcast %jit3A_1382 : i32 to vector<16xi32>
    %select_n3A_1385 = arith.select %ge3A_1380, %broadcast_in_dim3A_1383, %broadcast_in_dim3A_1384 : vector<16xi1>, vector<16xi32>
    %sub3A_1386 = arith.subi %get3A_1377, %select_n3A_1385 : vector<16xi32>
    %swap3A_1387 = arith.constant 3 : i32
    %swap3A_1388 = arith.index_cast %swap3A_1387 : i32 to index
    %swap3A_1389 = arith.constant 64 : index
    %swap3A_1390 = tpu.vector_load %arg13[%swap3A_1388, %swap3A_1389] {strides = array<i32>} : memref<4x128xi32, #tpu.memory_space<vmem>>, vector<16xi32>,
    tpu.vector_store %arg13[%swap3A_1388, %swap3A_1389], %sub3A_1386 {strides = array<i32>} : memref<4x128xi32, #tpu.memory_space<vmem>>, vector<16xi32>,
    %get3A_1391 = arith.constant 464 : index
    %get3A_1392 = tpu.vector_load %arg10[%get3A_1391] {strides = array<i32>} : memref<512xi32, #tpu.memory_space<vmem>>, vector<16xi32>,
    %ge3A_1393 = arith.constant 507904 : i32
    %ge3A_1394 = vector.broadcast %ge3A_1393 : i32 to vector<16xi32>
    %ge3A_1395 = arith.cmpi sge, %get3A_1392, %ge3A_1394 : vector<16xi32>
    %jit3A_1396 = arith.constant 507904 : i32
    %jit3A_1397 = arith.constant 0 : i32
    %broadcast_in_dim3A_1398 = vector.broadcast %jit3A_1396 : i32 to vector<16xi32>
    %broadcast_in_dim3A_1399 = vector.broadcast %jit3A_1397 : i32 to vector<16xi32>
    %select_n3A_1400 = arith.select %ge3A_1395, %broadcast_in_dim3A_1398, %broadcast_in_dim3A_1399 : vector<16xi1>, vector<16xi32>
    %sub3A_1401 = arith.subi %get3A_1392, %select_n3A_1400 : vector<16xi32>
    %swap3A_1402 = arith.constant 3 : i32
    %swap3A_1403 = arith.index_cast %swap3A_1402 : i32 to index
    %swap3A_1404 = arith.constant 80 : index
    %swap3A_1405 = tpu.vector_load %arg13[%swap3A_1403, %swap3A_1404] {strides = array<i32>} : memref<4x128xi32, #tpu.memory_space<vmem>>, vector<16xi32>,
    tpu.vector_store %arg13[%swap3A_1403, %swap3A_1404], %sub3A_1401 {strides = array<i32>} : memref<4x128xi32, #tpu.memory_space<vmem>>, vector<16xi32>,
    %get3A_1406 = arith.constant 480 : index
    %get3A_1407 = tpu.vector_load %arg10[%get3A_1406] {strides = array<i32>} : memref<512xi32, #tpu.memory_space<vmem>>, vector<16xi32>,
    %ge3A_1408 = arith.constant 507904 : i32
    %ge3A_1409 = vector.broadcast %ge3A_1408 : i32 to vector<16xi32>
    %ge3A_1410 = arith.cmpi sge, %get3A_1407, %ge3A_1409 : vector<16xi32>
    %jit3A_1411 = arith.constant 507904 : i32
    %jit3A_1412 = arith.constant 0 : i32
    %broadcast_in_dim3A_1413 = vector.broadcast %jit3A_1411 : i32 to vector<16xi32>
    %broadcast_in_dim3A_1414 = vector.broadcast %jit3A_1412 : i32 to vector<16xi32>
    %select_n3A_1415 = arith.select %ge3A_1410, %broadcast_in_dim3A_1413, %broadcast_in_dim3A_1414 : vector<16xi1>, vector<16xi32>
    %sub3A_1416 = arith.subi %get3A_1407, %select_n3A_1415 : vector<16xi32>
    %swap3A_1417 = arith.constant 3 : i32
    %swap3A_1418 = arith.index_cast %swap3A_1417 : i32 to index
    %swap3A_1419 = arith.constant 96 : index
    %swap3A_1420 = tpu.vector_load %arg13[%swap3A_1418, %swap3A_1419] {strides = array<i32>} : memref<4x128xi32, #tpu.memory_space<vmem>>, vector<16xi32>,
    tpu.vector_store %arg13[%swap3A_1418, %swap3A_1419], %sub3A_1416 {strides = array<i32>} : memref<4x128xi32, #tpu.memory_space<vmem>>, vector<16xi32>,
    %get3A_1421 = arith.constant 496 : index
    %get3A_1422 = tpu.vector_load %arg10[%get3A_1421] {strides = array<i32>} : memref<512xi32, #tpu.memory_space<vmem>>, vector<16xi32>,
    %ge3A_1423 = arith.constant 507904 : i32
    %ge3A_1424 = vector.broadcast %ge3A_1423 : i32 to vector<16xi32>
    %ge3A_1425 = arith.cmpi sge, %get3A_1422, %ge3A_1424 : vector<16xi32>
    %jit3A_1426 = arith.constant 507904 : i32
    %jit3A_1427 = arith.constant 0 : i32
    %broadcast_in_dim3A_1428 = vector.broadcast %jit3A_1426 : i32 to vector<16xi32>
    %broadcast_in_dim3A_1429 = vector.broadcast %jit3A_1427 : i32 to vector<16xi32>
    %select_n3A_1430 = arith.select %ge3A_1425, %broadcast_in_dim3A_1428, %broadcast_in_dim3A_1429 : vector<16xi1>, vector<16xi32>
    %sub3A_1431 = arith.subi %get3A_1422, %select_n3A_1430 : vector<16xi32>
    %swap3A_1432 = arith.constant 3 : i32
    %swap3A_1433 = arith.index_cast %swap3A_1432 : i32 to index
    %swap3A_1434 = arith.constant 112 : index
    %swap3A_1435 = tpu.vector_load %arg13[%swap3A_1433, %swap3A_1434] {strides = array<i32>} : memref<4x128xi32, #tpu.memory_space<vmem>>, vector<16xi32>,
    tpu.vector_store %arg13[%swap3A_1433, %swap3A_1434], %sub3A_1431 {strides = array<i32>} : memref<4x128xi32, #tpu.memory_space<vmem>>, vector<16xi32>,
    %iota3A = tpu.iota {dimensions = array<i32: 0>} : vector<16xi32>
    %eq3A = arith.constant 0 : i32
    %eq3A_1436 = vector.broadcast %eq3A : i32 to vector<16xi32>
    %eq3A_1437 = arith.cmpi eq, %iota3A, %eq3A_1436 : vector<16xi32>
    %eq3A_1438 = arith.constant 1 : i32
    %eq3A_1439 = vector.broadcast %eq3A_1438 : i32 to vector<16xi32>
    %eq3A_1440 = arith.cmpi eq, %iota3A, %eq3A_1439 : vector<16xi32>
    %eq3A_1441 = arith.constant 2 : i32
    %eq3A_1442 = vector.broadcast %eq3A_1441 : i32 to vector<16xi32>
    %eq3A_1443 = arith.cmpi eq, %iota3A, %eq3A_1442 : vector<16xi32>
    %eq3A_1444 = arith.constant 3 : i32
    %eq3A_1445 = vector.broadcast %eq3A_1444 : i32 to vector<16xi32>
    %eq3A_1446 = arith.cmpi eq, %iota3A, %eq3A_1445 : vector<16xi32>
    %eq3A_1447 = arith.constant 4 : i32
    %eq3A_1448 = vector.broadcast %eq3A_1447 : i32 to vector<16xi32>
    %eq3A_1449 = arith.cmpi eq, %iota3A, %eq3A_1448 : vector<16xi32>
    %eq3A_1450 = arith.constant 5 : i32
    %eq3A_1451 = vector.broadcast %eq3A_1450 : i32 to vector<16xi32>
    %eq3A_1452 = arith.cmpi eq, %iota3A, %eq3A_1451 : vector<16xi32>
    %eq3A_1453 = arith.constant 6 : i32
    %eq3A_1454 = vector.broadcast %eq3A_1453 : i32 to vector<16xi32>
    %eq3A_1455 = arith.cmpi eq, %iota3A, %eq3A_1454 : vector<16xi32>
    %eq3A_1456 = arith.constant 7 : i32
    %eq3A_1457 = vector.broadcast %eq3A_1456 : i32 to vector<16xi32>
    %eq3A_1458 = arith.cmpi eq, %iota3A, %eq3A_1457 : vector<16xi32>
    %eq3A_1459 = arith.constant 8 : i32
    %eq3A_1460 = vector.broadcast %eq3A_1459 : i32 to vector<16xi32>
    %eq3A_1461 = arith.cmpi eq, %iota3A, %eq3A_1460 : vector<16xi32>
    %eq3A_1462 = arith.constant 9 : i32
    %eq3A_1463 = vector.broadcast %eq3A_1462 : i32 to vector<16xi32>
    %eq3A_1464 = arith.cmpi eq, %iota3A, %eq3A_1463 : vector<16xi32>
    %eq3A_1465 = arith.constant 10 : i32
    %eq3A_1466 = vector.broadcast %eq3A_1465 : i32 to vector<16xi32>
    %eq3A_1467 = arith.cmpi eq, %iota3A, %eq3A_1466 : vector<16xi32>
    %eq3A_1468 = arith.constant 11 : i32
    %eq3A_1469 = vector.broadcast %eq3A_1468 : i32 to vector<16xi32>
    %eq3A_1470 = arith.cmpi eq, %iota3A, %eq3A_1469 : vector<16xi32>
    %eq3A_1471 = arith.constant 12 : i32
    %eq3A_1472 = vector.broadcast %eq3A_1471 : i32 to vector<16xi32>
    %eq3A_1473 = arith.cmpi eq, %iota3A, %eq3A_1472 : vector<16xi32>
    %eq3A_1474 = arith.constant 13 : i32
    %eq3A_1475 = vector.broadcast %eq3A_1474 : i32 to vector<16xi32>
    %eq3A_1476 = arith.cmpi eq, %iota3A, %eq3A_1475 : vector<16xi32>
    %eq3A_1477 = arith.constant 14 : i32
    %eq3A_1478 = vector.broadcast %eq3A_1477 : i32 to vector<16xi32>
    %eq3A_1479 = arith.cmpi eq, %iota3A, %eq3A_1478 : vector<16xi32>
    %eq3A_1480 = arith.constant 15 : i32
    %eq3A_1481 = vector.broadcast %eq3A_1480 : i32 to vector<16xi32>
    %eq3A_1482 = arith.cmpi eq, %iota3A, %eq3A_1481 : vector<16xi32>
    %rem3A = arith.constant 0 : i32
    %rem3A_1483 = arith.constant 2 : i32
    %rem3A_1484 = arith.remsi %rem3A, %rem3A_1483 : i32
    %mul3A_1485 = arith.constant 128 : i32
    %mul3A_1486 = arith.muli %rem3A_1484, %mul3A_1485 : i32
    %dma_start3A = arith.constant 0 : i32
    %dma_start3A_1487 = arith.constant 0 : i32
    %dma_start3A_1488 = tpu.memref_slice %arg15[%mul3A_1486, %dma_start3A_1487] : memref<256x128xf32, #tpu.memory_space<vmem>> -> memref<128x128xf32, #tpu.memory_space<vmem>>
    %dma_start3A_1489 = arith.constant 0 : i32
    %dma_start3A_1490 = tpu.memref_slice %arg12[%dma_start3A, %dma_start3A_1489] : memref<4x128xi32, #tpu.memory_space<vmem>> -> memref<1x128xi32, #tpu.memory_space<vmem>>
    %dma_start3A_1491 = tpu.memref_squeeze %dma_start3A_1490 : memref<1x128xi32, #tpu.memory_space<vmem>> -> memref<128xi32, #tpu.memory_space<vmem>>
    %dma_start3A_1492 = arith.constant 0 : i32
    %dma_start3A_1493 = arith.constant 0 : i32
    %dma_start3A_1494 = tpu.memref_slice %arg5[%dma_start3A_1492, %dma_start3A_1493] : memref<507904x128xf32, #tpu.memory_space<hbm>> -> memref<507904x128xf32, #tpu.memory_space<hbm>>
    tpu.enqueue_indirect_dma source(%dma_start3A_1494 : memref<507904x128xf32, #tpu.memory_space<hbm>>) target(%dma_start3A_1488 : memref<128x128xf32, #tpu.memory_space<vmem>>) offsets(%dma_start3A_1491 : memref<128xi32, #tpu.memory_space<vmem>>) semaphore(%arg20 : memref<!tpu.dma_semaphore, #tpu.memory_space<semaphore_mem>>)
    %dma_start3A_1495 = arith.constant 0 : i32
    %dma_start3A_1496 = arith.constant 0 : i32
    %dma_start3A_1497 = tpu.memref_slice %arg16[%mul3A_1486, %dma_start3A_1496] : memref<256x128xf32, #tpu.memory_space<vmem>> -> memref<128x128xf32, #tpu.memory_space<vmem>>
    %dma_start3A_1498 = arith.constant 0 : i32
    %dma_start3A_1499 = tpu.memref_slice %arg14[%dma_start3A_1495, %dma_start3A_1498] : memref<4x128xi32, #tpu.memory_space<vmem>> -> memref<1x128xi32, #tpu.memory_space<vmem>>
    %dma_start3A_1500 = tpu.memref_squeeze %dma_start3A_1499 : memref<1x128xi32, #tpu.memory_space<vmem>> -> memref<128xi32, #tpu.memory_space<vmem>>
    %dma_start3A_1501 = arith.constant 0 : i32
    %dma_start3A_1502 = arith.constant 0 : i32
    %dma_start3A_1503 = tpu.memref_slice %arg5[%dma_start3A_1501, %dma_start3A_1502] : memref<507904x128xf32, #tpu.memory_space<hbm>> -> memref<507904x128xf32, #tpu.memory_space<hbm>>
    tpu.enqueue_indirect_dma source(%dma_start3A_1503 : memref<507904x128xf32, #tpu.memory_space<hbm>>) target(%dma_start3A_1497 : memref<128x128xf32, #tpu.memory_space<vmem>>) offsets(%dma_start3A_1500 : memref<128xi32, #tpu.memory_space<vmem>>) semaphore(%arg20 : memref<!tpu.dma_semaphore, #tpu.memory_space<semaphore_mem>>)
    %dma_start3A_1504 = arith.constant 0 : i32
    %dma_start3A_1505 = arith.constant 0 : i32
    %dma_start3A_1506 = tpu.memref_slice %arg17[%mul3A_1486, %dma_start3A_1505] : memref<256x128xf32, #tpu.memory_space<vmem>> -> memref<128x128xf32, #tpu.memory_space<vmem>>
    %dma_start3A_1507 = arith.constant 0 : i32
    %dma_start3A_1508 = tpu.memref_slice %arg13[%dma_start3A_1504, %dma_start3A_1507] : memref<4x128xi32, #tpu.memory_space<vmem>> -> memref<1x128xi32, #tpu.memory_space<vmem>>
    %dma_start3A_1509 = tpu.memref_squeeze %dma_start3A_1508 : memref<1x128xi32, #tpu.memory_space<vmem>> -> memref<128xi32, #tpu.memory_space<vmem>>
    %dma_start3A_1510 = arith.constant 0 : i32
    %dma_start3A_1511 = arith.constant 0 : i32
    %dma_start3A_1512 = tpu.memref_slice %arg6[%dma_start3A_1510, %dma_start3A_1511] : memref<507904x128xf32, #tpu.memory_space<hbm>> -> memref<507904x128xf32, #tpu.memory_space<hbm>>
    tpu.enqueue_indirect_dma source(%dma_start3A_1512 : memref<507904x128xf32, #tpu.memory_space<hbm>>) target(%dma_start3A_1506 : memref<128x128xf32, #tpu.memory_space<vmem>>) offsets(%dma_start3A_1509 : memref<128xi32, #tpu.memory_space<vmem>>) semaphore(%arg20 : memref<!tpu.dma_semaphore, #tpu.memory_space<semaphore_mem>>)
    %broadcast_in_dim3A_1513 = arith.constant 0.000000e+00 : f32
    %broadcast_in_dim3A_1514 = vector.broadcast %broadcast_in_dim3A_1513 : f32 to vector<16xf32>
    %scan3A = arith.constant 0 : i32
    %scan3A_1515 = arith.constant 32 : i32
    %scan3A_1516 = arith.addi %scan3A, %scan3A_1515 : i32
    %scan3A_1517 = arith.constant 1 : i32
    %scan3A_1518 = scf.for %scan3A_1522 = %scan3A to %scan3A_1516 step %scan3A_1517 iter_args(%scan3A_1523 = %broadcast_in_dim3A_1514) -> (vector<16xf32>)  : i32 {
      %rem3A_1524 = arith.constant 8 : i32
      %rem3A_1525 = arith.remsi %scan3A_1522, %rem3A_1524 : i32
      %eq3A_1526 = arith.constant 0 : i32
      %eq3A_1527 = arith.cmpi eq, %rem3A_1525, %eq3A_1526 : i32
      %convert_element_type3A = arith.extui %eq3A_1527 : i1 to i32
      %cond3A = arith.constant 0 : i32
      %cond3A_1528 = arith.cmpi ne, %convert_element_type3A, %cond3A : i32
      scf.if %cond3A_1528 {
        %jit3A_3501 = arith.constant 8 : i32
        %div3A = arith.divsi %scan3A_1522, %jit3A_3501 : i32
        %sign3A = arith.constant 0 : i32
        %sign3A_3502 = arith.cmpi sgt, %scan3A_1522, %sign3A : i32
        %sign3A_3503 = arith.extui %sign3A_3502 : i1 to i32
        %sign3A_3504 = arith.constant 0 : i32
        %sign3A_3505 = arith.cmpi slt, %scan3A_1522, %sign3A_3504 : i32
        %sign3A_3506 = arith.extui %sign3A_3505 : i1 to i32
        %sign3A_3507 = arith.subi %sign3A_3503, %sign3A_3506 : i32
        %sign3A_3508 = arith.constant 0 : i32
        %sign3A_3509 = arith.cmpi sgt, %jit3A_3501, %sign3A_3508 : i32
        %sign3A_3510 = arith.extui %sign3A_3509 : i1 to i32
        %sign3A_3511 = arith.constant 0 : i32
        %sign3A_3512 = arith.cmpi slt, %jit3A_3501, %sign3A_3511 : i32
        %sign3A_3513 = arith.extui %sign3A_3512 : i1 to i32
        %sign3A_3514 = arith.subi %sign3A_3510, %sign3A_3513 : i32
        %ne3A = arith.cmpi ne, %sign3A_3507, %sign3A_3514 : i32
        %rem3A_3515 = arith.remsi %scan3A_1522, %jit3A_3501 : i32
        %ne3A_3516 = arith.constant 0 : i32
        %ne3A_3517 = arith.cmpi ne, %rem3A_3515, %ne3A_3516 : i32
        %and3A = arith.andi %ne3A, %ne3A_3517 : i1
        %sub3A_3518 = arith.constant 1 : i32
        %sub3A_3519 = arith.subi %div3A, %sub3A_3518 : i32
        %select_n3A_3520 = arith.select %and3A, %sub3A_3519, %div3A : i32
        %rem3A_3521 = arith.constant 2 : i32
        %rem3A_3522 = arith.remsi %select_n3A_3520, %rem3A_3521 : i32
        %lt3A = arith.constant 3 : i32
        %lt3A_3523 = arith.cmpi slt, %select_n3A_3520, %lt3A : i32
        %convert_element_type3A_3524 = arith.extui %lt3A_3523 : i1 to i32
        %cond3A_3525 = arith.constant 0 : i32
        %cond3A_3526 = arith.cmpi ne, %convert_element_type3A_3524, %cond3A_3525 : i32
        scf.if %cond3A_3526 {
          %eq3A_3537 = arith.constant 0 : i32
          %eq3A_3538 = arith.cmpi eq, %rem3A_3522, %eq3A_3537 : i32
          %convert_element_type3A_3539 = arith.extui %eq3A_3538 : i1 to i32
          %cond3A_3540 = arith.constant 0 : i32
          %cond3A_3541 = arith.cmpi ne, %convert_element_type3A_3539, %cond3A_3540 : i32
          scf.if %cond3A_3541 {
            %add3A_3547 = arith.constant 1 : i32
            %add3A_3548 = arith.addi %select_n3A_3520, %add3A_3547 : i32
            %rem3A_3549 = arith.constant 2 : i32
            %rem3A_3550 = arith.remsi %add3A_3548, %rem3A_3549 : i32
            %mul3A_3551 = arith.constant 128 : i32
            %mul3A_3552 = arith.muli %rem3A_3550, %mul3A_3551 : i32
            %dma_start3A_3553 = arith.constant 0 : i32
            %dma_start3A_3554 = tpu.memref_slice %arg15[%mul3A_3552, %dma_start3A_3553] : memref<256x128xf32, #tpu.memory_space<vmem>> -> memref<128x128xf32, #tpu.memory_space<vmem>>
            %dma_start3A_3555 = arith.constant 0 : i32
            %dma_start3A_3556 = tpu.memref_slice %arg12[%add3A_3548, %dma_start3A_3555] : memref<4x128xi32, #tpu.memory_space<vmem>> -> memref<1x128xi32, #tpu.memory_space<vmem>>
            %dma_start3A_3557 = tpu.memref_squeeze %dma_start3A_3556 : memref<1x128xi32, #tpu.memory_space<vmem>> -> memref<128xi32, #tpu.memory_space<vmem>>
            %dma_start3A_3558 = arith.constant 0 : i32
            %dma_start3A_3559 = arith.constant 0 : i32
            %dma_start3A_3560 = tpu.memref_slice %arg5[%dma_start3A_3558, %dma_start3A_3559] : memref<507904x128xf32, #tpu.memory_space<hbm>> -> memref<507904x128xf32, #tpu.memory_space<hbm>>
            tpu.enqueue_indirect_dma source(%dma_start3A_3560 : memref<507904x128xf32, #tpu.memory_space<hbm>>) target(%dma_start3A_3554 : memref<128x128xf32, #tpu.memory_space<vmem>>) offsets(%dma_start3A_3557 : memref<128xi32, #tpu.memory_space<vmem>>) semaphore(%arg21 : memref<!tpu.dma_semaphore, #tpu.memory_space<semaphore_mem>>)
            %dma_start3A_3561 = arith.constant 0 : i32
            %dma_start3A_3562 = tpu.memref_slice %arg16[%mul3A_3552, %dma_start3A_3561] : memref<256x128xf32, #tpu.memory_space<vmem>> -> memref<128x128xf32, #tpu.memory_space<vmem>>
            %dma_start3A_3563 = arith.constant 0 : i32
            %dma_start3A_3564 = tpu.memref_slice %arg14[%add3A_3548, %dma_start3A_3563] : memref<4x128xi32, #tpu.memory_space<vmem>> -> memref<1x128xi32, #tpu.memory_space<vmem>>
            %dma_start3A_3565 = tpu.memref_squeeze %dma_start3A_3564 : memref<1x128xi32, #tpu.memory_space<vmem>> -> memref<128xi32, #tpu.memory_space<vmem>>
            %dma_start3A_3566 = arith.constant 0 : i32
            %dma_start3A_3567 = arith.constant 0 : i32
            %dma_start3A_3568 = tpu.memref_slice %arg5[%dma_start3A_3566, %dma_start3A_3567] : memref<507904x128xf32, #tpu.memory_space<hbm>> -> memref<507904x128xf32, #tpu.memory_space<hbm>>
            tpu.enqueue_indirect_dma source(%dma_start3A_3568 : memref<507904x128xf32, #tpu.memory_space<hbm>>) target(%dma_start3A_3562 : memref<128x128xf32, #tpu.memory_space<vmem>>) offsets(%dma_start3A_3565 : memref<128xi32, #tpu.memory_space<vmem>>) semaphore(%arg21 : memref<!tpu.dma_semaphore, #tpu.memory_space<semaphore_mem>>)
            %dma_start3A_3569 = arith.constant 0 : i32
            %dma_start3A_3570 = tpu.memref_slice %arg17[%mul3A_3552, %dma_start3A_3569] : memref<256x128xf32, #tpu.memory_space<vmem>> -> memref<128x128xf32, #tpu.memory_space<vmem>>
            %dma_start3A_3571 = arith.constant 0 : i32
            %dma_start3A_3572 = tpu.memref_slice %arg13[%add3A_3548, %dma_start3A_3571] : memref<4x128xi32, #tpu.memory_space<vmem>> -> memref<1x128xi32, #tpu.memory_space<vmem>>
            %dma_start3A_3573 = tpu.memref_squeeze %dma_start3A_3572 : memref<1x128xi32, #tpu.memory_space<vmem>> -> memref<128xi32, #tpu.memory_space<vmem>>
            %dma_start3A_3574 = arith.constant 0 : i32
            %dma_start3A_3575 = arith.constant 0 : i32
            %dma_start3A_3576 = tpu.memref_slice %arg6[%dma_start3A_3574, %dma_start3A_3575] : memref<507904x128xf32, #tpu.memory_space<hbm>> -> memref<507904x128xf32, #tpu.memory_space<hbm>>
            tpu.enqueue_indirect_dma source(%dma_start3A_3576 : memref<507904x128xf32, #tpu.memory_space<hbm>>) target(%dma_start3A_3570 : memref<128x128xf32, #tpu.memory_space<vmem>>) offsets(%dma_start3A_3573 : memref<128xi32, #tpu.memory_space<vmem>>) semaphore(%arg21 : memref<!tpu.dma_semaphore, #tpu.memory_space<semaphore_mem>>)
          } else {
          }
          %eq3A_3542 = arith.constant 1 : i32
          %eq3A_3543 = arith.cmpi eq, %rem3A_3522, %eq3A_3542 : i32
          %convert_element_type3A_3544 = arith.extui %eq3A_3543 : i1 to i32
          %cond3A_3545 = arith.constant 0 : i32
          %cond3A_3546 = arith.cmpi ne, %convert_element_type3A_3544, %cond3A_3545 : i32
          scf.if %cond3A_3546 {
            %add3A_3547 = arith.constant 1 : i32
            %add3A_3548 = arith.addi %select_n3A_3520, %add3A_3547 : i32
            %rem3A_3549 = arith.constant 2 : i32
            %rem3A_3550 = arith.remsi %add3A_3548, %rem3A_3549 : i32
            %mul3A_3551 = arith.constant 128 : i32
            %mul3A_3552 = arith.muli %rem3A_3550, %mul3A_3551 : i32
            %dma_start3A_3553 = arith.constant 0 : i32
            %dma_start3A_3554 = tpu.memref_slice %arg15[%mul3A_3552, %dma_start3A_3553] : memref<256x128xf32, #tpu.memory_space<vmem>> -> memref<128x128xf32, #tpu.memory_space<vmem>>
            %dma_start3A_3555 = arith.constant 0 : i32
            %dma_start3A_3556 = tpu.memref_slice %arg12[%add3A_3548, %dma_start3A_3555] : memref<4x128xi32, #tpu.memory_space<vmem>> -> memref<1x128xi32, #tpu.memory_space<vmem>>
            %dma_start3A_3557 = tpu.memref_squeeze %dma_start3A_3556 : memref<1x128xi32, #tpu.memory_space<vmem>> -> memref<128xi32, #tpu.memory_space<vmem>>
            %dma_start3A_3558 = arith.constant 0 : i32
            %dma_start3A_3559 = arith.constant 0 : i32
            %dma_start3A_3560 = tpu.memref_slice %arg5[%dma_start3A_3558, %dma_start3A_3559] : memref<507904x128xf32, #tpu.memory_space<hbm>> -> memref<507904x128xf32, #tpu.memory_space<hbm>>
            tpu.enqueue_indirect_dma source(%dma_start3A_3560 : memref<507904x128xf32, #tpu.memory_space<hbm>>) target(%dma_start3A_3554 : memref<128x128xf32, #tpu.memory_space<vmem>>) offsets(%dma_start3A_3557 : memref<128xi32, #tpu.memory_space<vmem>>) semaphore(%arg20 : memref<!tpu.dma_semaphore, #tpu.memory_space<semaphore_mem>>)
            %dma_start3A_3561 = arith.constant 0 : i32
            %dma_start3A_3562 = tpu.memref_slice %arg16[%mul3A_3552, %dma_start3A_3561] : memref<256x128xf32, #tpu.memory_space<vmem>> -> memref<128x128xf32, #tpu.memory_space<vmem>>
            %dma_start3A_3563 = arith.constant 0 : i32
            %dma_start3A_3564 = tpu.memref_slice %arg14[%add3A_3548, %dma_start3A_3563] : memref<4x128xi32, #tpu.memory_space<vmem>> -> memref<1x128xi32, #tpu.memory_space<vmem>>
            %dma_start3A_3565 = tpu.memref_squeeze %dma_start3A_3564 : memref<1x128xi32, #tpu.memory_space<vmem>> -> memref<128xi32, #tpu.memory_space<vmem>>
            %dma_start3A_3566 = arith.constant 0 : i32
            %dma_start3A_3567 = arith.constant 0 : i32
            %dma_start3A_3568 = tpu.memref_slice %arg5[%dma_start3A_3566, %dma_start3A_3567] : memref<507904x128xf32, #tpu.memory_space<hbm>> -> memref<507904x128xf32, #tpu.memory_space<hbm>>
            tpu.enqueue_indirect_dma source(%dma_start3A_3568 : memref<507904x128xf32, #tpu.memory_space<hbm>>) target(%dma_start3A_3562 : memref<128x128xf32, #tpu.memory_space<vmem>>) offsets(%dma_start3A_3565 : memref<128xi32, #tpu.memory_space<vmem>>) semaphore(%arg20 : memref<!tpu.dma_semaphore, #tpu.memory_space<semaphore_mem>>)
            %dma_start3A_3569 = arith.constant 0 : i32
            %dma_start3A_3570 = tpu.memref_slice %arg17[%mul3A_3552, %dma_start3A_3569] : memref<256x128xf32, #tpu.memory_space<vmem>> -> memref<128x128xf32, #tpu.memory_space<vmem>>
            %dma_start3A_3571 = arith.constant 0 : i32
            %dma_start3A_3572 = tpu.memref_slice %arg13[%add3A_3548, %dma_start3A_3571] : memref<4x128xi32, #tpu.memory_space<vmem>> -> memref<1x128xi32, #tpu.memory_space<vmem>>
            %dma_start3A_3573 = tpu.memref_squeeze %dma_start3A_3572 : memref<1x128xi32, #tpu.memory_space<vmem>> -> memref<128xi32, #tpu.memory_space<vmem>>
            %dma_start3A_3574 = arith.constant 0 : i32
            %dma_start3A_3575 = arith.constant 0 : i32
            %dma_start3A_3576 = tpu.memref_slice %arg6[%dma_start3A_3574, %dma_start3A_3575] : memref<507904x128xf32, #tpu.memory_space<hbm>> -> memref<507904x128xf32, #tpu.memory_space<hbm>>
            tpu.enqueue_indirect_dma source(%dma_start3A_3576 : memref<507904x128xf32, #tpu.memory_space<hbm>>) target(%dma_start3A_3570 : memref<128x128xf32, #tpu.memory_space<vmem>>) offsets(%dma_start3A_3573 : memref<128xi32, #tpu.memory_space<vmem>>) semaphore(%arg20 : memref<!tpu.dma_semaphore, #tpu.memory_space<semaphore_mem>>)
          } else {
          }
        } else {
        }
        %eq3A_3527 = arith.constant 0 : i32
        %eq3A_3528 = arith.cmpi eq, %rem3A_3522, %eq3A_3527 : i32
        %convert_element_type3A_3529 = arith.extui %eq3A_3528 : i1 to i32
        %cond3A_3530 = arith.constant 0 : i32
        %cond3A_3531 = arith.cmpi ne, %convert_element_type3A_3529, %cond3A_3530 : i32
        scf.if %cond3A_3531 {
          %dma_wait3A = arith.constant 0 : i32
          %dma_wait3A_3537 = arith.constant 0 : i32
          %dma_wait3A_3538 = tpu.memref_slice %arg15[%dma_wait3A, %dma_wait3A_3537] : memref<256x128xf32, #tpu.memory_space<vmem>> -> memref<128x128xf32, #tpu.memory_space<vmem>>
          %dma_wait3A_3539 = arith.constant 0 : i32
          %dma_wait3A_3540 = arith.constant 0 : i32
          %dma_wait3A_3541 = tpu.memref_slice %arg5[%dma_wait3A_3539, %dma_wait3A_3540] : memref<507904x128xf32, #tpu.memory_space<hbm>> -> memref<128x128xf32, #tpu.memory_space<hbm>>
          %dma_wait3A_3542 = arith.constant 0 : i32
          %dma_wait3A_3543 = arith.constant 0 : i32
          %dma_wait3A_3544 = tpu.memref_slice %arg15[%dma_wait3A_3542, %dma_wait3A_3543] : memref<256x128xf32, #tpu.memory_space<vmem>> -> memref<128x128xf32, #tpu.memory_space<vmem>>
          %dma_wait3A_3545 = arith.constant 0 : i32
          %dma_wait3A_3546 = arith.constant 0 : i32
          %dma_wait3A_3547 = tpu.memref_slice %arg5[%dma_wait3A_3545, %dma_wait3A_3546] : memref<507904x128xf32, #tpu.memory_space<hbm>> -> memref<128x128xf32, #tpu.memory_space<hbm>>
          tpu.wait_dma2 semaphore(%arg20 : memref<!tpu.dma_semaphore, #tpu.memory_space<semaphore_mem>>) src(%dma_wait3A_3547 : memref<128x128xf32, #tpu.memory_space<hbm>>) dst(%dma_wait3A_3544 : memref<128x128xf32, #tpu.memory_space<vmem>>)
          %dma_wait3A_3548 = arith.constant 0 : i32
          %dma_wait3A_3549 = arith.constant 0 : i32
          %dma_wait3A_3550 = tpu.memref_slice %arg16[%dma_wait3A_3548, %dma_wait3A_3549] : memref<256x128xf32, #tpu.memory_space<vmem>> -> memref<128x128xf32, #tpu.memory_space<vmem>>
          %dma_wait3A_3551 = arith.constant 0 : i32
          %dma_wait3A_3552 = arith.constant 0 : i32
          %dma_wait3A_3553 = tpu.memref_slice %arg5[%dma_wait3A_3551, %dma_wait3A_3552] : memref<507904x128xf32, #tpu.memory_space<hbm>> -> memref<128x128xf32, #tpu.memory_space<hbm>>
          %dma_wait3A_3554 = arith.constant 0 : i32
          %dma_wait3A_3555 = arith.constant 0 : i32
          %dma_wait3A_3556 = tpu.memref_slice %arg16[%dma_wait3A_3554, %dma_wait3A_3555] : memref<256x128xf32, #tpu.memory_space<vmem>> -> memref<128x128xf32, #tpu.memory_space<vmem>>
          %dma_wait3A_3557 = arith.constant 0 : i32
          %dma_wait3A_3558 = arith.constant 0 : i32
          %dma_wait3A_3559 = tpu.memref_slice %arg5[%dma_wait3A_3557, %dma_wait3A_3558] : memref<507904x128xf32, #tpu.memory_space<hbm>> -> memref<128x128xf32, #tpu.memory_space<hbm>>
          tpu.wait_dma2 semaphore(%arg20 : memref<!tpu.dma_semaphore, #tpu.memory_space<semaphore_mem>>) src(%dma_wait3A_3559 : memref<128x128xf32, #tpu.memory_space<hbm>>) dst(%dma_wait3A_3556 : memref<128x128xf32, #tpu.memory_space<vmem>>)
          %dma_wait3A_3560 = arith.constant 0 : i32
          %dma_wait3A_3561 = arith.constant 0 : i32
          %dma_wait3A_3562 = tpu.memref_slice %arg17[%dma_wait3A_3560, %dma_wait3A_3561] : memref<256x128xf32, #tpu.memory_space<vmem>> -> memref<128x128xf32, #tpu.memory_space<vmem>>
          %dma_wait3A_3563 = arith.constant 0 : i32
          %dma_wait3A_3564 = arith.constant 0 : i32
          %dma_wait3A_3565 = tpu.memref_slice %arg5[%dma_wait3A_3563, %dma_wait3A_3564] : memref<507904x128xf32, #tpu.memory_space<hbm>> -> memref<128x128xf32, #tpu.memory_space<hbm>>
          %dma_wait3A_3566 = arith.constant 0 : i32
          %dma_wait3A_3567 = arith.constant 0 : i32
          %dma_wait3A_3568 = tpu.memref_slice %arg17[%dma_wait3A_3566, %dma_wait3A_3567] : memref<256x128xf32, #tpu.memory_space<vmem>> -> memref<128x128xf32, #tpu.memory_space<vmem>>
          %dma_wait3A_3569 = arith.constant 0 : i32
          %dma_wait3A_3570 = arith.constant 0 : i32
          %dma_wait3A_3571 = tpu.memref_slice %arg5[%dma_wait3A_3569, %dma_wait3A_3570] : memref<507904x128xf32, #tpu.memory_space<hbm>> -> memref<128x128xf32, #tpu.memory_space<hbm>>
          tpu.wait_dma2 semaphore(%arg20 : memref<!tpu.dma_semaphore, #tpu.memory_space<semaphore_mem>>) src(%dma_wait3A_3571 : memref<128x128xf32, #tpu.memory_space<hbm>>) dst(%dma_wait3A_3568 : memref<128x128xf32, #tpu.memory_space<vmem>>)
        } else {
        }
        %eq3A_3532 = arith.constant 1 : i32
        %eq3A_3533 = arith.cmpi eq, %rem3A_3522, %eq3A_3532 : i32
        %convert_element_type3A_3534 = arith.extui %eq3A_3533 : i1 to i32
        %cond3A_3535 = arith.constant 0 : i32
        %cond3A_3536 = arith.cmpi ne, %convert_element_type3A_3534, %cond3A_3535 : i32
        scf.if %cond3A_3536 {
          %dma_wait3A = arith.constant 0 : i32
          %dma_wait3A_3537 = arith.constant 0 : i32
          %dma_wait3A_3538 = tpu.memref_slice %arg15[%dma_wait3A, %dma_wait3A_3537] : memref<256x128xf32, #tpu.memory_space<vmem>> -> memref<128x128xf32, #tpu.memory_space<vmem>>
          %dma_wait3A_3539 = arith.constant 0 : i32
          %dma_wait3A_3540 = arith.constant 0 : i32
          %dma_wait3A_3541 = tpu.memref_slice %arg5[%dma_wait3A_3539, %dma_wait3A_3540] : memref<507904x128xf32, #tpu.memory_space<hbm>> -> memref<128x128xf32, #tpu.memory_space<hbm>>
          %dma_wait3A_3542 = arith.constant 0 : i32
          %dma_wait3A_3543 = arith.constant 0 : i32
          %dma_wait3A_3544 = tpu.memref_slice %arg15[%dma_wait3A_3542, %dma_wait3A_3543] : memref<256x128xf32, #tpu.memory_space<vmem>> -> memref<128x128xf32, #tpu.memory_space<vmem>>
          %dma_wait3A_3545 = arith.constant 0 : i32
          %dma_wait3A_3546 = arith.constant 0 : i32
          %dma_wait3A_3547 = tpu.memref_slice %arg5[%dma_wait3A_3545, %dma_wait3A_3546] : memref<507904x128xf32, #tpu.memory_space<hbm>> -> memref<128x128xf32, #tpu.memory_space<hbm>>
          tpu.wait_dma2 semaphore(%arg21 : memref<!tpu.dma_semaphore, #tpu.memory_space<semaphore_mem>>) src(%dma_wait3A_3547 : memref<128x128xf32, #tpu.memory_space<hbm>>) dst(%dma_wait3A_3544 : memref<128x128xf32, #tpu.memory_space<vmem>>)
          %dma_wait3A_3548 = arith.constant 0 : i32
          %dma_wait3A_3549 = arith.constant 0 : i32
          %dma_wait3A_3550 = tpu.memref_slice %arg16[%dma_wait3A_3548, %dma_wait3A_3549] : memref<256x128xf32, #tpu.memory_space<vmem>> -> memref<128x128xf32, #tpu.memory_space<vmem>>
          %dma_wait3A_3551 = arith.constant 0 : i32
          %dma_wait3A_3552 = arith.constant 0 : i32
          %dma_wait3A_3553 = tpu.memref_slice %arg5[%dma_wait3A_3551, %dma_wait3A_3552] : memref<507904x128xf32, #tpu.memory_space<hbm>> -> memref<128x128xf32, #tpu.memory_space<hbm>>
          %dma_wait3A_3554 = arith.constant 0 : i32
          %dma_wait3A_3555 = arith.constant 0 : i32
          %dma_wait3A_3556 = tpu.memref_slice %arg16[%dma_wait3A_3554, %dma_wait3A_3555] : memref<256x128xf32, #tpu.memory_space<vmem>> -> memref<128x128xf32, #tpu.memory_space<vmem>>
          %dma_wait3A_3557 = arith.constant 0 : i32
          %dma_wait3A_3558 = arith.constant 0 : i32
          %dma_wait3A_3559 = tpu.memref_slice %arg5[%dma_wait3A_3557, %dma_wait3A_3558] : memref<507904x128xf32, #tpu.memory_space<hbm>> -> memref<128x128xf32, #tpu.memory_space<hbm>>
          tpu.wait_dma2 semaphore(%arg21 : memref<!tpu.dma_semaphore, #tpu.memory_space<semaphore_mem>>) src(%dma_wait3A_3559 : memref<128x128xf32, #tpu.memory_space<hbm>>) dst(%dma_wait3A_3556 : memref<128x128xf32, #tpu.memory_space<vmem>>)
          %dma_wait3A_3560 = arith.constant 0 : i32
          %dma_wait3A_3561 = arith.constant 0 : i32
          %dma_wait3A_3562 = tpu.memref_slice %arg17[%dma_wait3A_3560, %dma_wait3A_3561] : memref<256x128xf32, #tpu.memory_space<vmem>> -> memref<128x128xf32, #tpu.memory_space<vmem>>
          %dma_wait3A_3563 = arith.constant 0 : i32
          %dma_wait3A_3564 = arith.constant 0 : i32
          %dma_wait3A_3565 = tpu.memref_slice %arg5[%dma_wait3A_3563, %dma_wait3A_3564] : memref<507904x128xf32, #tpu.memory_space<hbm>> -> memref<128x128xf32, #tpu.memory_space<hbm>>
          %dma_wait3A_3566 = arith.constant 0 : i32
          %dma_wait3A_3567 = arith.constant 0 : i32
          %dma_wait3A_3568 = tpu.memref_slice %arg17[%dma_wait3A_3566, %dma_wait3A_3567] : memref<256x128xf32, #tpu.memory_space<vmem>> -> memref<128x128xf32, #tpu.memory_space<vmem>>
          %dma_wait3A_3569 = arith.constant 0 : i32
          %dma_wait3A_3570 = arith.constant 0 : i32
          %dma_wait3A_3571 = tpu.memref_slice %arg5[%dma_wait3A_3569, %dma_wait3A_3570] : memref<507904x128xf32, #tpu.memory_space<hbm>> -> memref<128x128xf32, #tpu.memory_space<hbm>>
          tpu.wait_dma2 semaphore(%arg21 : memref<!tpu.dma_semaphore, #tpu.memory_space<semaphore_mem>>) src(%dma_wait3A_3571 : memref<128x128xf32, #tpu.memory_space<hbm>>) dst(%dma_wait3A_3568 : memref<128x128xf32, #tpu.memory_space<vmem>>)
        } else {
        }
      } else {
      }
      %mul3A_1529 = arith.constant 16 : i32
      %mul3A_1530 = arith.muli %scan3A_1522, %mul3A_1529 : i32
      %get3A_1531 = arith.index_cast %mul3A_1530 : i32 to index
      %get3A_1532 = tpu.vector_load %arg9[%get3A_1531] {strides = array<i32>} : memref<512xi32, #tpu.memory_space<vmem>>, vector<16xi32>,
      %mul3A_1533 = arith.constant 16 : i32
      %mul3A_1534 = arith.muli %scan3A_1522, %mul3A_1533 : i32
      %get3A_1535 = arith.index_cast %mul3A_1534 : i32 to index
      %get3A_1536 = tpu.vector_load %arg11[%get3A_1535] {strides = array<i32>} : memref<512xi32, #tpu.memory_space<vmem>>, vector<16xi32>,
      %mul3A_1537 = arith.constant 16 : i32
      %mul3A_1538 = arith.muli %scan3A_1522, %mul3A_1537 : i32
      %get3A_1539 = arith.index_cast %mul3A_1538 : i32 to index
      %get3A_1540 = tpu.vector_load %arg10[%get3A_1539] {strides = array<i32>} : memref<512xi32, #tpu.memory_space<vmem>>, vector<16xi32>,
      %rem3A_1541 = arith.constant 16 : i32
      %rem3A_1542 = arith.remsi %scan3A_1522, %rem3A_1541 : i32
      %mul3A_1543 = arith.constant 16 : i32
      %mul3A_1544 = arith.muli %rem3A_1542, %mul3A_1543 : i32
      %broadcast_in_dim3A_1545 = arith.constant 0.000000e+00 : f32
      %broadcast_in_dim3A_1546 = vector.broadcast %broadcast_in_dim3A_1545 : f32 to vector<16xf32>
      %add3A_1547 = arith.constant 0 : i32
      %add3A_1548 = arith.addi %mul3A_1544, %add3A_1547 : i32
      %broadcast_in_dim3A_1549 = vector.broadcast %add3A_1548 : i32 to vector<16xi32>
      %slice3A = vector.extract_strided_slice %get3A_1532 {offsets = [0], sizes = [1], strides = [1]} : vector<16xi32> to vector<1xi32>
      %squeeze3A = vector.extract %slice3A[0] : i32 from vector<1xi32>
      %ge3A_1550 = arith.constant 507904 : i32
      %ge3A_1551 = arith.cmpi sge, %squeeze3A, %ge3A_1550 : i32
      %jit3A_1552 = arith.constant 64 : i32
      %jit3A_1553 = arith.constant 0 : i32
      %select_n3A_1554 = arith.select %ge3A_1551, %jit3A_1552, %jit3A_1553 : i32
      %add3A_1555 = vector.broadcast %select_n3A_1554 : i32 to vector<16xi32>
      %add3A_1556 = arith.addi %add3A_1555, %iota3A : vector<16xi32>
      %slice3A_1557 = vector.extract_strided_slice %get3A_1536 {offsets = [0], sizes = [1], strides = [1]} : vector<16xi32> to vector<1xi32>
      %squeeze3A_1558 = vector.extract %slice3A_1557[0] : i32 from vector<1xi32>
      %ge3A_1559 = arith.constant 507904 : i32
      %ge3A_1560 = arith.cmpi sge, %squeeze3A_1558, %ge3A_1559 : i32
      %jit3A_1561 = arith.constant 64 : i32
      %jit3A_1562 = arith.constant 0 : i32
      %select_n3A_1563 = arith.select %ge3A_1560, %jit3A_1561, %jit3A_1562 : i32
      %add3A_1564 = vector.broadcast %select_n3A_1563 : i32 to vector<16xi32>
      %add3A_1565 = arith.addi %add3A_1564, %iota3A : vector<16xi32>
      %slice3A_1566 = vector.extract_strided_slice %get3A_1540 {offsets = [0], sizes = [1], strides = [1]} : vector<16xi32> to vector<1xi32>
      %squeeze3A_1567 = vector.extract %slice3A_1566[0] : i32 from vector<1xi32>
      %ge3A_1568 = arith.constant 507904 : i32
      %ge3A_1569 = arith.cmpi sge, %squeeze3A_1567, %ge3A_1568 : i32
      %jit3A_1570 = arith.constant 64 : i32
      %jit3A_1571 = arith.constant 0 : i32
      %select_n3A_1572 = arith.select %ge3A_1569, %jit3A_1570, %jit3A_1571 : i32
      %add3A_1573 = vector.broadcast %select_n3A_1572 : i32 to vector<16xi32>
      %add3A_1574 = arith.addi %add3A_1573, %iota3A : vector<16xi32>
      %broadcast_in_dim3A_1575 = arith.constant 0.000000e+00 : f32
      %broadcast_in_dim3A_1576 = vector.broadcast %broadcast_in_dim3A_1575 : f32 to vector<16xf32>
      %add3A_1577 = arith.constant 0 : i32
      %add3A_1578 = vector.broadcast %add3A_1577 : i32 to vector<16xi32>
      %add3A_1579 = arith.addi %add3A_1556, %add3A_1578 : vector<16xi32>
      %gather3A = tpu.vector_load_idx %arg15[%broadcast_in_dim3A_1549, %add3A_1579] : memref<256x128xf32, #tpu.memory_space<vmem>>[vector<16xi32>, vector<16xi32>], vector<16xf32>,
      %add3A_1580 = arith.constant 0 : i32
      %add3A_1581 = vector.broadcast %add3A_1580 : i32 to vector<16xi32>
      %add3A_1582 = arith.addi %add3A_1565, %add3A_1581 : vector<16xi32>
      %gather3A_1583 = tpu.vector_load_idx %arg16[%broadcast_in_dim3A_1549, %add3A_1582] : memref<256x128xf32, #tpu.memory_space<vmem>>[vector<16xi32>, vector<16xi32>], vector<16xf32>,
      %add3A_1584 = arith.constant 0 : i32
      %add3A_1585 = vector.broadcast %add3A_1584 : i32 to vector<16xi32>
      %add3A_1586 = arith.addi %add3A_1574, %add3A_1585 : vector<16xi32>
      %gather3A_1587 = tpu.vector_load_idx %arg17[%broadcast_in_dim3A_1549, %add3A_1586] : memref<256x128xf32, #tpu.memory_space<vmem>>[vector<16xi32>, vector<16xi32>], vector<16xf32>,
      %mul3A_1588 = arith.mulf %gather3A, %gather3A_1583 : vector<16xf32>
      %mul3A_1589 = arith.mulf %mul3A_1588, %gather3A_1587 : vector<16xf32>
      %add3A_1590 = arith.addf %broadcast_in_dim3A_1576, %mul3A_1589 : vector<16xf32>
      %mul3A_1591 = arith.mulf %gather3A, %gather3A : vector<16xf32>
      %add3A_1592 = arith.addf %scan3A_1523, %mul3A_1591 : vector<16xf32>
      %mul3A_1593 = arith.mulf %gather3A_1583, %gather3A_1583 : vector<16xf32>
      %add3A_1594 = arith.addf %add3A_1592, %mul3A_1593 : vector<16xf32>
      %mul3A_1595 = arith.mulf %gather3A_1587, %gather3A_1587 : vector<16xf32>
      %add3A_1596 = arith.addf %add3A_1594, %mul3A_1595 : vector<16xf32>
      %add3A_1597 = arith.constant 16 : i32
      %add3A_1598 = vector.broadcast %add3A_1597 : i32 to vector<16xi32>
      %add3A_1599 = arith.addi %add3A_1556, %add3A_1598 : vector<16xi32>
      %gather3A_1600 = tpu.vector_load_idx %arg15[%broadcast_in_dim3A_1549, %add3A_1599] : memref<256x128xf32, #tpu.memory_space<vmem>>[vector<16xi32>, vector<16xi32>], vector<16xf32>,
      %add3A_1601 = arith.constant 16 : i32
      %add3A_1602 = vector.broadcast %add3A_1601 : i32 to vector<16xi32>
      %add3A_1603 = arith.addi %add3A_1565, %add3A_1602 : vector<16xi32>
      %gather3A_1604 = tpu.vector_load_idx %arg16[%broadcast_in_dim3A_1549, %add3A_1603] : memref<256x128xf32, #tpu.memory_space<vmem>>[vector<16xi32>, vector<16xi32>], vector<16xf32>,
      %add3A_1605 = arith.constant 16 : i32
      %add3A_1606 = vector.broadcast %add3A_1605 : i32 to vector<16xi32>
      %add3A_1607 = arith.addi %add3A_1574, %add3A_1606 : vector<16xi32>
      %gather3A_1608 = tpu.vector_load_idx %arg17[%broadcast_in_dim3A_1549, %add3A_1607] : memref<256x128xf32, #tpu.memory_space<vmem>>[vector<16xi32>, vector<16xi32>], vector<16xf32>,
      %mul3A_1609 = arith.mulf %gather3A_1600, %gather3A_1604 : vector<16xf32>
      %mul3A_1610 = arith.mulf %mul3A_1609, %gather3A_1608 : vector<16xf32>
      %add3A_1611 = arith.addf %add3A_1590, %mul3A_1610 : vector<16xf32>
      %mul3A_1612 = arith.mulf %gather3A_1600, %gather3A_1600 : vector<16xf32>
      %add3A_1613 = arith.addf %add3A_1596, %mul3A_1612 : vector<16xf32>
      %mul3A_1614 = arith.mulf %gather3A_1604, %gather3A_1604 : vector<16xf32>
      %add3A_1615 = arith.addf %add3A_1613, %mul3A_1614 : vector<16xf32>
      %mul3A_1616 = arith.mulf %gather3A_1608, %gather3A_1608 : vector<16xf32>
      %add3A_1617 = arith.addf %add3A_1615, %mul3A_1616 : vector<16xf32>
      %add3A_1618 = arith.constant 32 : i32
      %add3A_1619 = vector.broadcast %add3A_1618 : i32 to vector<16xi32>
      %add3A_1620 = arith.addi %add3A_1556, %add3A_1619 : vector<16xi32>
      %gather3A_1621 = tpu.vector_load_idx %arg15[%broadcast_in_dim3A_1549, %add3A_1620] : memref<256x128xf32, #tpu.memory_space<vmem>>[vector<16xi32>, vector<16xi32>], vector<16xf32>,
      %add3A_1622 = arith.constant 32 : i32
      %add3A_1623 = vector.broadcast %add3A_1622 : i32 to vector<16xi32>
      %add3A_1624 = arith.addi %add3A_1565, %add3A_1623 : vector<16xi32>
      %gather3A_1625 = tpu.vector_load_idx %arg16[%broadcast_in_dim3A_1549, %add3A_1624] : memref<256x128xf32, #tpu.memory_space<vmem>>[vector<16xi32>, vector<16xi32>], vector<16xf32>,
      %add3A_1626 = arith.constant 32 : i32
      %add3A_1627 = vector.broadcast %add3A_1626 : i32 to vector<16xi32>
      %add3A_1628 = arith.addi %add3A_1574, %add3A_1627 : vector<16xi32>
      %gather3A_1629 = tpu.vector_load_idx %arg17[%broadcast_in_dim3A_1549, %add3A_1628] : memref<256x128xf32, #tpu.memory_space<vmem>>[vector<16xi32>, vector<16xi32>], vector<16xf32>,
      %mul3A_1630 = arith.mulf %gather3A_1621, %gather3A_1625 : vector<16xf32>
      %mul3A_1631 = arith.mulf %mul3A_1630, %gather3A_1629 : vector<16xf32>
      %add3A_1632 = arith.addf %add3A_1611, %mul3A_1631 : vector<16xf32>
      %mul3A_1633 = arith.mulf %gather3A_1621, %gather3A_1621 : vector<16xf32>
      %add3A_1634 = arith.addf %add3A_1617, %mul3A_1633 : vector<16xf32>
      %mul3A_1635 = arith.mulf %gather3A_1625, %gather3A_1625 : vector<16xf32>
      %add3A_1636 = arith.addf %add3A_1634, %mul3A_1635 : vector<16xf32>
      %mul3A_1637 = arith.mulf %gather3A_1629, %gather3A_1629 : vector<16xf32>
      %add3A_1638 = arith.addf %add3A_1636, %mul3A_1637 : vector<16xf32>
      %add3A_1639 = arith.constant 48 : i32
      %add3A_1640 = vector.broadcast %add3A_1639 : i32 to vector<16xi32>
      %add3A_1641 = arith.addi %add3A_1556, %add3A_1640 : vector<16xi32>
      %gather3A_1642 = tpu.vector_load_idx %arg15[%broadcast_in_dim3A_1549, %add3A_1641] : memref<256x128xf32, #tpu.memory_space<vmem>>[vector<16xi32>, vector<16xi32>], vector<16xf32>,
      %add3A_1643 = arith.constant 48 : i32
      %add3A_1644 = vector.broadcast %add3A_1643 : i32 to vector<16xi32>
      %add3A_1645 = arith.addi %add3A_1565, %add3A_1644 : vector<16xi32>
      %gather3A_1646 = tpu.vector_load_idx %arg16[%broadcast_in_dim3A_1549, %add3A_1645] : memref<256x128xf32, #tpu.memory_space<vmem>>[vector<16xi32>, vector<16xi32>], vector<16xf32>,
      %add3A_1647 = arith.constant 48 : i32
      %add3A_1648 = vector.broadcast %add3A_1647 : i32 to vector<16xi32>
      %add3A_1649 = arith.addi %add3A_1574, %add3A_1648 : vector<16xi32>
      %gather3A_1650 = tpu.vector_load_idx %arg17[%broadcast_in_dim3A_1549, %add3A_1649] : memref<256x128xf32, #tpu.memory_space<vmem>>[vector<16xi32>, vector<16xi32>], vector<16xf32>,
      %mul3A_1651 = arith.mulf %gather3A_1642, %gather3A_1646 : vector<16xf32>
      %mul3A_1652 = arith.mulf %mul3A_1651, %gather3A_1650 : vector<16xf32>
      %add3A_1653 = arith.addf %add3A_1632, %mul3A_1652 : vector<16xf32>
      %mul3A_1654 = arith.mulf %gather3A_1642, %gather3A_1642 : vector<16xf32>
      %add3A_1655 = arith.addf %add3A_1638, %mul3A_1654 : vector<16xf32>
      %mul3A_1656 = arith.mulf %gather3A_1646, %gather3A_1646 : vector<16xf32>
      %add3A_1657 = arith.addf %add3A_1655, %mul3A_1656 : vector<16xf32>
      %mul3A_1658 = arith.mulf %gather3A_1650, %gather3A_1650 : vector<16xf32>
      %add3A_1659 = arith.addf %add3A_1657, %mul3A_1658 : vector<16xf32>
      %reduce_sum3A = arith.constant true
      %reduce_sum3A_1660 = vector.broadcast %reduce_sum3A : i1 to vector<16xi1>
      %reduce_sum3A_1661 = tpu.scan <sum>, %add3A_1653 masked %reduce_sum3A_1660 : vector<16xf32>, vector<16xi1> -> vector<16xf32>
      %reduce_sum3A_1662 = vector.extract %reduce_sum3A_1661[15] : f32 from vector<16xf32>
      %broadcast_in_dim3A_1663 = vector.broadcast %reduce_sum3A_1662 : f32 to vector<16xf32>
      %select_n3A_1664 = arith.select %eq3A_1437, %broadcast_in_dim3A_1663, %broadcast_in_dim3A_1546 : vector<16xi1>, vector<16xf32>
      %add3A_1665 = arith.constant 1 : i32
      %add3A_1666 = arith.addi %mul3A_1544, %add3A_1665 : i32
      %broadcast_in_dim3A_1667 = vector.broadcast %add3A_1666 : i32 to vector<16xi32>
      %slice3A_1668 = vector.extract_strided_slice %get3A_1532 {offsets = [1], sizes = [1], strides = [1]} : vector<16xi32> to vector<1xi32>
      %squeeze3A_1669 = vector.extract %slice3A_1668[0] : i32 from vector<1xi32>
      %ge3A_1670 = arith.constant 507904 : i32
      %ge3A_1671 = arith.cmpi sge, %squeeze3A_1669, %ge3A_1670 : i32
      %jit3A_1672 = arith.constant 64 : i32
      %jit3A_1673 = arith.constant 0 : i32
      %select_n3A_1674 = arith.select %ge3A_1671, %jit3A_1672, %jit3A_1673 : i32
      %add3A_1675 = vector.broadcast %select_n3A_1674 : i32 to vector<16xi32>
      %add3A_1676 = arith.addi %add3A_1675, %iota3A : vector<16xi32>
      %slice3A_1677 = vector.extract_strided_slice %get3A_1536 {offsets = [1], sizes = [1], strides = [1]} : vector<16xi32> to vector<1xi32>
      %squeeze3A_1678 = vector.extract %slice3A_1677[0] : i32 from vector<1xi32>
      %ge3A_1679 = arith.constant 507904 : i32
      %ge3A_1680 = arith.cmpi sge, %squeeze3A_1678, %ge3A_1679 : i32
      %jit3A_1681 = arith.constant 64 : i32
      %jit3A_1682 = arith.constant 0 : i32
      %select_n3A_1683 = arith.select %ge3A_1680, %jit3A_1681, %jit3A_1682 : i32
      %add3A_1684 = vector.broadcast %select_n3A_1683 : i32 to vector<16xi32>
      %add3A_1685 = arith.addi %add3A_1684, %iota3A : vector<16xi32>
      %slice3A_1686 = vector.extract_strided_slice %get3A_1540 {offsets = [1], sizes = [1], strides = [1]} : vector<16xi32> to vector<1xi32>
      %squeeze3A_1687 = vector.extract %slice3A_1686[0] : i32 from vector<1xi32>
      %ge3A_1688 = arith.constant 507904 : i32
      %ge3A_1689 = arith.cmpi sge, %squeeze3A_1687, %ge3A_1688 : i32
      %jit3A_1690 = arith.constant 64 : i32
      %jit3A_1691 = arith.constant 0 : i32
      %select_n3A_1692 = arith.select %ge3A_1689, %jit3A_1690, %jit3A_1691 : i32
      %add3A_1693 = vector.broadcast %select_n3A_1692 : i32 to vector<16xi32>
      %add3A_1694 = arith.addi %add3A_1693, %iota3A : vector<16xi32>
      %broadcast_in_dim3A_1695 = arith.constant 0.000000e+00 : f32
      %broadcast_in_dim3A_1696 = vector.broadcast %broadcast_in_dim3A_1695 : f32 to vector<16xf32>
      %add3A_1697 = arith.constant 0 : i32
      %add3A_1698 = vector.broadcast %add3A_1697 : i32 to vector<16xi32>
      %add3A_1699 = arith.addi %add3A_1676, %add3A_1698 : vector<16xi32>
      %gather3A_1700 = tpu.vector_load_idx %arg15[%broadcast_in_dim3A_1667, %add3A_1699] : memref<256x128xf32, #tpu.memory_space<vmem>>[vector<16xi32>, vector<16xi32>], vector<16xf32>,
      %add3A_1701 = arith.constant 0 : i32
      %add3A_1702 = vector.broadcast %add3A_1701 : i32 to vector<16xi32>
      %add3A_1703 = arith.addi %add3A_1685, %add3A_1702 : vector<16xi32>
      %gather3A_1704 = tpu.vector_load_idx %arg16[%broadcast_in_dim3A_1667, %add3A_1703] : memref<256x128xf32, #tpu.memory_space<vmem>>[vector<16xi32>, vector<16xi32>], vector<16xf32>,
      %add3A_1705 = arith.constant 0 : i32
      %add3A_1706 = vector.broadcast %add3A_1705 : i32 to vector<16xi32>
      %add3A_1707 = arith.addi %add3A_1694, %add3A_1706 : vector<16xi32>
      %gather3A_1708 = tpu.vector_load_idx %arg17[%broadcast_in_dim3A_1667, %add3A_1707] : memref<256x128xf32, #tpu.memory_space<vmem>>[vector<16xi32>, vector<16xi32>], vector<16xf32>,
      %mul3A_1709 = arith.mulf %gather3A_1700, %gather3A_1704 : vector<16xf32>
      %mul3A_1710 = arith.mulf %mul3A_1709, %gather3A_1708 : vector<16xf32>
      %add3A_1711 = arith.addf %broadcast_in_dim3A_1696, %mul3A_1710 : vector<16xf32>
      %mul3A_1712 = arith.mulf %gather3A_1700, %gather3A_1700 : vector<16xf32>
      %add3A_1713 = arith.addf %add3A_1659, %mul3A_1712 : vector<16xf32>
      %mul3A_1714 = arith.mulf %gather3A_1704, %gather3A_1704 : vector<16xf32>
      %add3A_1715 = arith.addf %add3A_1713, %mul3A_1714 : vector<16xf32>
      %mul3A_1716 = arith.mulf %gather3A_1708, %gather3A_1708 : vector<16xf32>
      %add3A_1717 = arith.addf %add3A_1715, %mul3A_1716 : vector<16xf32>
      %add3A_1718 = arith.constant 16 : i32
      %add3A_1719 = vector.broadcast %add3A_1718 : i32 to vector<16xi32>
      %add3A_1720 = arith.addi %add3A_1676, %add3A_1719 : vector<16xi32>
      %gather3A_1721 = tpu.vector_load_idx %arg15[%broadcast_in_dim3A_1667, %add3A_1720] : memref<256x128xf32, #tpu.memory_space<vmem>>[vector<16xi32>, vector<16xi32>], vector<16xf32>,
      %add3A_1722 = arith.constant 16 : i32
      %add3A_1723 = vector.broadcast %add3A_1722 : i32 to vector<16xi32>
      %add3A_1724 = arith.addi %add3A_1685, %add3A_1723 : vector<16xi32>
      %gather3A_1725 = tpu.vector_load_idx %arg16[%broadcast_in_dim3A_1667, %add3A_1724] : memref<256x128xf32, #tpu.memory_space<vmem>>[vector<16xi32>, vector<16xi32>], vector<16xf32>,
      %add3A_1726 = arith.constant 16 : i32
      %add3A_1727 = vector.broadcast %add3A_1726 : i32 to vector<16xi32>
      %add3A_1728 = arith.addi %add3A_1694, %add3A_1727 : vector<16xi32>
      %gather3A_1729 = tpu.vector_load_idx %arg17[%broadcast_in_dim3A_1667, %add3A_1728] : memref<256x128xf32, #tpu.memory_space<vmem>>[vector<16xi32>, vector<16xi32>], vector<16xf32>,
      %mul3A_1730 = arith.mulf %gather3A_1721, %gather3A_1725 : vector<16xf32>
      %mul3A_1731 = arith.mulf %mul3A_1730, %gather3A_1729 : vector<16xf32>
      %add3A_1732 = arith.addf %add3A_1711, %mul3A_1731 : vector<16xf32>
      %mul3A_1733 = arith.mulf %gather3A_1721, %gather3A_1721 : vector<16xf32>
      %add3A_1734 = arith.addf %add3A_1717, %mul3A_1733 : vector<16xf32>
      %mul3A_1735 = arith.mulf %gather3A_1725, %gather3A_1725 : vector<16xf32>
      %add3A_1736 = arith.addf %add3A_1734, %mul3A_1735 : vector<16xf32>
      %mul3A_1737 = arith.mulf %gather3A_1729, %gather3A_1729 : vector<16xf32>
      %add3A_1738 = arith.addf %add3A_1736, %mul3A_1737 : vector<16xf32>
      %add3A_1739 = arith.constant 32 : i32
      %add3A_1740 = vector.broadcast %add3A_1739 : i32 to vector<16xi32>
      %add3A_1741 = arith.addi %add3A_1676, %add3A_1740 : vector<16xi32>
      %gather3A_1742 = tpu.vector_load_idx %arg15[%broadcast_in_dim3A_1667, %add3A_1741] : memref<256x128xf32, #tpu.memory_space<vmem>>[vector<16xi32>, vector<16xi32>], vector<16xf32>,
      %add3A_1743 = arith.constant 32 : i32
      %add3A_1744 = vector.broadcast %add3A_1743 : i32 to vector<16xi32>
      %add3A_1745 = arith.addi %add3A_1685, %add3A_1744 : vector<16xi32>
      %gather3A_1746 = tpu.vector_load_idx %arg16[%broadcast_in_dim3A_1667, %add3A_1745] : memref<256x128xf32, #tpu.memory_space<vmem>>[vector<16xi32>, vector<16xi32>], vector<16xf32>,
      %add3A_1747 = arith.constant 32 : i32
      %add3A_1748 = vector.broadcast %add3A_1747 : i32 to vector<16xi32>
      %add3A_1749 = arith.addi %add3A_1694, %add3A_1748 : vector<16xi32>
      %gather3A_1750 = tpu.vector_load_idx %arg17[%broadcast_in_dim3A_1667, %add3A_1749] : memref<256x128xf32, #tpu.memory_space<vmem>>[vector<16xi32>, vector<16xi32>], vector<16xf32>,
      %mul3A_1751 = arith.mulf %gather3A_1742, %gather3A_1746 : vector<16xf32>
      %mul3A_1752 = arith.mulf %mul3A_1751, %gather3A_1750 : vector<16xf32>
      %add3A_1753 = arith.addf %add3A_1732, %mul3A_1752 : vector<16xf32>
      %mul3A_1754 = arith.mulf %gather3A_1742, %gather3A_1742 : vector<16xf32>
      %add3A_1755 = arith.addf %add3A_1738, %mul3A_1754 : vector<16xf32>
      %mul3A_1756 = arith.mulf %gather3A_1746, %gather3A_1746 : vector<16xf32>
      %add3A_1757 = arith.addf %add3A_1755, %mul3A_1756 : vector<16xf32>
      %mul3A_1758 = arith.mulf %gather3A_1750, %gather3A_1750 : vector<16xf32>
      %add3A_1759 = arith.addf %add3A_1757, %mul3A_1758 : vector<16xf32>
      %add3A_1760 = arith.constant 48 : i32
      %add3A_1761 = vector.broadcast %add3A_1760 : i32 to vector<16xi32>
      %add3A_1762 = arith.addi %add3A_1676, %add3A_1761 : vector<16xi32>
      %gather3A_1763 = tpu.vector_load_idx %arg15[%broadcast_in_dim3A_1667, %add3A_1762] : memref<256x128xf32, #tpu.memory_space<vmem>>[vector<16xi32>, vector<16xi32>], vector<16xf32>,
      %add3A_1764 = arith.constant 48 : i32
      %add3A_1765 = vector.broadcast %add3A_1764 : i32 to vector<16xi32>
      %add3A_1766 = arith.addi %add3A_1685, %add3A_1765 : vector<16xi32>
      %gather3A_1767 = tpu.vector_load_idx %arg16[%broadcast_in_dim3A_1667, %add3A_1766] : memref<256x128xf32, #tpu.memory_space<vmem>>[vector<16xi32>, vector<16xi32>], vector<16xf32>,
      %add3A_1768 = arith.constant 48 : i32
      %add3A_1769 = vector.broadcast %add3A_1768 : i32 to vector<16xi32>
      %add3A_1770 = arith.addi %add3A_1694, %add3A_1769 : vector<16xi32>
      %gather3A_1771 = tpu.vector_load_idx %arg17[%broadcast_in_dim3A_1667, %add3A_1770] : memref<256x128xf32, #tpu.memory_space<vmem>>[vector<16xi32>, vector<16xi32>], vector<16xf32>,
      %mul3A_1772 = arith.mulf %gather3A_1763, %gather3A_1767 : vector<16xf32>
      %mul3A_1773 = arith.mulf %mul3A_1772, %gather3A_1771 : vector<16xf32>
      %add3A_1774 = arith.addf %add3A_1753, %mul3A_1773 : vector<16xf32>
      %mul3A_1775 = arith.mulf %gather3A_1763, %gather3A_1763 : vector<16xf32>
      %add3A_1776 = arith.addf %add3A_1759, %mul3A_1775 : vector<16xf32>
      %mul3A_1777 = arith.mulf %gather3A_1767, %gather3A_1767 : vector<16xf32>
      %add3A_1778 = arith.addf %add3A_1776, %mul3A_1777 : vector<16xf32>
      %mul3A_1779 = arith.mulf %gather3A_1771, %gather3A_1771 : vector<16xf32>
      %add3A_1780 = arith.addf %add3A_1778, %mul3A_1779 : vector<16xf32>
      %reduce_sum3A_1781 = arith.constant true
      %reduce_sum3A_1782 = vector.broadcast %reduce_sum3A_1781 : i1 to vector<16xi1>
      %reduce_sum3A_1783 = tpu.scan <sum>, %add3A_1774 masked %reduce_sum3A_1782 : vector<16xf32>, vector<16xi1> -> vector<16xf32>
      %reduce_sum3A_1784 = vector.extract %reduce_sum3A_1783[15] : f32 from vector<16xf32>
      %broadcast_in_dim3A_1785 = vector.broadcast %reduce_sum3A_1784 : f32 to vector<16xf32>
      %select_n3A_1786 = arith.select %eq3A_1440, %broadcast_in_dim3A_1785, %select_n3A_1664 : vector<16xi1>, vector<16xf32>
      %add3A_1787 = arith.constant 2 : i32
      %add3A_1788 = arith.addi %mul3A_1544, %add3A_1787 : i32
      %broadcast_in_dim3A_1789 = vector.broadcast %add3A_1788 : i32 to vector<16xi32>
      %slice3A_1790 = vector.extract_strided_slice %get3A_1532 {offsets = [2], sizes = [1], strides = [1]} : vector<16xi32> to vector<1xi32>
      %squeeze3A_1791 = vector.extract %slice3A_1790[0] : i32 from vector<1xi32>
      %ge3A_1792 = arith.constant 507904 : i32
      %ge3A_1793 = arith.cmpi sge, %squeeze3A_1791, %ge3A_1792 : i32
      %jit3A_1794 = arith.constant 64 : i32
      %jit3A_1795 = arith.constant 0 : i32
      %select_n3A_1796 = arith.select %ge3A_1793, %jit3A_1794, %jit3A_1795 : i32
      %add3A_1797 = vector.broadcast %select_n3A_1796 : i32 to vector<16xi32>
      %add3A_1798 = arith.addi %add3A_1797, %iota3A : vector<16xi32>
      %slice3A_1799 = vector.extract_strided_slice %get3A_1536 {offsets = [2], sizes = [1], strides = [1]} : vector<16xi32> to vector<1xi32>
      %squeeze3A_1800 = vector.extract %slice3A_1799[0] : i32 from vector<1xi32>
      %ge3A_1801 = arith.constant 507904 : i32
      %ge3A_1802 = arith.cmpi sge, %squeeze3A_1800, %ge3A_1801 : i32
      %jit3A_1803 = arith.constant 64 : i32
      %jit3A_1804 = arith.constant 0 : i32
      %select_n3A_1805 = arith.select %ge3A_1802, %jit3A_1803, %jit3A_1804 : i32
      %add3A_1806 = vector.broadcast %select_n3A_1805 : i32 to vector<16xi32>
      %add3A_1807 = arith.addi %add3A_1806, %iota3A : vector<16xi32>
      %slice3A_1808 = vector.extract_strided_slice %get3A_1540 {offsets = [2], sizes = [1], strides = [1]} : vector<16xi32> to vector<1xi32>
      %squeeze3A_1809 = vector.extract %slice3A_1808[0] : i32 from vector<1xi32>
      %ge3A_1810 = arith.constant 507904 : i32
      %ge3A_1811 = arith.cmpi sge, %squeeze3A_1809, %ge3A_1810 : i32
      %jit3A_1812 = arith.constant 64 : i32
      %jit3A_1813 = arith.constant 0 : i32
      %select_n3A_1814 = arith.select %ge3A_1811, %jit3A_1812, %jit3A_1813 : i32
      %add3A_1815 = vector.broadcast %select_n3A_1814 : i32 to vector<16xi32>
      %add3A_1816 = arith.addi %add3A_1815, %iota3A : vector<16xi32>
      %broadcast_in_dim3A_1817 = arith.constant 0.000000e+00 : f32
      %broadcast_in_dim3A_1818 = vector.broadcast %broadcast_in_dim3A_1817 : f32 to vector<16xf32>
      %add3A_1819 = arith.constant 0 : i32
      %add3A_1820 = vector.broadcast %add3A_1819 : i32 to vector<16xi32>
      %add3A_1821 = arith.addi %add3A_1798, %add3A_1820 : vector<16xi32>
      %gather3A_1822 = tpu.vector_load_idx %arg15[%broadcast_in_dim3A_1789, %add3A_1821] : memref<256x128xf32, #tpu.memory_space<vmem>>[vector<16xi32>, vector<16xi32>], vector<16xf32>,
      %add3A_1823 = arith.constant 0 : i32
      %add3A_1824 = vector.broadcast %add3A_1823 : i32 to vector<16xi32>
      %add3A_1825 = arith.addi %add3A_1807, %add3A_1824 : vector<16xi32>
      %gather3A_1826 = tpu.vector_load_idx %arg16[%broadcast_in_dim3A_1789, %add3A_1825] : memref<256x128xf32, #tpu.memory_space<vmem>>[vector<16xi32>, vector<16xi32>], vector<16xf32>,
      %add3A_1827 = arith.constant 0 : i32
      %add3A_1828 = vector.broadcast %add3A_1827 : i32 to vector<16xi32>
      %add3A_1829 = arith.addi %add3A_1816, %add3A_1828 : vector<16xi32>
      %gather3A_1830 = tpu.vector_load_idx %arg17[%broadcast_in_dim3A_1789, %add3A_1829] : memref<256x128xf32, #tpu.memory_space<vmem>>[vector<16xi32>, vector<16xi32>], vector<16xf32>,
      %mul3A_1831 = arith.mulf %gather3A_1822, %gather3A_1826 : vector<16xf32>
      %mul3A_1832 = arith.mulf %mul3A_1831, %gather3A_1830 : vector<16xf32>
      %add3A_1833 = arith.addf %broadcast_in_dim3A_1818, %mul3A_1832 : vector<16xf32>
      %mul3A_1834 = arith.mulf %gather3A_1822, %gather3A_1822 : vector<16xf32>
      %add3A_1835 = arith.addf %add3A_1780, %mul3A_1834 : vector<16xf32>
      %mul3A_1836 = arith.mulf %gather3A_1826, %gather3A_1826 : vector<16xf32>
      %add3A_1837 = arith.addf %add3A_1835, %mul3A_1836 : vector<16xf32>
      %mul3A_1838 = arith.mulf %gather3A_1830, %gather3A_1830 : vector<16xf32>
      %add3A_1839 = arith.addf %add3A_1837, %mul3A_1838 : vector<16xf32>
      %add3A_1840 = arith.constant 16 : i32
      %add3A_1841 = vector.broadcast %add3A_1840 : i32 to vector<16xi32>
      %add3A_1842 = arith.addi %add3A_1798, %add3A_1841 : vector<16xi32>
      %gather3A_1843 = tpu.vector_load_idx %arg15[%broadcast_in_dim3A_1789, %add3A_1842] : memref<256x128xf32, #tpu.memory_space<vmem>>[vector<16xi32>, vector<16xi32>], vector<16xf32>,
      %add3A_1844 = arith.constant 16 : i32
      %add3A_1845 = vector.broadcast %add3A_1844 : i32 to vector<16xi32>
      %add3A_1846 = arith.addi %add3A_1807, %add3A_1845 : vector<16xi32>
      %gather3A_1847 = tpu.vector_load_idx %arg16[%broadcast_in_dim3A_1789, %add3A_1846] : memref<256x128xf32, #tpu.memory_space<vmem>>[vector<16xi32>, vector<16xi32>], vector<16xf32>,
      %add3A_1848 = arith.constant 16 : i32
      %add3A_1849 = vector.broadcast %add3A_1848 : i32 to vector<16xi32>
      %add3A_1850 = arith.addi %add3A_1816, %add3A_1849 : vector<16xi32>
      %gather3A_1851 = tpu.vector_load_idx %arg17[%broadcast_in_dim3A_1789, %add3A_1850] : memref<256x128xf32, #tpu.memory_space<vmem>>[vector<16xi32>, vector<16xi32>], vector<16xf32>,
      %mul3A_1852 = arith.mulf %gather3A_1843, %gather3A_1847 : vector<16xf32>
      %mul3A_1853 = arith.mulf %mul3A_1852, %gather3A_1851 : vector<16xf32>
      %add3A_1854 = arith.addf %add3A_1833, %mul3A_1853 : vector<16xf32>
      %mul3A_1855 = arith.mulf %gather3A_1843, %gather3A_1843 : vector<16xf32>
      %add3A_1856 = arith.addf %add3A_1839, %mul3A_1855 : vector<16xf32>
      %mul3A_1857 = arith.mulf %gather3A_1847, %gather3A_1847 : vector<16xf32>
      %add3A_1858 = arith.addf %add3A_1856, %mul3A_1857 : vector<16xf32>
      %mul3A_1859 = arith.mulf %gather3A_1851, %gather3A_1851 : vector<16xf32>
      %add3A_1860 = arith.addf %add3A_1858, %mul3A_1859 : vector<16xf32>
      %add3A_1861 = arith.constant 32 : i32
      %add3A_1862 = vector.broadcast %add3A_1861 : i32 to vector<16xi32>
      %add3A_1863 = arith.addi %add3A_1798, %add3A_1862 : vector<16xi32>
      %gather3A_1864 = tpu.vector_load_idx %arg15[%broadcast_in_dim3A_1789, %add3A_1863] : memref<256x128xf32, #tpu.memory_space<vmem>>[vector<16xi32>, vector<16xi32>], vector<16xf32>,
      %add3A_1865 = arith.constant 32 : i32
      %add3A_1866 = vector.broadcast %add3A_1865 : i32 to vector<16xi32>
      %add3A_1867 = arith.addi %add3A_1807, %add3A_1866 : vector<16xi32>
      %gather3A_1868 = tpu.vector_load_idx %arg16[%broadcast_in_dim3A_1789, %add3A_1867] : memref<256x128xf32, #tpu.memory_space<vmem>>[vector<16xi32>, vector<16xi32>], vector<16xf32>,
      %add3A_1869 = arith.constant 32 : i32
      %add3A_1870 = vector.broadcast %add3A_1869 : i32 to vector<16xi32>
      %add3A_1871 = arith.addi %add3A_1816, %add3A_1870 : vector<16xi32>
      %gather3A_1872 = tpu.vector_load_idx %arg17[%broadcast_in_dim3A_1789, %add3A_1871] : memref<256x128xf32, #tpu.memory_space<vmem>>[vector<16xi32>, vector<16xi32>], vector<16xf32>,
      %mul3A_1873 = arith.mulf %gather3A_1864, %gather3A_1868 : vector<16xf32>
      %mul3A_1874 = arith.mulf %mul3A_1873, %gather3A_1872 : vector<16xf32>
      %add3A_1875 = arith.addf %add3A_1854, %mul3A_1874 : vector<16xf32>
      %mul3A_1876 = arith.mulf %gather3A_1864, %gather3A_1864 : vector<16xf32>
      %add3A_1877 = arith.addf %add3A_1860, %mul3A_1876 : vector<16xf32>
      %mul3A_1878 = arith.mulf %gather3A_1868, %gather3A_1868 : vector<16xf32>
      %add3A_1879 = arith.addf %add3A_1877, %mul3A_1878 : vector<16xf32>
      %mul3A_1880 = arith.mulf %gather3A_1872, %gather3A_1872 : vector<16xf32>
      %add3A_1881 = arith.addf %add3A_1879, %mul3A_1880 : vector<16xf32>
      %add3A_1882 = arith.constant 48 : i32
      %add3A_1883 = vector.broadcast %add3A_1882 : i32 to vector<16xi32>
      %add3A_1884 = arith.addi %add3A_1798, %add3A_1883 : vector<16xi32>
      %gather3A_1885 = tpu.vector_load_idx %arg15[%broadcast_in_dim3A_1789, %add3A_1884] : memref<256x128xf32, #tpu.memory_space<vmem>>[vector<16xi32>, vector<16xi32>], vector<16xf32>,
      %add3A_1886 = arith.constant 48 : i32
      %add3A_1887 = vector.broadcast %add3A_1886 : i32 to vector<16xi32>
      %add3A_1888 = arith.addi %add3A_1807, %add3A_1887 : vector<16xi32>
      %gather3A_1889 = tpu.vector_load_idx %arg16[%broadcast_in_dim3A_1789, %add3A_1888] : memref<256x128xf32, #tpu.memory_space<vmem>>[vector<16xi32>, vector<16xi32>], vector<16xf32>,
      %add3A_1890 = arith.constant 48 : i32
      %add3A_1891 = vector.broadcast %add3A_1890 : i32 to vector<16xi32>
      %add3A_1892 = arith.addi %add3A_1816, %add3A_1891 : vector<16xi32>
      %gather3A_1893 = tpu.vector_load_idx %arg17[%broadcast_in_dim3A_1789, %add3A_1892] : memref<256x128xf32, #tpu.memory_space<vmem>>[vector<16xi32>, vector<16xi32>], vector<16xf32>,
      %mul3A_1894 = arith.mulf %gather3A_1885, %gather3A_1889 : vector<16xf32>
      %mul3A_1895 = arith.mulf %mul3A_1894, %gather3A_1893 : vector<16xf32>
      %add3A_1896 = arith.addf %add3A_1875, %mul3A_1895 : vector<16xf32>
      %mul3A_1897 = arith.mulf %gather3A_1885, %gather3A_1885 : vector<16xf32>
      %add3A_1898 = arith.addf %add3A_1881, %mul3A_1897 : vector<16xf32>
      %mul3A_1899 = arith.mulf %gather3A_1889, %gather3A_1889 : vector<16xf32>
      %add3A_1900 = arith.addf %add3A_1898, %mul3A_1899 : vector<16xf32>
      %mul3A_1901 = arith.mulf %gather3A_1893, %gather3A_1893 : vector<16xf32>
      %add3A_1902 = arith.addf %add3A_1900, %mul3A_1901 : vector<16xf32>
      %reduce_sum3A_1903 = arith.constant true
      %reduce_sum3A_1904 = vector.broadcast %reduce_sum3A_1903 : i1 to vector<16xi1>
      %reduce_sum3A_1905 = tpu.scan <sum>, %add3A_1896 masked %reduce_sum3A_1904 : vector<16xf32>, vector<16xi1> -> vector<16xf32>
      %reduce_sum3A_1906 = vector.extract %reduce_sum3A_1905[15] : f32 from vector<16xf32>
      %broadcast_in_dim3A_1907 = vector.broadcast %reduce_sum3A_1906 : f32 to vector<16xf32>
      %select_n3A_1908 = arith.select %eq3A_1443, %broadcast_in_dim3A_1907, %select_n3A_1786 : vector<16xi1>, vector<16xf32>
      %add3A_1909 = arith.constant 3 : i32
      %add3A_1910 = arith.addi %mul3A_1544, %add3A_1909 : i32
      %broadcast_in_dim3A_1911 = vector.broadcast %add3A_1910 : i32 to vector<16xi32>
      %slice3A_1912 = vector.extract_strided_slice %get3A_1532 {offsets = [3], sizes = [1], strides = [1]} : vector<16xi32> to vector<1xi32>
      %squeeze3A_1913 = vector.extract %slice3A_1912[0] : i32 from vector<1xi32>
      %ge3A_1914 = arith.constant 507904 : i32
      %ge3A_1915 = arith.cmpi sge, %squeeze3A_1913, %ge3A_1914 : i32
      %jit3A_1916 = arith.constant 64 : i32
      %jit3A_1917 = arith.constant 0 : i32
      %select_n3A_1918 = arith.select %ge3A_1915, %jit3A_1916, %jit3A_1917 : i32
      %add3A_1919 = vector.broadcast %select_n3A_1918 : i32 to vector<16xi32>
      %add3A_1920 = arith.addi %add3A_1919, %iota3A : vector<16xi32>
      %slice3A_1921 = vector.extract_strided_slice %get3A_1536 {offsets = [3], sizes = [1], strides = [1]} : vector<16xi32> to vector<1xi32>
      %squeeze3A_1922 = vector.extract %slice3A_1921[0] : i32 from vector<1xi32>
      %ge3A_1923 = arith.constant 507904 : i32
      %ge3A_1924 = arith.cmpi sge, %squeeze3A_1922, %ge3A_1923 : i32
      %jit3A_1925 = arith.constant 64 : i32
      %jit3A_1926 = arith.constant 0 : i32
      %select_n3A_1927 = arith.select %ge3A_1924, %jit3A_1925, %jit3A_1926 : i32
      %add3A_1928 = vector.broadcast %select_n3A_1927 : i32 to vector<16xi32>
      %add3A_1929 = arith.addi %add3A_1928, %iota3A : vector<16xi32>
      %slice3A_1930 = vector.extract_strided_slice %get3A_1540 {offsets = [3], sizes = [1], strides = [1]} : vector<16xi32> to vector<1xi32>
      %squeeze3A_1931 = vector.extract %slice3A_1930[0] : i32 from vector<1xi32>
      %ge3A_1932 = arith.constant 507904 : i32
      %ge3A_1933 = arith.cmpi sge, %squeeze3A_1931, %ge3A_1932 : i32
      %jit3A_1934 = arith.constant 64 : i32
      %jit3A_1935 = arith.constant 0 : i32
      %select_n3A_1936 = arith.select %ge3A_1933, %jit3A_1934, %jit3A_1935 : i32
      %add3A_1937 = vector.broadcast %select_n3A_1936 : i32 to vector<16xi32>
      %add3A_1938 = arith.addi %add3A_1937, %iota3A : vector<16xi32>
      %broadcast_in_dim3A_1939 = arith.constant 0.000000e+00 : f32
      %broadcast_in_dim3A_1940 = vector.broadcast %broadcast_in_dim3A_1939 : f32 to vector<16xf32>
      %add3A_1941 = arith.constant 0 : i32
      %add3A_1942 = vector.broadcast %add3A_1941 : i32 to vector<16xi32>
      %add3A_1943 = arith.addi %add3A_1920, %add3A_1942 : vector<16xi32>
      %gather3A_1944 = tpu.vector_load_idx %arg15[%broadcast_in_dim3A_1911, %add3A_1943] : memref<256x128xf32, #tpu.memory_space<vmem>>[vector<16xi32>, vector<16xi32>], vector<16xf32>,
      %add3A_1945 = arith.constant 0 : i32
      %add3A_1946 = vector.broadcast %add3A_1945 : i32 to vector<16xi32>
      %add3A_1947 = arith.addi %add3A_1929, %add3A_1946 : vector<16xi32>
      %gather3A_1948 = tpu.vector_load_idx %arg16[%broadcast_in_dim3A_1911, %add3A_1947] : memref<256x128xf32, #tpu.memory_space<vmem>>[vector<16xi32>, vector<16xi32>], vector<16xf32>,
      %add3A_1949 = arith.constant 0 : i32
      %add3A_1950 = vector.broadcast %add3A_1949 : i32 to vector<16xi32>
      %add3A_1951 = arith.addi %add3A_1938, %add3A_1950 : vector<16xi32>
      %gather3A_1952 = tpu.vector_load_idx %arg17[%broadcast_in_dim3A_1911, %add3A_1951] : memref<256x128xf32, #tpu.memory_space<vmem>>[vector<16xi32>, vector<16xi32>], vector<16xf32>,
      %mul3A_1953 = arith.mulf %gather3A_1944, %gather3A_1948 : vector<16xf32>
      %mul3A_1954 = arith.mulf %mul3A_1953, %gather3A_1952 : vector<16xf32>
      %add3A_1955 = arith.addf %broadcast_in_dim3A_1940, %mul3A_1954 : vector<16xf32>
      %mul3A_1956 = arith.mulf %gather3A_1944, %gather3A_1944 : vector<16xf32>
      %add3A_1957 = arith.addf %add3A_1902, %mul3A_1956 : vector<16xf32>
      %mul3A_1958 = arith.mulf %gather3A_1948, %gather3A_1948 : vector<16xf32>
      %add3A_1959 = arith.addf %add3A_1957, %mul3A_1958 : vector<16xf32>
      %mul3A_1960 = arith.mulf %gather3A_1952, %gather3A_1952 : vector<16xf32>
      %add3A_1961 = arith.addf %add3A_1959, %mul3A_1960 : vector<16xf32>
      %add3A_1962 = arith.constant 16 : i32
      %add3A_1963 = vector.broadcast %add3A_1962 : i32 to vector<16xi32>
      %add3A_1964 = arith.addi %add3A_1920, %add3A_1963 : vector<16xi32>
      %gather3A_1965 = tpu.vector_load_idx %arg15[%broadcast_in_dim3A_1911, %add3A_1964] : memref<256x128xf32, #tpu.memory_space<vmem>>[vector<16xi32>, vector<16xi32>], vector<16xf32>,
      %add3A_1966 = arith.constant 16 : i32
      %add3A_1967 = vector.broadcast %add3A_1966 : i32 to vector<16xi32>
      %add3A_1968 = arith.addi %add3A_1929, %add3A_1967 : vector<16xi32>
      %gather3A_1969 = tpu.vector_load_idx %arg16[%broadcast_in_dim3A_1911, %add3A_1968] : memref<256x128xf32, #tpu.memory_space<vmem>>[vector<16xi32>, vector<16xi32>], vector<16xf32>,
      %add3A_1970 = arith.constant 16 : i32
      %add3A_1971 = vector.broadcast %add3A_1970 : i32 to vector<16xi32>
      %add3A_1972 = arith.addi %add3A_1938, %add3A_1971 : vector<16xi32>
      %gather3A_1973 = tpu.vector_load_idx %arg17[%broadcast_in_dim3A_1911, %add3A_1972] : memref<256x128xf32, #tpu.memory_space<vmem>>[vector<16xi32>, vector<16xi32>], vector<16xf32>,
      %mul3A_1974 = arith.mulf %gather3A_1965, %gather3A_1969 : vector<16xf32>
      %mul3A_1975 = arith.mulf %mul3A_1974, %gather3A_1973 : vector<16xf32>
      %add3A_1976 = arith.addf %add3A_1955, %mul3A_1975 : vector<16xf32>
      %mul3A_1977 = arith.mulf %gather3A_1965, %gather3A_1965 : vector<16xf32>
      %add3A_1978 = arith.addf %add3A_1961, %mul3A_1977 : vector<16xf32>
      %mul3A_1979 = arith.mulf %gather3A_1969, %gather3A_1969 : vector<16xf32>
      %add3A_1980 = arith.addf %add3A_1978, %mul3A_1979 : vector<16xf32>
      %mul3A_1981 = arith.mulf %gather3A_1973, %gather3A_1973 : vector<16xf32>
      %add3A_1982 = arith.addf %add3A_1980, %mul3A_1981 : vector<16xf32>
      %add3A_1983 = arith.constant 32 : i32
      %add3A_1984 = vector.broadcast %add3A_1983 : i32 to vector<16xi32>
      %add3A_1985 = arith.addi %add3A_1920, %add3A_1984 : vector<16xi32>
      %gather3A_1986 = tpu.vector_load_idx %arg15[%broadcast_in_dim3A_1911, %add3A_1985] : memref<256x128xf32, #tpu.memory_space<vmem>>[vector<16xi32>, vector<16xi32>], vector<16xf32>,
      %add3A_1987 = arith.constant 32 : i32
      %add3A_1988 = vector.broadcast %add3A_1987 : i32 to vector<16xi32>
      %add3A_1989 = arith.addi %add3A_1929, %add3A_1988 : vector<16xi32>
      %gather3A_1990 = tpu.vector_load_idx %arg16[%broadcast_in_dim3A_1911, %add3A_1989] : memref<256x128xf32, #tpu.memory_space<vmem>>[vector<16xi32>, vector<16xi32>], vector<16xf32>,
      %add3A_1991 = arith.constant 32 : i32
      %add3A_1992 = vector.broadcast %add3A_1991 : i32 to vector<16xi32>
      %add3A_1993 = arith.addi %add3A_1938, %add3A_1992 : vector<16xi32>
      %gather3A_1994 = tpu.vector_load_idx %arg17[%broadcast_in_dim3A_1911, %add3A_1993] : memref<256x128xf32, #tpu.memory_space<vmem>>[vector<16xi32>, vector<16xi32>], vector<16xf32>,
      %mul3A_1995 = arith.mulf %gather3A_1986, %gather3A_1990 : vector<16xf32>
      %mul3A_1996 = arith.mulf %mul3A_1995, %gather3A_1994 : vector<16xf32>
      %add3A_1997 = arith.addf %add3A_1976, %mul3A_1996 : vector<16xf32>
      %mul3A_1998 = arith.mulf %gather3A_1986, %gather3A_1986 : vector<16xf32>
      %add3A_1999 = arith.addf %add3A_1982, %mul3A_1998 : vector<16xf32>
      %mul3A_2000 = arith.mulf %gather3A_1990, %gather3A_1990 : vector<16xf32>
      %add3A_2001 = arith.addf %add3A_1999, %mul3A_2000 : vector<16xf32>
      %mul3A_2002 = arith.mulf %gather3A_1994, %gather3A_1994 : vector<16xf32>
      %add3A_2003 = arith.addf %add3A_2001, %mul3A_2002 : vector<16xf32>
      %add3A_2004 = arith.constant 48 : i32
      %add3A_2005 = vector.broadcast %add3A_2004 : i32 to vector<16xi32>
      %add3A_2006 = arith.addi %add3A_1920, %add3A_2005 : vector<16xi32>
      %gather3A_2007 = tpu.vector_load_idx %arg15[%broadcast_in_dim3A_1911, %add3A_2006] : memref<256x128xf32, #tpu.memory_space<vmem>>[vector<16xi32>, vector<16xi32>], vector<16xf32>,
      %add3A_2008 = arith.constant 48 : i32
      %add3A_2009 = vector.broadcast %add3A_2008 : i32 to vector<16xi32>
      %add3A_2010 = arith.addi %add3A_1929, %add3A_2009 : vector<16xi32>
      %gather3A_2011 = tpu.vector_load_idx %arg16[%broadcast_in_dim3A_1911, %add3A_2010] : memref<256x128xf32, #tpu.memory_space<vmem>>[vector<16xi32>, vector<16xi32>], vector<16xf32>,
      %add3A_2012 = arith.constant 48 : i32
      %add3A_2013 = vector.broadcast %add3A_2012 : i32 to vector<16xi32>
      %add3A_2014 = arith.addi %add3A_1938, %add3A_2013 : vector<16xi32>
      %gather3A_2015 = tpu.vector_load_idx %arg17[%broadcast_in_dim3A_1911, %add3A_2014] : memref<256x128xf32, #tpu.memory_space<vmem>>[vector<16xi32>, vector<16xi32>], vector<16xf32>,
      %mul3A_2016 = arith.mulf %gather3A_2007, %gather3A_2011 : vector<16xf32>
      %mul3A_2017 = arith.mulf %mul3A_2016, %gather3A_2015 : vector<16xf32>
      %add3A_2018 = arith.addf %add3A_1997, %mul3A_2017 : vector<16xf32>
      %mul3A_2019 = arith.mulf %gather3A_2007, %gather3A_2007 : vector<16xf32>
      %add3A_2020 = arith.addf %add3A_2003, %mul3A_2019 : vector<16xf32>
      %mul3A_2021 = arith.mulf %gather3A_2011, %gather3A_2011 : vector<16xf32>
      %add3A_2022 = arith.addf %add3A_2020, %mul3A_2021 : vector<16xf32>
      %mul3A_2023 = arith.mulf %gather3A_2015, %gather3A_2015 : vector<16xf32>
      %add3A_2024 = arith.addf %add3A_2022, %mul3A_2023 : vector<16xf32>
      %reduce_sum3A_2025 = arith.constant true
      %reduce_sum3A_2026 = vector.broadcast %reduce_sum3A_2025 : i1 to vector<16xi1>
      %reduce_sum3A_2027 = tpu.scan <sum>, %add3A_2018 masked %reduce_sum3A_2026 : vector<16xf32>, vector<16xi1> -> vector<16xf32>
      %reduce_sum3A_2028 = vector.extract %reduce_sum3A_2027[15] : f32 from vector<16xf32>
      %broadcast_in_dim3A_2029 = vector.broadcast %reduce_sum3A_2028 : f32 to vector<16xf32>
      %select_n3A_2030 = arith.select %eq3A_1446, %broadcast_in_dim3A_2029, %select_n3A_1908 : vector<16xi1>, vector<16xf32>
      %add3A_2031 = arith.constant 4 : i32
      %add3A_2032 = arith.addi %mul3A_1544, %add3A_2031 : i32
      %broadcast_in_dim3A_2033 = vector.broadcast %add3A_2032 : i32 to vector<16xi32>
      %slice3A_2034 = vector.extract_strided_slice %get3A_1532 {offsets = [4], sizes = [1], strides = [1]} : vector<16xi32> to vector<1xi32>
      %squeeze3A_2035 = vector.extract %slice3A_2034[0] : i32 from vector<1xi32>
      %ge3A_2036 = arith.constant 507904 : i32
      %ge3A_2037 = arith.cmpi sge, %squeeze3A_2035, %ge3A_2036 : i32
      %jit3A_2038 = arith.constant 64 : i32
      %jit3A_2039 = arith.constant 0 : i32
      %select_n3A_2040 = arith.select %ge3A_2037, %jit3A_2038, %jit3A_2039 : i32
      %add3A_2041 = vector.broadcast %select_n3A_2040 : i32 to vector<16xi32>
      %add3A_2042 = arith.addi %add3A_2041, %iota3A : vector<16xi32>
      %slice3A_2043 = vector.extract_strided_slice %get3A_1536 {offsets = [4], sizes = [1], strides = [1]} : vector<16xi32> to vector<1xi32>
      %squeeze3A_2044 = vector.extract %slice3A_2043[0] : i32 from vector<1xi32>
      %ge3A_2045 = arith.constant 507904 : i32
      %ge3A_2046 = arith.cmpi sge, %squeeze3A_2044, %ge3A_2045 : i32
      %jit3A_2047 = arith.constant 64 : i32
      %jit3A_2048 = arith.constant 0 : i32
      %select_n3A_2049 = arith.select %ge3A_2046, %jit3A_2047, %jit3A_2048 : i32
      %add3A_2050 = vector.broadcast %select_n3A_2049 : i32 to vector<16xi32>
      %add3A_2051 = arith.addi %add3A_2050, %iota3A : vector<16xi32>
      %slice3A_2052 = vector.extract_strided_slice %get3A_1540 {offsets = [4], sizes = [1], strides = [1]} : vector<16xi32> to vector<1xi32>
      %squeeze3A_2053 = vector.extract %slice3A_2052[0] : i32 from vector<1xi32>
      %ge3A_2054 = arith.constant 507904 : i32
      %ge3A_2055 = arith.cmpi sge, %squeeze3A_2053, %ge3A_2054 : i32
      %jit3A_2056 = arith.constant 64 : i32
      %jit3A_2057 = arith.constant 0 : i32
      %select_n3A_2058 = arith.select %ge3A_2055, %jit3A_2056, %jit3A_2057 : i32
      %add3A_2059 = vector.broadcast %select_n3A_2058 : i32 to vector<16xi32>
      %add3A_2060 = arith.addi %add3A_2059, %iota3A : vector<16xi32>
      %broadcast_in_dim3A_2061 = arith.constant 0.000000e+00 : f32
      %broadcast_in_dim3A_2062 = vector.broadcast %broadcast_in_dim3A_2061 : f32 to vector<16xf32>
      %add3A_2063 = arith.constant 0 : i32
      %add3A_2064 = vector.broadcast %add3A_2063 : i32 to vector<16xi32>
      %add3A_2065 = arith.addi %add3A_2042, %add3A_2064 : vector<16xi32>
      %gather3A_2066 = tpu.vector_load_idx %arg15[%broadcast_in_dim3A_2033, %add3A_2065] : memref<256x128xf32, #tpu.memory_space<vmem>>[vector<16xi32>, vector<16xi32>], vector<16xf32>,
      %add3A_2067 = arith.constant 0 : i32
      %add3A_2068 = vector.broadcast %add3A_2067 : i32 to vector<16xi32>
      %add3A_2069 = arith.addi %add3A_2051, %add3A_2068 : vector<16xi32>
      %gather3A_2070 = tpu.vector_load_idx %arg16[%broadcast_in_dim3A_2033, %add3A_2069] : memref<256x128xf32, #tpu.memory_space<vmem>>[vector<16xi32>, vector<16xi32>], vector<16xf32>,
      %add3A_2071 = arith.constant 0 : i32
      %add3A_2072 = vector.broadcast %add3A_2071 : i32 to vector<16xi32>
      %add3A_2073 = arith.addi %add3A_2060, %add3A_2072 : vector<16xi32>
      %gather3A_2074 = tpu.vector_load_idx %arg17[%broadcast_in_dim3A_2033, %add3A_2073] : memref<256x128xf32, #tpu.memory_space<vmem>>[vector<16xi32>, vector<16xi32>], vector<16xf32>,
      %mul3A_2075 = arith.mulf %gather3A_2066, %gather3A_2070 : vector<16xf32>
      %mul3A_2076 = arith.mulf %mul3A_2075, %gather3A_2074 : vector<16xf32>
      %add3A_2077 = arith.addf %broadcast_in_dim3A_2062, %mul3A_2076 : vector<16xf32>
      %mul3A_2078 = arith.mulf %gather3A_2066, %gather3A_2066 : vector<16xf32>
      %add3A_2079 = arith.addf %add3A_2024, %mul3A_2078 : vector<16xf32>
      %mul3A_2080 = arith.mulf %gather3A_2070, %gather3A_2070 : vector<16xf32>
      %add3A_2081 = arith.addf %add3A_2079, %mul3A_2080 : vector<16xf32>
      %mul3A_2082 = arith.mulf %gather3A_2074, %gather3A_2074 : vector<16xf32>
      %add3A_2083 = arith.addf %add3A_2081, %mul3A_2082 : vector<16xf32>
      %add3A_2084 = arith.constant 16 : i32
      %add3A_2085 = vector.broadcast %add3A_2084 : i32 to vector<16xi32>
      %add3A_2086 = arith.addi %add3A_2042, %add3A_2085 : vector<16xi32>
      %gather3A_2087 = tpu.vector_load_idx %arg15[%broadcast_in_dim3A_2033, %add3A_2086] : memref<256x128xf32, #tpu.memory_space<vmem>>[vector<16xi32>, vector<16xi32>], vector<16xf32>,
      %add3A_2088 = arith.constant 16 : i32
      %add3A_2089 = vector.broadcast %add3A_2088 : i32 to vector<16xi32>
      %add3A_2090 = arith.addi %add3A_2051, %add3A_2089 : vector<16xi32>
      %gather3A_2091 = tpu.vector_load_idx %arg16[%broadcast_in_dim3A_2033, %add3A_2090] : memref<256x128xf32, #tpu.memory_space<vmem>>[vector<16xi32>, vector<16xi32>], vector<16xf32>,
      %add3A_2092 = arith.constant 16 : i32
      %add3A_2093 = vector.broadcast %add3A_2092 : i32 to vector<16xi32>
      %add3A_2094 = arith.addi %add3A_2060, %add3A_2093 : vector<16xi32>
      %gather3A_2095 = tpu.vector_load_idx %arg17[%broadcast_in_dim3A_2033, %add3A_2094] : memref<256x128xf32, #tpu.memory_space<vmem>>[vector<16xi32>, vector<16xi32>], vector<16xf32>,
      %mul3A_2096 = arith.mulf %gather3A_2087, %gather3A_2091 : vector<16xf32>
      %mul3A_2097 = arith.mulf %mul3A_2096, %gather3A_2095 : vector<16xf32>
      %add3A_2098 = arith.addf %add3A_2077, %mul3A_2097 : vector<16xf32>
      %mul3A_2099 = arith.mulf %gather3A_2087, %gather3A_2087 : vector<16xf32>
      %add3A_2100 = arith.addf %add3A_2083, %mul3A_2099 : vector<16xf32>
      %mul3A_2101 = arith.mulf %gather3A_2091, %gather3A_2091 : vector<16xf32>
      %add3A_2102 = arith.addf %add3A_2100, %mul3A_2101 : vector<16xf32>
      %mul3A_2103 = arith.mulf %gather3A_2095, %gather3A_2095 : vector<16xf32>
      %add3A_2104 = arith.addf %add3A_2102, %mul3A_2103 : vector<16xf32>
      %add3A_2105 = arith.constant 32 : i32
      %add3A_2106 = vector.broadcast %add3A_2105 : i32 to vector<16xi32>
      %add3A_2107 = arith.addi %add3A_2042, %add3A_2106 : vector<16xi32>
      %gather3A_2108 = tpu.vector_load_idx %arg15[%broadcast_in_dim3A_2033, %add3A_2107] : memref<256x128xf32, #tpu.memory_space<vmem>>[vector<16xi32>, vector<16xi32>], vector<16xf32>,
      %add3A_2109 = arith.constant 32 : i32
      %add3A_2110 = vector.broadcast %add3A_2109 : i32 to vector<16xi32>
      %add3A_2111 = arith.addi %add3A_2051, %add3A_2110 : vector<16xi32>
      %gather3A_2112 = tpu.vector_load_idx %arg16[%broadcast_in_dim3A_2033, %add3A_2111] : memref<256x128xf32, #tpu.memory_space<vmem>>[vector<16xi32>, vector<16xi32>], vector<16xf32>,
      %add3A_2113 = arith.constant 32 : i32
      %add3A_2114 = vector.broadcast %add3A_2113 : i32 to vector<16xi32>
      %add3A_2115 = arith.addi %add3A_2060, %add3A_2114 : vector<16xi32>
      %gather3A_2116 = tpu.vector_load_idx %arg17[%broadcast_in_dim3A_2033, %add3A_2115] : memref<256x128xf32, #tpu.memory_space<vmem>>[vector<16xi32>, vector<16xi32>], vector<16xf32>,
      %mul3A_2117 = arith.mulf %gather3A_2108, %gather3A_2112 : vector<16xf32>
      %mul3A_2118 = arith.mulf %mul3A_2117, %gather3A_2116 : vector<16xf32>
      %add3A_2119 = arith.addf %add3A_2098, %mul3A_2118 : vector<16xf32>
      %mul3A_2120 = arith.mulf %gather3A_2108, %gather3A_2108 : vector<16xf32>
      %add3A_2121 = arith.addf %add3A_2104, %mul3A_2120 : vector<16xf32>
      %mul3A_2122 = arith.mulf %gather3A_2112, %gather3A_2112 : vector<16xf32>
      %add3A_2123 = arith.addf %add3A_2121, %mul3A_2122 : vector<16xf32>
      %mul3A_2124 = arith.mulf %gather3A_2116, %gather3A_2116 : vector<16xf32>
      %add3A_2125 = arith.addf %add3A_2123, %mul3A_2124 : vector<16xf32>
      %add3A_2126 = arith.constant 48 : i32
      %add3A_2127 = vector.broadcast %add3A_2126 : i32 to vector<16xi32>
      %add3A_2128 = arith.addi %add3A_2042, %add3A_2127 : vector<16xi32>
      %gather3A_2129 = tpu.vector_load_idx %arg15[%broadcast_in_dim3A_2033, %add3A_2128] : memref<256x128xf32, #tpu.memory_space<vmem>>[vector<16xi32>, vector<16xi32>], vector<16xf32>,
      %add3A_2130 = arith.constant 48 : i32
      %add3A_2131 = vector.broadcast %add3A_2130 : i32 to vector<16xi32>
      %add3A_2132 = arith.addi %add3A_2051, %add3A_2131 : vector<16xi32>
      %gather3A_2133 = tpu.vector_load_idx %arg16[%broadcast_in_dim3A_2033, %add3A_2132] : memref<256x128xf32, #tpu.memory_space<vmem>>[vector<16xi32>, vector<16xi32>], vector<16xf32>,
      %add3A_2134 = arith.constant 48 : i32
      %add3A_2135 = vector.broadcast %add3A_2134 : i32 to vector<16xi32>
      %add3A_2136 = arith.addi %add3A_2060, %add3A_2135 : vector<16xi32>
      %gather3A_2137 = tpu.vector_load_idx %arg17[%broadcast_in_dim3A_2033, %add3A_2136] : memref<256x128xf32, #tpu.memory_space<vmem>>[vector<16xi32>, vector<16xi32>], vector<16xf32>,
      %mul3A_2138 = arith.mulf %gather3A_2129, %gather3A_2133 : vector<16xf32>
      %mul3A_2139 = arith.mulf %mul3A_2138, %gather3A_2137 : vector<16xf32>
      %add3A_2140 = arith.addf %add3A_2119, %mul3A_2139 : vector<16xf32>
      %mul3A_2141 = arith.mulf %gather3A_2129, %gather3A_2129 : vector<16xf32>
      %add3A_2142 = arith.addf %add3A_2125, %mul3A_2141 : vector<16xf32>
      %mul3A_2143 = arith.mulf %gather3A_2133, %gather3A_2133 : vector<16xf32>
      %add3A_2144 = arith.addf %add3A_2142, %mul3A_2143 : vector<16xf32>
      %mul3A_2145 = arith.mulf %gather3A_2137, %gather3A_2137 : vector<16xf32>
      %add3A_2146 = arith.addf %add3A_2144, %mul3A_2145 : vector<16xf32>
      %reduce_sum3A_2147 = arith.constant true
      %reduce_sum3A_2148 = vector.broadcast %reduce_sum3A_2147 : i1 to vector<16xi1>
      %reduce_sum3A_2149 = tpu.scan <sum>, %add3A_2140 masked %reduce_sum3A_2148 : vector<16xf32>, vector<16xi1> -> vector<16xf32>
      %reduce_sum3A_2150 = vector.extract %reduce_sum3A_2149[15] : f32 from vector<16xf32>
      %broadcast_in_dim3A_2151 = vector.broadcast %reduce_sum3A_2150 : f32 to vector<16xf32>
      %select_n3A_2152 = arith.select %eq3A_1449, %broadcast_in_dim3A_2151, %select_n3A_2030 : vector<16xi1>, vector<16xf32>
      %add3A_2153 = arith.constant 5 : i32
      %add3A_2154 = arith.addi %mul3A_1544, %add3A_2153 : i32
      %broadcast_in_dim3A_2155 = vector.broadcast %add3A_2154 : i32 to vector<16xi32>
      %slice3A_2156 = vector.extract_strided_slice %get3A_1532 {offsets = [5], sizes = [1], strides = [1]} : vector<16xi32> to vector<1xi32>
      %squeeze3A_2157 = vector.extract %slice3A_2156[0] : i32 from vector<1xi32>
      %ge3A_2158 = arith.constant 507904 : i32
      %ge3A_2159 = arith.cmpi sge, %squeeze3A_2157, %ge3A_2158 : i32
      %jit3A_2160 = arith.constant 64 : i32
      %jit3A_2161 = arith.constant 0 : i32
      %select_n3A_2162 = arith.select %ge3A_2159, %jit3A_2160, %jit3A_2161 : i32
      %add3A_2163 = vector.broadcast %select_n3A_2162 : i32 to vector<16xi32>
      %add3A_2164 = arith.addi %add3A_2163, %iota3A : vector<16xi32>
      %slice3A_2165 = vector.extract_strided_slice %get3A_1536 {offsets = [5], sizes = [1], strides = [1]} : vector<16xi32> to vector<1xi32>
      %squeeze3A_2166 = vector.extract %slice3A_2165[0] : i32 from vector<1xi32>
      %ge3A_2167 = arith.constant 507904 : i32
      %ge3A_2168 = arith.cmpi sge, %squeeze3A_2166, %ge3A_2167 : i32
      %jit3A_2169 = arith.constant 64 : i32
      %jit3A_2170 = arith.constant 0 : i32
      %select_n3A_2171 = arith.select %ge3A_2168, %jit3A_2169, %jit3A_2170 : i32
      %add3A_2172 = vector.broadcast %select_n3A_2171 : i32 to vector<16xi32>
      %add3A_2173 = arith.addi %add3A_2172, %iota3A : vector<16xi32>
      %slice3A_2174 = vector.extract_strided_slice %get3A_1540 {offsets = [5], sizes = [1], strides = [1]} : vector<16xi32> to vector<1xi32>
      %squeeze3A_2175 = vector.extract %slice3A_2174[0] : i32 from vector<1xi32>
      %ge3A_2176 = arith.constant 507904 : i32
      %ge3A_2177 = arith.cmpi sge, %squeeze3A_2175, %ge3A_2176 : i32
      %jit3A_2178 = arith.constant 64 : i32
      %jit3A_2179 = arith.constant 0 : i32
      %select_n3A_2180 = arith.select %ge3A_2177, %jit3A_2178, %jit3A_2179 : i32
      %add3A_2181 = vector.broadcast %select_n3A_2180 : i32 to vector<16xi32>
      %add3A_2182 = arith.addi %add3A_2181, %iota3A : vector<16xi32>
      %broadcast_in_dim3A_2183 = arith.constant 0.000000e+00 : f32
      %broadcast_in_dim3A_2184 = vector.broadcast %broadcast_in_dim3A_2183 : f32 to vector<16xf32>
      %add3A_2185 = arith.constant 0 : i32
      %add3A_2186 = vector.broadcast %add3A_2185 : i32 to vector<16xi32>
      %add3A_2187 = arith.addi %add3A_2164, %add3A_2186 : vector<16xi32>
      %gather3A_2188 = tpu.vector_load_idx %arg15[%broadcast_in_dim3A_2155, %add3A_2187] : memref<256x128xf32, #tpu.memory_space<vmem>>[vector<16xi32>, vector<16xi32>], vector<16xf32>,
      %add3A_2189 = arith.constant 0 : i32
      %add3A_2190 = vector.broadcast %add3A_2189 : i32 to vector<16xi32>
      %add3A_2191 = arith.addi %add3A_2173, %add3A_2190 : vector<16xi32>
      %gather3A_2192 = tpu.vector_load_idx %arg16[%broadcast_in_dim3A_2155, %add3A_2191] : memref<256x128xf32, #tpu.memory_space<vmem>>[vector<16xi32>, vector<16xi32>], vector<16xf32>,
      %add3A_2193 = arith.constant 0 : i32
      %add3A_2194 = vector.broadcast %add3A_2193 : i32 to vector<16xi32>
      %add3A_2195 = arith.addi %add3A_2182, %add3A_2194 : vector<16xi32>
      %gather3A_2196 = tpu.vector_load_idx %arg17[%broadcast_in_dim3A_2155, %add3A_2195] : memref<256x128xf32, #tpu.memory_space<vmem>>[vector<16xi32>, vector<16xi32>], vector<16xf32>,
      %mul3A_2197 = arith.mulf %gather3A_2188, %gather3A_2192 : vector<16xf32>
      %mul3A_2198 = arith.mulf %mul3A_2197, %gather3A_2196 : vector<16xf32>
      %add3A_2199 = arith.addf %broadcast_in_dim3A_2184, %mul3A_2198 : vector<16xf32>
      %mul3A_2200 = arith.mulf %gather3A_2188, %gather3A_2188 : vector<16xf32>
      %add3A_2201 = arith.addf %add3A_2146, %mul3A_2200 : vector<16xf32>
      %mul3A_2202 = arith.mulf %gather3A_2192, %gather3A_2192 : vector<16xf32>
      %add3A_2203 = arith.addf %add3A_2201, %mul3A_2202 : vector<16xf32>
      %mul3A_2204 = arith.mulf %gather3A_2196, %gather3A_2196 : vector<16xf32>
      %add3A_2205 = arith.addf %add3A_2203, %mul3A_2204 : vector<16xf32>
      %add3A_2206 = arith.constant 16 : i32
      %add3A_2207 = vector.broadcast %add3A_2206 : i32 to vector<16xi32>
      %add3A_2208 = arith.addi %add3A_2164, %add3A_2207 : vector<16xi32>
      %gather3A_2209 = tpu.vector_load_idx %arg15[%broadcast_in_dim3A_2155, %add3A_2208] : memref<256x128xf32, #tpu.memory_space<vmem>>[vector<16xi32>, vector<16xi32>], vector<16xf32>,
      %add3A_2210 = arith.constant 16 : i32
      %add3A_2211 = vector.broadcast %add3A_2210 : i32 to vector<16xi32>
      %add3A_2212 = arith.addi %add3A_2173, %add3A_2211 : vector<16xi32>
      %gather3A_2213 = tpu.vector_load_idx %arg16[%broadcast_in_dim3A_2155, %add3A_2212] : memref<256x128xf32, #tpu.memory_space<vmem>>[vector<16xi32>, vector<16xi32>], vector<16xf32>,
      %add3A_2214 = arith.constant 16 : i32
      %add3A_2215 = vector.broadcast %add3A_2214 : i32 to vector<16xi32>
      %add3A_2216 = arith.addi %add3A_2182, %add3A_2215 : vector<16xi32>
      %gather3A_2217 = tpu.vector_load_idx %arg17[%broadcast_in_dim3A_2155, %add3A_2216] : memref<256x128xf32, #tpu.memory_space<vmem>>[vector<16xi32>, vector<16xi32>], vector<16xf32>,
      %mul3A_2218 = arith.mulf %gather3A_2209, %gather3A_2213 : vector<16xf32>
      %mul3A_2219 = arith.mulf %mul3A_2218, %gather3A_2217 : vector<16xf32>
      %add3A_2220 = arith.addf %add3A_2199, %mul3A_2219 : vector<16xf32>
      %mul3A_2221 = arith.mulf %gather3A_2209, %gather3A_2209 : vector<16xf32>
      %add3A_2222 = arith.addf %add3A_2205, %mul3A_2221 : vector<16xf32>
      %mul3A_2223 = arith.mulf %gather3A_2213, %gather3A_2213 : vector<16xf32>
      %add3A_2224 = arith.addf %add3A_2222, %mul3A_2223 : vector<16xf32>
      %mul3A_2225 = arith.mulf %gather3A_2217, %gather3A_2217 : vector<16xf32>
      %add3A_2226 = arith.addf %add3A_2224, %mul3A_2225 : vector<16xf32>
      %add3A_2227 = arith.constant 32 : i32
      %add3A_2228 = vector.broadcast %add3A_2227 : i32 to vector<16xi32>
      %add3A_2229 = arith.addi %add3A_2164, %add3A_2228 : vector<16xi32>
      %gather3A_2230 = tpu.vector_load_idx %arg15[%broadcast_in_dim3A_2155, %add3A_2229] : memref<256x128xf32, #tpu.memory_space<vmem>>[vector<16xi32>, vector<16xi32>], vector<16xf32>,
      %add3A_2231 = arith.constant 32 : i32
      %add3A_2232 = vector.broadcast %add3A_2231 : i32 to vector<16xi32>
      %add3A_2233 = arith.addi %add3A_2173, %add3A_2232 : vector<16xi32>
      %gather3A_2234 = tpu.vector_load_idx %arg16[%broadcast_in_dim3A_2155, %add3A_2233] : memref<256x128xf32, #tpu.memory_space<vmem>>[vector<16xi32>, vector<16xi32>], vector<16xf32>,
      %add3A_2235 = arith.constant 32 : i32
      %add3A_2236 = vector.broadcast %add3A_2235 : i32 to vector<16xi32>
      %add3A_2237 = arith.addi %add3A_2182, %add3A_2236 : vector<16xi32>
      %gather3A_2238 = tpu.vector_load_idx %arg17[%broadcast_in_dim3A_2155, %add3A_2237] : memref<256x128xf32, #tpu.memory_space<vmem>>[vector<16xi32>, vector<16xi32>], vector<16xf32>,
      %mul3A_2239 = arith.mulf %gather3A_2230, %gather3A_2234 : vector<16xf32>
      %mul3A_2240 = arith.mulf %mul3A_2239, %gather3A_2238 : vector<16xf32>
      %add3A_2241 = arith.addf %add3A_2220, %mul3A_2240 : vector<16xf32>
      %mul3A_2242 = arith.mulf %gather3A_2230, %gather3A_2230 : vector<16xf32>
      %add3A_2243 = arith.addf %add3A_2226, %mul3A_2242 : vector<16xf32>
      %mul3A_2244 = arith.mulf %gather3A_2234, %gather3A_2234 : vector<16xf32>
      %add3A_2245 = arith.addf %add3A_2243, %mul3A_2244 : vector<16xf32>
      %mul3A_2246 = arith.mulf %gather3A_2238, %gather3A_2238 : vector<16xf32>
      %add3A_2247 = arith.addf %add3A_2245, %mul3A_2246 : vector<16xf32>
      %add3A_2248 = arith.constant 48 : i32
      %add3A_2249 = vector.broadcast %add3A_2248 : i32 to vector<16xi32>
      %add3A_2250 = arith.addi %add3A_2164, %add3A_2249 : vector<16xi32>
      %gather3A_2251 = tpu.vector_load_idx %arg15[%broadcast_in_dim3A_2155, %add3A_2250] : memref<256x128xf32, #tpu.memory_space<vmem>>[vector<16xi32>, vector<16xi32>], vector<16xf32>,
      %add3A_2252 = arith.constant 48 : i32
      %add3A_2253 = vector.broadcast %add3A_2252 : i32 to vector<16xi32>
      %add3A_2254 = arith.addi %add3A_2173, %add3A_2253 : vector<16xi32>
      %gather3A_2255 = tpu.vector_load_idx %arg16[%broadcast_in_dim3A_2155, %add3A_2254] : memref<256x128xf32, #tpu.memory_space<vmem>>[vector<16xi32>, vector<16xi32>], vector<16xf32>,
      %add3A_2256 = arith.constant 48 : i32
      %add3A_2257 = vector.broadcast %add3A_2256 : i32 to vector<16xi32>
      %add3A_2258 = arith.addi %add3A_2182, %add3A_2257 : vector<16xi32>
      %gather3A_2259 = tpu.vector_load_idx %arg17[%broadcast_in_dim3A_2155, %add3A_2258] : memref<256x128xf32, #tpu.memory_space<vmem>>[vector<16xi32>, vector<16xi32>], vector<16xf32>,
      %mul3A_2260 = arith.mulf %gather3A_2251, %gather3A_2255 : vector<16xf32>
      %mul3A_2261 = arith.mulf %mul3A_2260, %gather3A_2259 : vector<16xf32>
      %add3A_2262 = arith.addf %add3A_2241, %mul3A_2261 : vector<16xf32>
      %mul3A_2263 = arith.mulf %gather3A_2251, %gather3A_2251 : vector<16xf32>
      %add3A_2264 = arith.addf %add3A_2247, %mul3A_2263 : vector<16xf32>
      %mul3A_2265 = arith.mulf %gather3A_2255, %gather3A_2255 : vector<16xf32>
      %add3A_2266 = arith.addf %add3A_2264, %mul3A_2265 : vector<16xf32>
      %mul3A_2267 = arith.mulf %gather3A_2259, %gather3A_2259 : vector<16xf32>
      %add3A_2268 = arith.addf %add3A_2266, %mul3A_2267 : vector<16xf32>
      %reduce_sum3A_2269 = arith.constant true
      %reduce_sum3A_2270 = vector.broadcast %reduce_sum3A_2269 : i1 to vector<16xi1>
      %reduce_sum3A_2271 = tpu.scan <sum>, %add3A_2262 masked %reduce_sum3A_2270 : vector<16xf32>, vector<16xi1> -> vector<16xf32>
      %reduce_sum3A_2272 = vector.extract %reduce_sum3A_2271[15] : f32 from vector<16xf32>
      %broadcast_in_dim3A_2273 = vector.broadcast %reduce_sum3A_2272 : f32 to vector<16xf32>
      %select_n3A_2274 = arith.select %eq3A_1452, %broadcast_in_dim3A_2273, %select_n3A_2152 : vector<16xi1>, vector<16xf32>
      %add3A_2275 = arith.constant 6 : i32
      %add3A_2276 = arith.addi %mul3A_1544, %add3A_2275 : i32
      %broadcast_in_dim3A_2277 = vector.broadcast %add3A_2276 : i32 to vector<16xi32>
      %slice3A_2278 = vector.extract_strided_slice %get3A_1532 {offsets = [6], sizes = [1], strides = [1]} : vector<16xi32> to vector<1xi32>
      %squeeze3A_2279 = vector.extract %slice3A_2278[0] : i32 from vector<1xi32>
      %ge3A_2280 = arith.constant 507904 : i32
      %ge3A_2281 = arith.cmpi sge, %squeeze3A_2279, %ge3A_2280 : i32
      %jit3A_2282 = arith.constant 64 : i32
      %jit3A_2283 = arith.constant 0 : i32
      %select_n3A_2284 = arith.select %ge3A_2281, %jit3A_2282, %jit3A_2283 : i32
      %add3A_2285 = vector.broadcast %select_n3A_2284 : i32 to vector<16xi32>
      %add3A_2286 = arith.addi %add3A_2285, %iota3A : vector<16xi32>
      %slice3A_2287 = vector.extract_strided_slice %get3A_1536 {offsets = [6], sizes = [1], strides = [1]} : vector<16xi32> to vector<1xi32>
      %squeeze3A_2288 = vector.extract %slice3A_2287[0] : i32 from vector<1xi32>
      %ge3A_2289 = arith.constant 507904 : i32
      %ge3A_2290 = arith.cmpi sge, %squeeze3A_2288, %ge3A_2289 : i32
      %jit3A_2291 = arith.constant 64 : i32
      %jit3A_2292 = arith.constant 0 : i32
      %select_n3A_2293 = arith.select %ge3A_2290, %jit3A_2291, %jit3A_2292 : i32
      %add3A_2294 = vector.broadcast %select_n3A_2293 : i32 to vector<16xi32>
      %add3A_2295 = arith.addi %add3A_2294, %iota3A : vector<16xi32>
      %slice3A_2296 = vector.extract_strided_slice %get3A_1540 {offsets = [6], sizes = [1], strides = [1]} : vector<16xi32> to vector<1xi32>
      %squeeze3A_2297 = vector.extract %slice3A_2296[0] : i32 from vector<1xi32>
      %ge3A_2298 = arith.constant 507904 : i32
      %ge3A_2299 = arith.cmpi sge, %squeeze3A_2297, %ge3A_2298 : i32
      %jit3A_2300 = arith.constant 64 : i32
      %jit3A_2301 = arith.constant 0 : i32
      %select_n3A_2302 = arith.select %ge3A_2299, %jit3A_2300, %jit3A_2301 : i32
      %add3A_2303 = vector.broadcast %select_n3A_2302 : i32 to vector<16xi32>
      %add3A_2304 = arith.addi %add3A_2303, %iota3A : vector<16xi32>
      %broadcast_in_dim3A_2305 = arith.constant 0.000000e+00 : f32
      %broadcast_in_dim3A_2306 = vector.broadcast %broadcast_in_dim3A_2305 : f32 to vector<16xf32>
      %add3A_2307 = arith.constant 0 : i32
      %add3A_2308 = vector.broadcast %add3A_2307 : i32 to vector<16xi32>
      %add3A_2309 = arith.addi %add3A_2286, %add3A_2308 : vector<16xi32>
      %gather3A_2310 = tpu.vector_load_idx %arg15[%broadcast_in_dim3A_2277, %add3A_2309] : memref<256x128xf32, #tpu.memory_space<vmem>>[vector<16xi32>, vector<16xi32>], vector<16xf32>,
      %add3A_2311 = arith.constant 0 : i32
      %add3A_2312 = vector.broadcast %add3A_2311 : i32 to vector<16xi32>
      %add3A_2313 = arith.addi %add3A_2295, %add3A_2312 : vector<16xi32>
      %gather3A_2314 = tpu.vector_load_idx %arg16[%broadcast_in_dim3A_2277, %add3A_2313] : memref<256x128xf32, #tpu.memory_space<vmem>>[vector<16xi32>, vector<16xi32>], vector<16xf32>,
      %add3A_2315 = arith.constant 0 : i32
      %add3A_2316 = vector.broadcast %add3A_2315 : i32 to vector<16xi32>
      %add3A_2317 = arith.addi %add3A_2304, %add3A_2316 : vector<16xi32>
      %gather3A_2318 = tpu.vector_load_idx %arg17[%broadcast_in_dim3A_2277, %add3A_2317] : memref<256x128xf32, #tpu.memory_space<vmem>>[vector<16xi32>, vector<16xi32>], vector<16xf32>,
      %mul3A_2319 = arith.mulf %gather3A_2310, %gather3A_2314 : vector<16xf32>
      %mul3A_2320 = arith.mulf %mul3A_2319, %gather3A_2318 : vector<16xf32>
      %add3A_2321 = arith.addf %broadcast_in_dim3A_2306, %mul3A_2320 : vector<16xf32>
      %mul3A_2322 = arith.mulf %gather3A_2310, %gather3A_2310 : vector<16xf32>
      %add3A_2323 = arith.addf %add3A_2268, %mul3A_2322 : vector<16xf32>
      %mul3A_2324 = arith.mulf %gather3A_2314, %gather3A_2314 : vector<16xf32>
      %add3A_2325 = arith.addf %add3A_2323, %mul3A_2324 : vector<16xf32>
      %mul3A_2326 = arith.mulf %gather3A_2318, %gather3A_2318 : vector<16xf32>
      %add3A_2327 = arith.addf %add3A_2325, %mul3A_2326 : vector<16xf32>
      %add3A_2328 = arith.constant 16 : i32
      %add3A_2329 = vector.broadcast %add3A_2328 : i32 to vector<16xi32>
      %add3A_2330 = arith.addi %add3A_2286, %add3A_2329 : vector<16xi32>
      %gather3A_2331 = tpu.vector_load_idx %arg15[%broadcast_in_dim3A_2277, %add3A_2330] : memref<256x128xf32, #tpu.memory_space<vmem>>[vector<16xi32>, vector<16xi32>], vector<16xf32>,
      %add3A_2332 = arith.constant 16 : i32
      %add3A_2333 = vector.broadcast %add3A_2332 : i32 to vector<16xi32>
      %add3A_2334 = arith.addi %add3A_2295, %add3A_2333 : vector<16xi32>
      %gather3A_2335 = tpu.vector_load_idx %arg16[%broadcast_in_dim3A_2277, %add3A_2334] : memref<256x128xf32, #tpu.memory_space<vmem>>[vector<16xi32>, vector<16xi32>], vector<16xf32>,
      %add3A_2336 = arith.constant 16 : i32
      %add3A_2337 = vector.broadcast %add3A_2336 : i32 to vector<16xi32>
      %add3A_2338 = arith.addi %add3A_2304, %add3A_2337 : vector<16xi32>
      %gather3A_2339 = tpu.vector_load_idx %arg17[%broadcast_in_dim3A_2277, %add3A_2338] : memref<256x128xf32, #tpu.memory_space<vmem>>[vector<16xi32>, vector<16xi32>], vector<16xf32>,
      %mul3A_2340 = arith.mulf %gather3A_2331, %gather3A_2335 : vector<16xf32>
      %mul3A_2341 = arith.mulf %mul3A_2340, %gather3A_2339 : vector<16xf32>
      %add3A_2342 = arith.addf %add3A_2321, %mul3A_2341 : vector<16xf32>
      %mul3A_2343 = arith.mulf %gather3A_2331, %gather3A_2331 : vector<16xf32>
      %add3A_2344 = arith.addf %add3A_2327, %mul3A_2343 : vector<16xf32>
      %mul3A_2345 = arith.mulf %gather3A_2335, %gather3A_2335 : vector<16xf32>
      %add3A_2346 = arith.addf %add3A_2344, %mul3A_2345 : vector<16xf32>
      %mul3A_2347 = arith.mulf %gather3A_2339, %gather3A_2339 : vector<16xf32>
      %add3A_2348 = arith.addf %add3A_2346, %mul3A_2347 : vector<16xf32>
      %add3A_2349 = arith.constant 32 : i32
      %add3A_2350 = vector.broadcast %add3A_2349 : i32 to vector<16xi32>
      %add3A_2351 = arith.addi %add3A_2286, %add3A_2350 : vector<16xi32>
      %gather3A_2352 = tpu.vector_load_idx %arg15[%broadcast_in_dim3A_2277, %add3A_2351] : memref<256x128xf32, #tpu.memory_space<vmem>>[vector<16xi32>, vector<16xi32>], vector<16xf32>,
      %add3A_2353 = arith.constant 32 : i32
      %add3A_2354 = vector.broadcast %add3A_2353 : i32 to vector<16xi32>
      %add3A_2355 = arith.addi %add3A_2295, %add3A_2354 : vector<16xi32>
      %gather3A_2356 = tpu.vector_load_idx %arg16[%broadcast_in_dim3A_2277, %add3A_2355] : memref<256x128xf32, #tpu.memory_space<vmem>>[vector<16xi32>, vector<16xi32>], vector<16xf32>,
      %add3A_2357 = arith.constant 32 : i32
      %add3A_2358 = vector.broadcast %add3A_2357 : i32 to vector<16xi32>
      %add3A_2359 = arith.addi %add3A_2304, %add3A_2358 : vector<16xi32>
      %gather3A_2360 = tpu.vector_load_idx %arg17[%broadcast_in_dim3A_2277, %add3A_2359] : memref<256x128xf32, #tpu.memory_space<vmem>>[vector<16xi32>, vector<16xi32>], vector<16xf32>,
      %mul3A_2361 = arith.mulf %gather3A_2352, %gather3A_2356 : vector<16xf32>
      %mul3A_2362 = arith.mulf %mul3A_2361, %gather3A_2360 : vector<16xf32>
      %add3A_2363 = arith.addf %add3A_2342, %mul3A_2362 : vector<16xf32>
      %mul3A_2364 = arith.mulf %gather3A_2352, %gather3A_2352 : vector<16xf32>
      %add3A_2365 = arith.addf %add3A_2348, %mul3A_2364 : vector<16xf32>
      %mul3A_2366 = arith.mulf %gather3A_2356, %gather3A_2356 : vector<16xf32>
      %add3A_2367 = arith.addf %add3A_2365, %mul3A_2366 : vector<16xf32>
      %mul3A_2368 = arith.mulf %gather3A_2360, %gather3A_2360 : vector<16xf32>
      %add3A_2369 = arith.addf %add3A_2367, %mul3A_2368 : vector<16xf32>
      %add3A_2370 = arith.constant 48 : i32
      %add3A_2371 = vector.broadcast %add3A_2370 : i32 to vector<16xi32>
      %add3A_2372 = arith.addi %add3A_2286, %add3A_2371 : vector<16xi32>
      %gather3A_2373 = tpu.vector_load_idx %arg15[%broadcast_in_dim3A_2277, %add3A_2372] : memref<256x128xf32, #tpu.memory_space<vmem>>[vector<16xi32>, vector<16xi32>], vector<16xf32>,
      %add3A_2374 = arith.constant 48 : i32
      %add3A_2375 = vector.broadcast %add3A_2374 : i32 to vector<16xi32>
      %add3A_2376 = arith.addi %add3A_2295, %add3A_2375 : vector<16xi32>
      %gather3A_2377 = tpu.vector_load_idx %arg16[%broadcast_in_dim3A_2277, %add3A_2376] : memref<256x128xf32, #tpu.memory_space<vmem>>[vector<16xi32>, vector<16xi32>], vector<16xf32>,
      %add3A_2378 = arith.constant 48 : i32
      %add3A_2379 = vector.broadcast %add3A_2378 : i32 to vector<16xi32>
      %add3A_2380 = arith.addi %add3A_2304, %add3A_2379 : vector<16xi32>
      %gather3A_2381 = tpu.vector_load_idx %arg17[%broadcast_in_dim3A_2277, %add3A_2380] : memref<256x128xf32, #tpu.memory_space<vmem>>[vector<16xi32>, vector<16xi32>], vector<16xf32>,
      %mul3A_2382 = arith.mulf %gather3A_2373, %gather3A_2377 : vector<16xf32>
      %mul3A_2383 = arith.mulf %mul3A_2382, %gather3A_2381 : vector<16xf32>
      %add3A_2384 = arith.addf %add3A_2363, %mul3A_2383 : vector<16xf32>
      %mul3A_2385 = arith.mulf %gather3A_2373, %gather3A_2373 : vector<16xf32>
      %add3A_2386 = arith.addf %add3A_2369, %mul3A_2385 : vector<16xf32>
      %mul3A_2387 = arith.mulf %gather3A_2377, %gather3A_2377 : vector<16xf32>
      %add3A_2388 = arith.addf %add3A_2386, %mul3A_2387 : vector<16xf32>
      %mul3A_2389 = arith.mulf %gather3A_2381, %gather3A_2381 : vector<16xf32>
      %add3A_2390 = arith.addf %add3A_2388, %mul3A_2389 : vector<16xf32>
      %reduce_sum3A_2391 = arith.constant true
      %reduce_sum3A_2392 = vector.broadcast %reduce_sum3A_2391 : i1 to vector<16xi1>
      %reduce_sum3A_2393 = tpu.scan <sum>, %add3A_2384 masked %reduce_sum3A_2392 : vector<16xf32>, vector<16xi1> -> vector<16xf32>
      %reduce_sum3A_2394 = vector.extract %reduce_sum3A_2393[15] : f32 from vector<16xf32>
      %broadcast_in_dim3A_2395 = vector.broadcast %reduce_sum3A_2394 : f32 to vector<16xf32>
      %select_n3A_2396 = arith.select %eq3A_1455, %broadcast_in_dim3A_2395, %select_n3A_2274 : vector<16xi1>, vector<16xf32>
      %add3A_2397 = arith.constant 7 : i32
      %add3A_2398 = arith.addi %mul3A_1544, %add3A_2397 : i32
      %broadcast_in_dim3A_2399 = vector.broadcast %add3A_2398 : i32 to vector<16xi32>
      %slice3A_2400 = vector.extract_strided_slice %get3A_1532 {offsets = [7], sizes = [1], strides = [1]} : vector<16xi32> to vector<1xi32>
      %squeeze3A_2401 = vector.extract %slice3A_2400[0] : i32 from vector<1xi32>
      %ge3A_2402 = arith.constant 507904 : i32
      %ge3A_2403 = arith.cmpi sge, %squeeze3A_2401, %ge3A_2402 : i32
      %jit3A_2404 = arith.constant 64 : i32
      %jit3A_2405 = arith.constant 0 : i32
      %select_n3A_2406 = arith.select %ge3A_2403, %jit3A_2404, %jit3A_2405 : i32
      %add3A_2407 = vector.broadcast %select_n3A_2406 : i32 to vector<16xi32>
      %add3A_2408 = arith.addi %add3A_2407, %iota3A : vector<16xi32>
      %slice3A_2409 = vector.extract_strided_slice %get3A_1536 {offsets = [7], sizes = [1], strides = [1]} : vector<16xi32> to vector<1xi32>
      %squeeze3A_2410 = vector.extract %slice3A_2409[0] : i32 from vector<1xi32>
      %ge3A_2411 = arith.constant 507904 : i32
      %ge3A_2412 = arith.cmpi sge, %squeeze3A_2410, %ge3A_2411 : i32
      %jit3A_2413 = arith.constant 64 : i32
      %jit3A_2414 = arith.constant 0 : i32
      %select_n3A_2415 = arith.select %ge3A_2412, %jit3A_2413, %jit3A_2414 : i32
      %add3A_2416 = vector.broadcast %select_n3A_2415 : i32 to vector<16xi32>
      %add3A_2417 = arith.addi %add3A_2416, %iota3A : vector<16xi32>
      %slice3A_2418 = vector.extract_strided_slice %get3A_1540 {offsets = [7], sizes = [1], strides = [1]} : vector<16xi32> to vector<1xi32>
      %squeeze3A_2419 = vector.extract %slice3A_2418[0] : i32 from vector<1xi32>
      %ge3A_2420 = arith.constant 507904 : i32
      %ge3A_2421 = arith.cmpi sge, %squeeze3A_2419, %ge3A_2420 : i32
      %jit3A_2422 = arith.constant 64 : i32
      %jit3A_2423 = arith.constant 0 : i32
      %select_n3A_2424 = arith.select %ge3A_2421, %jit3A_2422, %jit3A_2423 : i32
      %add3A_2425 = vector.broadcast %select_n3A_2424 : i32 to vector<16xi32>
      %add3A_2426 = arith.addi %add3A_2425, %iota3A : vector<16xi32>
      %broadcast_in_dim3A_2427 = arith.constant 0.000000e+00 : f32
      %broadcast_in_dim3A_2428 = vector.broadcast %broadcast_in_dim3A_2427 : f32 to vector<16xf32>
      %add3A_2429 = arith.constant 0 : i32
      %add3A_2430 = vector.broadcast %add3A_2429 : i32 to vector<16xi32>
      %add3A_2431 = arith.addi %add3A_2408, %add3A_2430 : vector<16xi32>
      %gather3A_2432 = tpu.vector_load_idx %arg15[%broadcast_in_dim3A_2399, %add3A_2431] : memref<256x128xf32, #tpu.memory_space<vmem>>[vector<16xi32>, vector<16xi32>], vector<16xf32>,
      %add3A_2433 = arith.constant 0 : i32
      %add3A_2434 = vector.broadcast %add3A_2433 : i32 to vector<16xi32>
      %add3A_2435 = arith.addi %add3A_2417, %add3A_2434 : vector<16xi32>
      %gather3A_2436 = tpu.vector_load_idx %arg16[%broadcast_in_dim3A_2399, %add3A_2435] : memref<256x128xf32, #tpu.memory_space<vmem>>[vector<16xi32>, vector<16xi32>], vector<16xf32>,
      %add3A_2437 = arith.constant 0 : i32
      %add3A_2438 = vector.broadcast %add3A_2437 : i32 to vector<16xi32>
      %add3A_2439 = arith.addi %add3A_2426, %add3A_2438 : vector<16xi32>
      %gather3A_2440 = tpu.vector_load_idx %arg17[%broadcast_in_dim3A_2399, %add3A_2439] : memref<256x128xf32, #tpu.memory_space<vmem>>[vector<16xi32>, vector<16xi32>], vector<16xf32>,
      %mul3A_2441 = arith.mulf %gather3A_2432, %gather3A_2436 : vector<16xf32>
      %mul3A_2442 = arith.mulf %mul3A_2441, %gather3A_2440 : vector<16xf32>
      %add3A_2443 = arith.addf %broadcast_in_dim3A_2428, %mul3A_2442 : vector<16xf32>
      %mul3A_2444 = arith.mulf %gather3A_2432, %gather3A_2432 : vector<16xf32>
      %add3A_2445 = arith.addf %add3A_2390, %mul3A_2444 : vector<16xf32>
      %mul3A_2446 = arith.mulf %gather3A_2436, %gather3A_2436 : vector<16xf32>
      %add3A_2447 = arith.addf %add3A_2445, %mul3A_2446 : vector<16xf32>
      %mul3A_2448 = arith.mulf %gather3A_2440, %gather3A_2440 : vector<16xf32>
      %add3A_2449 = arith.addf %add3A_2447, %mul3A_2448 : vector<16xf32>
      %add3A_2450 = arith.constant 16 : i32
      %add3A_2451 = vector.broadcast %add3A_2450 : i32 to vector<16xi32>
      %add3A_2452 = arith.addi %add3A_2408, %add3A_2451 : vector<16xi32>
      %gather3A_2453 = tpu.vector_load_idx %arg15[%broadcast_in_dim3A_2399, %add3A_2452] : memref<256x128xf32, #tpu.memory_space<vmem>>[vector<16xi32>, vector<16xi32>], vector<16xf32>,
      %add3A_2454 = arith.constant 16 : i32
      %add3A_2455 = vector.broadcast %add3A_2454 : i32 to vector<16xi32>
      %add3A_2456 = arith.addi %add3A_2417, %add3A_2455 : vector<16xi32>
      %gather3A_2457 = tpu.vector_load_idx %arg16[%broadcast_in_dim3A_2399, %add3A_2456] : memref<256x128xf32, #tpu.memory_space<vmem>>[vector<16xi32>, vector<16xi32>], vector<16xf32>,
      %add3A_2458 = arith.constant 16 : i32
      %add3A_2459 = vector.broadcast %add3A_2458 : i32 to vector<16xi32>
      %add3A_2460 = arith.addi %add3A_2426, %add3A_2459 : vector<16xi32>
      %gather3A_2461 = tpu.vector_load_idx %arg17[%broadcast_in_dim3A_2399, %add3A_2460] : memref<256x128xf32, #tpu.memory_space<vmem>>[vector<16xi32>, vector<16xi32>], vector<16xf32>,
      %mul3A_2462 = arith.mulf %gather3A_2453, %gather3A_2457 : vector<16xf32>
      %mul3A_2463 = arith.mulf %mul3A_2462, %gather3A_2461 : vector<16xf32>
      %add3A_2464 = arith.addf %add3A_2443, %mul3A_2463 : vector<16xf32>
      %mul3A_2465 = arith.mulf %gather3A_2453, %gather3A_2453 : vector<16xf32>
      %add3A_2466 = arith.addf %add3A_2449, %mul3A_2465 : vector<16xf32>
      %mul3A_2467 = arith.mulf %gather3A_2457, %gather3A_2457 : vector<16xf32>
      %add3A_2468 = arith.addf %add3A_2466, %mul3A_2467 : vector<16xf32>
      %mul3A_2469 = arith.mulf %gather3A_2461, %gather3A_2461 : vector<16xf32>
      %add3A_2470 = arith.addf %add3A_2468, %mul3A_2469 : vector<16xf32>
      %add3A_2471 = arith.constant 32 : i32
      %add3A_2472 = vector.broadcast %add3A_2471 : i32 to vector<16xi32>
      %add3A_2473 = arith.addi %add3A_2408, %add3A_2472 : vector<16xi32>
      %gather3A_2474 = tpu.vector_load_idx %arg15[%broadcast_in_dim3A_2399, %add3A_2473] : memref<256x128xf32, #tpu.memory_space<vmem>>[vector<16xi32>, vector<16xi32>], vector<16xf32>,
      %add3A_2475 = arith.constant 32 : i32
      %add3A_2476 = vector.broadcast %add3A_2475 : i32 to vector<16xi32>
      %add3A_2477 = arith.addi %add3A_2417, %add3A_2476 : vector<16xi32>
      %gather3A_2478 = tpu.vector_load_idx %arg16[%broadcast_in_dim3A_2399, %add3A_2477] : memref<256x128xf32, #tpu.memory_space<vmem>>[vector<16xi32>, vector<16xi32>], vector<16xf32>,
      %add3A_2479 = arith.constant 32 : i32
      %add3A_2480 = vector.broadcast %add3A_2479 : i32 to vector<16xi32>
      %add3A_2481 = arith.addi %add3A_2426, %add3A_2480 : vector<16xi32>
      %gather3A_2482 = tpu.vector_load_idx %arg17[%broadcast_in_dim3A_2399, %add3A_2481] : memref<256x128xf32, #tpu.memory_space<vmem>>[vector<16xi32>, vector<16xi32>], vector<16xf32>,
      %mul3A_2483 = arith.mulf %gather3A_2474, %gather3A_2478 : vector<16xf32>
      %mul3A_2484 = arith.mulf %mul3A_2483, %gather3A_2482 : vector<16xf32>
      %add3A_2485 = arith.addf %add3A_2464, %mul3A_2484 : vector<16xf32>
      %mul3A_2486 = arith.mulf %gather3A_2474, %gather3A_2474 : vector<16xf32>
      %add3A_2487 = arith.addf %add3A_2470, %mul3A_2486 : vector<16xf32>
      %mul3A_2488 = arith.mulf %gather3A_2478, %gather3A_2478 : vector<16xf32>
      %add3A_2489 = arith.addf %add3A_2487, %mul3A_2488 : vector<16xf32>
      %mul3A_2490 = arith.mulf %gather3A_2482, %gather3A_2482 : vector<16xf32>
      %add3A_2491 = arith.addf %add3A_2489, %mul3A_2490 : vector<16xf32>
      %add3A_2492 = arith.constant 48 : i32
      %add3A_2493 = vector.broadcast %add3A_2492 : i32 to vector<16xi32>
      %add3A_2494 = arith.addi %add3A_2408, %add3A_2493 : vector<16xi32>
      %gather3A_2495 = tpu.vector_load_idx %arg15[%broadcast_in_dim3A_2399, %add3A_2494] : memref<256x128xf32, #tpu.memory_space<vmem>>[vector<16xi32>, vector<16xi32>], vector<16xf32>,
      %add3A_2496 = arith.constant 48 : i32
      %add3A_2497 = vector.broadcast %add3A_2496 : i32 to vector<16xi32>
      %add3A_2498 = arith.addi %add3A_2417, %add3A_2497 : vector<16xi32>
      %gather3A_2499 = tpu.vector_load_idx %arg16[%broadcast_in_dim3A_2399, %add3A_2498] : memref<256x128xf32, #tpu.memory_space<vmem>>[vector<16xi32>, vector<16xi32>], vector<16xf32>,
      %add3A_2500 = arith.constant 48 : i32
      %add3A_2501 = vector.broadcast %add3A_2500 : i32 to vector<16xi32>
      %add3A_2502 = arith.addi %add3A_2426, %add3A_2501 : vector<16xi32>
      %gather3A_2503 = tpu.vector_load_idx %arg17[%broadcast_in_dim3A_2399, %add3A_2502] : memref<256x128xf32, #tpu.memory_space<vmem>>[vector<16xi32>, vector<16xi32>], vector<16xf32>,
      %mul3A_2504 = arith.mulf %gather3A_2495, %gather3A_2499 : vector<16xf32>
      %mul3A_2505 = arith.mulf %mul3A_2504, %gather3A_2503 : vector<16xf32>
      %add3A_2506 = arith.addf %add3A_2485, %mul3A_2505 : vector<16xf32>
      %mul3A_2507 = arith.mulf %gather3A_2495, %gather3A_2495 : vector<16xf32>
      %add3A_2508 = arith.addf %add3A_2491, %mul3A_2507 : vector<16xf32>
      %mul3A_2509 = arith.mulf %gather3A_2499, %gather3A_2499 : vector<16xf32>
      %add3A_2510 = arith.addf %add3A_2508, %mul3A_2509 : vector<16xf32>
      %mul3A_2511 = arith.mulf %gather3A_2503, %gather3A_2503 : vector<16xf32>
      %add3A_2512 = arith.addf %add3A_2510, %mul3A_2511 : vector<16xf32>
      %reduce_sum3A_2513 = arith.constant true
      %reduce_sum3A_2514 = vector.broadcast %reduce_sum3A_2513 : i1 to vector<16xi1>
      %reduce_sum3A_2515 = tpu.scan <sum>, %add3A_2506 masked %reduce_sum3A_2514 : vector<16xf32>, vector<16xi1> -> vector<16xf32>
      %reduce_sum3A_2516 = vector.extract %reduce_sum3A_2515[15] : f32 from vector<16xf32>
      %broadcast_in_dim3A_2517 = vector.broadcast %reduce_sum3A_2516 : f32 to vector<16xf32>
      %select_n3A_2518 = arith.select %eq3A_1458, %broadcast_in_dim3A_2517, %select_n3A_2396 : vector<16xi1>, vector<16xf32>
      %add3A_2519 = arith.constant 8 : i32
      %add3A_2520 = arith.addi %mul3A_1544, %add3A_2519 : i32
      %broadcast_in_dim3A_2521 = vector.broadcast %add3A_2520 : i32 to vector<16xi32>
      %slice3A_2522 = vector.extract_strided_slice %get3A_1532 {offsets = [8], sizes = [1], strides = [1]} : vector<16xi32> to vector<1xi32>
      %squeeze3A_2523 = vector.extract %slice3A_2522[0] : i32 from vector<1xi32>
      %ge3A_2524 = arith.constant 507904 : i32
      %ge3A_2525 = arith.cmpi sge, %squeeze3A_2523, %ge3A_2524 : i32
      %jit3A_2526 = arith.constant 64 : i32
      %jit3A_2527 = arith.constant 0 : i32
      %select_n3A_2528 = arith.select %ge3A_2525, %jit3A_2526, %jit3A_2527 : i32
      %add3A_2529 = vector.broadcast %select_n3A_2528 : i32 to vector<16xi32>
      %add3A_2530 = arith.addi %add3A_2529, %iota3A : vector<16xi32>
      %slice3A_2531 = vector.extract_strided_slice %get3A_1536 {offsets = [8], sizes = [1], strides = [1]} : vector<16xi32> to vector<1xi32>
      %squeeze3A_2532 = vector.extract %slice3A_2531[0] : i32 from vector<1xi32>
      %ge3A_2533 = arith.constant 507904 : i32
      %ge3A_2534 = arith.cmpi sge, %squeeze3A_2532, %ge3A_2533 : i32
      %jit3A_2535 = arith.constant 64 : i32
      %jit3A_2536 = arith.constant 0 : i32
      %select_n3A_2537 = arith.select %ge3A_2534, %jit3A_2535, %jit3A_2536 : i32
      %add3A_2538 = vector.broadcast %select_n3A_2537 : i32 to vector<16xi32>
      %add3A_2539 = arith.addi %add3A_2538, %iota3A : vector<16xi32>
      %slice3A_2540 = vector.extract_strided_slice %get3A_1540 {offsets = [8], sizes = [1], strides = [1]} : vector<16xi32> to vector<1xi32>
      %squeeze3A_2541 = vector.extract %slice3A_2540[0] : i32 from vector<1xi32>
      %ge3A_2542 = arith.constant 507904 : i32
      %ge3A_2543 = arith.cmpi sge, %squeeze3A_2541, %ge3A_2542 : i32
      %jit3A_2544 = arith.constant 64 : i32
      %jit3A_2545 = arith.constant 0 : i32
      %select_n3A_2546 = arith.select %ge3A_2543, %jit3A_2544, %jit3A_2545 : i32
      %add3A_2547 = vector.broadcast %select_n3A_2546 : i32 to vector<16xi32>
      %add3A_2548 = arith.addi %add3A_2547, %iota3A : vector<16xi32>
      %broadcast_in_dim3A_2549 = arith.constant 0.000000e+00 : f32
      %broadcast_in_dim3A_2550 = vector.broadcast %broadcast_in_dim3A_2549 : f32 to vector<16xf32>
      %add3A_2551 = arith.constant 0 : i32
      %add3A_2552 = vector.broadcast %add3A_2551 : i32 to vector<16xi32>
      %add3A_2553 = arith.addi %add3A_2530, %add3A_2552 : vector<16xi32>
      %gather3A_2554 = tpu.vector_load_idx %arg15[%broadcast_in_dim3A_2521, %add3A_2553] : memref<256x128xf32, #tpu.memory_space<vmem>>[vector<16xi32>, vector<16xi32>], vector<16xf32>,
      %add3A_2555 = arith.constant 0 : i32
      %add3A_2556 = vector.broadcast %add3A_2555 : i32 to vector<16xi32>
      %add3A_2557 = arith.addi %add3A_2539, %add3A_2556 : vector<16xi32>
      %gather3A_2558 = tpu.vector_load_idx %arg16[%broadcast_in_dim3A_2521, %add3A_2557] : memref<256x128xf32, #tpu.memory_space<vmem>>[vector<16xi32>, vector<16xi32>], vector<16xf32>,
      %add3A_2559 = arith.constant 0 : i32
      %add3A_2560 = vector.broadcast %add3A_2559 : i32 to vector<16xi32>
      %add3A_2561 = arith.addi %add3A_2548, %add3A_2560 : vector<16xi32>
      %gather3A_2562 = tpu.vector_load_idx %arg17[%broadcast_in_dim3A_2521, %add3A_2561] : memref<256x128xf32, #tpu.memory_space<vmem>>[vector<16xi32>, vector<16xi32>], vector<16xf32>,
      %mul3A_2563 = arith.mulf %gather3A_2554, %gather3A_2558 : vector<16xf32>
      %mul3A_2564 = arith.mulf %mul3A_2563, %gather3A_2562 : vector<16xf32>
      %add3A_2565 = arith.addf %broadcast_in_dim3A_2550, %mul3A_2564 : vector<16xf32>
      %mul3A_2566 = arith.mulf %gather3A_2554, %gather3A_2554 : vector<16xf32>
      %add3A_2567 = arith.addf %add3A_2512, %mul3A_2566 : vector<16xf32>
      %mul3A_2568 = arith.mulf %gather3A_2558, %gather3A_2558 : vector<16xf32>
      %add3A_2569 = arith.addf %add3A_2567, %mul3A_2568 : vector<16xf32>
      %mul3A_2570 = arith.mulf %gather3A_2562, %gather3A_2562 : vector<16xf32>
      %add3A_2571 = arith.addf %add3A_2569, %mul3A_2570 : vector<16xf32>
      %add3A_2572 = arith.constant 16 : i32
      %add3A_2573 = vector.broadcast %add3A_2572 : i32 to vector<16xi32>
      %add3A_2574 = arith.addi %add3A_2530, %add3A_2573 : vector<16xi32>
      %gather3A_2575 = tpu.vector_load_idx %arg15[%broadcast_in_dim3A_2521, %add3A_2574] : memref<256x128xf32, #tpu.memory_space<vmem>>[vector<16xi32>, vector<16xi32>], vector<16xf32>,
      %add3A_2576 = arith.constant 16 : i32
      %add3A_2577 = vector.broadcast %add3A_2576 : i32 to vector<16xi32>
      %add3A_2578 = arith.addi %add3A_2539, %add3A_2577 : vector<16xi32>
      %gather3A_2579 = tpu.vector_load_idx %arg16[%broadcast_in_dim3A_2521, %add3A_2578] : memref<256x128xf32, #tpu.memory_space<vmem>>[vector<16xi32>, vector<16xi32>], vector<16xf32>,
      %add3A_2580 = arith.constant 16 : i32
      %add3A_2581 = vector.broadcast %add3A_2580 : i32 to vector<16xi32>
      %add3A_2582 = arith.addi %add3A_2548, %add3A_2581 : vector<16xi32>
      %gather3A_2583 = tpu.vector_load_idx %arg17[%broadcast_in_dim3A_2521, %add3A_2582] : memref<256x128xf32, #tpu.memory_space<vmem>>[vector<16xi32>, vector<16xi32>], vector<16xf32>,
      %mul3A_2584 = arith.mulf %gather3A_2575, %gather3A_2579 : vector<16xf32>
      %mul3A_2585 = arith.mulf %mul3A_2584, %gather3A_2583 : vector<16xf32>
      %add3A_2586 = arith.addf %add3A_2565, %mul3A_2585 : vector<16xf32>
      %mul3A_2587 = arith.mulf %gather3A_2575, %gather3A_2575 : vector<16xf32>
      %add3A_2588 = arith.addf %add3A_2571, %mul3A_2587 : vector<16xf32>
      %mul3A_2589 = arith.mulf %gather3A_2579, %gather3A_2579 : vector<16xf32>
      %add3A_2590 = arith.addf %add3A_2588, %mul3A_2589 : vector<16xf32>
      %mul3A_2591 = arith.mulf %gather3A_2583, %gather3A_2583 : vector<16xf32>
      %add3A_2592 = arith.addf %add3A_2590, %mul3A_2591 : vector<16xf32>
      %add3A_2593 = arith.constant 32 : i32
      %add3A_2594 = vector.broadcast %add3A_2593 : i32 to vector<16xi32>
      %add3A_2595 = arith.addi %add3A_2530, %add3A_2594 : vector<16xi32>
      %gather3A_2596 = tpu.vector_load_idx %arg15[%broadcast_in_dim3A_2521, %add3A_2595] : memref<256x128xf32, #tpu.memory_space<vmem>>[vector<16xi32>, vector<16xi32>], vector<16xf32>,
      %add3A_2597 = arith.constant 32 : i32
      %add3A_2598 = vector.broadcast %add3A_2597 : i32 to vector<16xi32>
      %add3A_2599 = arith.addi %add3A_2539, %add3A_2598 : vector<16xi32>
      %gather3A_2600 = tpu.vector_load_idx %arg16[%broadcast_in_dim3A_2521, %add3A_2599] : memref<256x128xf32, #tpu.memory_space<vmem>>[vector<16xi32>, vector<16xi32>], vector<16xf32>,
      %add3A_2601 = arith.constant 32 : i32
      %add3A_2602 = vector.broadcast %add3A_2601 : i32 to vector<16xi32>
      %add3A_2603 = arith.addi %add3A_2548, %add3A_2602 : vector<16xi32>
      %gather3A_2604 = tpu.vector_load_idx %arg17[%broadcast_in_dim3A_2521, %add3A_2603] : memref<256x128xf32, #tpu.memory_space<vmem>>[vector<16xi32>, vector<16xi32>], vector<16xf32>,
      %mul3A_2605 = arith.mulf %gather3A_2596, %gather3A_2600 : vector<16xf32>
      %mul3A_2606 = arith.mulf %mul3A_2605, %gather3A_2604 : vector<16xf32>
      %add3A_2607 = arith.addf %add3A_2586, %mul3A_2606 : vector<16xf32>
      %mul3A_2608 = arith.mulf %gather3A_2596, %gather3A_2596 : vector<16xf32>
      %add3A_2609 = arith.addf %add3A_2592, %mul3A_2608 : vector<16xf32>
      %mul3A_2610 = arith.mulf %gather3A_2600, %gather3A_2600 : vector<16xf32>
      %add3A_2611 = arith.addf %add3A_2609, %mul3A_2610 : vector<16xf32>
      %mul3A_2612 = arith.mulf %gather3A_2604, %gather3A_2604 : vector<16xf32>
      %add3A_2613 = arith.addf %add3A_2611, %mul3A_2612 : vector<16xf32>
      %add3A_2614 = arith.constant 48 : i32
      %add3A_2615 = vector.broadcast %add3A_2614 : i32 to vector<16xi32>
      %add3A_2616 = arith.addi %add3A_2530, %add3A_2615 : vector<16xi32>
      %gather3A_2617 = tpu.vector_load_idx %arg15[%broadcast_in_dim3A_2521, %add3A_2616] : memref<256x128xf32, #tpu.memory_space<vmem>>[vector<16xi32>, vector<16xi32>], vector<16xf32>,
      %add3A_2618 = arith.constant 48 : i32
      %add3A_2619 = vector.broadcast %add3A_2618 : i32 to vector<16xi32>
      %add3A_2620 = arith.addi %add3A_2539, %add3A_2619 : vector<16xi32>
      %gather3A_2621 = tpu.vector_load_idx %arg16[%broadcast_in_dim3A_2521, %add3A_2620] : memref<256x128xf32, #tpu.memory_space<vmem>>[vector<16xi32>, vector<16xi32>], vector<16xf32>,
      %add3A_2622 = arith.constant 48 : i32
      %add3A_2623 = vector.broadcast %add3A_2622 : i32 to vector<16xi32>
      %add3A_2624 = arith.addi %add3A_2548, %add3A_2623 : vector<16xi32>
      %gather3A_2625 = tpu.vector_load_idx %arg17[%broadcast_in_dim3A_2521, %add3A_2624] : memref<256x128xf32, #tpu.memory_space<vmem>>[vector<16xi32>, vector<16xi32>], vector<16xf32>,
      %mul3A_2626 = arith.mulf %gather3A_2617, %gather3A_2621 : vector<16xf32>
      %mul3A_2627 = arith.mulf %mul3A_2626, %gather3A_2625 : vector<16xf32>
      %add3A_2628 = arith.addf %add3A_2607, %mul3A_2627 : vector<16xf32>
      %mul3A_2629 = arith.mulf %gather3A_2617, %gather3A_2617 : vector<16xf32>
      %add3A_2630 = arith.addf %add3A_2613, %mul3A_2629 : vector<16xf32>
      %mul3A_2631 = arith.mulf %gather3A_2621, %gather3A_2621 : vector<16xf32>
      %add3A_2632 = arith.addf %add3A_2630, %mul3A_2631 : vector<16xf32>
      %mul3A_2633 = arith.mulf %gather3A_2625, %gather3A_2625 : vector<16xf32>
      %add3A_2634 = arith.addf %add3A_2632, %mul3A_2633 : vector<16xf32>
      %reduce_sum3A_2635 = arith.constant true
      %reduce_sum3A_2636 = vector.broadcast %reduce_sum3A_2635 : i1 to vector<16xi1>
      %reduce_sum3A_2637 = tpu.scan <sum>, %add3A_2628 masked %reduce_sum3A_2636 : vector<16xf32>, vector<16xi1> -> vector<16xf32>
      %reduce_sum3A_2638 = vector.extract %reduce_sum3A_2637[15] : f32 from vector<16xf32>
      %broadcast_in_dim3A_2639 = vector.broadcast %reduce_sum3A_2638 : f32 to vector<16xf32>
      %select_n3A_2640 = arith.select %eq3A_1461, %broadcast_in_dim3A_2639, %select_n3A_2518 : vector<16xi1>, vector<16xf32>
      %add3A_2641 = arith.constant 9 : i32
      %add3A_2642 = arith.addi %mul3A_1544, %add3A_2641 : i32
      %broadcast_in_dim3A_2643 = vector.broadcast %add3A_2642 : i32 to vector<16xi32>
      %slice3A_2644 = vector.extract_strided_slice %get3A_1532 {offsets = [9], sizes = [1], strides = [1]} : vector<16xi32> to vector<1xi32>
      %squeeze3A_2645 = vector.extract %slice3A_2644[0] : i32 from vector<1xi32>
      %ge3A_2646 = arith.constant 507904 : i32
      %ge3A_2647 = arith.cmpi sge, %squeeze3A_2645, %ge3A_2646 : i32
      %jit3A_2648 = arith.constant 64 : i32
      %jit3A_2649 = arith.constant 0 : i32
      %select_n3A_2650 = arith.select %ge3A_2647, %jit3A_2648, %jit3A_2649 : i32
      %add3A_2651 = vector.broadcast %select_n3A_2650 : i32 to vector<16xi32>
      %add3A_2652 = arith.addi %add3A_2651, %iota3A : vector<16xi32>
      %slice3A_2653 = vector.extract_strided_slice %get3A_1536 {offsets = [9], sizes = [1], strides = [1]} : vector<16xi32> to vector<1xi32>
      %squeeze3A_2654 = vector.extract %slice3A_2653[0] : i32 from vector<1xi32>
      %ge3A_2655 = arith.constant 507904 : i32
      %ge3A_2656 = arith.cmpi sge, %squeeze3A_2654, %ge3A_2655 : i32
      %jit3A_2657 = arith.constant 64 : i32
      %jit3A_2658 = arith.constant 0 : i32
      %select_n3A_2659 = arith.select %ge3A_2656, %jit3A_2657, %jit3A_2658 : i32
      %add3A_2660 = vector.broadcast %select_n3A_2659 : i32 to vector<16xi32>
      %add3A_2661 = arith.addi %add3A_2660, %iota3A : vector<16xi32>
      %slice3A_2662 = vector.extract_strided_slice %get3A_1540 {offsets = [9], sizes = [1], strides = [1]} : vector<16xi32> to vector<1xi32>
      %squeeze3A_2663 = vector.extract %slice3A_2662[0] : i32 from vector<1xi32>
      %ge3A_2664 = arith.constant 507904 : i32
      %ge3A_2665 = arith.cmpi sge, %squeeze3A_2663, %ge3A_2664 : i32
      %jit3A_2666 = arith.constant 64 : i32
      %jit3A_2667 = arith.constant 0 : i32
      %select_n3A_2668 = arith.select %ge3A_2665, %jit3A_2666, %jit3A_2667 : i32
      %add3A_2669 = vector.broadcast %select_n3A_2668 : i32 to vector<16xi32>
      %add3A_2670 = arith.addi %add3A_2669, %iota3A : vector<16xi32>
      %broadcast_in_dim3A_2671 = arith.constant 0.000000e+00 : f32
      %broadcast_in_dim3A_2672 = vector.broadcast %broadcast_in_dim3A_2671 : f32 to vector<16xf32>
      %add3A_2673 = arith.constant 0 : i32
      %add3A_2674 = vector.broadcast %add3A_2673 : i32 to vector<16xi32>
      %add3A_2675 = arith.addi %add3A_2652, %add3A_2674 : vector<16xi32>
      %gather3A_2676 = tpu.vector_load_idx %arg15[%broadcast_in_dim3A_2643, %add3A_2675] : memref<256x128xf32, #tpu.memory_space<vmem>>[vector<16xi32>, vector<16xi32>], vector<16xf32>,
      %add3A_2677 = arith.constant 0 : i32
      %add3A_2678 = vector.broadcast %add3A_2677 : i32 to vector<16xi32>
      %add3A_2679 = arith.addi %add3A_2661, %add3A_2678 : vector<16xi32>
      %gather3A_2680 = tpu.vector_load_idx %arg16[%broadcast_in_dim3A_2643, %add3A_2679] : memref<256x128xf32, #tpu.memory_space<vmem>>[vector<16xi32>, vector<16xi32>], vector<16xf32>,
      %add3A_2681 = arith.constant 0 : i32
      %add3A_2682 = vector.broadcast %add3A_2681 : i32 to vector<16xi32>
      %add3A_2683 = arith.addi %add3A_2670, %add3A_2682 : vector<16xi32>
      %gather3A_2684 = tpu.vector_load_idx %arg17[%broadcast_in_dim3A_2643, %add3A_2683] : memref<256x128xf32, #tpu.memory_space<vmem>>[vector<16xi32>, vector<16xi32>], vector<16xf32>,
      %mul3A_2685 = arith.mulf %gather3A_2676, %gather3A_2680 : vector<16xf32>
      %mul3A_2686 = arith.mulf %mul3A_2685, %gather3A_2684 : vector<16xf32>
      %add3A_2687 = arith.addf %broadcast_in_dim3A_2672, %mul3A_2686 : vector<16xf32>
      %mul3A_2688 = arith.mulf %gather3A_2676, %gather3A_2676 : vector<16xf32>
      %add3A_2689 = arith.addf %add3A_2634, %mul3A_2688 : vector<16xf32>
      %mul3A_2690 = arith.mulf %gather3A_2680, %gather3A_2680 : vector<16xf32>
      %add3A_2691 = arith.addf %add3A_2689, %mul3A_2690 : vector<16xf32>
      %mul3A_2692 = arith.mulf %gather3A_2684, %gather3A_2684 : vector<16xf32>
      %add3A_2693 = arith.addf %add3A_2691, %mul3A_2692 : vector<16xf32>
      %add3A_2694 = arith.constant 16 : i32
      %add3A_2695 = vector.broadcast %add3A_2694 : i32 to vector<16xi32>
      %add3A_2696 = arith.addi %add3A_2652, %add3A_2695 : vector<16xi32>
      %gather3A_2697 = tpu.vector_load_idx %arg15[%broadcast_in_dim3A_2643, %add3A_2696] : memref<256x128xf32, #tpu.memory_space<vmem>>[vector<16xi32>, vector<16xi32>], vector<16xf32>,
      %add3A_2698 = arith.constant 16 : i32
      %add3A_2699 = vector.broadcast %add3A_2698 : i32 to vector<16xi32>
      %add3A_2700 = arith.addi %add3A_2661, %add3A_2699 : vector<16xi32>
      %gather3A_2701 = tpu.vector_load_idx %arg16[%broadcast_in_dim3A_2643, %add3A_2700] : memref<256x128xf32, #tpu.memory_space<vmem>>[vector<16xi32>, vector<16xi32>], vector<16xf32>,
      %add3A_2702 = arith.constant 16 : i32
      %add3A_2703 = vector.broadcast %add3A_2702 : i32 to vector<16xi32>
      %add3A_2704 = arith.addi %add3A_2670, %add3A_2703 : vector<16xi32>
      %gather3A_2705 = tpu.vector_load_idx %arg17[%broadcast_in_dim3A_2643, %add3A_2704] : memref<256x128xf32, #tpu.memory_space<vmem>>[vector<16xi32>, vector<16xi32>], vector<16xf32>,
      %mul3A_2706 = arith.mulf %gather3A_2697, %gather3A_2701 : vector<16xf32>
      %mul3A_2707 = arith.mulf %mul3A_2706, %gather3A_2705 : vector<16xf32>
      %add3A_2708 = arith.addf %add3A_2687, %mul3A_2707 : vector<16xf32>
      %mul3A_2709 = arith.mulf %gather3A_2697, %gather3A_2697 : vector<16xf32>
      %add3A_2710 = arith.addf %add3A_2693, %mul3A_2709 : vector<16xf32>
      %mul3A_2711 = arith.mulf %gather3A_2701, %gather3A_2701 : vector<16xf32>
      %add3A_2712 = arith.addf %add3A_2710, %mul3A_2711 : vector<16xf32>
      %mul3A_2713 = arith.mulf %gather3A_2705, %gather3A_2705 : vector<16xf32>
      %add3A_2714 = arith.addf %add3A_2712, %mul3A_2713 : vector<16xf32>
      %add3A_2715 = arith.constant 32 : i32
      %add3A_2716 = vector.broadcast %add3A_2715 : i32 to vector<16xi32>
      %add3A_2717 = arith.addi %add3A_2652, %add3A_2716 : vector<16xi32>
      %gather3A_2718 = tpu.vector_load_idx %arg15[%broadcast_in_dim3A_2643, %add3A_2717] : memref<256x128xf32, #tpu.memory_space<vmem>>[vector<16xi32>, vector<16xi32>], vector<16xf32>,
      %add3A_2719 = arith.constant 32 : i32
      %add3A_2720 = vector.broadcast %add3A_2719 : i32 to vector<16xi32>
      %add3A_2721 = arith.addi %add3A_2661, %add3A_2720 : vector<16xi32>
      %gather3A_2722 = tpu.vector_load_idx %arg16[%broadcast_in_dim3A_2643, %add3A_2721] : memref<256x128xf32, #tpu.memory_space<vmem>>[vector<16xi32>, vector<16xi32>], vector<16xf32>,
      %add3A_2723 = arith.constant 32 : i32
      %add3A_2724 = vector.broadcast %add3A_2723 : i32 to vector<16xi32>
      %add3A_2725 = arith.addi %add3A_2670, %add3A_2724 : vector<16xi32>
      %gather3A_2726 = tpu.vector_load_idx %arg17[%broadcast_in_dim3A_2643, %add3A_2725] : memref<256x128xf32, #tpu.memory_space<vmem>>[vector<16xi32>, vector<16xi32>], vector<16xf32>,
      %mul3A_2727 = arith.mulf %gather3A_2718, %gather3A_2722 : vector<16xf32>
      %mul3A_2728 = arith.mulf %mul3A_2727, %gather3A_2726 : vector<16xf32>
      %add3A_2729 = arith.addf %add3A_2708, %mul3A_2728 : vector<16xf32>
      %mul3A_2730 = arith.mulf %gather3A_2718, %gather3A_2718 : vector<16xf32>
      %add3A_2731 = arith.addf %add3A_2714, %mul3A_2730 : vector<16xf32>
      %mul3A_2732 = arith.mulf %gather3A_2722, %gather3A_2722 : vector<16xf32>
      %add3A_2733 = arith.addf %add3A_2731, %mul3A_2732 : vector<16xf32>
      %mul3A_2734 = arith.mulf %gather3A_2726, %gather3A_2726 : vector<16xf32>
      %add3A_2735 = arith.addf %add3A_2733, %mul3A_2734 : vector<16xf32>
      %add3A_2736 = arith.constant 48 : i32
      %add3A_2737 = vector.broadcast %add3A_2736 : i32 to vector<16xi32>
      %add3A_2738 = arith.addi %add3A_2652, %add3A_2737 : vector<16xi32>
      %gather3A_2739 = tpu.vector_load_idx %arg15[%broadcast_in_dim3A_2643, %add3A_2738] : memref<256x128xf32, #tpu.memory_space<vmem>>[vector<16xi32>, vector<16xi32>], vector<16xf32>,
      %add3A_2740 = arith.constant 48 : i32
      %add3A_2741 = vector.broadcast %add3A_2740 : i32 to vector<16xi32>
      %add3A_2742 = arith.addi %add3A_2661, %add3A_2741 : vector<16xi32>
      %gather3A_2743 = tpu.vector_load_idx %arg16[%broadcast_in_dim3A_2643, %add3A_2742] : memref<256x128xf32, #tpu.memory_space<vmem>>[vector<16xi32>, vector<16xi32>], vector<16xf32>,
      %add3A_2744 = arith.constant 48 : i32
      %add3A_2745 = vector.broadcast %add3A_2744 : i32 to vector<16xi32>
      %add3A_2746 = arith.addi %add3A_2670, %add3A_2745 : vector<16xi32>
      %gather3A_2747 = tpu.vector_load_idx %arg17[%broadcast_in_dim3A_2643, %add3A_2746] : memref<256x128xf32, #tpu.memory_space<vmem>>[vector<16xi32>, vector<16xi32>], vector<16xf32>,
      %mul3A_2748 = arith.mulf %gather3A_2739, %gather3A_2743 : vector<16xf32>
      %mul3A_2749 = arith.mulf %mul3A_2748, %gather3A_2747 : vector<16xf32>
      %add3A_2750 = arith.addf %add3A_2729, %mul3A_2749 : vector<16xf32>
      %mul3A_2751 = arith.mulf %gather3A_2739, %gather3A_2739 : vector<16xf32>
      %add3A_2752 = arith.addf %add3A_2735, %mul3A_2751 : vector<16xf32>
      %mul3A_2753 = arith.mulf %gather3A_2743, %gather3A_2743 : vector<16xf32>
      %add3A_2754 = arith.addf %add3A_2752, %mul3A_2753 : vector<16xf32>
      %mul3A_2755 = arith.mulf %gather3A_2747, %gather3A_2747 : vector<16xf32>
      %add3A_2756 = arith.addf %add3A_2754, %mul3A_2755 : vector<16xf32>
      %reduce_sum3A_2757 = arith.constant true
      %reduce_sum3A_2758 = vector.broadcast %reduce_sum3A_2757 : i1 to vector<16xi1>
      %reduce_sum3A_2759 = tpu.scan <sum>, %add3A_2750 masked %reduce_sum3A_2758 : vector<16xf32>, vector<16xi1> -> vector<16xf32>
      %reduce_sum3A_2760 = vector.extract %reduce_sum3A_2759[15] : f32 from vector<16xf32>
      %broadcast_in_dim3A_2761 = vector.broadcast %reduce_sum3A_2760 : f32 to vector<16xf32>
      %select_n3A_2762 = arith.select %eq3A_1464, %broadcast_in_dim3A_2761, %select_n3A_2640 : vector<16xi1>, vector<16xf32>
      %add3A_2763 = arith.constant 10 : i32
      %add3A_2764 = arith.addi %mul3A_1544, %add3A_2763 : i32
      %broadcast_in_dim3A_2765 = vector.broadcast %add3A_2764 : i32 to vector<16xi32>
      %slice3A_2766 = vector.extract_strided_slice %get3A_1532 {offsets = [10], sizes = [1], strides = [1]} : vector<16xi32> to vector<1xi32>
      %squeeze3A_2767 = vector.extract %slice3A_2766[0] : i32 from vector<1xi32>
      %ge3A_2768 = arith.constant 507904 : i32
      %ge3A_2769 = arith.cmpi sge, %squeeze3A_2767, %ge3A_2768 : i32
      %jit3A_2770 = arith.constant 64 : i32
      %jit3A_2771 = arith.constant 0 : i32
      %select_n3A_2772 = arith.select %ge3A_2769, %jit3A_2770, %jit3A_2771 : i32
      %add3A_2773 = vector.broadcast %select_n3A_2772 : i32 to vector<16xi32>
      %add3A_2774 = arith.addi %add3A_2773, %iota3A : vector<16xi32>
      %slice3A_2775 = vector.extract_strided_slice %get3A_1536 {offsets = [10], sizes = [1], strides = [1]} : vector<16xi32> to vector<1xi32>
      %squeeze3A_2776 = vector.extract %slice3A_2775[0] : i32 from vector<1xi32>
      %ge3A_2777 = arith.constant 507904 : i32
      %ge3A_2778 = arith.cmpi sge, %squeeze3A_2776, %ge3A_2777 : i32
      %jit3A_2779 = arith.constant 64 : i32
      %jit3A_2780 = arith.constant 0 : i32
      %select_n3A_2781 = arith.select %ge3A_2778, %jit3A_2779, %jit3A_2780 : i32
      %add3A_2782 = vector.broadcast %select_n3A_2781 : i32 to vector<16xi32>
      %add3A_2783 = arith.addi %add3A_2782, %iota3A : vector<16xi32>
      %slice3A_2784 = vector.extract_strided_slice %get3A_1540 {offsets = [10], sizes = [1], strides = [1]} : vector<16xi32> to vector<1xi32>
      %squeeze3A_2785 = vector.extract %slice3A_2784[0] : i32 from vector<1xi32>
      %ge3A_2786 = arith.constant 507904 : i32
      %ge3A_2787 = arith.cmpi sge, %squeeze3A_2785, %ge3A_2786 : i32
      %jit3A_2788 = arith.constant 64 : i32
      %jit3A_2789 = arith.constant 0 : i32
      %select_n3A_2790 = arith.select %ge3A_2787, %jit3A_2788, %jit3A_2789 : i32
      %add3A_2791 = vector.broadcast %select_n3A_2790 : i32 to vector<16xi32>
      %add3A_2792 = arith.addi %add3A_2791, %iota3A : vector<16xi32>
      %broadcast_in_dim3A_2793 = arith.constant 0.000000e+00 : f32
      %broadcast_in_dim3A_2794 = vector.broadcast %broadcast_in_dim3A_2793 : f32 to vector<16xf32>
      %add3A_2795 = arith.constant 0 : i32
      %add3A_2796 = vector.broadcast %add3A_2795 : i32 to vector<16xi32>
      %add3A_2797 = arith.addi %add3A_2774, %add3A_2796 : vector<16xi32>
      %gather3A_2798 = tpu.vector_load_idx %arg15[%broadcast_in_dim3A_2765, %add3A_2797] : memref<256x128xf32, #tpu.memory_space<vmem>>[vector<16xi32>, vector<16xi32>], vector<16xf32>,
      %add3A_2799 = arith.constant 0 : i32
      %add3A_2800 = vector.broadcast %add3A_2799 : i32 to vector<16xi32>
      %add3A_2801 = arith.addi %add3A_2783, %add3A_2800 : vector<16xi32>
      %gather3A_2802 = tpu.vector_load_idx %arg16[%broadcast_in_dim3A_2765, %add3A_2801] : memref<256x128xf32, #tpu.memory_space<vmem>>[vector<16xi32>, vector<16xi32>], vector<16xf32>,
      %add3A_2803 = arith.constant 0 : i32
      %add3A_2804 = vector.broadcast %add3A_2803 : i32 to vector<16xi32>
      %add3A_2805 = arith.addi %add3A_2792, %add3A_2804 : vector<16xi32>
      %gather3A_2806 = tpu.vector_load_idx %arg17[%broadcast_in_dim3A_2765, %add3A_2805] : memref<256x128xf32, #tpu.memory_space<vmem>>[vector<16xi32>, vector<16xi32>], vector<16xf32>,
      %mul3A_2807 = arith.mulf %gather3A_2798, %gather3A_2802 : vector<16xf32>
      %mul3A_2808 = arith.mulf %mul3A_2807, %gather3A_2806 : vector<16xf32>
      %add3A_2809 = arith.addf %broadcast_in_dim3A_2794, %mul3A_2808 : vector<16xf32>
      %mul3A_2810 = arith.mulf %gather3A_2798, %gather3A_2798 : vector<16xf32>
      %add3A_2811 = arith.addf %add3A_2756, %mul3A_2810 : vector<16xf32>
      %mul3A_2812 = arith.mulf %gather3A_2802, %gather3A_2802 : vector<16xf32>
      %add3A_2813 = arith.addf %add3A_2811, %mul3A_2812 : vector<16xf32>
      %mul3A_2814 = arith.mulf %gather3A_2806, %gather3A_2806 : vector<16xf32>
      %add3A_2815 = arith.addf %add3A_2813, %mul3A_2814 : vector<16xf32>
      %add3A_2816 = arith.constant 16 : i32
      %add3A_2817 = vector.broadcast %add3A_2816 : i32 to vector<16xi32>
      %add3A_2818 = arith.addi %add3A_2774, %add3A_2817 : vector<16xi32>
      %gather3A_2819 = tpu.vector_load_idx %arg15[%broadcast_in_dim3A_2765, %add3A_2818] : memref<256x128xf32, #tpu.memory_space<vmem>>[vector<16xi32>, vector<16xi32>], vector<16xf32>,
      %add3A_2820 = arith.constant 16 : i32
      %add3A_2821 = vector.broadcast %add3A_2820 : i32 to vector<16xi32>
      %add3A_2822 = arith.addi %add3A_2783, %add3A_2821 : vector<16xi32>
      %gather3A_2823 = tpu.vector_load_idx %arg16[%broadcast_in_dim3A_2765, %add3A_2822] : memref<256x128xf32, #tpu.memory_space<vmem>>[vector<16xi32>, vector<16xi32>], vector<16xf32>,
      %add3A_2824 = arith.constant 16 : i32
      %add3A_2825 = vector.broadcast %add3A_2824 : i32 to vector<16xi32>
      %add3A_2826 = arith.addi %add3A_2792, %add3A_2825 : vector<16xi32>
      %gather3A_2827 = tpu.vector_load_idx %arg17[%broadcast_in_dim3A_2765, %add3A_2826] : memref<256x128xf32, #tpu.memory_space<vmem>>[vector<16xi32>, vector<16xi32>], vector<16xf32>,
      %mul3A_2828 = arith.mulf %gather3A_2819, %gather3A_2823 : vector<16xf32>
      %mul3A_2829 = arith.mulf %mul3A_2828, %gather3A_2827 : vector<16xf32>
      %add3A_2830 = arith.addf %add3A_2809, %mul3A_2829 : vector<16xf32>
      %mul3A_2831 = arith.mulf %gather3A_2819, %gather3A_2819 : vector<16xf32>
      %add3A_2832 = arith.addf %add3A_2815, %mul3A_2831 : vector<16xf32>
      %mul3A_2833 = arith.mulf %gather3A_2823, %gather3A_2823 : vector<16xf32>
      %add3A_2834 = arith.addf %add3A_2832, %mul3A_2833 : vector<16xf32>
      %mul3A_2835 = arith.mulf %gather3A_2827, %gather3A_2827 : vector<16xf32>
      %add3A_2836 = arith.addf %add3A_2834, %mul3A_2835 : vector<16xf32>
      %add3A_2837 = arith.constant 32 : i32
      %add3A_2838 = vector.broadcast %add3A_2837 : i32 to vector<16xi32>
      %add3A_2839 = arith.addi %add3A_2774, %add3A_2838 : vector<16xi32>
      %gather3A_2840 = tpu.vector_load_idx %arg15[%broadcast_in_dim3A_2765, %add3A_2839] : memref<256x128xf32, #tpu.memory_space<vmem>>[vector<16xi32>, vector<16xi32>], vector<16xf32>,
      %add3A_2841 = arith.constant 32 : i32
      %add3A_2842 = vector.broadcast %add3A_2841 : i32 to vector<16xi32>
      %add3A_2843 = arith.addi %add3A_2783, %add3A_2842 : vector<16xi32>
      %gather3A_2844 = tpu.vector_load_idx %arg16[%broadcast_in_dim3A_2765, %add3A_2843] : memref<256x128xf32, #tpu.memory_space<vmem>>[vector<16xi32>, vector<16xi32>], vector<16xf32>,
      %add3A_2845 = arith.constant 32 : i32
      %add3A_2846 = vector.broadcast %add3A_2845 : i32 to vector<16xi32>
      %add3A_2847 = arith.addi %add3A_2792, %add3A_2846 : vector<16xi32>
      %gather3A_2848 = tpu.vector_load_idx %arg17[%broadcast_in_dim3A_2765, %add3A_2847] : memref<256x128xf32, #tpu.memory_space<vmem>>[vector<16xi32>, vector<16xi32>], vector<16xf32>,
      %mul3A_2849 = arith.mulf %gather3A_2840, %gather3A_2844 : vector<16xf32>
      %mul3A_2850 = arith.mulf %mul3A_2849, %gather3A_2848 : vector<16xf32>
      %add3A_2851 = arith.addf %add3A_2830, %mul3A_2850 : vector<16xf32>
      %mul3A_2852 = arith.mulf %gather3A_2840, %gather3A_2840 : vector<16xf32>
      %add3A_2853 = arith.addf %add3A_2836, %mul3A_2852 : vector<16xf32>
      %mul3A_2854 = arith.mulf %gather3A_2844, %gather3A_2844 : vector<16xf32>
      %add3A_2855 = arith.addf %add3A_2853, %mul3A_2854 : vector<16xf32>
      %mul3A_2856 = arith.mulf %gather3A_2848, %gather3A_2848 : vector<16xf32>
      %add3A_2857 = arith.addf %add3A_2855, %mul3A_2856 : vector<16xf32>
      %add3A_2858 = arith.constant 48 : i32
      %add3A_2859 = vector.broadcast %add3A_2858 : i32 to vector<16xi32>
      %add3A_2860 = arith.addi %add3A_2774, %add3A_2859 : vector<16xi32>
      %gather3A_2861 = tpu.vector_load_idx %arg15[%broadcast_in_dim3A_2765, %add3A_2860] : memref<256x128xf32, #tpu.memory_space<vmem>>[vector<16xi32>, vector<16xi32>], vector<16xf32>,
      %add3A_2862 = arith.constant 48 : i32
      %add3A_2863 = vector.broadcast %add3A_2862 : i32 to vector<16xi32>
      %add3A_2864 = arith.addi %add3A_2783, %add3A_2863 : vector<16xi32>
      %gather3A_2865 = tpu.vector_load_idx %arg16[%broadcast_in_dim3A_2765, %add3A_2864] : memref<256x128xf32, #tpu.memory_space<vmem>>[vector<16xi32>, vector<16xi32>], vector<16xf32>,
      %add3A_2866 = arith.constant 48 : i32
      %add3A_2867 = vector.broadcast %add3A_2866 : i32 to vector<16xi32>
      %add3A_2868 = arith.addi %add3A_2792, %add3A_2867 : vector<16xi32>
      %gather3A_2869 = tpu.vector_load_idx %arg17[%broadcast_in_dim3A_2765, %add3A_2868] : memref<256x128xf32, #tpu.memory_space<vmem>>[vector<16xi32>, vector<16xi32>], vector<16xf32>,
      %mul3A_2870 = arith.mulf %gather3A_2861, %gather3A_2865 : vector<16xf32>
      %mul3A_2871 = arith.mulf %mul3A_2870, %gather3A_2869 : vector<16xf32>
      %add3A_2872 = arith.addf %add3A_2851, %mul3A_2871 : vector<16xf32>
      %mul3A_2873 = arith.mulf %gather3A_2861, %gather3A_2861 : vector<16xf32>
      %add3A_2874 = arith.addf %add3A_2857, %mul3A_2873 : vector<16xf32>
      %mul3A_2875 = arith.mulf %gather3A_2865, %gather3A_2865 : vector<16xf32>
      %add3A_2876 = arith.addf %add3A_2874, %mul3A_2875 : vector<16xf32>
      %mul3A_2877 = arith.mulf %gather3A_2869, %gather3A_2869 : vector<16xf32>
      %add3A_2878 = arith.addf %add3A_2876, %mul3A_2877 : vector<16xf32>
      %reduce_sum3A_2879 = arith.constant true
      %reduce_sum3A_2880 = vector.broadcast %reduce_sum3A_2879 : i1 to vector<16xi1>
      %reduce_sum3A_2881 = tpu.scan <sum>, %add3A_2872 masked %reduce_sum3A_2880 : vector<16xf32>, vector<16xi1> -> vector<16xf32>
      %reduce_sum3A_2882 = vector.extract %reduce_sum3A_2881[15] : f32 from vector<16xf32>
      %broadcast_in_dim3A_2883 = vector.broadcast %reduce_sum3A_2882 : f32 to vector<16xf32>
      %select_n3A_2884 = arith.select %eq3A_1467, %broadcast_in_dim3A_2883, %select_n3A_2762 : vector<16xi1>, vector<16xf32>
      %add3A_2885 = arith.constant 11 : i32
      %add3A_2886 = arith.addi %mul3A_1544, %add3A_2885 : i32
      %broadcast_in_dim3A_2887 = vector.broadcast %add3A_2886 : i32 to vector<16xi32>
      %slice3A_2888 = vector.extract_strided_slice %get3A_1532 {offsets = [11], sizes = [1], strides = [1]} : vector<16xi32> to vector<1xi32>
      %squeeze3A_2889 = vector.extract %slice3A_2888[0] : i32 from vector<1xi32>
      %ge3A_2890 = arith.constant 507904 : i32
      %ge3A_2891 = arith.cmpi sge, %squeeze3A_2889, %ge3A_2890 : i32
      %jit3A_2892 = arith.constant 64 : i32
      %jit3A_2893 = arith.constant 0 : i32
      %select_n3A_2894 = arith.select %ge3A_2891, %jit3A_2892, %jit3A_2893 : i32
      %add3A_2895 = vector.broadcast %select_n3A_2894 : i32 to vector<16xi32>
      %add3A_2896 = arith.addi %add3A_2895, %iota3A : vector<16xi32>
      %slice3A_2897 = vector.extract_strided_slice %get3A_1536 {offsets = [11], sizes = [1], strides = [1]} : vector<16xi32> to vector<1xi32>
      %squeeze3A_2898 = vector.extract %slice3A_2897[0] : i32 from vector<1xi32>
      %ge3A_2899 = arith.constant 507904 : i32
      %ge3A_2900 = arith.cmpi sge, %squeeze3A_2898, %ge3A_2899 : i32
      %jit3A_2901 = arith.constant 64 : i32
      %jit3A_2902 = arith.constant 0 : i32
      %select_n3A_2903 = arith.select %ge3A_2900, %jit3A_2901, %jit3A_2902 : i32
      %add3A_2904 = vector.broadcast %select_n3A_2903 : i32 to vector<16xi32>
      %add3A_2905 = arith.addi %add3A_2904, %iota3A : vector<16xi32>
      %slice3A_2906 = vector.extract_strided_slice %get3A_1540 {offsets = [11], sizes = [1], strides = [1]} : vector<16xi32> to vector<1xi32>
      %squeeze3A_2907 = vector.extract %slice3A_2906[0] : i32 from vector<1xi32>
      %ge3A_2908 = arith.constant 507904 : i32
      %ge3A_2909 = arith.cmpi sge, %squeeze3A_2907, %ge3A_2908 : i32
      %jit3A_2910 = arith.constant 64 : i32
      %jit3A_2911 = arith.constant 0 : i32
      %select_n3A_2912 = arith.select %ge3A_2909, %jit3A_2910, %jit3A_2911 : i32
      %add3A_2913 = vector.broadcast %select_n3A_2912 : i32 to vector<16xi32>
      %add3A_2914 = arith.addi %add3A_2913, %iota3A : vector<16xi32>
      %broadcast_in_dim3A_2915 = arith.constant 0.000000e+00 : f32
      %broadcast_in_dim3A_2916 = vector.broadcast %broadcast_in_dim3A_2915 : f32 to vector<16xf32>
      %add3A_2917 = arith.constant 0 : i32
      %add3A_2918 = vector.broadcast %add3A_2917 : i32 to vector<16xi32>
      %add3A_2919 = arith.addi %add3A_2896, %add3A_2918 : vector<16xi32>
      %gather3A_2920 = tpu.vector_load_idx %arg15[%broadcast_in_dim3A_2887, %add3A_2919] : memref<256x128xf32, #tpu.memory_space<vmem>>[vector<16xi32>, vector<16xi32>], vector<16xf32>,
      %add3A_2921 = arith.constant 0 : i32
      %add3A_2922 = vector.broadcast %add3A_2921 : i32 to vector<16xi32>
      %add3A_2923 = arith.addi %add3A_2905, %add3A_2922 : vector<16xi32>
      %gather3A_2924 = tpu.vector_load_idx %arg16[%broadcast_in_dim3A_2887, %add3A_2923] : memref<256x128xf32, #tpu.memory_space<vmem>>[vector<16xi32>, vector<16xi32>], vector<16xf32>,
      %add3A_2925 = arith.constant 0 : i32
      %add3A_2926 = vector.broadcast %add3A_2925 : i32 to vector<16xi32>
      %add3A_2927 = arith.addi %add3A_2914, %add3A_2926 : vector<16xi32>
      %gather3A_2928 = tpu.vector_load_idx %arg17[%broadcast_in_dim3A_2887, %add3A_2927] : memref<256x128xf32, #tpu.memory_space<vmem>>[vector<16xi32>, vector<16xi32>], vector<16xf32>,
      %mul3A_2929 = arith.mulf %gather3A_2920, %gather3A_2924 : vector<16xf32>
      %mul3A_2930 = arith.mulf %mul3A_2929, %gather3A_2928 : vector<16xf32>
      %add3A_2931 = arith.addf %broadcast_in_dim3A_2916, %mul3A_2930 : vector<16xf32>
      %mul3A_2932 = arith.mulf %gather3A_2920, %gather3A_2920 : vector<16xf32>
      %add3A_2933 = arith.addf %add3A_2878, %mul3A_2932 : vector<16xf32>
      %mul3A_2934 = arith.mulf %gather3A_2924, %gather3A_2924 : vector<16xf32>
      %add3A_2935 = arith.addf %add3A_2933, %mul3A_2934 : vector<16xf32>
      %mul3A_2936 = arith.mulf %gather3A_2928, %gather3A_2928 : vector<16xf32>
      %add3A_2937 = arith.addf %add3A_2935, %mul3A_2936 : vector<16xf32>
      %add3A_2938 = arith.constant 16 : i32
      %add3A_2939 = vector.broadcast %add3A_2938 : i32 to vector<16xi32>
      %add3A_2940 = arith.addi %add3A_2896, %add3A_2939 : vector<16xi32>
      %gather3A_2941 = tpu.vector_load_idx %arg15[%broadcast_in_dim3A_2887, %add3A_2940] : memref<256x128xf32, #tpu.memory_space<vmem>>[vector<16xi32>, vector<16xi32>], vector<16xf32>,
      %add3A_2942 = arith.constant 16 : i32
      %add3A_2943 = vector.broadcast %add3A_2942 : i32 to vector<16xi32>
      %add3A_2944 = arith.addi %add3A_2905, %add3A_2943 : vector<16xi32>
      %gather3A_2945 = tpu.vector_load_idx %arg16[%broadcast_in_dim3A_2887, %add3A_2944] : memref<256x128xf32, #tpu.memory_space<vmem>>[vector<16xi32>, vector<16xi32>], vector<16xf32>,
      %add3A_2946 = arith.constant 16 : i32
      %add3A_2947 = vector.broadcast %add3A_2946 : i32 to vector<16xi32>
      %add3A_2948 = arith.addi %add3A_2914, %add3A_2947 : vector<16xi32>
      %gather3A_2949 = tpu.vector_load_idx %arg17[%broadcast_in_dim3A_2887, %add3A_2948] : memref<256x128xf32, #tpu.memory_space<vmem>>[vector<16xi32>, vector<16xi32>], vector<16xf32>,
      %mul3A_2950 = arith.mulf %gather3A_2941, %gather3A_2945 : vector<16xf32>
      %mul3A_2951 = arith.mulf %mul3A_2950, %gather3A_2949 : vector<16xf32>
      %add3A_2952 = arith.addf %add3A_2931, %mul3A_2951 : vector<16xf32>
      %mul3A_2953 = arith.mulf %gather3A_2941, %gather3A_2941 : vector<16xf32>
      %add3A_2954 = arith.addf %add3A_2937, %mul3A_2953 : vector<16xf32>
      %mul3A_2955 = arith.mulf %gather3A_2945, %gather3A_2945 : vector<16xf32>
      %add3A_2956 = arith.addf %add3A_2954, %mul3A_2955 : vector<16xf32>
      %mul3A_2957 = arith.mulf %gather3A_2949, %gather3A_2949 : vector<16xf32>
      %add3A_2958 = arith.addf %add3A_2956, %mul3A_2957 : vector<16xf32>
      %add3A_2959 = arith.constant 32 : i32
      %add3A_2960 = vector.broadcast %add3A_2959 : i32 to vector<16xi32>
      %add3A_2961 = arith.addi %add3A_2896, %add3A_2960 : vector<16xi32>
      %gather3A_2962 = tpu.vector_load_idx %arg15[%broadcast_in_dim3A_2887, %add3A_2961] : memref<256x128xf32, #tpu.memory_space<vmem>>[vector<16xi32>, vector<16xi32>], vector<16xf32>,
      %add3A_2963 = arith.constant 32 : i32
      %add3A_2964 = vector.broadcast %add3A_2963 : i32 to vector<16xi32>
      %add3A_2965 = arith.addi %add3A_2905, %add3A_2964 : vector<16xi32>
      %gather3A_2966 = tpu.vector_load_idx %arg16[%broadcast_in_dim3A_2887, %add3A_2965] : memref<256x128xf32, #tpu.memory_space<vmem>>[vector<16xi32>, vector<16xi32>], vector<16xf32>,
      %add3A_2967 = arith.constant 32 : i32
      %add3A_2968 = vector.broadcast %add3A_2967 : i32 to vector<16xi32>
      %add3A_2969 = arith.addi %add3A_2914, %add3A_2968 : vector<16xi32>
      %gather3A_2970 = tpu.vector_load_idx %arg17[%broadcast_in_dim3A_2887, %add3A_2969] : memref<256x128xf32, #tpu.memory_space<vmem>>[vector<16xi32>, vector<16xi32>], vector<16xf32>,
      %mul3A_2971 = arith.mulf %gather3A_2962, %gather3A_2966 : vector<16xf32>
      %mul3A_2972 = arith.mulf %mul3A_2971, %gather3A_2970 : vector<16xf32>
      %add3A_2973 = arith.addf %add3A_2952, %mul3A_2972 : vector<16xf32>
      %mul3A_2974 = arith.mulf %gather3A_2962, %gather3A_2962 : vector<16xf32>
      %add3A_2975 = arith.addf %add3A_2958, %mul3A_2974 : vector<16xf32>
      %mul3A_2976 = arith.mulf %gather3A_2966, %gather3A_2966 : vector<16xf32>
      %add3A_2977 = arith.addf %add3A_2975, %mul3A_2976 : vector<16xf32>
      %mul3A_2978 = arith.mulf %gather3A_2970, %gather3A_2970 : vector<16xf32>
      %add3A_2979 = arith.addf %add3A_2977, %mul3A_2978 : vector<16xf32>
      %add3A_2980 = arith.constant 48 : i32
      %add3A_2981 = vector.broadcast %add3A_2980 : i32 to vector<16xi32>
      %add3A_2982 = arith.addi %add3A_2896, %add3A_2981 : vector<16xi32>
      %gather3A_2983 = tpu.vector_load_idx %arg15[%broadcast_in_dim3A_2887, %add3A_2982] : memref<256x128xf32, #tpu.memory_space<vmem>>[vector<16xi32>, vector<16xi32>], vector<16xf32>,
      %add3A_2984 = arith.constant 48 : i32
      %add3A_2985 = vector.broadcast %add3A_2984 : i32 to vector<16xi32>
      %add3A_2986 = arith.addi %add3A_2905, %add3A_2985 : vector<16xi32>
      %gather3A_2987 = tpu.vector_load_idx %arg16[%broadcast_in_dim3A_2887, %add3A_2986] : memref<256x128xf32, #tpu.memory_space<vmem>>[vector<16xi32>, vector<16xi32>], vector<16xf32>,
      %add3A_2988 = arith.constant 48 : i32
      %add3A_2989 = vector.broadcast %add3A_2988 : i32 to vector<16xi32>
      %add3A_2990 = arith.addi %add3A_2914, %add3A_2989 : vector<16xi32>
      %gather3A_2991 = tpu.vector_load_idx %arg17[%broadcast_in_dim3A_2887, %add3A_2990] : memref<256x128xf32, #tpu.memory_space<vmem>>[vector<16xi32>, vector<16xi32>], vector<16xf32>,
      %mul3A_2992 = arith.mulf %gather3A_2983, %gather3A_2987 : vector<16xf32>
      %mul3A_2993 = arith.mulf %mul3A_2992, %gather3A_2991 : vector<16xf32>
      %add3A_2994 = arith.addf %add3A_2973, %mul3A_2993 : vector<16xf32>
      %mul3A_2995 = arith.mulf %gather3A_2983, %gather3A_2983 : vector<16xf32>
      %add3A_2996 = arith.addf %add3A_2979, %mul3A_2995 : vector<16xf32>
      %mul3A_2997 = arith.mulf %gather3A_2987, %gather3A_2987 : vector<16xf32>
      %add3A_2998 = arith.addf %add3A_2996, %mul3A_2997 : vector<16xf32>
      %mul3A_2999 = arith.mulf %gather3A_2991, %gather3A_2991 : vector<16xf32>
      %add3A_3000 = arith.addf %add3A_2998, %mul3A_2999 : vector<16xf32>
      %reduce_sum3A_3001 = arith.constant true
      %reduce_sum3A_3002 = vector.broadcast %reduce_sum3A_3001 : i1 to vector<16xi1>
      %reduce_sum3A_3003 = tpu.scan <sum>, %add3A_2994 masked %reduce_sum3A_3002 : vector<16xf32>, vector<16xi1> -> vector<16xf32>
      %reduce_sum3A_3004 = vector.extract %reduce_sum3A_3003[15] : f32 from vector<16xf32>
      %broadcast_in_dim3A_3005 = vector.broadcast %reduce_sum3A_3004 : f32 to vector<16xf32>
      %select_n3A_3006 = arith.select %eq3A_1470, %broadcast_in_dim3A_3005, %select_n3A_2884 : vector<16xi1>, vector<16xf32>
      %add3A_3007 = arith.constant 12 : i32
      %add3A_3008 = arith.addi %mul3A_1544, %add3A_3007 : i32
      %broadcast_in_dim3A_3009 = vector.broadcast %add3A_3008 : i32 to vector<16xi32>
      %slice3A_3010 = vector.extract_strided_slice %get3A_1532 {offsets = [12], sizes = [1], strides = [1]} : vector<16xi32> to vector<1xi32>
      %squeeze3A_3011 = vector.extract %slice3A_3010[0] : i32 from vector<1xi32>
      %ge3A_3012 = arith.constant 507904 : i32
      %ge3A_3013 = arith.cmpi sge, %squeeze3A_3011, %ge3A_3012 : i32
      %jit3A_3014 = arith.constant 64 : i32
      %jit3A_3015 = arith.constant 0 : i32
      %select_n3A_3016 = arith.select %ge3A_3013, %jit3A_3014, %jit3A_3015 : i32
      %add3A_3017 = vector.broadcast %select_n3A_3016 : i32 to vector<16xi32>
      %add3A_3018 = arith.addi %add3A_3017, %iota3A : vector<16xi32>
      %slice3A_3019 = vector.extract_strided_slice %get3A_1536 {offsets = [12], sizes = [1], strides = [1]} : vector<16xi32> to vector<1xi32>
      %squeeze3A_3020 = vector.extract %slice3A_3019[0] : i32 from vector<1xi32>
      %ge3A_3021 = arith.constant 507904 : i32
      %ge3A_3022 = arith.cmpi sge, %squeeze3A_3020, %ge3A_3021 : i32
      %jit3A_3023 = arith.constant 64 : i32
      %jit3A_3024 = arith.constant 0 : i32
      %select_n3A_3025 = arith.select %ge3A_3022, %jit3A_3023, %jit3A_3024 : i32
      %add3A_3026 = vector.broadcast %select_n3A_3025 : i32 to vector<16xi32>
      %add3A_3027 = arith.addi %add3A_3026, %iota3A : vector<16xi32>
      %slice3A_3028 = vector.extract_strided_slice %get3A_1540 {offsets = [12], sizes = [1], strides = [1]} : vector<16xi32> to vector<1xi32>
      %squeeze3A_3029 = vector.extract %slice3A_3028[0] : i32 from vector<1xi32>
      %ge3A_3030 = arith.constant 507904 : i32
      %ge3A_3031 = arith.cmpi sge, %squeeze3A_3029, %ge3A_3030 : i32
      %jit3A_3032 = arith.constant 64 : i32
      %jit3A_3033 = arith.constant 0 : i32
      %select_n3A_3034 = arith.select %ge3A_3031, %jit3A_3032, %jit3A_3033 : i32
      %add3A_3035 = vector.broadcast %select_n3A_3034 : i32 to vector<16xi32>
      %add3A_3036 = arith.addi %add3A_3035, %iota3A : vector<16xi32>
      %broadcast_in_dim3A_3037 = arith.constant 0.000000e+00 : f32
      %broadcast_in_dim3A_3038 = vector.broadcast %broadcast_in_dim3A_3037 : f32 to vector<16xf32>
      %add3A_3039 = arith.constant 0 : i32
      %add3A_3040 = vector.broadcast %add3A_3039 : i32 to vector<16xi32>
      %add3A_3041 = arith.addi %add3A_3018, %add3A_3040 : vector<16xi32>
      %gather3A_3042 = tpu.vector_load_idx %arg15[%broadcast_in_dim3A_3009, %add3A_3041] : memref<256x128xf32, #tpu.memory_space<vmem>>[vector<16xi32>, vector<16xi32>], vector<16xf32>,
      %add3A_3043 = arith.constant 0 : i32
      %add3A_3044 = vector.broadcast %add3A_3043 : i32 to vector<16xi32>
      %add3A_3045 = arith.addi %add3A_3027, %add3A_3044 : vector<16xi32>
      %gather3A_3046 = tpu.vector_load_idx %arg16[%broadcast_in_dim3A_3009, %add3A_3045] : memref<256x128xf32, #tpu.memory_space<vmem>>[vector<16xi32>, vector<16xi32>], vector<16xf32>,
      %add3A_3047 = arith.constant 0 : i32
      %add3A_3048 = vector.broadcast %add3A_3047 : i32 to vector<16xi32>
      %add3A_3049 = arith.addi %add3A_3036, %add3A_3048 : vector<16xi32>
      %gather3A_3050 = tpu.vector_load_idx %arg17[%broadcast_in_dim3A_3009, %add3A_3049] : memref<256x128xf32, #tpu.memory_space<vmem>>[vector<16xi32>, vector<16xi32>], vector<16xf32>,
      %mul3A_3051 = arith.mulf %gather3A_3042, %gather3A_3046 : vector<16xf32>
      %mul3A_3052 = arith.mulf %mul3A_3051, %gather3A_3050 : vector<16xf32>
      %add3A_3053 = arith.addf %broadcast_in_dim3A_3038, %mul3A_3052 : vector<16xf32>
      %mul3A_3054 = arith.mulf %gather3A_3042, %gather3A_3042 : vector<16xf32>
      %add3A_3055 = arith.addf %add3A_3000, %mul3A_3054 : vector<16xf32>
      %mul3A_3056 = arith.mulf %gather3A_3046, %gather3A_3046 : vector<16xf32>
      %add3A_3057 = arith.addf %add3A_3055, %mul3A_3056 : vector<16xf32>
      %mul3A_3058 = arith.mulf %gather3A_3050, %gather3A_3050 : vector<16xf32>
      %add3A_3059 = arith.addf %add3A_3057, %mul3A_3058 : vector<16xf32>
      %add3A_3060 = arith.constant 16 : i32
      %add3A_3061 = vector.broadcast %add3A_3060 : i32 to vector<16xi32>
      %add3A_3062 = arith.addi %add3A_3018, %add3A_3061 : vector<16xi32>
      %gather3A_3063 = tpu.vector_load_idx %arg15[%broadcast_in_dim3A_3009, %add3A_3062] : memref<256x128xf32, #tpu.memory_space<vmem>>[vector<16xi32>, vector<16xi32>], vector<16xf32>,
      %add3A_3064 = arith.constant 16 : i32
      %add3A_3065 = vector.broadcast %add3A_3064 : i32 to vector<16xi32>
      %add3A_3066 = arith.addi %add3A_3027, %add3A_3065 : vector<16xi32>
      %gather3A_3067 = tpu.vector_load_idx %arg16[%broadcast_in_dim3A_3009, %add3A_3066] : memref<256x128xf32, #tpu.memory_space<vmem>>[vector<16xi32>, vector<16xi32>], vector<16xf32>,
      %add3A_3068 = arith.constant 16 : i32
      %add3A_3069 = vector.broadcast %add3A_3068 : i32 to vector<16xi32>
      %add3A_3070 = arith.addi %add3A_3036, %add3A_3069 : vector<16xi32>
      %gather3A_3071 = tpu.vector_load_idx %arg17[%broadcast_in_dim3A_3009, %add3A_3070] : memref<256x128xf32, #tpu.memory_space<vmem>>[vector<16xi32>, vector<16xi32>], vector<16xf32>,
      %mul3A_3072 = arith.mulf %gather3A_3063, %gather3A_3067 : vector<16xf32>
      %mul3A_3073 = arith.mulf %mul3A_3072, %gather3A_3071 : vector<16xf32>
      %add3A_3074 = arith.addf %add3A_3053, %mul3A_3073 : vector<16xf32>
      %mul3A_3075 = arith.mulf %gather3A_3063, %gather3A_3063 : vector<16xf32>
      %add3A_3076 = arith.addf %add3A_3059, %mul3A_3075 : vector<16xf32>
      %mul3A_3077 = arith.mulf %gather3A_3067, %gather3A_3067 : vector<16xf32>
      %add3A_3078 = arith.addf %add3A_3076, %mul3A_3077 : vector<16xf32>
      %mul3A_3079 = arith.mulf %gather3A_3071, %gather3A_3071 : vector<16xf32>
      %add3A_3080 = arith.addf %add3A_3078, %mul3A_3079 : vector<16xf32>
      %add3A_3081 = arith.constant 32 : i32
      %add3A_3082 = vector.broadcast %add3A_3081 : i32 to vector<16xi32>
      %add3A_3083 = arith.addi %add3A_3018, %add3A_3082 : vector<16xi32>
      %gather3A_3084 = tpu.vector_load_idx %arg15[%broadcast_in_dim3A_3009, %add3A_3083] : memref<256x128xf32, #tpu.memory_space<vmem>>[vector<16xi32>, vector<16xi32>], vector<16xf32>,
      %add3A_3085 = arith.constant 32 : i32
      %add3A_3086 = vector.broadcast %add3A_3085 : i32 to vector<16xi32>
      %add3A_3087 = arith.addi %add3A_3027, %add3A_3086 : vector<16xi32>
      %gather3A_3088 = tpu.vector_load_idx %arg16[%broadcast_in_dim3A_3009, %add3A_3087] : memref<256x128xf32, #tpu.memory_space<vmem>>[vector<16xi32>, vector<16xi32>], vector<16xf32>,
      %add3A_3089 = arith.constant 32 : i32
      %add3A_3090 = vector.broadcast %add3A_3089 : i32 to vector<16xi32>
      %add3A_3091 = arith.addi %add3A_3036, %add3A_3090 : vector<16xi32>
      %gather3A_3092 = tpu.vector_load_idx %arg17[%broadcast_in_dim3A_3009, %add3A_3091] : memref<256x128xf32, #tpu.memory_space<vmem>>[vector<16xi32>, vector<16xi32>], vector<16xf32>,
      %mul3A_3093 = arith.mulf %gather3A_3084, %gather3A_3088 : vector<16xf32>
      %mul3A_3094 = arith.mulf %mul3A_3093, %gather3A_3092 : vector<16xf32>
      %add3A_3095 = arith.addf %add3A_3074, %mul3A_3094 : vector<16xf32>
      %mul3A_3096 = arith.mulf %gather3A_3084, %gather3A_3084 : vector<16xf32>
      %add3A_3097 = arith.addf %add3A_3080, %mul3A_3096 : vector<16xf32>
      %mul3A_3098 = arith.mulf %gather3A_3088, %gather3A_3088 : vector<16xf32>
      %add3A_3099 = arith.addf %add3A_3097, %mul3A_3098 : vector<16xf32>
      %mul3A_3100 = arith.mulf %gather3A_3092, %gather3A_3092 : vector<16xf32>
      %add3A_3101 = arith.addf %add3A_3099, %mul3A_3100 : vector<16xf32>
      %add3A_3102 = arith.constant 48 : i32
      %add3A_3103 = vector.broadcast %add3A_3102 : i32 to vector<16xi32>
      %add3A_3104 = arith.addi %add3A_3018, %add3A_3103 : vector<16xi32>
      %gather3A_3105 = tpu.vector_load_idx %arg15[%broadcast_in_dim3A_3009, %add3A_3104] : memref<256x128xf32, #tpu.memory_space<vmem>>[vector<16xi32>, vector<16xi32>], vector<16xf32>,
      %add3A_3106 = arith.constant 48 : i32
      %add3A_3107 = vector.broadcast %add3A_3106 : i32 to vector<16xi32>
      %add3A_3108 = arith.addi %add3A_3027, %add3A_3107 : vector<16xi32>
      %gather3A_3109 = tpu.vector_load_idx %arg16[%broadcast_in_dim3A_3009, %add3A_3108] : memref<256x128xf32, #tpu.memory_space<vmem>>[vector<16xi32>, vector<16xi32>], vector<16xf32>,
      %add3A_3110 = arith.constant 48 : i32
      %add3A_3111 = vector.broadcast %add3A_3110 : i32 to vector<16xi32>
      %add3A_3112 = arith.addi %add3A_3036, %add3A_3111 : vector<16xi32>
      %gather3A_3113 = tpu.vector_load_idx %arg17[%broadcast_in_dim3A_3009, %add3A_3112] : memref<256x128xf32, #tpu.memory_space<vmem>>[vector<16xi32>, vector<16xi32>], vector<16xf32>,
      %mul3A_3114 = arith.mulf %gather3A_3105, %gather3A_3109 : vector<16xf32>
      %mul3A_3115 = arith.mulf %mul3A_3114, %gather3A_3113 : vector<16xf32>
      %add3A_3116 = arith.addf %add3A_3095, %mul3A_3115 : vector<16xf32>
      %mul3A_3117 = arith.mulf %gather3A_3105, %gather3A_3105 : vector<16xf32>
      %add3A_3118 = arith.addf %add3A_3101, %mul3A_3117 : vector<16xf32>
      %mul3A_3119 = arith.mulf %gather3A_3109, %gather3A_3109 : vector<16xf32>
      %add3A_3120 = arith.addf %add3A_3118, %mul3A_3119 : vector<16xf32>
      %mul3A_3121 = arith.mulf %gather3A_3113, %gather3A_3113 : vector<16xf32>
      %add3A_3122 = arith.addf %add3A_3120, %mul3A_3121 : vector<16xf32>
      %reduce_sum3A_3123 = arith.constant true
      %reduce_sum3A_3124 = vector.broadcast %reduce_sum3A_3123 : i1 to vector<16xi1>
      %reduce_sum3A_3125 = tpu.scan <sum>, %add3A_3116 masked %reduce_sum3A_3124 : vector<16xf32>, vector<16xi1> -> vector<16xf32>
      %reduce_sum3A_3126 = vector.extract %reduce_sum3A_3125[15] : f32 from vector<16xf32>
      %broadcast_in_dim3A_3127 = vector.broadcast %reduce_sum3A_3126 : f32 to vector<16xf32>
      %select_n3A_3128 = arith.select %eq3A_1473, %broadcast_in_dim3A_3127, %select_n3A_3006 : vector<16xi1>, vector<16xf32>
      %add3A_3129 = arith.constant 13 : i32
      %add3A_3130 = arith.addi %mul3A_1544, %add3A_3129 : i32
      %broadcast_in_dim3A_3131 = vector.broadcast %add3A_3130 : i32 to vector<16xi32>
      %slice3A_3132 = vector.extract_strided_slice %get3A_1532 {offsets = [13], sizes = [1], strides = [1]} : vector<16xi32> to vector<1xi32>
      %squeeze3A_3133 = vector.extract %slice3A_3132[0] : i32 from vector<1xi32>
      %ge3A_3134 = arith.constant 507904 : i32
      %ge3A_3135 = arith.cmpi sge, %squeeze3A_3133, %ge3A_3134 : i32
      %jit3A_3136 = arith.constant 64 : i32
      %jit3A_3137 = arith.constant 0 : i32
      %select_n3A_3138 = arith.select %ge3A_3135, %jit3A_3136, %jit3A_3137 : i32
      %add3A_3139 = vector.broadcast %select_n3A_3138 : i32 to vector<16xi32>
      %add3A_3140 = arith.addi %add3A_3139, %iota3A : vector<16xi32>
      %slice3A_3141 = vector.extract_strided_slice %get3A_1536 {offsets = [13], sizes = [1], strides = [1]} : vector<16xi32> to vector<1xi32>
      %squeeze3A_3142 = vector.extract %slice3A_3141[0] : i32 from vector<1xi32>
      %ge3A_3143 = arith.constant 507904 : i32
      %ge3A_3144 = arith.cmpi sge, %squeeze3A_3142, %ge3A_3143 : i32
      %jit3A_3145 = arith.constant 64 : i32
      %jit3A_3146 = arith.constant 0 : i32
      %select_n3A_3147 = arith.select %ge3A_3144, %jit3A_3145, %jit3A_3146 : i32
      %add3A_3148 = vector.broadcast %select_n3A_3147 : i32 to vector<16xi32>
      %add3A_3149 = arith.addi %add3A_3148, %iota3A : vector<16xi32>
      %slice3A_3150 = vector.extract_strided_slice %get3A_1540 {offsets = [13], sizes = [1], strides = [1]} : vector<16xi32> to vector<1xi32>
      %squeeze3A_3151 = vector.extract %slice3A_3150[0] : i32 from vector<1xi32>
      %ge3A_3152 = arith.constant 507904 : i32
      %ge3A_3153 = arith.cmpi sge, %squeeze3A_3151, %ge3A_3152 : i32
      %jit3A_3154 = arith.constant 64 : i32
      %jit3A_3155 = arith.constant 0 : i32
      %select_n3A_3156 = arith.select %ge3A_3153, %jit3A_3154, %jit3A_3155 : i32
      %add3A_3157 = vector.broadcast %select_n3A_3156 : i32 to vector<16xi32>
      %add3A_3158 = arith.addi %add3A_3157, %iota3A : vector<16xi32>
      %broadcast_in_dim3A_3159 = arith.constant 0.000000e+00 : f32
      %broadcast_in_dim3A_3160 = vector.broadcast %broadcast_in_dim3A_3159 : f32 to vector<16xf32>
      %add3A_3161 = arith.constant 0 : i32
      %add3A_3162 = vector.broadcast %add3A_3161 : i32 to vector<16xi32>
      %add3A_3163 = arith.addi %add3A_3140, %add3A_3162 : vector<16xi32>
      %gather3A_3164 = tpu.vector_load_idx %arg15[%broadcast_in_dim3A_3131, %add3A_3163] : memref<256x128xf32, #tpu.memory_space<vmem>>[vector<16xi32>, vector<16xi32>], vector<16xf32>,
      %add3A_3165 = arith.constant 0 : i32
      %add3A_3166 = vector.broadcast %add3A_3165 : i32 to vector<16xi32>
      %add3A_3167 = arith.addi %add3A_3149, %add3A_3166 : vector<16xi32>
      %gather3A_3168 = tpu.vector_load_idx %arg16[%broadcast_in_dim3A_3131, %add3A_3167] : memref<256x128xf32, #tpu.memory_space<vmem>>[vector<16xi32>, vector<16xi32>], vector<16xf32>,
      %add3A_3169 = arith.constant 0 : i32
      %add3A_3170 = vector.broadcast %add3A_3169 : i32 to vector<16xi32>
      %add3A_3171 = arith.addi %add3A_3158, %add3A_3170 : vector<16xi32>
      %gather3A_3172 = tpu.vector_load_idx %arg17[%broadcast_in_dim3A_3131, %add3A_3171] : memref<256x128xf32, #tpu.memory_space<vmem>>[vector<16xi32>, vector<16xi32>], vector<16xf32>,
      %mul3A_3173 = arith.mulf %gather3A_3164, %gather3A_3168 : vector<16xf32>
      %mul3A_3174 = arith.mulf %mul3A_3173, %gather3A_3172 : vector<16xf32>
      %add3A_3175 = arith.addf %broadcast_in_dim3A_3160, %mul3A_3174 : vector<16xf32>
      %mul3A_3176 = arith.mulf %gather3A_3164, %gather3A_3164 : vector<16xf32>
      %add3A_3177 = arith.addf %add3A_3122, %mul3A_3176 : vector<16xf32>
      %mul3A_3178 = arith.mulf %gather3A_3168, %gather3A_3168 : vector<16xf32>
      %add3A_3179 = arith.addf %add3A_3177, %mul3A_3178 : vector<16xf32>
      %mul3A_3180 = arith.mulf %gather3A_3172, %gather3A_3172 : vector<16xf32>
      %add3A_3181 = arith.addf %add3A_3179, %mul3A_3180 : vector<16xf32>
      %add3A_3182 = arith.constant 16 : i32
      %add3A_3183 = vector.broadcast %add3A_3182 : i32 to vector<16xi32>
      %add3A_3184 = arith.addi %add3A_3140, %add3A_3183 : vector<16xi32>
      %gather3A_3185 = tpu.vector_load_idx %arg15[%broadcast_in_dim3A_3131, %add3A_3184] : memref<256x128xf32, #tpu.memory_space<vmem>>[vector<16xi32>, vector<16xi32>], vector<16xf32>,
      %add3A_3186 = arith.constant 16 : i32
      %add3A_3187 = vector.broadcast %add3A_3186 : i32 to vector<16xi32>
      %add3A_3188 = arith.addi %add3A_3149, %add3A_3187 : vector<16xi32>
      %gather3A_3189 = tpu.vector_load_idx %arg16[%broadcast_in_dim3A_3131, %add3A_3188] : memref<256x128xf32, #tpu.memory_space<vmem>>[vector<16xi32>, vector<16xi32>], vector<16xf32>,
      %add3A_3190 = arith.constant 16 : i32
      %add3A_3191 = vector.broadcast %add3A_3190 : i32 to vector<16xi32>
      %add3A_3192 = arith.addi %add3A_3158, %add3A_3191 : vector<16xi32>
      %gather3A_3193 = tpu.vector_load_idx %arg17[%broadcast_in_dim3A_3131, %add3A_3192] : memref<256x128xf32, #tpu.memory_space<vmem>>[vector<16xi32>, vector<16xi32>], vector<16xf32>,
      %mul3A_3194 = arith.mulf %gather3A_3185, %gather3A_3189 : vector<16xf32>
      %mul3A_3195 = arith.mulf %mul3A_3194, %gather3A_3193 : vector<16xf32>
      %add3A_3196 = arith.addf %add3A_3175, %mul3A_3195 : vector<16xf32>
      %mul3A_3197 = arith.mulf %gather3A_3185, %gather3A_3185 : vector<16xf32>
      %add3A_3198 = arith.addf %add3A_3181, %mul3A_3197 : vector<16xf32>
      %mul3A_3199 = arith.mulf %gather3A_3189, %gather3A_3189 : vector<16xf32>
      %add3A_3200 = arith.addf %add3A_3198, %mul3A_3199 : vector<16xf32>
      %mul3A_3201 = arith.mulf %gather3A_3193, %gather3A_3193 : vector<16xf32>
      %add3A_3202 = arith.addf %add3A_3200, %mul3A_3201 : vector<16xf32>
      %add3A_3203 = arith.constant 32 : i32
      %add3A_3204 = vector.broadcast %add3A_3203 : i32 to vector<16xi32>
      %add3A_3205 = arith.addi %add3A_3140, %add3A_3204 : vector<16xi32>
      %gather3A_3206 = tpu.vector_load_idx %arg15[%broadcast_in_dim3A_3131, %add3A_3205] : memref<256x128xf32, #tpu.memory_space<vmem>>[vector<16xi32>, vector<16xi32>], vector<16xf32>,
      %add3A_3207 = arith.constant 32 : i32
      %add3A_3208 = vector.broadcast %add3A_3207 : i32 to vector<16xi32>
      %add3A_3209 = arith.addi %add3A_3149, %add3A_3208 : vector<16xi32>
      %gather3A_3210 = tpu.vector_load_idx %arg16[%broadcast_in_dim3A_3131, %add3A_3209] : memref<256x128xf32, #tpu.memory_space<vmem>>[vector<16xi32>, vector<16xi32>], vector<16xf32>,
      %add3A_3211 = arith.constant 32 : i32
      %add3A_3212 = vector.broadcast %add3A_3211 : i32 to vector<16xi32>
      %add3A_3213 = arith.addi %add3A_3158, %add3A_3212 : vector<16xi32>
      %gather3A_3214 = tpu.vector_load_idx %arg17[%broadcast_in_dim3A_3131, %add3A_3213] : memref<256x128xf32, #tpu.memory_space<vmem>>[vector<16xi32>, vector<16xi32>], vector<16xf32>,
      %mul3A_3215 = arith.mulf %gather3A_3206, %gather3A_3210 : vector<16xf32>
      %mul3A_3216 = arith.mulf %mul3A_3215, %gather3A_3214 : vector<16xf32>
      %add3A_3217 = arith.addf %add3A_3196, %mul3A_3216 : vector<16xf32>
      %mul3A_3218 = arith.mulf %gather3A_3206, %gather3A_3206 : vector<16xf32>
      %add3A_3219 = arith.addf %add3A_3202, %mul3A_3218 : vector<16xf32>
      %mul3A_3220 = arith.mulf %gather3A_3210, %gather3A_3210 : vector<16xf32>
      %add3A_3221 = arith.addf %add3A_3219, %mul3A_3220 : vector<16xf32>
      %mul3A_3222 = arith.mulf %gather3A_3214, %gather3A_3214 : vector<16xf32>
      %add3A_3223 = arith.addf %add3A_3221, %mul3A_3222 : vector<16xf32>
      %add3A_3224 = arith.constant 48 : i32
      %add3A_3225 = vector.broadcast %add3A_3224 : i32 to vector<16xi32>
      %add3A_3226 = arith.addi %add3A_3140, %add3A_3225 : vector<16xi32>
      %gather3A_3227 = tpu.vector_load_idx %arg15[%broadcast_in_dim3A_3131, %add3A_3226] : memref<256x128xf32, #tpu.memory_space<vmem>>[vector<16xi32>, vector<16xi32>], vector<16xf32>,
      %add3A_3228 = arith.constant 48 : i32
      %add3A_3229 = vector.broadcast %add3A_3228 : i32 to vector<16xi32>
      %add3A_3230 = arith.addi %add3A_3149, %add3A_3229 : vector<16xi32>
      %gather3A_3231 = tpu.vector_load_idx %arg16[%broadcast_in_dim3A_3131, %add3A_3230] : memref<256x128xf32, #tpu.memory_space<vmem>>[vector<16xi32>, vector<16xi32>], vector<16xf32>,
      %add3A_3232 = arith.constant 48 : i32
      %add3A_3233 = vector.broadcast %add3A_3232 : i32 to vector<16xi32>
      %add3A_3234 = arith.addi %add3A_3158, %add3A_3233 : vector<16xi32>
      %gather3A_3235 = tpu.vector_load_idx %arg17[%broadcast_in_dim3A_3131, %add3A_3234] : memref<256x128xf32, #tpu.memory_space<vmem>>[vector<16xi32>, vector<16xi32>], vector<16xf32>,
      %mul3A_3236 = arith.mulf %gather3A_3227, %gather3A_3231 : vector<16xf32>
      %mul3A_3237 = arith.mulf %mul3A_3236, %gather3A_3235 : vector<16xf32>
      %add3A_3238 = arith.addf %add3A_3217, %mul3A_3237 : vector<16xf32>
      %mul3A_3239 = arith.mulf %gather3A_3227, %gather3A_3227 : vector<16xf32>
      %add3A_3240 = arith.addf %add3A_3223, %mul3A_3239 : vector<16xf32>
      %mul3A_3241 = arith.mulf %gather3A_3231, %gather3A_3231 : vector<16xf32>
      %add3A_3242 = arith.addf %add3A_3240, %mul3A_3241 : vector<16xf32>
      %mul3A_3243 = arith.mulf %gather3A_3235, %gather3A_3235 : vector<16xf32>
      %add3A_3244 = arith.addf %add3A_3242, %mul3A_3243 : vector<16xf32>
      %reduce_sum3A_3245 = arith.constant true
      %reduce_sum3A_3246 = vector.broadcast %reduce_sum3A_3245 : i1 to vector<16xi1>
      %reduce_sum3A_3247 = tpu.scan <sum>, %add3A_3238 masked %reduce_sum3A_3246 : vector<16xf32>, vector<16xi1> -> vector<16xf32>
      %reduce_sum3A_3248 = vector.extract %reduce_sum3A_3247[15] : f32 from vector<16xf32>
      %broadcast_in_dim3A_3249 = vector.broadcast %reduce_sum3A_3248 : f32 to vector<16xf32>
      %select_n3A_3250 = arith.select %eq3A_1476, %broadcast_in_dim3A_3249, %select_n3A_3128 : vector<16xi1>, vector<16xf32>
      %add3A_3251 = arith.constant 14 : i32
      %add3A_3252 = arith.addi %mul3A_1544, %add3A_3251 : i32
      %broadcast_in_dim3A_3253 = vector.broadcast %add3A_3252 : i32 to vector<16xi32>
      %slice3A_3254 = vector.extract_strided_slice %get3A_1532 {offsets = [14], sizes = [1], strides = [1]} : vector<16xi32> to vector<1xi32>
      %squeeze3A_3255 = vector.extract %slice3A_3254[0] : i32 from vector<1xi32>
      %ge3A_3256 = arith.constant 507904 : i32
      %ge3A_3257 = arith.cmpi sge, %squeeze3A_3255, %ge3A_3256 : i32
      %jit3A_3258 = arith.constant 64 : i32
      %jit3A_3259 = arith.constant 0 : i32
      %select_n3A_3260 = arith.select %ge3A_3257, %jit3A_3258, %jit3A_3259 : i32
      %add3A_3261 = vector.broadcast %select_n3A_3260 : i32 to vector<16xi32>
      %add3A_3262 = arith.addi %add3A_3261, %iota3A : vector<16xi32>
      %slice3A_3263 = vector.extract_strided_slice %get3A_1536 {offsets = [14], sizes = [1], strides = [1]} : vector<16xi32> to vector<1xi32>
      %squeeze3A_3264 = vector.extract %slice3A_3263[0] : i32 from vector<1xi32>
      %ge3A_3265 = arith.constant 507904 : i32
      %ge3A_3266 = arith.cmpi sge, %squeeze3A_3264, %ge3A_3265 : i32
      %jit3A_3267 = arith.constant 64 : i32
      %jit3A_3268 = arith.constant 0 : i32
      %select_n3A_3269 = arith.select %ge3A_3266, %jit3A_3267, %jit3A_3268 : i32
      %add3A_3270 = vector.broadcast %select_n3A_3269 : i32 to vector<16xi32>
      %add3A_3271 = arith.addi %add3A_3270, %iota3A : vector<16xi32>
      %slice3A_3272 = vector.extract_strided_slice %get3A_1540 {offsets = [14], sizes = [1], strides = [1]} : vector<16xi32> to vector<1xi32>
      %squeeze3A_3273 = vector.extract %slice3A_3272[0] : i32 from vector<1xi32>
      %ge3A_3274 = arith.constant 507904 : i32
      %ge3A_3275 = arith.cmpi sge, %squeeze3A_3273, %ge3A_3274 : i32
      %jit3A_3276 = arith.constant 64 : i32
      %jit3A_3277 = arith.constant 0 : i32
      %select_n3A_3278 = arith.select %ge3A_3275, %jit3A_3276, %jit3A_3277 : i32
      %add3A_3279 = vector.broadcast %select_n3A_3278 : i32 to vector<16xi32>
      %add3A_3280 = arith.addi %add3A_3279, %iota3A : vector<16xi32>
      %broadcast_in_dim3A_3281 = arith.constant 0.000000e+00 : f32
      %broadcast_in_dim3A_3282 = vector.broadcast %broadcast_in_dim3A_3281 : f32 to vector<16xf32>
      %add3A_3283 = arith.constant 0 : i32
      %add3A_3284 = vector.broadcast %add3A_3283 : i32 to vector<16xi32>
      %add3A_3285 = arith.addi %add3A_3262, %add3A_3284 : vector<16xi32>
      %gather3A_3286 = tpu.vector_load_idx %arg15[%broadcast_in_dim3A_3253, %add3A_3285] : memref<256x128xf32, #tpu.memory_space<vmem>>[vector<16xi32>, vector<16xi32>], vector<16xf32>,
      %add3A_3287 = arith.constant 0 : i32
      %add3A_3288 = vector.broadcast %add3A_3287 : i32 to vector<16xi32>
      %add3A_3289 = arith.addi %add3A_3271, %add3A_3288 : vector<16xi32>
      %gather3A_3290 = tpu.vector_load_idx %arg16[%broadcast_in_dim3A_3253, %add3A_3289] : memref<256x128xf32, #tpu.memory_space<vmem>>[vector<16xi32>, vector<16xi32>], vector<16xf32>,
      %add3A_3291 = arith.constant 0 : i32
      %add3A_3292 = vector.broadcast %add3A_3291 : i32 to vector<16xi32>
      %add3A_3293 = arith.addi %add3A_3280, %add3A_3292 : vector<16xi32>
      %gather3A_3294 = tpu.vector_load_idx %arg17[%broadcast_in_dim3A_3253, %add3A_3293] : memref<256x128xf32, #tpu.memory_space<vmem>>[vector<16xi32>, vector<16xi32>], vector<16xf32>,
      %mul3A_3295 = arith.mulf %gather3A_3286, %gather3A_3290 : vector<16xf32>
      %mul3A_3296 = arith.mulf %mul3A_3295, %gather3A_3294 : vector<16xf32>
      %add3A_3297 = arith.addf %broadcast_in_dim3A_3282, %mul3A_3296 : vector<16xf32>
      %mul3A_3298 = arith.mulf %gather3A_3286, %gather3A_3286 : vector<16xf32>
      %add3A_3299 = arith.addf %add3A_3244, %mul3A_3298 : vector<16xf32>
      %mul3A_3300 = arith.mulf %gather3A_3290, %gather3A_3290 : vector<16xf32>
      %add3A_3301 = arith.addf %add3A_3299, %mul3A_3300 : vector<16xf32>
      %mul3A_3302 = arith.mulf %gather3A_3294, %gather3A_3294 : vector<16xf32>
      %add3A_3303 = arith.addf %add3A_3301, %mul3A_3302 : vector<16xf32>
      %add3A_3304 = arith.constant 16 : i32
      %add3A_3305 = vector.broadcast %add3A_3304 : i32 to vector<16xi32>
      %add3A_3306 = arith.addi %add3A_3262, %add3A_3305 : vector<16xi32>
      %gather3A_3307 = tpu.vector_load_idx %arg15[%broadcast_in_dim3A_3253, %add3A_3306] : memref<256x128xf32, #tpu.memory_space<vmem>>[vector<16xi32>, vector<16xi32>], vector<16xf32>,
      %add3A_3308 = arith.constant 16 : i32
      %add3A_3309 = vector.broadcast %add3A_3308 : i32 to vector<16xi32>
      %add3A_3310 = arith.addi %add3A_3271, %add3A_3309 : vector<16xi32>
      %gather3A_3311 = tpu.vector_load_idx %arg16[%broadcast_in_dim3A_3253, %add3A_3310] : memref<256x128xf32, #tpu.memory_space<vmem>>[vector<16xi32>, vector<16xi32>], vector<16xf32>,
      %add3A_3312 = arith.constant 16 : i32
      %add3A_3313 = vector.broadcast %add3A_3312 : i32 to vector<16xi32>
      %add3A_3314 = arith.addi %add3A_3280, %add3A_3313 : vector<16xi32>
      %gather3A_3315 = tpu.vector_load_idx %arg17[%broadcast_in_dim3A_3253, %add3A_3314] : memref<256x128xf32, #tpu.memory_space<vmem>>[vector<16xi32>, vector<16xi32>], vector<16xf32>,
      %mul3A_3316 = arith.mulf %gather3A_3307, %gather3A_3311 : vector<16xf32>
      %mul3A_3317 = arith.mulf %mul3A_3316, %gather3A_3315 : vector<16xf32>
      %add3A_3318 = arith.addf %add3A_3297, %mul3A_3317 : vector<16xf32>
      %mul3A_3319 = arith.mulf %gather3A_3307, %gather3A_3307 : vector<16xf32>
      %add3A_3320 = arith.addf %add3A_3303, %mul3A_3319 : vector<16xf32>
      %mul3A_3321 = arith.mulf %gather3A_3311, %gather3A_3311 : vector<16xf32>
      %add3A_3322 = arith.addf %add3A_3320, %mul3A_3321 : vector<16xf32>
      %mul3A_3323 = arith.mulf %gather3A_3315, %gather3A_3315 : vector<16xf32>
      %add3A_3324 = arith.addf %add3A_3322, %mul3A_3323 : vector<16xf32>
      %add3A_3325 = arith.constant 32 : i32
      %add3A_3326 = vector.broadcast %add3A_3325 : i32 to vector<16xi32>
      %add3A_3327 = arith.addi %add3A_3262, %add3A_3326 : vector<16xi32>
      %gather3A_3328 = tpu.vector_load_idx %arg15[%broadcast_in_dim3A_3253, %add3A_3327] : memref<256x128xf32, #tpu.memory_space<vmem>>[vector<16xi32>, vector<16xi32>], vector<16xf32>,
      %add3A_3329 = arith.constant 32 : i32
      %add3A_3330 = vector.broadcast %add3A_3329 : i32 to vector<16xi32>
      %add3A_3331 = arith.addi %add3A_3271, %add3A_3330 : vector<16xi32>
      %gather3A_3332 = tpu.vector_load_idx %arg16[%broadcast_in_dim3A_3253, %add3A_3331] : memref<256x128xf32, #tpu.memory_space<vmem>>[vector<16xi32>, vector<16xi32>], vector<16xf32>,
      %add3A_3333 = arith.constant 32 : i32
      %add3A_3334 = vector.broadcast %add3A_3333 : i32 to vector<16xi32>
      %add3A_3335 = arith.addi %add3A_3280, %add3A_3334 : vector<16xi32>
      %gather3A_3336 = tpu.vector_load_idx %arg17[%broadcast_in_dim3A_3253, %add3A_3335] : memref<256x128xf32, #tpu.memory_space<vmem>>[vector<16xi32>, vector<16xi32>], vector<16xf32>,
      %mul3A_3337 = arith.mulf %gather3A_3328, %gather3A_3332 : vector<16xf32>
      %mul3A_3338 = arith.mulf %mul3A_3337, %gather3A_3336 : vector<16xf32>
      %add3A_3339 = arith.addf %add3A_3318, %mul3A_3338 : vector<16xf32>
      %mul3A_3340 = arith.mulf %gather3A_3328, %gather3A_3328 : vector<16xf32>
      %add3A_3341 = arith.addf %add3A_3324, %mul3A_3340 : vector<16xf32>
      %mul3A_3342 = arith.mulf %gather3A_3332, %gather3A_3332 : vector<16xf32>
      %add3A_3343 = arith.addf %add3A_3341, %mul3A_3342 : vector<16xf32>
      %mul3A_3344 = arith.mulf %gather3A_3336, %gather3A_3336 : vector<16xf32>
      %add3A_3345 = arith.addf %add3A_3343, %mul3A_3344 : vector<16xf32>
      %add3A_3346 = arith.constant 48 : i32
      %add3A_3347 = vector.broadcast %add3A_3346 : i32 to vector<16xi32>
      %add3A_3348 = arith.addi %add3A_3262, %add3A_3347 : vector<16xi32>
      %gather3A_3349 = tpu.vector_load_idx %arg15[%broadcast_in_dim3A_3253, %add3A_3348] : memref<256x128xf32, #tpu.memory_space<vmem>>[vector<16xi32>, vector<16xi32>], vector<16xf32>,
      %add3A_3350 = arith.constant 48 : i32
      %add3A_3351 = vector.broadcast %add3A_3350 : i32 to vector<16xi32>
      %add3A_3352 = arith.addi %add3A_3271, %add3A_3351 : vector<16xi32>
      %gather3A_3353 = tpu.vector_load_idx %arg16[%broadcast_in_dim3A_3253, %add3A_3352] : memref<256x128xf32, #tpu.memory_space<vmem>>[vector<16xi32>, vector<16xi32>], vector<16xf32>,
      %add3A_3354 = arith.constant 48 : i32
      %add3A_3355 = vector.broadcast %add3A_3354 : i32 to vector<16xi32>
      %add3A_3356 = arith.addi %add3A_3280, %add3A_3355 : vector<16xi32>
      %gather3A_3357 = tpu.vector_load_idx %arg17[%broadcast_in_dim3A_3253, %add3A_3356] : memref<256x128xf32, #tpu.memory_space<vmem>>[vector<16xi32>, vector<16xi32>], vector<16xf32>,
      %mul3A_3358 = arith.mulf %gather3A_3349, %gather3A_3353 : vector<16xf32>
      %mul3A_3359 = arith.mulf %mul3A_3358, %gather3A_3357 : vector<16xf32>
      %add3A_3360 = arith.addf %add3A_3339, %mul3A_3359 : vector<16xf32>
      %mul3A_3361 = arith.mulf %gather3A_3349, %gather3A_3349 : vector<16xf32>
      %add3A_3362 = arith.addf %add3A_3345, %mul3A_3361 : vector<16xf32>
      %mul3A_3363 = arith.mulf %gather3A_3353, %gather3A_3353 : vector<16xf32>
      %add3A_3364 = arith.addf %add3A_3362, %mul3A_3363 : vector<16xf32>
      %mul3A_3365 = arith.mulf %gather3A_3357, %gather3A_3357 : vector<16xf32>
      %add3A_3366 = arith.addf %add3A_3364, %mul3A_3365 : vector<16xf32>
      %reduce_sum3A_3367 = arith.constant true
      %reduce_sum3A_3368 = vector.broadcast %reduce_sum3A_3367 : i1 to vector<16xi1>
      %reduce_sum3A_3369 = tpu.scan <sum>, %add3A_3360 masked %reduce_sum3A_3368 : vector<16xf32>, vector<16xi1> -> vector<16xf32>
      %reduce_sum3A_3370 = vector.extract %reduce_sum3A_3369[15] : f32 from vector<16xf32>
      %broadcast_in_dim3A_3371 = vector.broadcast %reduce_sum3A_3370 : f32 to vector<16xf32>
      %select_n3A_3372 = arith.select %eq3A_1479, %broadcast_in_dim3A_3371, %select_n3A_3250 : vector<16xi1>, vector<16xf32>
      %add3A_3373 = arith.constant 15 : i32
      %add3A_3374 = arith.addi %mul3A_1544, %add3A_3373 : i32
      %broadcast_in_dim3A_3375 = vector.broadcast %add3A_3374 : i32 to vector<16xi32>
      %slice3A_3376 = vector.extract_strided_slice %get3A_1532 {offsets = [15], sizes = [1], strides = [1]} : vector<16xi32> to vector<1xi32>
      %squeeze3A_3377 = vector.extract %slice3A_3376[0] : i32 from vector<1xi32>
      %ge3A_3378 = arith.constant 507904 : i32
      %ge3A_3379 = arith.cmpi sge, %squeeze3A_3377, %ge3A_3378 : i32
      %jit3A_3380 = arith.constant 64 : i32
      %jit3A_3381 = arith.constant 0 : i32
      %select_n3A_3382 = arith.select %ge3A_3379, %jit3A_3380, %jit3A_3381 : i32
      %add3A_3383 = vector.broadcast %select_n3A_3382 : i32 to vector<16xi32>
      %add3A_3384 = arith.addi %add3A_3383, %iota3A : vector<16xi32>
      %slice3A_3385 = vector.extract_strided_slice %get3A_1536 {offsets = [15], sizes = [1], strides = [1]} : vector<16xi32> to vector<1xi32>
      %squeeze3A_3386 = vector.extract %slice3A_3385[0] : i32 from vector<1xi32>
      %ge3A_3387 = arith.constant 507904 : i32
      %ge3A_3388 = arith.cmpi sge, %squeeze3A_3386, %ge3A_3387 : i32
      %jit3A_3389 = arith.constant 64 : i32
      %jit3A_3390 = arith.constant 0 : i32
      %select_n3A_3391 = arith.select %ge3A_3388, %jit3A_3389, %jit3A_3390 : i32
      %add3A_3392 = vector.broadcast %select_n3A_3391 : i32 to vector<16xi32>
      %add3A_3393 = arith.addi %add3A_3392, %iota3A : vector<16xi32>
      %slice3A_3394 = vector.extract_strided_slice %get3A_1540 {offsets = [15], sizes = [1], strides = [1]} : vector<16xi32> to vector<1xi32>
      %squeeze3A_3395 = vector.extract %slice3A_3394[0] : i32 from vector<1xi32>
      %ge3A_3396 = arith.constant 507904 : i32
      %ge3A_3397 = arith.cmpi sge, %squeeze3A_3395, %ge3A_3396 : i32
      %jit3A_3398 = arith.constant 64 : i32
      %jit3A_3399 = arith.constant 0 : i32
      %select_n3A_3400 = arith.select %ge3A_3397, %jit3A_3398, %jit3A_3399 : i32
      %add3A_3401 = vector.broadcast %select_n3A_3400 : i32 to vector<16xi32>
      %add3A_3402 = arith.addi %add3A_3401, %iota3A : vector<16xi32>
      %broadcast_in_dim3A_3403 = arith.constant 0.000000e+00 : f32
      %broadcast_in_dim3A_3404 = vector.broadcast %broadcast_in_dim3A_3403 : f32 to vector<16xf32>
      %add3A_3405 = arith.constant 0 : i32
      %add3A_3406 = vector.broadcast %add3A_3405 : i32 to vector<16xi32>
      %add3A_3407 = arith.addi %add3A_3384, %add3A_3406 : vector<16xi32>
      %gather3A_3408 = tpu.vector_load_idx %arg15[%broadcast_in_dim3A_3375, %add3A_3407] : memref<256x128xf32, #tpu.memory_space<vmem>>[vector<16xi32>, vector<16xi32>], vector<16xf32>,
      %add3A_3409 = arith.constant 0 : i32
      %add3A_3410 = vector.broadcast %add3A_3409 : i32 to vector<16xi32>
      %add3A_3411 = arith.addi %add3A_3393, %add3A_3410 : vector<16xi32>
      %gather3A_3412 = tpu.vector_load_idx %arg16[%broadcast_in_dim3A_3375, %add3A_3411] : memref<256x128xf32, #tpu.memory_space<vmem>>[vector<16xi32>, vector<16xi32>], vector<16xf32>,
      %add3A_3413 = arith.constant 0 : i32
      %add3A_3414 = vector.broadcast %add3A_3413 : i32 to vector<16xi32>
      %add3A_3415 = arith.addi %add3A_3402, %add3A_3414 : vector<16xi32>
      %gather3A_3416 = tpu.vector_load_idx %arg17[%broadcast_in_dim3A_3375, %add3A_3415] : memref<256x128xf32, #tpu.memory_space<vmem>>[vector<16xi32>, vector<16xi32>], vector<16xf32>,
      %mul3A_3417 = arith.mulf %gather3A_3408, %gather3A_3412 : vector<16xf32>
      %mul3A_3418 = arith.mulf %mul3A_3417, %gather3A_3416 : vector<16xf32>
      %add3A_3419 = arith.addf %broadcast_in_dim3A_3404, %mul3A_3418 : vector<16xf32>
      %mul3A_3420 = arith.mulf %gather3A_3408, %gather3A_3408 : vector<16xf32>
      %add3A_3421 = arith.addf %add3A_3366, %mul3A_3420 : vector<16xf32>
      %mul3A_3422 = arith.mulf %gather3A_3412, %gather3A_3412 : vector<16xf32>
      %add3A_3423 = arith.addf %add3A_3421, %mul3A_3422 : vector<16xf32>
      %mul3A_3424 = arith.mulf %gather3A_3416, %gather3A_3416 : vector<16xf32>
      %add3A_3425 = arith.addf %add3A_3423, %mul3A_3424 : vector<16xf32>
      %add3A_3426 = arith.constant 16 : i32
      %add3A_3427 = vector.broadcast %add3A_3426 : i32 to vector<16xi32>
      %add3A_3428 = arith.addi %add3A_3384, %add3A_3427 : vector<16xi32>
      %gather3A_3429 = tpu.vector_load_idx %arg15[%broadcast_in_dim3A_3375, %add3A_3428] : memref<256x128xf32, #tpu.memory_space<vmem>>[vector<16xi32>, vector<16xi32>], vector<16xf32>,
      %add3A_3430 = arith.constant 16 : i32
      %add3A_3431 = vector.broadcast %add3A_3430 : i32 to vector<16xi32>
      %add3A_3432 = arith.addi %add3A_3393, %add3A_3431 : vector<16xi32>
      %gather3A_3433 = tpu.vector_load_idx %arg16[%broadcast_in_dim3A_3375, %add3A_3432] : memref<256x128xf32, #tpu.memory_space<vmem>>[vector<16xi32>, vector<16xi32>], vector<16xf32>,
      %add3A_3434 = arith.constant 16 : i32
      %add3A_3435 = vector.broadcast %add3A_3434 : i32 to vector<16xi32>
      %add3A_3436 = arith.addi %add3A_3402, %add3A_3435 : vector<16xi32>
      %gather3A_3437 = tpu.vector_load_idx %arg17[%broadcast_in_dim3A_3375, %add3A_3436] : memref<256x128xf32, #tpu.memory_space<vmem>>[vector<16xi32>, vector<16xi32>], vector<16xf32>,
      %mul3A_3438 = arith.mulf %gather3A_3429, %gather3A_3433 : vector<16xf32>
      %mul3A_3439 = arith.mulf %mul3A_3438, %gather3A_3437 : vector<16xf32>
      %add3A_3440 = arith.addf %add3A_3419, %mul3A_3439 : vector<16xf32>
      %mul3A_3441 = arith.mulf %gather3A_3429, %gather3A_3429 : vector<16xf32>
      %add3A_3442 = arith.addf %add3A_3425, %mul3A_3441 : vector<16xf32>
      %mul3A_3443 = arith.mulf %gather3A_3433, %gather3A_3433 : vector<16xf32>
      %add3A_3444 = arith.addf %add3A_3442, %mul3A_3443 : vector<16xf32>
      %mul3A_3445 = arith.mulf %gather3A_3437, %gather3A_3437 : vector<16xf32>
      %add3A_3446 = arith.addf %add3A_3444, %mul3A_3445 : vector<16xf32>
      %add3A_3447 = arith.constant 32 : i32
      %add3A_3448 = vector.broadcast %add3A_3447 : i32 to vector<16xi32>
      %add3A_3449 = arith.addi %add3A_3384, %add3A_3448 : vector<16xi32>
      %gather3A_3450 = tpu.vector_load_idx %arg15[%broadcast_in_dim3A_3375, %add3A_3449] : memref<256x128xf32, #tpu.memory_space<vmem>>[vector<16xi32>, vector<16xi32>], vector<16xf32>,
      %add3A_3451 = arith.constant 32 : i32
      %add3A_3452 = vector.broadcast %add3A_3451 : i32 to vector<16xi32>
      %add3A_3453 = arith.addi %add3A_3393, %add3A_3452 : vector<16xi32>
      %gather3A_3454 = tpu.vector_load_idx %arg16[%broadcast_in_dim3A_3375, %add3A_3453] : memref<256x128xf32, #tpu.memory_space<vmem>>[vector<16xi32>, vector<16xi32>], vector<16xf32>,
      %add3A_3455 = arith.constant 32 : i32
      %add3A_3456 = vector.broadcast %add3A_3455 : i32 to vector<16xi32>
      %add3A_3457 = arith.addi %add3A_3402, %add3A_3456 : vector<16xi32>
      %gather3A_3458 = tpu.vector_load_idx %arg17[%broadcast_in_dim3A_3375, %add3A_3457] : memref<256x128xf32, #tpu.memory_space<vmem>>[vector<16xi32>, vector<16xi32>], vector<16xf32>,
      %mul3A_3459 = arith.mulf %gather3A_3450, %gather3A_3454 : vector<16xf32>
      %mul3A_3460 = arith.mulf %mul3A_3459, %gather3A_3458 : vector<16xf32>
      %add3A_3461 = arith.addf %add3A_3440, %mul3A_3460 : vector<16xf32>
      %mul3A_3462 = arith.mulf %gather3A_3450, %gather3A_3450 : vector<16xf32>
      %add3A_3463 = arith.addf %add3A_3446, %mul3A_3462 : vector<16xf32>
      %mul3A_3464 = arith.mulf %gather3A_3454, %gather3A_3454 : vector<16xf32>
      %add3A_3465 = arith.addf %add3A_3463, %mul3A_3464 : vector<16xf32>
      %mul3A_3466 = arith.mulf %gather3A_3458, %gather3A_3458 : vector<16xf32>
      %add3A_3467 = arith.addf %add3A_3465, %mul3A_3466 : vector<16xf32>
      %add3A_3468 = arith.constant 48 : i32
      %add3A_3469 = vector.broadcast %add3A_3468 : i32 to vector<16xi32>
      %add3A_3470 = arith.addi %add3A_3384, %add3A_3469 : vector<16xi32>
      %gather3A_3471 = tpu.vector_load_idx %arg15[%broadcast_in_dim3A_3375, %add3A_3470] : memref<256x128xf32, #tpu.memory_space<vmem>>[vector<16xi32>, vector<16xi32>], vector<16xf32>,
      %add3A_3472 = arith.constant 48 : i32
      %add3A_3473 = vector.broadcast %add3A_3472 : i32 to vector<16xi32>
      %add3A_3474 = arith.addi %add3A_3393, %add3A_3473 : vector<16xi32>
      %gather3A_3475 = tpu.vector_load_idx %arg16[%broadcast_in_dim3A_3375, %add3A_3474] : memref<256x128xf32, #tpu.memory_space<vmem>>[vector<16xi32>, vector<16xi32>], vector<16xf32>,
      %add3A_3476 = arith.constant 48 : i32
      %add3A_3477 = vector.broadcast %add3A_3476 : i32 to vector<16xi32>
      %add3A_3478 = arith.addi %add3A_3402, %add3A_3477 : vector<16xi32>
      %gather3A_3479 = tpu.vector_load_idx %arg17[%broadcast_in_dim3A_3375, %add3A_3478] : memref<256x128xf32, #tpu.memory_space<vmem>>[vector<16xi32>, vector<16xi32>], vector<16xf32>,
      %mul3A_3480 = arith.mulf %gather3A_3471, %gather3A_3475 : vector<16xf32>
      %mul3A_3481 = arith.mulf %mul3A_3480, %gather3A_3479 : vector<16xf32>
      %add3A_3482 = arith.addf %add3A_3461, %mul3A_3481 : vector<16xf32>
      %mul3A_3483 = arith.mulf %gather3A_3471, %gather3A_3471 : vector<16xf32>
      %add3A_3484 = arith.addf %add3A_3467, %mul3A_3483 : vector<16xf32>
      %mul3A_3485 = arith.mulf %gather3A_3475, %gather3A_3475 : vector<16xf32>
      %add3A_3486 = arith.addf %add3A_3484, %mul3A_3485 : vector<16xf32>
      %mul3A_3487 = arith.mulf %gather3A_3479, %gather3A_3479 : vector<16xf32>
      %add3A_3488 = arith.addf %add3A_3486, %mul3A_3487 : vector<16xf32>
      %reduce_sum3A_3489 = arith.constant true
      %reduce_sum3A_3490 = vector.broadcast %reduce_sum3A_3489 : i1 to vector<16xi1>
      %reduce_sum3A_3491 = tpu.scan <sum>, %add3A_3482 masked %reduce_sum3A_3490 : vector<16xf32>, vector<16xi1> -> vector<16xf32>
      %reduce_sum3A_3492 = vector.extract %reduce_sum3A_3491[15] : f32 from vector<16xf32>
      %broadcast_in_dim3A_3493 = vector.broadcast %reduce_sum3A_3492 : f32 to vector<16xf32>
      %select_n3A_3494 = arith.select %eq3A_1482, %broadcast_in_dim3A_3493, %select_n3A_3372 : vector<16xi1>, vector<16xf32>
      %neg3A = arith.constant 0.000000e+00 : f32
      %neg3A_3495 = vector.broadcast %neg3A : f32 to vector<16xf32>
      %neg3A_3496 = arith.subf %neg3A_3495, %select_n3A_3494 : vector<16xf32>
      %mul3A_3497 = arith.constant 16 : i32
      %mul3A_3498 = arith.muli %scan3A_1522, %mul3A_3497 : i32
      %swap3A_3499 = arith.index_cast %mul3A_3498 : i32 to index
      %swap3A_3500 = tpu.vector_load %arg18[%swap3A_3499] {strides = array<i32>} : memref<512xf32, #tpu.memory_space<vmem>>, vector<16xf32>,
      tpu.vector_store %arg18[%swap3A_3499], %neg3A_3496 {strides = array<i32>} : memref<512xf32, #tpu.memory_space<vmem>>, vector<16xf32>,
      scf.yield %add3A_3488 : vector<16xf32>
    }
    %scan3A_1519 = arith.constant 32 : i32
    %swap3A_1520 = arith.constant 0 : index
    %swap3A_1521 = tpu.vector_load %arg19[%swap3A_1520] {strides = array<i32>} : memref<16xf32, #tpu.memory_space<vmem>>, vector<16xf32>,
    tpu.vector_store %arg19[%swap3A_1520], %scan3A_1518 {strides = array<i32>} : memref<16xf32, #tpu.memory_space<vmem>>, vector<16xf32>,
    "tpu.region"() ({
      %run_scoped3A = tpu.sem_alloc : memref<!tpu.dma_semaphore, #tpu.memory_space<semaphore_mem>>
      %dma_start3A_1522 = tpu.memref_slice %arg7[%mul3A_2] : memref<16384xf32, #tpu.memory_space<hbm>> -> memref<512xf32, #tpu.memory_space<hbm>>
      %dma_start3A_1523 = tpu.memref_slice %arg7[%mul3A_2] : memref<16384xf32, #tpu.memory_space<hbm>> -> memref<512xf32, #tpu.memory_space<hbm>>
      tpu.enqueue_dma source(%arg18 : memref<512xf32, #tpu.memory_space<vmem>>) target(%dma_start3A_1523 : memref<512xf32, #tpu.memory_space<hbm>>) target_semaphore(%run_scoped3A : memref<!tpu.dma_semaphore, #tpu.memory_space<semaphore_mem>>)
      %dma_wait3A = tpu.memref_slice %arg7[%mul3A_2] : memref<16384xf32, #tpu.memory_space<hbm>> -> memref<512xf32, #tpu.memory_space<hbm>>
      %dma_wait3A_1524 = tpu.memref_slice %arg7[%mul3A_2] : memref<16384xf32, #tpu.memory_space<hbm>> -> memref<512xf32, #tpu.memory_space<hbm>>
      tpu.wait_dma2 semaphore(%run_scoped3A : memref<!tpu.dma_semaphore, #tpu.memory_space<semaphore_mem>>) src(%arg18 : memref<512xf32, #tpu.memory_space<vmem>>) dst(%dma_wait3A_1524 : memref<512xf32, #tpu.memory_space<hbm>>)
      tpu.yield
    }) : () -> ()
    "tpu.region"() ({
      %run_scoped3A = tpu.sem_alloc : memref<!tpu.dma_semaphore, #tpu.memory_space<semaphore_mem>>
      %dma_start3A_1522 = arith.constant 0 : i32
      %dma_start3A_1523 = tpu.memref_slice %arg8[%add3A, %dma_start3A_1522] : memref<32x16xf32, #tpu.memory_space<hbm>> -> memref<1x16xf32, #tpu.memory_space<hbm>>
      %dma_start3A_1524 = tpu.memref_squeeze %dma_start3A_1523 : memref<1x16xf32, #tpu.memory_space<hbm>> -> memref<16xf32, #tpu.memory_space<hbm>>
      %dma_start3A_1525 = arith.constant 0 : i32
      %dma_start3A_1526 = tpu.memref_slice %arg8[%add3A, %dma_start3A_1525] : memref<32x16xf32, #tpu.memory_space<hbm>> -> memref<1x16xf32, #tpu.memory_space<hbm>>
      %dma_start3A_1527 = tpu.memref_squeeze %dma_start3A_1526 : memref<1x16xf32, #tpu.memory_space<hbm>> -> memref<16xf32, #tpu.memory_space<hbm>>
      tpu.enqueue_dma source(%arg19 : memref<16xf32, #tpu.memory_space<vmem>>) target(%dma_start3A_1527 : memref<16xf32, #tpu.memory_space<hbm>>) target_semaphore(%run_scoped3A : memref<!tpu.dma_semaphore, #tpu.memory_space<semaphore_mem>>)
      %dma_wait3A = arith.constant 0 : i32
      %dma_wait3A_1528 = tpu.memref_slice %arg8[%add3A, %dma_wait3A] : memref<32x16xf32, #tpu.memory_space<hbm>> -> memref<1x16xf32, #tpu.memory_space<hbm>>
      %dma_wait3A_1529 = tpu.memref_squeeze %dma_wait3A_1528 : memref<1x16xf32, #tpu.memory_space<hbm>> -> memref<16xf32, #tpu.memory_space<hbm>>
      %dma_wait3A_1530 = arith.constant 0 : i32
      %dma_wait3A_1531 = tpu.memref_slice %arg8[%add3A, %dma_wait3A_1530] : memref<32x16xf32, #tpu.memory_space<hbm>> -> memref<1x16xf32, #tpu.memory_space<hbm>>
      %dma_wait3A_1532 = tpu.memref_squeeze %dma_wait3A_1531 : memref<1x16xf32, #tpu.memory_space<hbm>> -> memref<16xf32, #tpu.memory_space<hbm>>
      tpu.wait_dma2 semaphore(%run_scoped3A : memref<!tpu.dma_semaphore, #tpu.memory_space<semaphore_mem>>) src(%arg19 : memref<16xf32, #tpu.memory_space<vmem>>) dst(%dma_wait3A_1532 : memref<16xf32, #tpu.memory_space<hbm>>)
      tpu.yield
    }) : () -> ()
    return
  }
}

</mosaic_0001>

<sc_bundles>
// kernel: _dist_mult_sc.3.cloned.1.call-start
scs
__scs_entry_jumppad:
0x0: {  	(pc) =	sbr.rel $0x88, $3  }
0x1: {  	(tag) =	ssettag $0x0;
	lr =	simm.s32 $0x1  }
0x2: {  	[smem:$0x3F9C] =	sst lr;
	_ =	strace $0xD0000000  }
0x3: {  	_ = 	snop  }
0x4: {  	_ = 	snop  }
0x5: {  	_ = 	snop  }
0x6: {  	_ = 	snop  }
0x7: {  	_ = 	snop  }
__scs_overlays_trampoline_lowered:
0x8: {  	[smem:$0x3FAB] =	sst s0  }
0x9: {  	[smem:$0x3FAC] =	sst s1  }
0xa: {  	[smem:$0x3FAD] =	sst s2  }
0xb: {  	[smem:$0x3FAE] =	sst s3  }
0xc: {  	[smem:$0x3FAF] =	sst s4  }
0xd: {  	[smem:$0x3FB0] =	sst s5  }
0xe: {  	[smem:$0x3FB1] =	sst s6  }
0xf: {  	[smem:$0x3FB2] =	sst s7  }
0x10: {  	[smem:$0x3FB3] =	sst s8  }
0x11: {  	[smem:$0x3FB4] =	sst s9;
	s0 =	simm.s32 @!p0 $0x0  }
0x12: {  	s1 =	sld [smem:$0x3F9A];
	s0 =	simm.s32 @p0 $0x1  }
0x13: {  	[smem:$0x3FB5] =	sst s0;
	s0 =	simm.s32 @!p1 $0x0  }
0x14: {  	s2 =	sld [smem:$0x3F99];
	s0 =	simm.s32 @p1 $0x1  }
0x15: {  	[smem:$0x3FB6] =	sst s0;
	s0 =	simm.s32 @!p2 $0x0  }
0x16: {  	s3 =	sld [smem:$0x3FDB];
	s0 =	simm.s32 @p2 $0x1  }
0x17: {  	s4 =	simm.s32 $0x1BF5;
	[smem:$0x3FB8] =	sst s0  }
0x18: {  	s0 =	sld [smem:$0x3F9B];
	_ =	swait.ge [sflag:s4], $0x0  }
0x19: {  	s7 =	sld [smem:$0x3F9C]  }
0x1a: {  	s8 =	sadd.s32 $0xFFFFE003, lr  }
0x1b: {  	s9 =	sadd.s32 $0xFFFFFEF7, lr;
	s5 =	simm.s32 $0xFFFFFFFF;
	p2 =	slt.u32 s8, $0xFFFFF086  }
0x1c: {  	p1 =	slt.u32 s9, $0xF7A;
	s5 =	simm.s32 @!p2 $0x0  }
0x1d: {  	s5 =	simm.s32 @p1 $0x1;
	p0 =	seq.s32 s7, s2  }
0x1e: {  	s7 =	smul.u32 @!p0 $0xF7A, s2;
	p2 =	seq.s32 @!p0 s5, $0x0  }
0x1f: {  	s9 =	smul.u32 $0xF7A, s1;
	s8 =	simm.s32 @!p0 $0x1BF5;
	p2 =	por !p2, p0  }
0x20: {  	[sflag:s8] =	ssyncset.s32 @!p0 $0xFFFFF086;
	s6 =	sadd.s32 @!p0 s3, s7;
	s7 =	simm.s32 @!p0 $0x108  }
0x21: {  	s3 =	sadd.s32 s3, s9;
	s6 =	sadd.s32 @!p0 $0x88, s6;
	s7 =	simm.s32 @p2 $0x1082  }
0x22: {  	[simem:s7], [sflag:s8] =	dma.local @!p0 [hbm:s6], $0xF7A  }
0x23: {  	s9 =	sor.u32 $0xD0000000, s2;
	s6 =	simm.s32 $0x108;
	_ =	swait.ge @!p0 [sflag:s8], $0x0  }
0x24: {  	s3 =	sadd.s32 $0x88, s3;
	s6 =	simm.s32 @!p1 $0x1082;
	[sflag:s4] =	ssyncset.s32 $0xFFFFF086  }
0x25: {  	[simem:s6], [sflag:s4] =	dma.local [hbm:s3], $0xF7A  }
0x26: {  	[smem:$0x3F9C] =	sst s1;
	(tag) =	ssettag s2;
	_ =	strace s9  }
0x27: {  	s1 =	sld [smem:$0x3FAC]  }
0x28: {  	s2 =	sld [smem:$0x3FAD]  }
0x29: {  	s4 =	sld [smem:$0x3FAF]  }
0x2a: {  	p0 =	seq.s32 s5, $0x0;
	s5 =	sld [smem:$0x3FB0]  }
0x2b: {  	s6 =	sld [smem:$0x3FB1]  }
0x2c: {  	s7 =	sld [smem:$0x3FB2]  }
0x2d: {  	s3 =	simm.s32 $0x108;
	s8 =	sld [smem:$0x3FB3]  }
0x2e: {  	s3 =	simm.s32 @!p0 $0x1082;
	s9 =	sld [smem:$0x3FB4]  }
0x2f: {  	lr =	sadd.s32 s0, s3;
	s0 =	sld [smem:$0x3FAB]  }
0x30: {  	s3 =	sld [smem:$0x3FAE]  }
0x31: {  	[smem:$0x3FB7] =	sst s10  }
0x32: {  	s10 =	sld [smem:$0x3FB5];
	_ =	sdelay $0x3  }
0x33: {  	p0 =	seq.s32 s10, $0x1;
	s10 =	sld [smem:$0x3FB7];
	_ =	sdelay $0x3  }
0x34: {  	[smem:$0x3FB7] =	sst s10  }
0x35: {  	s10 =	sld [smem:$0x3FB6];
	_ =	sdelay $0x3  }
0x36: {  	p1 =	seq.s32 s10, $0x1;
	s10 =	sld [smem:$0x3FB7];
	_ =	sdelay $0x3  }
0x37: {  	[smem:$0x3FB7] =	sst s10  }
0x38: {  	s10 =	sld [smem:$0x3FB8]  }
0x39: {  	_ = 	snop;
	(pc) =	sbr.ind lr, $3  }
0x3a: {  	_ = 	snop  }
0x3b: {  	_ = 	snop  }
0x3c: {  	p2 =	seq.s32 s10, $0x1;
	s10 =	sld [smem:$0x3FB7]  }
0x3d: {  	_ =	shalt  }
0x3e: {  	_ =	shalt  }
0x3f: {  	_ =	shalt  }
0x40: {  	_ =	shalt  }
0x41: {  	_ =	shalt  }
0x42: {  	_ =	shalt  }
0x43: {  	_ =	shalt  }
0x44: {  	_ =	shalt  }
0x45: {  	_ =	shalt  }
0x46: {  	_ =	shalt  }
0x47: {  	_ =	shalt  }
0x48: {  	_ =	shalt  }
0x49: {  	_ =	shalt  }
0x4a: {  	_ =	shalt  }
0x4b: {  	_ =	shalt  }
0x4c: {  	_ =	shalt  }
0x4d: {  	_ =	shalt  }
0x4e: {  	_ =	shalt  }
0x4f: {  	_ =	shalt  }
0x50: {  	_ =	shalt  }
0x51: {  	_ =	shalt  }
0x52: {  	_ =	shalt  }
0x53: {  	_ =	shalt  }
0x54: {  	_ =	shalt  }
0x55: {  	_ =	shalt  }
0x56: {  	_ =	shalt  }
0x57: {  	_ =	shalt  }
0x58: {  	_ =	shalt  }
0x59: {  	_ =	shalt  }
0x5a: {  	_ =	shalt  }
0x5b: {  	_ =	shalt  }
0x5c: {  	_ =	shalt  }
0x5d: {  	_ =	shalt  }
0x5e: {  	_ =	shalt  }
0x5f: {  	_ =	shalt  }
0x60: {  	_ =	shalt  }
0x61: {  	_ =	shalt  }
0x62: {  	_ =	shalt  }
0x63: {  	_ =	shalt  }
0x64: {  	_ =	shalt  }
0x65: {  	_ =	shalt  }
0x66: {  	_ =	shalt  }
0x67: {  	_ =	shalt  }
0x68: {  	_ =	shalt  }
0x69: {  	_ =	shalt  }
0x6a: {  	_ =	shalt  }
0x6b: {  	_ =	shalt  }
0x6c: {  	_ =	shalt  }
0x6d: {  	_ =	shalt  }
0x6e: {  	_ =	shalt  }
0x6f: {  	_ =	shalt  }
0x70: {  	_ =	shalt  }
0x71: {  	_ =	shalt  }
0x72: {  	_ =	shalt  }
0x73: {  	_ =	shalt  }
0x74: {  	_ =	shalt  }
0x75: {  	_ =	shalt  }
0x76: {  	_ =	shalt  }
0x77: {  	_ =	shalt  }
0x78: {  	_ =	shalt  }
0x79: {  	_ =	shalt  }
0x7a: {  	_ =	shalt  }
0x7b: {  	_ =	shalt  }
0x7c: {  	_ =	shalt  }
0x7d: {  	_ =	shalt  }
0x7e: {  	_ =	shalt  }
0x7f: {  	_ =	shalt  }
0x80: {  	_ =	shalt  }
0x81: {  	_ =	shalt  }
0x82: {  	_ =	shalt  }
0x83: {  	_ =	shalt  }
0x84: {  	_ =	shalt  }
0x85: {  	_ =	shalt  }
0x86: {  	_ =	shalt  }
0x87: {  	_ =	shalt  }
.Lfunc_end0:
.L_simem_size_0:
called_computation_lowered:
.L_overlay_start_0:
0x88: {  	s2 =	sld [smem:$0x3FD9]  }
0x89: {  	s3 =	sld [smem:$0x3FFE];
	_ =	sdelay $0x1  }
0x8a: {  	s1 =	srdreg.scid  }
0x8b: {  	s0 =	sand.u32 $0x1, s1  }
0x8c: {  	s14 =	sshll.u32 s0, $0xA;
	s2 =	sadd.s32 s3, s2  }
0x8d: {  	s2 =	sadd.s32 s2, s14  }
0x8e: {  	[smem:$0x3FC3] =	sst s2  }
0x8f: {  	_ = 	snop  }
0x90: {  	s2 =	sld [smem:$0x3FC9]  }
0x91: {  	s15 =	sld [smem:$0x3FC8]  }
0x92: {  	s4 =	sld [smem:$0x3FD0]  }
0x93: {  	s5 =	sld [smem:$0x3FC7]  }
0x94: {  	s6 =	sld [smem:$0x3FC6]  }
0x95: {  	s8 =	simm.s32 $0xA;
	s9 =	simm.s32 $0x10;
	s7 =	sld [smem:$0x3FC5]  }
0x96: {  	[smem:s9], [sflag:s8] =	dma.local [hbm:s4], $0x1  }
0x97: {  	_ =	swait.eq [sflag:s8], $0x1  }
0x98: {  	[sflag:s8] =	ssyncset.done $0x0  }
0x99: {  	[sflag:s8] =	ssyncadd.s32 $0xFFFFFFFF  }
0x9a: {  	s16 =	sld [smem:$0x10];
	(tm) =	ssettm $0x1  }
0x9b: {  	s17 =	sld [smem:$0x3FFB];
	_ =	sdelay $0x3  }
0x9c: {  	_ =	strace s17  }
0x9d: {  	s8 =	sld [smem:$0x3FFC];
	_ =	sdelay $0x3  }
0x9e: {  	_ =	strace s8  }
0x9f: {  	s8 =	sld [smem:$0x3FFD];
	_ =	sdelay $0x3  }
0xa0: {  	_ =	strace s8  }
0xa1: {  	_ =	strace $0x8FFFFFFF  }
0xa2: {  	s18 =	sld [smem:$0x3FDB];
	_ =	sdelay $0x1  }
0xa3: {  	s19 =	simm.s32 $_scs_section_size  }
0xa4: {  	s10 =	simm.s32 $_size__tile_overlayer_lowered;
	s11 =	simm.s32 $_tile_overlayer_lowered  }
0xa5: {  	s22 =	simm.s32 $0x1BFF;
	s21 =	sshll.u32 s11, $0x1;
	s8 =	sadd.s32 s19, s18  }
0xa6: {  	s12 =	simm.s32 $0x0;
	s20 =	sshll.u32 s10, $0x1;
	s10 =	sadd.s32 s21, s8  }
0xa7: {  	[timem:s12], [sflag:s22] =	dma.local [hbm:s10], s20  }
0xa8: {  	_ =	swait.ge [sflag:s22], s20  }
0xa9: {  	s9 =	ssub.s32 $0x0, s20;
	[sflag:s22] =	ssyncset.done $0x0  }
0xaa: {  	[sflag:s22] =	ssyncadd.s32 s9;
	_ =	sdelay $0x1  }
0xab: {  	s23 =	simm.s32 $0x1B8B  }
0xac: {  	_ =	swait.ge [sflag:s23], $0x1  }
0xad: {  	[sflag:s23] =	ssyncset.done $0x0  }
0xae: {  	s25 =	simm.s32 $0x1B8E;
	s24 =	sld [smem:$0x3FFE];
	[sflag:s23] =	ssyncadd.s32 $0xFFFFFFFF  }
0xaf: {  	s26 =	simm.s32 $execute0_lowered;
	[smem:$0x3FD2] =	sst s25  }
0xb0: {  	s10 =	sshll.u32 s26, $0x1;
	_ =	strace $0x80000046;
	[dreg:$0x1] =	wrdreg $0xFFFFFFFF  }
0xb1: {  	s28 =	simm.s32 $_size_execute0_lowered;
	s8 =	sadd.s32 s8, s10;
	[dreg:$0x0] =	wrdreg $0x0  }
0xb2: {  	s10 =	sshll.u32 s28, $0x1;
	[dreg:$0x2] =	wrdreg s8  }
0xb3: {  	[dreg:$0x3] =	wrdreg s10  }
0xb4: {  	[dreg:$0x4] =	wrdreg $0xC0  }
0xb5: {  	_ =	task [dreg:s12], $0x5FFFF  }
0xb6: {  	[dreg:$0x1] =	wrdreg $0xFFFFFFFF  }
0xb7: {  	[dreg:$0x0] =	wrdreg $0x60  }
0xb8: {  	[dreg:$0x2] =	wrdreg s2  }
0xb9: {  	[dreg:$0x3] =	wrdreg s15  }
0xba: {  	[dreg:$0x4] =	wrdreg s5  }
0xbb: {  	[dreg:$0x5] =	wrdreg s6  }
0xbc: {  	[dreg:$0x6] =	wrdreg s7  }
0xbd: {  	[dreg:$0x7] =	wrdreg s16  }
0xbe: {  	[dreg:$0x8] =	wrdreg s24  }
0xbf: {  	[dreg:$0x9] =	wrdreg $0x9  }
0xc0: {  	_ =	task.clear_ibuf [dreg:s12], $0xAFFFF;
	_ =	strace $0x90000046  }
0xc1: {  	s29 =	simm.s32 $0x9;
	_ =	strace $0x80000048  }
0xc2: {  	_ =	swait.ge [sflag:s29], $0x1  }
0xc3: {  	[sflag:s29] =	ssyncadd.s32 $0xFFFFFFFF  }
0xc4: {  	_ =	strace $0x90000048  }
0xc5: {  	_ =	sfence  }
0xc6: {  	s30 =	sld [smem:$0x0];
	_ =	sdelay $0x2  }
0xc7: {  	s31 =	sshll.u32 s1, $0xD;
	s1 =	sshrl.u32 s1, $0x2  }
0xc8: {  	s3 =	sand.u32 $0x4000, s31;
	s1 =	sadd.s32 s1, s30  }
0xc9: {  	s0 =	sor.u32 s3, s0;
	s1 =	sshll.u32 s1, $0x11  }
0xca: {  	s0 =	sor.u32 s1, s0  }
0xcb: {  	s0 =	sadd.s32 $0x8F2B, s0  }
0xcc: {  	[sflag:s0] =	ssyncadd.remote.s32 $0x1  }
0xcd: {  	_ =	sfence.sel $0xFFFF  }
0xce: {  	[dreg:$0x0] =	wrdreg $0xFFFFFFFF;
	(pc) =	sbr.abs _section_cstart, $3  }
0xcf: {  	[dreg:$0x1] =	wrdreg $0xFFFFFFFF  }
0xd0: {  	_ =	task.clear_ibuf [dreg:s12], $0x2FFFF;
	_ =	strace $0x9FFFFFFF  }
0xd1: {  	(tm) =	ssettm $0x7FFFFFFF  }
tec
execute0_lowered:
.L_overlay_start_1:
0x0: {  	(tag) =	ssettag $0x1  }
0x1: {  	s0 =	rddreg [dreg:$0x0]  }
0x2: {  	s3 =	rddreg [dreg:$0x1]  }
0x3: {  	s6 =	rddreg [dreg:$0x2]  }
0x4: {  	s1 =	rddreg [dreg:$0x3]  }
0x5: {  	s2 =	rddreg [dreg:$0x4]  }
0x6: {  	s8 =	rddreg [dreg:$0x5]  }
0x7: {  	s5 =	rddreg [dreg:$0x6]  }
0x8: {  	s7 =	srdreg.scid;
	s9 =	stileid.u32;
	s4 =	simm.s32 $0x0  }
0x9: {  	s14 =	simm.s32 $0x80;
	s16 =	simm.s32 $0xC00;
	s18 =	simm.s32 $0x8C00  }
0xa: {  	s20 =	simm.s32 $0x10C00;
	s21 =	simm.s32 $0x4C00;
	s22 =	simm.s32 $0xCC00  }
0xb: {  	s23 =	simm.s32 $0x14C00;
	s24 =	simm.s32 $0x1;
	s25 =	simm.s32 $0x2  }
0xc: {  	s28 =	simm.s32 $0x18E00;
	s7 =	sand.u32 $0x1, s7;
	s9 =	sshll.u32 s9, $0x1  }
0xd: {  	s29 =	simm.s32 $0x0;
	[smem:$0x7FF] =	sst s4;
	s9 =	sor.u32 s7, s9  }
.Ltmp0:
0xe: {  	s7 =	ssub.s32 $0x2, s7;
	_ =	strace $0x80000047;
	(pc) =	sbr.rel .LBB2_1-.Ltmp0, $4  }
0xf: {  	s10 =	sshll.u32 s9, $0x4;
	s11 =	sshrl.u32 s7, $0x1;
	s9 =	sshll.u32 s9, $0x6  }
0x10: {  	s10 =	sadd.s32 s10, s5;
	s11 =	ssub.s32 s7, s11;
	s5 =	sadd.s32 s0, s9  }
0x11: {  	s6 =	sadd.s32 s6, s9;
	s7 =	sadd.s32 s3, s9;
	s8 =	sadd.s32 s8, s9  }
0x12: {  	v54 =	vlaneseq.u32;
	s9 =	sadd.s32 $0x800, s10;
	s10 =	smax.u32 s11, $0x1;
	s11 =	simm.s32 $0x3  }
.LBB2_11:
0x13: {  	[tilespmem:$0x18E00] =	vst v0;
	s0 =	simm.s32 $0x18C00  }
0x14: {  	[hbm4b:s8+s4] =	stream.linear.scatter [tilespmem:s0], [sflag:$0x3], $0x200, $0x38;
	[tilespmem:$0x18E80] =	vst v63  }
0x15: {  	s29 =	sadd.s32 $0x1, s29;
	_ =	swait.ge [sflag:s11], $0x200  }
0x16: {  	p0 =	sne.s32 s29, s10;
	[sflag:s11] =	ssyncset.done $0x0  }
.Ltmp1:
0x17: {  	[sflag:s11] =	ssyncadd.s32 $0xFFFFFE00;
	(pc) =	sbr.rel @!p0 .LBB2_12-.Ltmp1, $4  }
0x18: {  	[hbm4b:s9+s4] =	stream.linear.scatter [tilespmem:s28], [sflag:$0x3], $0x80, $0x38;
	[tilespmem:$0x18E80] =	vst v63  }
0x19: {  	_ =	swait.ge [sflag:s11], $0x80  }
0x1a: {  	[sflag:s11] =	ssyncset.done $0x0  }
0x1b: {  	[sflag:s11] =	ssyncadd.s32 $0xFFFFFF80  }
.LBB2_1:
0x1c: {  	[tilespmem:s4], [sflag:$0x3] =	stream.linear.gather [hbm4b:s5+s4], $0x200, $0x38;
	[tilespmem:$0x18E80] =	vst v63  }
0x1d: {  	_ =	swait.ge [sflag:s11], $0x200  }
0x1e: {  	[sflag:s11] =	ssyncset.done $0x0  }
0x1f: {  	s0 =	simm.s32 $0x400;
	[sflag:s11] =	ssyncadd.s32 $0xFFFFFE00  }
0x20: {  	[tilespmem:s0], [sflag:$0x3] =	stream.linear.gather [hbm4b:s6+s4], $0x200, $0x38;
	[tilespmem:$0x18E80] =	vst v63  }
0x21: {  	_ =	swait.ge [sflag:s11], $0x200  }
0x22: {  	[sflag:s11] =	ssyncset.done $0x0  }
0x23: {  	s15 =	simm.s32 $0x200;
	[sflag:s11] =	ssyncadd.s32 $0xFFFFFE00  }
0x24: {  	[tilespmem:s15], [sflag:$0x3] =	stream.linear.gather [hbm4b:s7+s4], $0x200, $0x38;
	[tilespmem:$0x18E80] =	vst v63  }
0x25: {  	_ =	swait.ge [sflag:s11], $0x200  }
0x26: {  	[sflag:s11] =	ssyncset.done $0x0  }
0x27: {  	[sflag:s11] =	ssyncadd.s32 $0xFFFFFE00  }
0x28: {  	v0 =	vld [tilespmem:$0x0]  }
0x29: {  	v2 =	vld [tilespmem:$0x10]  }
0x2a: {  	v3 =	vld [tilespmem:$0x20]  }
0x2b: {  	v4 =	vld [tilespmem:$0x30]  }
0x2c: {  	v5 =	vld [tilespmem:$0x40]  }
0x2d: {  	v1 =	vimm.s32 $0xFFF84000;
	v6 =	vld [tilespmem:$0x50];
	vm0 =	vlt.s32 v0, $0x7C000  }
0x2e: {  	v8 =	vld [tilespmem:$0x60];
	vm5 =	vlt.s32 v2, $0x7C000;
	v7 =	vsel vm0, $0x0, v1  }
0x2f: {  	v9 =	vld [tilespmem:$0x70];
	vm6 =	vlt.s32 v3, $0x7C000;
	v38 =	vsel vm5, $0x0, v1;
	v0 =	vadd.s32 v0, v7  }
0x30: {  	v39 =	vld [tilespmem:$0x80];
	vm7 =	vlt.s32 v4, $0x7C000;
	[tilespmem:$0x600] =	vst v0;
	v0 =	vadd.s32 v2, v38;
	v2 =	vsel vm6, $0x0, v1  }
0x31: {  	vm8 =	vlt.s32 v5, $0x7C000;
	[tilespmem:$0x610] =	vst v0;
	v0 =	vadd.s32 v3, v2;
	v2 =	vsel vm7, $0x0, v1;
	v3 =	vld [tilespmem:$0x90]  }
0x32: {  	v40 =	vld [tilespmem:$0xA0];
	vm9 =	vlt.s32 v6, $0x7C000;
	[tilespmem:$0x620] =	vst v0;
	v0 =	vadd.s32 v4, v2;
	v2 =	vsel vm8, $0x0, v1  }
0x33: {  	v41 =	vld [tilespmem:$0xB0];
	vm10 =	vlt.s32 v8, $0x7C000;
	[tilespmem:$0x630] =	vst v0;
	v0 =	vadd.s32 v5, v2;
	v2 =	vsel vm9, $0x0, v1  }
0x34: {  	v42 =	vld [tilespmem:$0xC0];
	vm11 =	vlt.s32 v9, $0x7C000;
	[tilespmem:$0x640] =	vst v0;
	v0 =	vadd.s32 v6, v2;
	v2 =	vsel vm10, $0x0, v1  }
0x35: {  	v43 =	vld [tilespmem:$0xD0];
	vm12 =	vlt.s32 v39, $0x7C000;
	[tilespmem:$0x650] =	vst v0;
	v0 =	vadd.s32 v8, v2;
	v2 =	vsel vm11, $0x0, v1  }
0x36: {  	v44 =	vld [tilespmem:$0xE0];
	[tilespmem:$0x660] =	vst v0;
	v0 =	vadd.s32 v9, v2;
	v2 =	vsel vm12, $0x0, v1;
	vm13 =	vlt.s32 v3, $0x7C000  }
0x37: {  	v45 =	vld [tilespmem:$0xF0];
	vm14 =	vlt.s32 v40, $0x7C000;
	[tilespmem:$0x670] =	vst v0;
	v0 =	vadd.s32 v39, v2;
	v2 =	vsel vm13, $0x0, v1  }
0x38: {  	vm15 =	vlt.s32 v41, $0x7C000;
	[tilespmem:$0x680] =	vst v0;
	v0 =	vadd.s32 v3, v2;
	v2 =	vsel vm14, $0x0, v1;
	v3 =	vld [tilespmem:$0x100]  }
0x39: {  	v46 =	vld [tilespmem:$0x110];
	vm4 =	vlt.s32 v42, $0x7C000;
	[tilespmem:$0x690] =	vst v0;
	v0 =	vadd.s32 v40, v2;
	v2 =	vsel vm15, $0x0, v1  }
0x3a: {  	v47 =	vld [tilespmem:$0x120];
	vm5 =	vlt.s32 v43, $0x7C000;
	[tilespmem:$0x6A0] =	vst v0;
	v0 =	vadd.s32 v41, v2;
	v2 =	vsel vm4, $0x0, v1  }
0x3b: {  	v48 =	vld [tilespmem:$0x130];
	vm6 =	vlt.s32 v44, $0x7C000;
	[tilespmem:$0x6B0] =	vst v0;
	v0 =	vadd.s32 v42, v2;
	v2 =	vsel vm5, $0x0, v1  }
0x3c: {  	v49 =	vld [tilespmem:$0x140];
	vm7 =	vlt.s32 v45, $0x7C000;
	[tilespmem:$0x6C0] =	vst v0;
	v0 =	vadd.s32 v43, v2;
	v2 =	vsel vm6, $0x0, v1  }
0x3d: {  	v50 =	vld [tilespmem:$0x150];
	[tilespmem:$0x6D0] =	vst v0;
	v0 =	vadd.s32 v44, v2;
	v2 =	vsel vm7, $0x0, v1;
	vm8 =	vlt.s32 v3, $0x7C000  }
0x3e: {  	v51 =	vld [tilespmem:$0x160];
	vm9 =	vlt.s32 v46, $0x7C000;
	[tilespmem:$0x6E0] =	vst v0;
	v0 =	vadd.s32 v45, v2;
	v2 =	vsel vm8, $0x0, v1  }
0x3f: {  	vm10 =	vlt.s32 v47, $0x7C000;
	[tilespmem:$0x6F0] =	vst v0;
	v0 =	vadd.s32 v3, v2;
	v2 =	vsel vm9, $0x0, v1;
	v3 =	vld [tilespmem:$0x170]  }
0x40: {  	v52 =	vld [tilespmem:$0x180];
	vm11 =	vlt.s32 v48, $0x7C000;
	[tilespmem:$0x700] =	vst v0;
	v0 =	vadd.s32 v46, v2;
	v2 =	vsel vm10, $0x0, v1  }
0x41: {  	v53 =	vld [tilespmem:$0x190];
	vm12 =	vlt.s32 v49, $0x7C000;
	[tilespmem:$0x710] =	vst v0;
	v0 =	vadd.s32 v47, v2;
	v2 =	vsel vm11, $0x0, v1  }
0x42: {  	v55 =	vld [tilespmem:$0x1A0];
	vm13 =	vlt.s32 v50, $0x7C000;
	[tilespmem:$0x720] =	vst v0;
	v0 =	vadd.s32 v48, v2;
	v2 =	vsel vm12, $0x0, v1  }
0x43: {  	v56 =	vld [tilespmem:$0x1B0];
	vm14 =	vlt.s32 v51, $0x7C000;
	[tilespmem:$0x730] =	vst v0;
	v0 =	vadd.s32 v49, v2;
	v2 =	vsel vm13, $0x0, v1  }
0x44: {  	v57 =	vld [tilespmem:$0x1C0];
	[tilespmem:$0x740] =	vst v0;
	v0 =	vadd.s32 v50, v2;
	v2 =	vsel vm14, $0x0, v1;
	vm15 =	vlt.s32 v3, $0x7C000  }
0x45: {  	v58 =	vld [tilespmem:$0x1D0];
	vm4 =	vlt.s32 v52, $0x7C000;
	[tilespmem:$0x750] =	vst v0;
	v0 =	vadd.s32 v51, v2;
	v2 =	vsel vm15, $0x0, v1  }
0x46: {  	vm5 =	vlt.s32 v53, $0x7C000;
	[tilespmem:$0x760] =	vst v0;
	v0 =	vadd.s32 v3, v2;
	v2 =	vsel vm4, $0x0, v1;
	v3 =	vld [tilespmem:$0x1E0]  }
0x47: {  	v59 =	vld [tilespmem:$0x1F0];
	vm6 =	vlt.s32 v55, $0x7C000;
	[tilespmem:$0x770] =	vst v0;
	v0 =	vadd.s32 v52, v2;
	v2 =	vsel vm5, $0x0, v1  }
0x48: {  	v60 =	vld [tilespmem:$0x400];
	vm7 =	vlt.s32 v56, $0x7C000;
	[tilespmem:$0x780] =	vst v0;
	v0 =	vadd.s32 v53, v2;
	v2 =	vsel vm6, $0x0, v1  }
0x49: {  	v61 =	vld [tilespmem:$0x410];
	vm8 =	vlt.s32 v57, $0x7C000;
	[tilespmem:$0x790] =	vst v0;
	v0 =	vadd.s32 v55, v2;
	v2 =	vsel vm7, $0x0, v1  }
0x4a: {  	v62 =	vld [tilespmem:$0x420];
	vm9 =	vlt.s32 v58, $0x7C000;
	[tilespmem:$0x7A0] =	vst v0;
	v0 =	vadd.s32 v56, v2;
	v2 =	vsel vm8, $0x0, v1  }
0x4b: {  	v63 =	vld [tilespmem:$0x430];
	[tilespmem:$0x7B0] =	vst v0;
	v0 =	vadd.s32 v57, v2;
	v2 =	vsel vm9, $0x0, v1;
	vm10 =	vlt.s32 v3, $0x7C000  }
0x4c: {  	v12 =	vld [tilespmem:$0x440];
	vm11 =	vlt.s32 v59, $0x7C000;
	[tilespmem:$0x7C0] =	vst v0;
	v0 =	vadd.s32 v58, v2;
	v2 =	vsel vm10, $0x0, v1  }
0x4d: {  	vm12 =	vlt.s32 v60, $0x7C000;
	[tilespmem:$0x7D0] =	vst v0;
	v0 =	vadd.s32 v3, v2;
	v2 =	vsel vm11, $0x0, v1;
	v3 =	vld [tilespmem:$0x450]  }
0x4e: {  	v13 =	vld [tilespmem:$0x460];
	vm13 =	vlt.s32 v61, $0x7C000;
	[tilespmem:$0x7E0] =	vst v0;
	v0 =	vadd.s32 v59, v2;
	v2 =	vsel vm12, $0x0, v1  }
0x4f: {  	v14 =	vld [tilespmem:$0x470];
	vm14 =	vlt.s32 v62, $0x7C000;
	[tilespmem:$0x7F0] =	vst v0;
	v0 =	vadd.s32 v60, v2;
	v2 =	vsel vm13, $0x0, v1  }
0x50: {  	v15 =	vld [tilespmem:$0x480];
	vm15 =	vlt.s32 v63, $0x7C000;
	[tilespmem:$0xA00] =	vst v0;
	v0 =	vadd.s32 v61, v2;
	v2 =	vsel vm14, $0x0, v1  }
0x51: {  	v16 =	vld [tilespmem:$0x490];
	vm4 =	vlt.s32 v12, $0x7C000;
	[tilespmem:$0xA10] =	vst v0;
	v0 =	vadd.s32 v62, v2;
	v2 =	vsel vm15, $0x0, v1  }
0x52: {  	v17 =	vld [tilespmem:$0x4A0];
	[tilespmem:$0xA20] =	vst v0;
	v0 =	vadd.s32 v63, v2;
	v2 =	vsel vm4, $0x0, v1;
	vm5 =	vlt.s32 v3, $0x7C000  }
0x53: {  	v18 =	vld [tilespmem:$0x4B0];
	vm6 =	vlt.s32 v13, $0x7C000;
	[tilespmem:$0xA30] =	vst v0;
	v0 =	vadd.s32 v12, v2;
	v2 =	vsel vm5, $0x0, v1  }
0x54: {  	vm7 =	vlt.s32 v14, $0x7C000;
	[tilespmem:$0xA40] =	vst v0;
	v0 =	vadd.s32 v3, v2;
	v2 =	vsel vm6, $0x0, v1;
	v3 =	vld [tilespmem:$0x4C0]  }
0x55: {  	v19 =	vld [tilespmem:$0x4D0];
	vm8 =	vlt.s32 v15, $0x7C000;
	[tilespmem:$0xA50] =	vst v0;
	v0 =	vadd.s32 v13, v2;
	v2 =	vsel vm7, $0x0, v1  }
0x56: {  	v20 =	vld [tilespmem:$0x4E0];
	vm9 =	vlt.s32 v16, $0x7C000;
	[tilespmem:$0xA60] =	vst v0;
	v0 =	vadd.s32 v14, v2;
	v2 =	vsel vm8, $0x0, v1  }
0x57: {  	v21 =	vld [tilespmem:$0x4F0];
	vm10 =	vlt.s32 v17, $0x7C000;
	[tilespmem:$0xA70] =	vst v0;
	v0 =	vadd.s32 v15, v2;
	v2 =	vsel vm9, $0x0, v1  }
0x58: {  	v22 =	vld [tilespmem:$0x500];
	vm11 =	vlt.s32 v18, $0x7C000;
	[tilespmem:$0xA80] =	vst v0;
	v0 =	vadd.s32 v16, v2;
	v2 =	vsel vm10, $0x0, v1  }
0x59: {  	v23 =	vld [tilespmem:$0x510];
	[tilespmem:$0xA90] =	vst v0;
	v0 =	vadd.s32 v17, v2;
	v2 =	vsel vm11, $0x0, v1;
	vm12 =	vlt.s32 v3, $0x7C000  }
0x5a: {  	v24 =	vld [tilespmem:$0x520];
	vm13 =	vlt.s32 v19, $0x7C000;
	[tilespmem:$0xAA0] =	vst v0;
	v0 =	vadd.s32 v18, v2;
	v2 =	vsel vm12, $0x0, v1  }
0x5b: {  	vm14 =	vlt.s32 v20, $0x7C000;
	[tilespmem:$0xAB0] =	vst v0;
	v0 =	vadd.s32 v3, v2;
	v2 =	vsel vm13, $0x0, v1;
	v3 =	vld [tilespmem:$0x530]  }
0x5c: {  	v25 =	vld [tilespmem:$0x540];
	vm15 =	vlt.s32 v21, $0x7C000;
	[tilespmem:$0xAC0] =	vst v0;
	v0 =	vadd.s32 v19, v2;
	v2 =	vsel vm14, $0x0, v1  }
0x5d: {  	v26 =	vld [tilespmem:$0x550];
	vm4 =	vlt.s32 v22, $0x7C000;
	[tilespmem:$0xAD0] =	vst v0;
	v0 =	vadd.s32 v20, v2;
	v2 =	vsel vm15, $0x0, v1  }
0x5e: {  	v27 =	vld [tilespmem:$0x560];
	vm5 =	vlt.s32 v23, $0x7C000;
	[tilespmem:$0xAE0] =	vst v0;
	v0 =	vadd.s32 v21, v2;
	v2 =	vsel vm4, $0x0, v1  }
0x5f: {  	v28 =	vld [tilespmem:$0x570];
	vm6 =	vlt.s32 v24, $0x7C000;
	[tilespmem:$0xAF0] =	vst v0;
	v0 =	vadd.s32 v22, v2;
	v2 =	vsel vm5, $0x0, v1  }
0x60: {  	v29 =	vld [tilespmem:$0x580];
	[tilespmem:$0xB00] =	vst v0;
	v0 =	vadd.s32 v23, v2;
	v2 =	vsel vm6, $0x0, v1;
	vm7 =	vlt.s32 v3, $0x7C000  }
0x61: {  	v30 =	vld [tilespmem:$0x590];
	vm8 =	vlt.s32 v25, $0x7C000;
	[tilespmem:$0xB10] =	vst v0;
	v0 =	vadd.s32 v24, v2;
	v2 =	vsel vm7, $0x0, v1  }
0x62: {  	vm9 =	vlt.s32 v26, $0x7C000;
	[tilespmem:$0xB20] =	vst v0;
	v0 =	vadd.s32 v3, v2;
	v2 =	vsel vm8, $0x0, v1;
	v3 =	vld [tilespmem:$0x5A0]  }
0x63: {  	v31 =	vld [tilespmem:$0x5B0];
	vm10 =	vlt.s32 v27, $0x7C000;
	[tilespmem:$0xB30] =	vst v0;
	v0 =	vadd.s32 v25, v2;
	v2 =	vsel vm9, $0x0, v1  }
0x64: {  	v32 =	vld [tilespmem:$0x5C0];
	vm11 =	vlt.s32 v28, $0x7C000;
	[tilespmem:$0xB40] =	vst v0;
	v0 =	vadd.s32 v26, v2;
	v2 =	vsel vm10, $0x0, v1  }
0x65: {  	v33 =	vld [tilespmem:$0x5D0];
	vm12 =	vlt.s32 v29, $0x7C000;
	[tilespmem:$0xB50] =	vst v0;
	v0 =	vadd.s32 v27, v2;
	v2 =	vsel vm11, $0x0, v1  }
0x66: {  	v34 =	vld [tilespmem:$0x5E0];
	vm13 =	vlt.s32 v30, $0x7C000;
	[tilespmem:$0xB60] =	vst v0;
	v0 =	vadd.s32 v28, v2;
	v2 =	vsel vm12, $0x0, v1  }
0x67: {  	v35 =	vld [tilespmem:$0x5F0];
	[tilespmem:$0xB70] =	vst v0;
	v0 =	vadd.s32 v29, v2;
	v2 =	vsel vm13, $0x0, v1;
	vm14 =	vlt.s32 v3, $0x7C000  }
0x68: {  	v36 =	vld [tilespmem:$0x200];
	vm15 =	vlt.s32 v31, $0x7C000;
	[tilespmem:$0xB80] =	vst v0;
	v0 =	vadd.s32 v30, v2;
	v2 =	vsel vm14, $0x0, v1  }
0x69: {  	vm4 =	vlt.s32 v32, $0x7C000;
	[tilespmem:$0xB90] =	vst v0;
	v0 =	vadd.s32 v3, v2;
	v2 =	vsel vm15, $0x0, v1;
	v3 =	vld [tilespmem:$0x210]  }
0x6a: {  	v37 =	vld [tilespmem:$0x220];
	vm5 =	vlt.s32 v33, $0x7C000;
	[tilespmem:$0xBA0] =	vst v0;
	v0 =	vadd.s32 v31, v2;
	v2 =	vsel vm4, $0x0, v1  }
0x6b: {  	v38 =	vld [tilespmem:$0x230];
	vm6 =	vlt.s32 v34, $0x7C000;
	[tilespmem:$0xBB0] =	vst v0;
	v0 =	vadd.s32 v32, v2;
	v2 =	vsel vm5, $0x0, v1  }
0x6c: {  	v39 =	vld [tilespmem:$0x240];
	vm7 =	vlt.s32 v35, $0x7C000;
	[tilespmem:$0xBC0] =	vst v0;
	v0 =	vadd.s32 v33, v2;
	v2 =	vsel vm6, $0x0, v1  }
0x6d: {  	v40 =	vld [tilespmem:$0x250];
	vm8 =	vlt.s32 v36, $0x7C000;
	[tilespmem:$0xBD0] =	vst v0;
	v0 =	vadd.s32 v34, v2;
	v2 =	vsel vm7, $0x0, v1  }
0x6e: {  	v41 =	vld [tilespmem:$0x260];
	[tilespmem:$0xBE0] =	vst v0;
	v0 =	vadd.s32 v35, v2;
	v2 =	vsel vm8, $0x0, v1;
	vm9 =	vlt.s32 v3, $0x7C000  }
0x6f: {  	v42 =	vld [tilespmem:$0x270];
	vm10 =	vlt.s32 v37, $0x7C000;
	[tilespmem:$0xBF0] =	vst v0;
	v0 =	vadd.s32 v36, v2;
	v2 =	vsel vm9, $0x0, v1  }
0x70: {  	vm11 =	vlt.s32 v38, $0x7C000;
	[tilespmem:$0x800] =	vst v0;
	v0 =	vadd.s32 v3, v2;
	v2 =	vsel vm10, $0x0, v1;
	v3 =	vld [tilespmem:$0x280]  }
0x71: {  	v43 =	vld [tilespmem:$0x290];
	vm12 =	vlt.s32 v39, $0x7C000;
	[tilespmem:$0x810] =	vst v0;
	v0 =	vadd.s32 v37, v2;
	v2 =	vsel vm11, $0x0, v1  }
0x72: {  	v44 =	vld [tilespmem:$0x2A0];
	vm13 =	vlt.s32 v40, $0x7C000;
	[tilespmem:$0x820] =	vst v0;
	v0 =	vadd.s32 v38, v2;
	v2 =	vsel vm12, $0x0, v1  }
0x73: {  	v45 =	vld [tilespmem:$0x2B0];
	vm14 =	vlt.s32 v41, $0x7C000;
	[tilespmem:$0x830] =	vst v0;
	v0 =	vadd.s32 v39, v2;
	v2 =	vsel vm13, $0x0, v1  }
0x74: {  	v46 =	vld [tilespmem:$0x2C0];
	vm15 =	vlt.s32 v42, $0x7C000;
	[tilespmem:$0x840] =	vst v0;
	v0 =	vadd.s32 v40, v2;
	v2 =	vsel vm14, $0x0, v1  }
0x75: {  	v47 =	vld [tilespmem:$0x2D0];
	[tilespmem:$0x850] =	vst v0;
	v0 =	vadd.s32 v41, v2;
	v2 =	vsel vm15, $0x0, v1;
	vm4 =	vlt.s32 v3, $0x7C000  }
0x76: {  	v48 =	vld [tilespmem:$0x2E0];
	vm5 =	vlt.s32 v43, $0x7C000;
	[tilespmem:$0x860] =	vst v0;
	v0 =	vadd.s32 v42, v2;
	v2 =	vsel vm4, $0x0, v1  }
0x77: {  	vm6 =	vlt.s32 v44, $0x7C000;
	[tilespmem:$0x870] =	vst v0;
	v0 =	vadd.s32 v3, v2;
	v2 =	vsel vm5, $0x0, v1;
	v3 =	vld [tilespmem:$0x2F0]  }
0x78: {  	v49 =	vld [tilespmem:$0x300];
	vm7 =	vlt.s32 v45, $0x7C000;
	[tilespmem:$0x880] =	vst v0;
	v0 =	vadd.s32 v43, v2;
	v2 =	vsel vm6, $0x0, v1  }
0x79: {  	v50 =	vld [tilespmem:$0x310];
	vm8 =	vlt.s32 v46, $0x7C000;
	[tilespmem:$0x890] =	vst v0;
	v0 =	vadd.s32 v44, v2;
	v2 =	vsel vm7, $0x0, v1  }
0x7a: {  	v51 =	vld [tilespmem:$0x320];
	vm9 =	vlt.s32 v47, $0x7C000;
	[tilespmem:$0x8A0] =	vst v0;
	v0 =	vadd.s32 v45, v2;
	v2 =	vsel vm8, $0x0, v1  }
0x7b: {  	v52 =	vld [tilespmem:$0x330];
	vm10 =	vlt.s32 v48, $0x7C000;
	[tilespmem:$0x8B0] =	vst v0;
	v0 =	vadd.s32 v46, v2;
	v2 =	vsel vm9, $0x0, v1  }
0x7c: {  	v53 =	vld [tilespmem:$0x340];
	[tilespmem:$0x8C0] =	vst v0;
	v0 =	vadd.s32 v47, v2;
	v2 =	vsel vm10, $0x0, v1;
	vm11 =	vlt.s32 v3, $0x7C000  }
0x7d: {  	v55 =	vld [tilespmem:$0x350];
	vm12 =	vlt.s32 v49, $0x7C000;
	[tilespmem:$0x8D0] =	vst v0;
	v0 =	vadd.s32 v48, v2;
	v2 =	vsel vm11, $0x0, v1  }
0x7e: {  	vm13 =	vlt.s32 v50, $0x7C000;
	[tilespmem:$0x8E0] =	vst v0;
	v0 =	vadd.s32 v3, v2;
	v2 =	vsel vm12, $0x0, v1;
	v3 =	vld [tilespmem:$0x360]  }
0x7f: {  	v56 =	vld [tilespmem:$0x370];
	vm14 =	vlt.s32 v51, $0x7C000;
	[tilespmem:$0x8F0] =	vst v0;
	v0 =	vadd.s32 v49, v2;
	v2 =	vsel vm13, $0x0, v1  }
0x80: {  	v57 =	vld [tilespmem:$0x380];
	vm15 =	vlt.s32 v52, $0x7C000;
	[tilespmem:$0x900] =	vst v0;
	v0 =	vadd.s32 v50, v2;
	v2 =	vsel vm14, $0x0, v1  }
0x81: {  	v58 =	vld [tilespmem:$0x390];
	vm4 =	vlt.s32 v53, $0x7C000;
	[tilespmem:$0x910] =	vst v0;
	v0 =	vadd.s32 v51, v2;
	v2 =	vsel vm15, $0x0, v1  }
0x82: {  	v59 =	vld [tilespmem:$0x3A0];
	vm5 =	vlt.s32 v55, $0x7C000;
	[tilespmem:$0x920] =	vst v0;
	v0 =	vadd.s32 v52, v2;
	v2 =	vsel vm4, $0x0, v1  }
0x83: {  	v60 =	vld [tilespmem:$0x3B0];
	[tilespmem:$0x930] =	vst v0;
	v0 =	vadd.s32 v53, v2;
	v2 =	vsel vm5, $0x0, v1;
	vm6 =	vlt.s32 v3, $0x7C000  }
0x84: {  	v61 =	vld [tilespmem:$0x3C0];
	vm7 =	vlt.s32 v56, $0x7C000;
	[tilespmem:$0x940] =	vst v0;
	v0 =	vadd.s32 v55, v2;
	v2 =	vsel vm6, $0x0, v1  }
0x85: {  	vm8 =	vlt.s32 v57, $0x7C000;
	[tilespmem:$0x950] =	vst v0;
	v0 =	vadd.s32 v3, v2;
	v2 =	vsel vm7, $0x0, v1;
	v3 =	vld [tilespmem:$0x3D0]  }
0x86: {  	v62 =	vld [tilespmem:$0x3E0];
	vm9 =	vlt.s32 v58, $0x7C000;
	[tilespmem:$0x960] =	vst v0;
	v0 =	vadd.s32 v56, v2;
	v2 =	vsel vm8, $0x0, v1  }
0x87: {  	v63 =	vld [tilespmem:$0x3F0];
	vm10 =	vlt.s32 v59, $0x7C000;
	[tilespmem:$0x970] =	vst v0;
	v0 =	vadd.s32 v57, v2;
	v2 =	vsel vm9, $0x0, v1  }
0x88: {  	vm11 =	vlt.s32 v60, $0x7C000;
	[tilespmem:$0x980] =	vst v0;
	v0 =	vadd.s32 v58, v2;
	v2 =	vsel vm10, $0x0, v1  }
0x89: {  	vm12 =	vlt.s32 v61, $0x7C000;
	[tilespmem:$0x990] =	vst v0;
	v0 =	vadd.s32 v59, v2;
	v2 =	vsel vm11, $0x0, v1  }
0x8a: {  	[tilespmem:$0x9A0] =	vst v0;
	v0 =	vadd.s32 v60, v2;
	v2 =	vsel vm12, $0x0, v1;
	vm13 =	vlt.s32 v3, $0x7C000  }
0x8b: {  	vm14 =	vlt.s32 v62, $0x7C000;
	[tilespmem:$0x9B0] =	vst v0;
	v0 =	vadd.s32 v61, v2;
	v2 =	vsel vm13, $0x0, v1  }
0x8c: {  	vm15 =	vlt.s32 v63, $0x7C000;
	[tilespmem:$0x9C0] =	vst v0;
	v0 =	vadd.s32 v3, v2;
	v2 =	vsel vm14, $0x0, v1  }
0x8d: {  	[tilespmem:$0x9D0] =	vst v0;
	v0 =	vadd.s32 v62, v2;
	v2 =	vsel vm15, $0x0, v1  }
0x8e: {  	[tilespmem:$0x9E0] =	vst v0;
	v0 =	vadd.s32 v63, v2  }
0x8f: {  	s17 =	simm.s32 $0x600;
	[tilespmem:$0x9F0] =	vst v0  }
0x90: {  	[tilespmem:s16], [sflag:$0x1] =	stream.indirect.gather [hbm4b:s1+s14], $0x80, s17, s14, $0xb8;
	[tilespmem:$0x18E80] =	vst v63  }
.Ltmp2:
0x91: {  	_ = 	snop;
	(pc) =	sbr.rel .LBB2_2-.Ltmp2, $4  }
0x92: {  	s19 =	simm.s32 $0xA00;
	s26 =	simm.s32 $0x800  }
0x93: {  	[tilespmem:s18], [sflag:$0x1] =	stream.indirect.gather [hbm4b:s1+s14], $0x80, s19, s14, $0xb8;
	[tilespmem:$0x18E80] =	vst v63  }
0x94: {  	s30 =	simm.s32 $0x0;
	s31 =	simm.s32 $0x0;
	s0 =	simm.s32 $0x0  }
0x95: {  	v0 =	vimm.f32 $0.0e+00;
	[tilespmem:s20], [sflag:$0x1] =	stream.indirect.gather [hbm4b:s2+s14], $0x80, s26, s14, $0xb8;
	[tilespmem:$0x18E80] =	vst v63  }
.LBB2_6:
0x96: {  	s3 =	sshra.s32 s31, $0x2  }
0x97: {  	s12 =	sadd.s32 $0x680, s3  }
0x98: {  	[tilespmem:s16], [sflag:$0x1] =	stream.indirect.gather [hbm4b:s1+s14], $0x80, s12, s14, $0xb8;
	[tilespmem:$0x18E80] =	vst v63  }
0x99: {  	s26 =	sadd.s32 $0xA80, s3  }
0x9a: {  	[tilespmem:s18], [sflag:$0x1] =	stream.indirect.gather [hbm4b:s1+s14], $0x80, s26, s14, $0xb8;
	[tilespmem:$0x18E80] =	vst v63  }
0x9b: {  	s3 =	sadd.s32 $0x880, s3  }
0x9c: {  	[tilespmem:s20], [sflag:$0x1] =	stream.indirect.gather [hbm4b:s2+s14], $0x80, s3, s14, $0xb8;
	[tilespmem:$0x18E80] =	vst v63  }
.LBB2_9:
0x9d: {  	_ =	swait.ge [sflag:s25], $0x4000  }
0x9e: {  	[sflag:s25] =	ssyncset.done $0x0  }
0x9f: {  	[sflag:s25] =	ssyncadd.s32 $0xFFFFC000  }
0xa0: {  	_ =	swait.ge [sflag:s25], $0x4000  }
0xa1: {  	[sflag:s25] =	ssyncset.done $0x0  }
0xa2: {  	[sflag:s25] =	ssyncadd.s32 $0xFFFFC000  }
0xa3: {  	_ =	swait.ge [sflag:s25], $0x4000  }
0xa4: {  	[sflag:s25] =	ssyncset.done $0x0  }
0xa5: {  	[sflag:s25] =	ssyncadd.s32 $0xFFFFC000  }
.LBB2_10:
0xa6: {  	s3 =	sshra.s32 s31, $0x2  }
0xa7: {  	v7 =	vld [tilespmem:s3+$0x0];
	_ =	sdelay $0x1  }
0xa8: {  	v6 =	vld [tilespmem:s3+$0x400];
	_ =	sdelay $0x1  }
0xa9: {  	v5 =	vld [tilespmem:s3+$0x200]  }
0xaa: {  	(v2sf) =	vpush v7, $0x0;
	_ =	sdelay $0x1  }
0xab: {  	(v2sf) =	vpush v6, $0x0;
	_ =	sdelay $0x1  }
0xac: {  	(v2sf) =	vpush v5, $0x0;
	_ =	sdelay $0xa  }
0xad: {  	s12 =	spop (v2sf)  }
0xae: {  	s13 =	simm.s32 $0x40;
	s26 =	sshll.u32 s30, $0x7;
	p0 =	sgt.s32 s12, $0x7BFFF  }
0xaf: {  	s15 =	spop (v2sf);
	s12 =	sand.u32 $0x7800, s26;
	s13 =	simm.s32 @!p0 $0x0  }
0xb0: {  	p0 =	sgt.s32 s15, $0x7BFFF;
	s15 =	simm.s32 $0x40;
	s13 =	sor.u32 s12, s13  }
0xb1: {  	s17 =	spop (v2sf);
	s15 =	simm.s32 @!p0 $0x0;
	v2 =	vor.u32 s13, v54  }
0xb2: {  	p0 =	sgt.s32 s17, $0x7BFFF;
	s17 =	simm.s32 $0x40;
	s15 =	sor.u32 s12, s15  }
0xb3: {  	s17 =	simm.s32 @!p0 $0x0;
	v3 =	vor.u32 s15, v54  }
0xb4: {  	s17 =	sor.u32 s12, s17  }
0xb5: {  	v8 =	vor.u32 s17, v54  }
0xb6: {  	v4 =	vor.u32 $0x10, v54;
	(v2sf) =	vpush v7, $0x1;
	v1 =	vld.idx.msk [tilespmem:v2+s16+$0x0], $0xffff  }
0xb7: {  	v2 =	vor.u32 s13, v4  }
0xb8: {  	(v2sf) =	vpush v6, $0x1;
	v12 =	vld.idx.msk [tilespmem:v3+s18+$0x0], $0xffff  }
0xb9: {  	v9 =	vor.u32 s15, v4  }
0xba: {  	(v2sf) =	vpush v5, $0x1;
	v13 =	vld.idx.msk [tilespmem:v8+s20+$0x0], $0xffff  }
0xbb: {  	v10 =	vor.u32 s17, v4;
	v33 =	vmul.f32 v1, v1  }
0xbc: {  	v3 =	vor.u32 $0x20, v54;
	v14 =	vld.idx.msk [tilespmem:v2+s16+$0x0], $0xffff  }
0xbd: {  	v34 =	vor.u32 s13, v3;
	v2 =	vmul.f32 v12, v12;
	v0 =	vadd.f32 v33, v0  }
0xbe: {  	v16 =	vld.idx.msk [tilespmem:v9+s18+$0x0], $0xffff  }
0xbf: {  	v35 =	vor.u32 s15, v3;
	v0 =	vadd.f32 v2, v0;
	v2 =	vmul.f32 v13, v13  }
0xc0: {  	v15 =	vld.idx.msk [tilespmem:v10+s20+$0x0], $0xffff  }
0xc1: {  	v11 =	vor.u32 s17, v3;
	v36 =	vmul.f32 v14, v14;
	v0 =	vadd.f32 v2, v0  }
0xc2: {  	v17 =	vld.idx.msk [tilespmem:v34+s16+$0x0], $0xffff;
	v2 =	vor.u32 $0x30, v54  }
0xc3: {  	v37 =	vmul.f32 v16, v16;
	v38 =	vor.u32 s13, v2;
	v0 =	vadd.f32 v36, v0  }
0xc4: {  	v19 =	vld.idx.msk [tilespmem:v35+s18+$0x0], $0xffff  }
0xc5: {  	v39 =	vmul.f32 v15, v15;
	v40 =	vor.u32 s15, v2;
	s15 =	spop (v2sf);
	v0 =	vadd.f32 v37, v0  }
0xc6: {  	v18 =	vld.idx.msk [tilespmem:v11+s20+$0x0], $0xffff;
	s13 =	simm.s32 $0x40;
	p0 =	sgt.s32 s15, $0x7BFFF  }
0xc7: {  	s26 =	sor.u32 $0x80, s12;
	v41 =	vmul.f32 v17, v17;
	v42 =	vor.u32 s17, v2;
	s19 =	spop (v2sf);
	s13 =	simm.s32 @!p0 $0x0;
	v0 =	vadd.f32 v39, v0  }
0xc8: {  	s15 =	simm.s32 $0x40;
	p0 =	sgt.s32 s19, $0x7BFFF;
	s13 =	sor.u32 s26, s13;
	v20 =	vld.idx.msk [tilespmem:v38+s16+$0x0], $0xffff  }
0xc9: {  	v43 =	vmul.f32 v19, v19;
	s19 =	spop (v2sf);
	s15 =	simm.s32 @!p0 $0x0;
	v44 =	vor.u32 s13, v54;
	v0 =	vadd.f32 v41, v0  }
0xca: {  	p0 =	sgt.s32 s19, $0x7BFFF;
	s19 =	simm.s32 $0x40;
	s15 =	sor.u32 s26, s15;
	v24 =	vld.idx.msk [tilespmem:v40+s18+$0x0], $0xffff  }
0xcb: {  	v45 =	vmul.f32 v18, v18;
	s19 =	simm.s32 @!p0 $0x0;
	v46 =	vor.u32 s15, v54;
	v0 =	vadd.f32 v43, v0  }
0xcc: {  	v21 =	vld.idx.msk [tilespmem:v42+s20+$0x0], $0xffff;
	s17 =	sor.u32 s26, s19  }
0xcd: {  	v48 =	vor.u32 s17, v54;
	v47 =	vmul.f32 v20, v20;
	v0 =	vadd.f32 v45, v0  }
0xce: {  	(v2sf) =	vpush v7, $0x2;
	v25 =	vld.idx.msk [tilespmem:v44+s16+$0x0], $0xffff  }
0xcf: {  	v50 =	vor.u32 s13, v4;
	v49 =	vmul.f32 v24, v24;
	v0 =	vadd.f32 v47, v0  }
0xd0: {  	(v2sf) =	vpush v6, $0x2;
	v30 =	vld.idx.msk [tilespmem:v46+s18+$0x0], $0xffff  }
0xd1: {  	v52 =	vor.u32 s15, v4;
	v51 =	vmul.f32 v21, v21;
	v0 =	vadd.f32 v49, v0  }
0xd2: {  	(v2sf) =	vpush v5, $0x2;
	v23 =	vld.idx.msk [tilespmem:v48+s20+$0x0], $0xffff  }
0xd3: {  	v55 =	vor.u32 s17, v4;
	v53 =	vmul.f32 v25, v25;
	v0 =	vadd.f32 v51, v0  }
0xd4: {  	v29 =	vld.idx.msk [tilespmem:v50+s16+$0x0], $0xffff  }
0xd5: {  	v57 =	vor.u32 s13, v3;
	v56 =	vmul.f32 v30, v30;
	v0 =	vadd.f32 v53, v0  }
0xd6: {  	v40 =	vld.idx.msk [tilespmem:v52+s18+$0x0], $0xffff  }
0xd7: {  	v59 =	vor.u32 s15, v3;
	v58 =	vmul.f32 v23, v23;
	v0 =	vadd.f32 v56, v0  }
0xd8: {  	v27 =	vld.idx.msk [tilespmem:v55+s20+$0x0], $0xffff  }
0xd9: {  	v61 =	vor.u32 s17, v3;
	v60 =	vmul.f32 v29, v29;
	v0 =	vadd.f32 v58, v0  }
0xda: {  	v22 =	vld.idx.msk [tilespmem:v57+s16+$0x0], $0xffff  }
0xdb: {  	v63 =	vor.u32 s13, v2;
	v62 =	vmul.f32 v40, v40;
	v0 =	vadd.f32 v60, v0  }
0xdc: {  	v28 =	vld.idx.msk [tilespmem:v59+s18+$0x0], $0xffff  }
0xdd: {  	v33 =	vor.u32 s15, v2;
	s15 =	spop (v2sf);
	v32 =	vmul.f32 v27, v27;
	v0 =	vadd.f32 v62, v0  }
0xde: {  	s13 =	simm.s32 $0x40;
	v26 =	vld.idx.msk [tilespmem:v61+s20+$0x0], $0xffff;
	p0 =	sgt.s32 s15, $0x7BFFF  }
0xdf: {  	v35 =	vor.u32 s17, v2;
	s17 =	sor.u32 $0x100, s12;
	v34 =	vmul.f32 v22, v22;
	s19 =	spop (v2sf);
	s13 =	simm.s32 @!p0 $0x0;
	v0 =	vadd.f32 v32, v0  }
0xe0: {  	v55 =	vld.idx.msk [tilespmem:v63+s16+$0x0], $0xffff;
	s15 =	simm.s32 $0x40;
	p0 =	sgt.s32 s19, $0x7BFFF;
	s13 =	sor.u32 s17, s13  }
0xe1: {  	v36 =	vmul.f32 v28, v28;
	s26 =	spop (v2sf);
	s15 =	simm.s32 @!p0 $0x0;
	v37 =	vor.u32 s13, v54;
	v0 =	vadd.f32 v34, v0  }
0xe2: {  	s19 =	simm.s32 $0x40;
	p0 =	sgt.s32 s26, $0x7BFFF;
	s15 =	sor.u32 s17, s15;
	v56 =	vld.idx.msk [tilespmem:v33+s18+$0x0], $0xffff  }
0xe3: {  	v38 =	vmul.f32 v26, v26;
	s19 =	simm.s32 @!p0 $0x0;
	v39 =	vor.u32 s15, v54;
	v0 =	vadd.f32 v36, v0  }
0xe4: {  	v57 =	vld.idx.msk [tilespmem:v35+s20+$0x0], $0xffff;
	s17 =	sor.u32 s17, s19  }
0xe5: {  	v41 =	vmul.f32 v55, v55;
	v42 =	vor.u32 s17, v54;
	v0 =	vadd.f32 v38, v0  }
0xe6: {  	(v2sf) =	vpush v7, $0x3;
	v58 =	vld.idx.msk [tilespmem:v37+s16+$0x0], $0xffff  }
0xe7: {  	v44 =	vor.u32 s13, v4;
	v43 =	vmul.f32 v56, v56;
	v0 =	vadd.f32 v41, v0  }
0xe8: {  	(v2sf) =	vpush v6, $0x3;
	v61 =	vld.idx.msk [tilespmem:v39+s18+$0x0], $0xffff  }
0xe9: {  	v45 =	vmul.f32 v57, v57;
	v46 =	vor.u32 s15, v4;
	v0 =	vadd.f32 v43, v0  }
0xea: {  	(v2sf) =	vpush v5, $0x3;
	v60 =	vld.idx.msk [tilespmem:v42+s20+$0x0], $0xffff  }
0xeb: {  	v48 =	vor.u32 s17, v4;
	v47 =	vmul.f32 v58, v58;
	v0 =	vadd.f32 v45, v0  }
0xec: {  	v62 =	vld.idx.msk [tilespmem:v44+s16+$0x0], $0xffff  }
0xed: {  	v50 =	vor.u32 s13, v3;
	v49 =	vmul.f32 v61, v61;
	v0 =	vadd.f32 v47, v0  }
0xee: {  	v31 =	vld.idx.msk [tilespmem:v46+s18+$0x0], $0xffff  }
0xef: {  	v52 =	vor.u32 s15, v3;
	v51 =	vmul.f32 v60, v60;
	v0 =	vadd.f32 v49, v0  }
0xf0: {  	v63 =	vld.idx.msk [tilespmem:v48+s20+$0x0], $0xffff  }
0xf1: {  	v59 =	vor.u32 s17, v3;
	v53 =	vmul.f32 v62, v62;
	v0 =	vadd.f32 v51, v0  }
0xf2: {  	v32 =	vld.idx.msk [tilespmem:v50+s16+$0x0], $0xffff  }
0xf3: {  	v35 =	vmul.f32 v31, v31;
	v36 =	vor.u32 s13, v2;
	v0 =	vadd.f32 v53, v0  }
0xf4: {  	v37 =	vld.idx.msk [tilespmem:v52+s18+$0x0], $0xffff  }
0xf5: {  	v39 =	vor.u32 s15, v2;
	s15 =	spop (v2sf);
	v38 =	vmul.f32 v63, v63;
	v0 =	vadd.f32 v35, v0  }
0xf6: {  	v33 =	vld.idx.msk [tilespmem:v59+s20+$0x0], $0xffff;
	p0 =	sgt.s32 s15, $0x7BFFF;
	s13 =	simm.s32 $0x40  }
0xf7: {  	v42 =	vor.u32 s17, v2;
	s17 =	sor.u32 $0x180, s12;
	s19 =	spop (v2sf);
	s13 =	simm.s32 @!p0 $0x0;
	v41 =	vmul.f32 v32, v32;
	v0 =	vadd.f32 v38, v0  }
0xf8: {  	s15 =	simm.s32 $0x40;
	p0 =	sgt.s32 s19, $0x7BFFF;
	s13 =	sor.u32 s17, s13;
	v43 =	vld.idx.msk [tilespmem:v36+s16+$0x0], $0xffff  }
0xf9: {  	v44 =	vmul.f32 v37, v37;
	s26 =	spop (v2sf);
	s15 =	simm.s32 @!p0 $0x0;
	v45 =	vor.u32 s13, v54;
	v0 =	vadd.f32 v41, v0  }
0xfa: {  	v46 =	vld.idx.msk [tilespmem:v39+s18+$0x0], $0xffff;
	s19 =	simm.s32 $0x40;
	p0 =	sgt.s32 s26, $0x7BFFF;
	s15 =	sor.u32 s17, s15  }
0xfb: {  	s19 =	simm.s32 @!p0 $0x0;
	v48 =	vor.u32 s15, v54;
	v47 =	vmul.f32 v33, v33;
	v0 =	vadd.f32 v44, v0  }
0xfc: {  	s17 =	sor.u32 s17, s19;
	v49 =	vld.idx.msk [tilespmem:v42+s20+$0x0], $0xffff  }
0xfd: {  	v50 =	vmul.f32 v43, v43;
	v51 =	vor.u32 s17, v54;
	v0 =	vadd.f32 v47, v0  }
0xfe: {  	(v2sf) =	vpush v7, $0x4;
	v52 =	vld.idx.msk [tilespmem:v45+s16+$0x0], $0xffff  }
0xff: {  	v59 =	vor.u32 s13, v4;
	v53 =	vmul.f32 v46, v46;
	v0 =	vadd.f32 v50, v0  }
0x100: {  	(v2sf) =	vpush v6, $0x4;
	v34 =	vld.idx.msk [tilespmem:v48+s18+$0x0], $0xffff  }
0x101: {  	[tilespmem:$0x1FBE0] =	vst v37;
	v37 =	vor.u32 s15, v4;
	v36 =	vmul.f32 v49, v49;
	v0 =	vadd.f32 v53, v0  }
0x102: {  	(v2sf) =	vpush v5, $0x4;
	v38 =	vld.idx.msk [tilespmem:v51+s20+$0x0], $0xffff  }
0x103: {  	v39 =	vmul.f32 v52, v52;
	v41 =	vor.u32 s17, v4;
	v0 =	vadd.f32 v36, v0  }
0x104: {  	v42 =	vld.idx.msk [tilespmem:v59+s16+$0x0], $0xffff  }
0x105: {  	[tilespmem:$0x1FC00] =	vst v43;
	v43 =	vmul.f32 v34, v34;
	v44 =	vor.u32 s13, v3;
	v0 =	vadd.f32 v39, v0  }
0x106: {  	v45 =	vld.idx.msk [tilespmem:v37+s18+$0x0], $0xffff  }
0x107: {  	[tilespmem:$0x1FC10] =	vst v46;
	v46 =	vmul.f32 v38, v38;
	v47 =	vor.u32 s15, v3;
	v0 =	vadd.f32 v43, v0  }
0x108: {  	v48 =	vld.idx.msk [tilespmem:v41+s20+$0x0], $0xffff  }
0x109: {  	[tilespmem:$0x1FC20] =	vst v49;
	v49 =	vmul.f32 v42, v42;
	v50 =	vor.u32 s17, v3;
	v0 =	vadd.f32 v46, v0  }
0x10a: {  	v51 =	vld.idx.msk [tilespmem:v44+s16+$0x0], $0xffff  }
0x10b: {  	[tilespmem:$0x1FC30] =	vst v52;
	v52 =	vmul.f32 v45, v45;
	v53 =	vor.u32 s13, v2;
	v0 =	vadd.f32 v49, v0  }
0x10c: {  	v59 =	vld.idx.msk [tilespmem:v47+s18+$0x0], $0xffff  }
0x10d: {  	v37 =	vor.u32 s15, v2;
	s15 =	spop (v2sf);
	v36 =	vmul.f32 v48, v48;
	v0 =	vadd.f32 v52, v0  }
0x10e: {  	[tilespmem:$0x1FC50] =	vst v38;
	p0 =	sgt.s32 s15, $0x7BFFF;
	s13 =	simm.s32 $0x40;
	v38 =	vld.idx.msk [tilespmem:v50+s20+$0x0], $0xffff  }
0x10f: {  	v41 =	vor.u32 s17, v2;
	s19 =	spop (v2sf);
	s17 =	sor.u32 $0x200, s12;
	s13 =	simm.s32 @!p0 $0x0;
	v39 =	vmul.f32 v51, v51;
	v0 =	vadd.f32 v36, v0  }
0x110: {  	[tilespmem:$0x1FC60] =	vst v42;
	s15 =	simm.s32 $0x40;
	p0 =	sgt.s32 s19, $0x7BFFF;
	s13 =	sor.u32 s17, s13;
	v42 =	vld.idx.msk [tilespmem:v53+s16+$0x0], $0xffff  }
0x111: {  	s26 =	spop (v2sf);
	s15 =	simm.s32 @!p0 $0x0;
	v44 =	vor.u32 s13, v54;
	v43 =	vmul.f32 v59, v59;
	v0 =	vadd.f32 v39, v0  }
0x112: {  	[tilespmem:$0x1FC70] =	vst v45;
	v45 =	vld.idx.msk [tilespmem:v37+s18+$0x0], $0xffff;
	s19 =	simm.s32 $0x40;
	p0 =	sgt.s32 s26, $0x7BFFF;
	s15 =	sor.u32 s17, s15  }
0x113: {  	s19 =	simm.s32 @!p0 $0x0;
	v47 =	vor.u32 s15, v54;
	v46 =	vmul.f32 v38, v38;
	v0 =	vadd.f32 v43, v0  }
0x114: {  	[tilespmem:$0x1FC80] =	vst v48;
	v48 =	vld.idx.msk [tilespmem:v41+s20+$0x0], $0xffff;
	s17 =	sor.u32 s17, s19  }
0x115: {  	v50 =	vor.u32 s17, v54;
	v49 =	vmul.f32 v42, v42;
	v0 =	vadd.f32 v46, v0  }
0x116: {  	(v2sf) =	vpush v7, $0x5;
	[tilespmem:$0x1FC90] =	vst v51;
	v51 =	vld.idx.msk [tilespmem:v44+s16+$0x0], $0xffff  }
0x117: {  	v53 =	vor.u32 s13, v4;
	v52 =	vmul.f32 v45, v45;
	v0 =	vadd.f32 v49, v0  }
0x118: {  	(v2sf) =	vpush v6, $0x5;
	[tilespmem:$0x1FCA0] =	vst v59;
	v59 =	vld.idx.msk [tilespmem:v47+s18+$0x0], $0xffff  }
0x119: {  	v37 =	vor.u32 s15, v4;
	v36 =	vmul.f32 v48, v48;
	v0 =	vadd.f32 v52, v0  }
0x11a: {  	(v2sf) =	vpush v5, $0x5;
	[tilespmem:$0x1FCB0] =	vst v38;
	v38 =	vld.idx.msk [tilespmem:v50+s20+$0x0], $0xffff  }
0x11b: {  	v41 =	vor.u32 s17, v4;
	v39 =	vmul.f32 v51, v51;
	v0 =	vadd.f32 v36, v0  }
0x11c: {  	[tilespmem:$0x1FCC0] =	vst v42;
	v42 =	vld.idx.msk [tilespmem:v53+s16+$0x0], $0xffff  }
0x11d: {  	v44 =	vor.u32 s13, v3;
	v43 =	vmul.f32 v59, v59;
	v0 =	vadd.f32 v39, v0  }
0x11e: {  	[tilespmem:$0x1FCD0] =	vst v45;
	v45 =	vld.idx.msk [tilespmem:v37+s18+$0x0], $0xffff  }
0x11f: {  	v47 =	vor.u32 s15, v3;
	v46 =	vmul.f32 v38, v38;
	v0 =	vadd.f32 v43, v0  }
0x120: {  	[tilespmem:$0x1FCE0] =	vst v48;
	v48 =	vld.idx.msk [tilespmem:v41+s20+$0x0], $0xffff  }
0x121: {  	v50 =	vor.u32 s17, v3;
	v49 =	vmul.f32 v42, v42;
	v0 =	vadd.f32 v46, v0  }
0x122: {  	[tilespmem:$0x1FCF0] =	vst v51;
	v51 =	vld.idx.msk [tilespmem:v44+s16+$0x0], $0xffff  }
0x123: {  	v53 =	vor.u32 s13, v2;
	v52 =	vmul.f32 v45, v45;
	v0 =	vadd.f32 v49, v0  }
0x124: {  	[tilespmem:$0x1FD00] =	vst v59;
	v59 =	vld.idx.msk [tilespmem:v47+s18+$0x0], $0xffff  }
0x125: {  	s19 =	spop (v2sf);
	v37 =	vor.u32 s15, v2;
	v36 =	vmul.f32 v48, v48;
	v0 =	vadd.f32 v52, v0  }
0x126: {  	s13 =	simm.s32 $0x40;
	p0 =	sgt.s32 s19, $0x7BFFF;
	[tilespmem:$0x1FD10] =	vst v38;
	v38 =	vld.idx.msk [tilespmem:v50+s20+$0x0], $0xffff  }
0x127: {  	s26 =	spop (v2sf);
	s19 =	sor.u32 $0x280, s12;
	s13 =	simm.s32 @!p0 $0x0;
	v41 =	vor.u32 s17, v2;
	v39 =	vmul.f32 v51, v51;
	v0 =	vadd.f32 v36, v0  }
0x128: {  	s15 =	simm.s32 $0x40;
	p0 =	sgt.s32 s26, $0x7BFFF;
	s13 =	sor.u32 s19, s13;
	[tilespmem:$0x1FD20] =	vst v42;
	v42 =	vld.idx.msk [tilespmem:v53+s16+$0x0], $0xffff  }
0x129: {  	s26 =	spop (v2sf);
	s15 =	simm.s32 @!p0 $0x0;
	v44 =	vor.u32 s13, v54;
	v43 =	vmul.f32 v59, v59;
	v0 =	vadd.f32 v39, v0  }
0x12a: {  	p0 =	sgt.s32 s26, $0x7BFFF;
	s17 =	simm.s32 $0x40;
	s15 =	sor.u32 s19, s15;
	[tilespmem:$0x1FD30] =	vst v45;
	v45 =	vld.idx.msk [tilespmem:v37+s18+$0x0], $0xffff  }
0x12b: {  	s17 =	simm.s32 @!p0 $0x0;
	v47 =	vor.u32 s15, v54;
	v46 =	vmul.f32 v38, v38;
	v0 =	vadd.f32 v43, v0  }
0x12c: {  	s17 =	sor.u32 s19, s17;
	[tilespmem:$0x1FD40] =	vst v48;
	v48 =	vld.idx.msk [tilespmem:v41+s20+$0x0], $0xffff  }
0x12d: {  	v50 =	vor.u32 s17, v54;
	v49 =	vmul.f32 v42, v42;
	v0 =	vadd.f32 v46, v0  }
0x12e: {  	(v2sf) =	vpush v7, $0x6;
	[tilespmem:$0x1FD50] =	vst v51;
	v51 =	vld.idx.msk [tilespmem:v44+s16+$0x0], $0xffff  }
0x12f: {  	v53 =	vor.u32 s13, v4;
	v52 =	vmul.f32 v45, v45;
	v0 =	vadd.f32 v49, v0  }
0x130: {  	(v2sf) =	vpush v6, $0x6;
	[tilespmem:$0x1FD60] =	vst v59;
	v59 =	vld.idx.msk [tilespmem:v47+s18+$0x0], $0xffff  }
0x131: {  	v37 =	vor.u32 s15, v4;
	v36 =	vmul.f32 v48, v48;
	v0 =	vadd.f32 v52, v0  }
0x132: {  	(v2sf) =	vpush v5, $0x6;
	[tilespmem:$0x1FD70] =	vst v38;
	v38 =	vld.idx.msk [tilespmem:v50+s20+$0x0], $0xffff  }
0x133: {  	v41 =	vor.u32 s17, v4;
	v39 =	vmul.f32 v51, v51;
	v0 =	vadd.f32 v36, v0  }
0x134: {  	[tilespmem:$0x1FD80] =	vst v42;
	v42 =	vld.idx.msk [tilespmem:v53+s16+$0x0], $0xffff  }
0x135: {  	v44 =	vor.u32 s13, v3;
	v43 =	vmul.f32 v59, v59;
	v0 =	vadd.f32 v39, v0  }
0x136: {  	[tilespmem:$0x1FD90] =	vst v45;
	v45 =	vld.idx.msk [tilespmem:v37+s18+$0x0], $0xffff  }
0x137: {  	v47 =	vor.u32 s15, v3;
	v46 =	vmul.f32 v38, v38;
	v0 =	vadd.f32 v43, v0  }
0x138: {  	[tilespmem:$0x1FDA0] =	vst v48;
	v48 =	vld.idx.msk [tilespmem:v41+s20+$0x0], $0xffff  }
0x139: {  	v50 =	vor.u32 s17, v3;
	v49 =	vmul.f32 v42, v42;
	v0 =	vadd.f32 v46, v0  }
0x13a: {  	[tilespmem:$0x1FDB0] =	vst v51;
	v51 =	vld.idx.msk [tilespmem:v44+s16+$0x0], $0xffff  }
0x13b: {  	v53 =	vor.u32 s13, v2;
	v52 =	vmul.f32 v45, v45;
	v0 =	vadd.f32 v49, v0  }
0x13c: {  	[tilespmem:$0x1FDC0] =	vst v59;
	v59 =	vld.idx.msk [tilespmem:v47+s18+$0x0], $0xffff  }
0x13d: {  	s19 =	spop (v2sf);
	v37 =	vor.u32 s15, v2;
	v36 =	vmul.f32 v48, v48;
	v0 =	vadd.f32 v52, v0  }
0x13e: {  	p0 =	sgt.s32 s19, $0x7BFFF;
	s13 =	simm.s32 $0x40;
	[tilespmem:$0x1FDD0] =	vst v38;
	v38 =	vld.idx.msk [tilespmem:v50+s20+$0x0], $0xffff  }
0x13f: {  	s26 =	spop (v2sf);
	s19 =	sor.u32 $0x300, s12;
	s13 =	simm.s32 @!p0 $0x0;
	v41 =	vor.u32 s17, v2;
	v39 =	vmul.f32 v51, v51;
	v0 =	vadd.f32 v36, v0  }
0x140: {  	p0 =	sgt.s32 s26, $0x7BFFF;
	s15 =	simm.s32 $0x40;
	s13 =	sor.u32 s19, s13;
	[tilespmem:$0x1FDE0] =	vst v42;
	v42 =	vld.idx.msk [tilespmem:v53+s16+$0x0], $0xffff  }
0x141: {  	s26 =	spop (v2sf);
	s15 =	simm.s32 @!p0 $0x0;
	v44 =	vor.u32 s13, v54;
	v43 =	vmul.f32 v59, v59;
	v0 =	vadd.f32 v39, v0  }
0x142: {  	p0 =	sgt.s32 s26, $0x7BFFF;
	s17 =	simm.s32 $0x40;
	s15 =	sor.u32 s19, s15;
	[tilespmem:$0x1FDF0] =	vst v45;
	v45 =	vld.idx.msk [tilespmem:v37+s18+$0x0], $0xffff  }
0x143: {  	s17 =	simm.s32 @!p0 $0x0;
	v47 =	vor.u32 s15, v54;
	v46 =	vmul.f32 v38, v38;
	v0 =	vadd.f32 v43, v0  }
0x144: {  	s17 =	sor.u32 s19, s17;
	[tilespmem:$0x1FE00] =	vst v48;
	v48 =	vld.idx.msk [tilespmem:v41+s20+$0x0], $0xffff  }
0x145: {  	v50 =	vor.u32 s17, v54;
	v49 =	vmul.f32 v42, v42;
	v0 =	vadd.f32 v46, v0  }
0x146: {  	(v2sf) =	vpush v7, $0x7;
	[tilespmem:$0x1FE10] =	vst v51;
	v51 =	vld.idx.msk [tilespmem:v44+s16+$0x0], $0xffff  }
0x147: {  	v53 =	vor.u32 s13, v4;
	v52 =	vmul.f32 v45, v45;
	v0 =	vadd.f32 v49, v0  }
0x148: {  	(v2sf) =	vpush v6, $0x7;
	[tilespmem:$0x1FE20] =	vst v59;
	v59 =	vld.idx.msk [tilespmem:v47+s18+$0x0], $0xffff  }
0x149: {  	v37 =	vor.u32 s15, v4;
	v36 =	vmul.f32 v48, v48;
	v0 =	vadd.f32 v52, v0  }
0x14a: {  	(v2sf) =	vpush v5, $0x7;
	[tilespmem:$0x1FE30] =	vst v38;
	v38 =	vld.idx.msk [tilespmem:v50+s20+$0x0], $0xffff  }
0x14b: {  	v41 =	vor.u32 s17, v4;
	v39 =	vmul.f32 v51, v51;
	v0 =	vadd.f32 v36, v0  }
0x14c: {  	[tilespmem:$0x1FE40] =	vst v42;
	v42 =	vld.idx.msk [tilespmem:v53+s16+$0x0], $0xffff  }
0x14d: {  	v44 =	vor.u32 s13, v3;
	v43 =	vmul.f32 v59, v59;
	v0 =	vadd.f32 v39, v0  }
0x14e: {  	[tilespmem:$0x1FE50] =	vst v45;
	v45 =	vld.idx.msk [tilespmem:v37+s18+$0x0], $0xffff  }
0x14f: {  	v47 =	vor.u32 s15, v3;
	v46 =	vmul.f32 v38, v38;
	v0 =	vadd.f32 v43, v0  }
0x150: {  	[tilespmem:$0x1FE60] =	vst v48;
	v48 =	vld.idx.msk [tilespmem:v41+s20+$0x0], $0xffff  }
0x151: {  	v50 =	vor.u32 s17, v3;
	v49 =	vmul.f32 v42, v42;
	v0 =	vadd.f32 v46, v0  }
0x152: {  	[tilespmem:$0x1FE80] =	vst v59;
	v59 =	vld.idx.msk [tilespmem:v44+s16+$0x0], $0xffff  }
0x153: {  	v37 =	vor.u32 s13, v2;
	v36 =	vmul.f32 v45, v45;
	v0 =	vadd.f32 v49, v0  }
0x154: {  	v53 =	vld.idx.msk [tilespmem:v47+s18+$0x0], $0xffff  }
0x155: {  	s19 =	spop (v2sf);
	[tilespmem:$0x1FEC0] =	vst v38;
	v38 =	vmul.f32 v48, v48;
	v39 =	vor.u32 s15, v2;
	v0 =	vadd.f32 v36, v0  }
0x156: {  	p0 =	sgt.s32 s19, $0x7BFFF;
	s13 =	simm.s32 $0x40;
	v41 =	vld.idx.msk [tilespmem:v50+s20+$0x0], $0xffff  }
0x157: {  	s26 =	spop (v2sf);
	s19 =	sor.u32 $0x380, s12;
	s13 =	simm.s32 @!p0 $0x0;
	[tilespmem:$0x1FE90] =	vst v42;
	v42 =	vmul.f32 v59, v59;
	v43 =	vor.u32 s17, v2;
	v0 =	vadd.f32 v38, v0  }
0x158: {  	p0 =	sgt.s32 s26, $0x7BFFF;
	s13 =	sor.u32 s19, s13;
	v44 =	vld.idx.msk [tilespmem:v37+s16+$0x0], $0xffff;
	s15 =	simm.s32 $0x40  }
0x159: {  	s26 =	spop (v2sf);
	[tilespmem:$0x1FEA0] =	vst v45;
	v45 =	vmul.f32 v53, v53;
	s15 =	simm.s32 @!p0 $0x0;
	v46 =	vor.u32 s13, v54;
	v0 =	vadd.f32 v42, v0  }
0x15a: {  	[tilespmem:$0x1FE70] =	vst v51;
	p0 =	sgt.s32 s26, $0x7BFFF;
	s17 =	simm.s32 $0x40;
	s15 =	sor.u32 s19, s15;
	v51 =	vld.idx.msk [tilespmem:v39+s18+$0x0], $0xffff  }
0x15b: {  	[tilespmem:$0x1FED0] =	vst v48;
	v47 =	vmul.f32 v41, v41;
	s17 =	simm.s32 @!p0 $0x0;
	v48 =	vor.u32 s15, v54;
	v0 =	vadd.f32 v45, v0  }
0x15c: {  	s17 =	sor.u32 s19, s17;
	v49 =	vld.idx.msk [tilespmem:v43+s20+$0x0], $0xffff  }
0x15d: {  	v50 =	vmul.f32 v44, v44;
	v52 =	vor.u32 s17, v54;
	v0 =	vadd.f32 v47, v0  }
0x15e: {  	(v2sf) =	vpush v7, $0x8;
	v37 =	vld.idx.msk [tilespmem:v46+s16+$0x0], $0xffff  }
0x15f: {  	[tilespmem:$0x1FEB0] =	vst v59;
	v36 =	vor.u32 s13, v4;
	v59 =	vmul.f32 v51, v51;
	v0 =	vadd.f32 v50, v0  }
0x160: {  	[tilespmem:$0x1FBF0] =	vst v33;
	(v2sf) =	vpush v6, $0x8;
	v33 =	vld.idx.msk [tilespmem:v48+s18+$0x0], $0xffff  }
0x161: {  	v39 =	vor.u32 s15, v4;
	v38 =	vmul.f32 v49, v49;
	v0 =	vadd.f32 v59, v0  }
0x162: {  	(v2sf) =	vpush v5, $0x8;
	v43 =	vld.idx.msk [tilespmem:v52+s20+$0x0], $0xffff  }
0x163: {  	[tilespmem:$0x1FEF0] =	vst v44;
	v44 =	vor.u32 s17, v4;
	v42 =	vmul.f32 v37, v37;
	v0 =	vadd.f32 v38, v0  }
0x164: {  	v35 =	vld.idx.msk [tilespmem:v36+s16+$0x0], $0xffff  }
0x165: {  	v46 =	vor.u32 s13, v3;
	v45 =	vmul.f32 v33, v33;
	v0 =	vadd.f32 v42, v0  }
0x166: {  	[tilespmem:$0x1FBD0] =	vst v32;
	v32 =	vld.idx.msk [tilespmem:v39+s18+$0x0], $0xffff  }
0x167: {  	v48 =	vor.u32 s15, v3;
	v47 =	vmul.f32 v43, v43;
	v0 =	vadd.f32 v45, v0  }
0x168: {  	v36 =	vld.idx.msk [tilespmem:v44+s20+$0x0], $0xffff  }
0x169: {  	[tilespmem:$0x1FF00] =	vst v49;
	v49 =	vmul.f32 v35, v35;
	v50 =	vor.u32 s17, v3;
	v0 =	vadd.f32 v47, v0  }
0x16a: {  	[tilespmem:$0x1FC40] =	vst v34;
	v34 =	vld.idx.msk [tilespmem:v46+s16+$0x0], $0xffff  }
0x16b: {  	v52 =	vmul.f32 v32, v32;
	v59 =	vor.u32 s13, v2;
	v0 =	vadd.f32 v49, v0  }
0x16c: {  	[tilespmem:$0x1FBC0] =	vst v31;
	v31 =	vld.idx.msk [tilespmem:v48+s18+$0x0], $0xffff  }
0x16d: {  	s19 =	spop (v2sf);
	v44 =	vor.u32 s15, v2;
	v42 =	vmul.f32 v36, v36;
	v0 =	vadd.f32 v52, v0  }
0x16e: {  	p0 =	sgt.s32 s19, $0x7BFFF;
	s13 =	simm.s32 $0x40;
	v39 =	vld.idx.msk [tilespmem:v50+s20+$0x0], $0xffff  }
0x16f: {  	s26 =	spop (v2sf);
	s19 =	sor.u32 $0x400, s12;
	v46 =	vor.u32 s17, v2;
	s13 =	simm.s32 @!p0 $0x0;
	v45 =	vmul.f32 v34, v34;
	v0 =	vadd.f32 v42, v0  }
0x170: {  	s15 =	simm.s32 $0x40;
	p0 =	sgt.s32 s26, $0x7BFFF;
	s13 =	sor.u32 s19, s13;
	v49 =	vld.idx.msk [tilespmem:v59+s16+$0x0], $0xffff  }
0x171: {  	s26 =	spop (v2sf);
	s15 =	simm.s32 @!p0 $0x0;
	v48 =	vor.u32 s13, v54;
	v47 =	vmul.f32 v31, v31;
	v0 =	vadd.f32 v45, v0  }
0x172: {  	[tilespmem:$0x1FEE0] =	vst v41;
	v41 =	vld.idx.msk [tilespmem:v44+s18+$0x0], $0xffff;
	s17 =	simm.s32 $0x40;
	p0 =	sgt.s32 s26, $0x7BFFF;
	s15 =	sor.u32 s19, s15  }
0x173: {  	s17 =	simm.s32 @!p0 $0x0;
	v50 =	vmul.f32 v39, v39;
	v52 =	vor.u32 s15, v54;
	v0 =	vadd.f32 v47, v0  }
0x174: {  	v44 =	vld.idx.msk [tilespmem:v46+s20+$0x0], $0xffff;
	s17 =	sor.u32 s19, s17  }
0x175: {  	v38 =	vor.u32 s17, v54;
	v59 =	vmul.f32 v49, v49;
	v0 =	vadd.f32 v50, v0  }
0x176: {  	(v2sf) =	vpush v7, $0x9;
	v42 =	vld.idx.msk [tilespmem:v48+s16+$0x0], $0xffff  }
0x177: {  	v48 =	vmul.f32 v41, v41;
	v50 =	vor.u32 s13, v4;
	v0 =	vadd.f32 v59, v0  }
0x178: {  	(v2sf) =	vpush v6, $0x9;
	v45 =	vld.idx.msk [tilespmem:v52+s18+$0x0], $0xffff  }
0x179: {  	v46 =	vor.u32 s15, v4;
	v59 =	vmul.f32 v44, v44;
	v0 =	vadd.f32 v48, v0  }
0x17a: {  	(v2sf) =	vpush v5, $0x9;
	v38 =	vld.idx.msk [tilespmem:v38+s20+$0x0], $0xffff  }
0x17b: {  	v52 =	vor.u32 s17, v4;
	v47 =	vmul.f32 v42, v42;
	v0 =	vadd.f32 v59, v0  }
0x17c: {  	v50 =	vld.idx.msk [tilespmem:v50+s16+$0x0], $0xffff  }
0x17d: {  	[tilespmem:$0x1FF10] =	vst v42;
	v42 =	vor.u32 s13, v3;
	v59 =	vmul.f32 v45, v45;
	v0 =	vadd.f32 v47, v0  }
0x17e: {  	v47 =	vld.idx.msk [tilespmem:v46+s18+$0x0], $0xffff  }
0x17f: {  	[tilespmem:$0x1FF20] =	vst v45;
	v45 =	vmul.f32 v38, v38;
	v46 =	vor.u32 s15, v3;
	v0 =	vadd.f32 v59, v0  }
0x180: {  	[tilespmem:$0x1FF30] =	vst v38;
	v38 =	vld.idx.msk [tilespmem:v52+s20+$0x0], $0xffff  }
0x181: {  	v52 =	vmul.f32 v50, v50;
	v59 =	vor.u32 s17, v3;
	v0 =	vadd.f32 v45, v0  }
0x182: {  	v42 =	vld.idx.msk [tilespmem:v42+s16+$0x0], $0xffff  }
0x183: {  	v10 =	vor.u32 s13, v2;
	v48 =	vmul.f32 v47, v47;
	v0 =	vadd.f32 v52, v0  }
0x184: {  	v45 =	vld.idx.msk [tilespmem:v46+s18+$0x0], $0xffff  }
0x185: {  	s19 =	spop (v2sf);
	v9 =	vor.u32 s15, v2;
	v52 =	vmul.f32 v38, v38;
	v0 =	vadd.f32 v48, v0  }
0x186: {  	p0 =	sgt.s32 s19, $0x7BFFF;
	s13 =	simm.s32 $0x40;
	v59 =	vld.idx.msk [tilespmem:v59+s20+$0x0], $0xffff  }
0x187: {  	s26 =	spop (v2sf);
	s19 =	sor.u32 $0x480, s12;
	s13 =	simm.s32 @!p0 $0x0;
	v46 =	vmul.f32 v42, v42;
	v48 =	vor.u32 s17, v2;
	v0 =	vadd.f32 v52, v0  }
0x188: {  	p0 =	sgt.s32 s26, $0x7BFFF;
	s13 =	sor.u32 s19, s13;
	s15 =	simm.s32 $0x40;
	[tilespmem:$0x1FF50] =	vst v42;
	v42 =	vld.idx.msk [tilespmem:v10+s16+$0x0], $0xffff  }
0x189: {  	s26 =	spop (v2sf);
	s15 =	simm.s32 @!p0 $0x0;
	v10 =	vor.u32 s13, v54;
	v52 =	vmul.f32 v45, v45;
	v0 =	vadd.f32 v46, v0  }
0x18a: {  	p0 =	sgt.s32 s26, $0x7BFFF;
	s15 =	sor.u32 s19, s15;
	s17 =	simm.s32 $0x40;
	[tilespmem:$0x1FF60] =	vst v45;
	v45 =	vld.idx.msk [tilespmem:v9+s18+$0x0], $0xffff  }
0x18b: {  	s17 =	simm.s32 @!p0 $0x0;
	[tilespmem:$0x1FF70] =	vst v59;
	v59 =	vmul.f32 v59, v59;
	v46 =	vor.u32 s15, v54;
	v0 =	vadd.f32 v52, v0  }
0x18c: {  	(v2sf) =	vpush v7, $0xA;
	s17 =	sor.u32 s19, s17;
	v48 =	vld.idx.msk [tilespmem:v48+s20+$0x0], $0xffff  }
0x18d: {  	v11 =	vor.u32 s17, v54;
	v52 =	vmul.f32 v42, v42;
	v0 =	vadd.f32 v59, v0  }
0x18e: {  	[tilespmem:$0x1FF80] =	vst v42;
	v42 =	vld.idx.msk [tilespmem:v10+s16+$0x0], $0xffff  }
0x18f: {  	v10 =	vor.u32 s13, v4;
	v59 =	vmul.f32 v45, v45;
	v0 =	vadd.f32 v52, v0  }
0x190: {  	(v2sf) =	vpush v6, $0xA;
	[tilespmem:$0x1FF90] =	vst v45;
	v45 =	vld.idx.msk [tilespmem:v46+s18+$0x0], $0xffff  }
0x191: {  	[tilespmem:$0x1FFA0] =	vst v48;
	v48 =	vmul.f32 v48, v48;
	v52 =	vor.u32 s15, v4;
	v0 =	vadd.f32 v59, v0  }
0x192: {  	(v2sf) =	vpush v5, $0xA;
	v59 =	vld.idx.msk [tilespmem:v11+s20+$0x0], $0xffff  }
0x193: {  	v46 =	vmul.f32 v42, v42;
	v11 =	vor.u32 s17, v4;
	v0 =	vadd.f32 v48, v0  }
0x194: {  	v48 =	vld.idx.msk [tilespmem:v10+s16+$0x0], $0xffff  }
0x195: {  	[tilespmem:$0x1FFC0] =	vst v45;
	v45 =	vmul.f32 v45, v45;
	v0 =	vadd.f32 v46, v0;
	v46 =	vor.u32 s13, v3  }
0x196: {  	[tilespmem:$0x1FF40] =	vst v38;
	v52 =	vld.idx.msk [tilespmem:v52+s18+$0x0], $0xffff  }
0x197: {  	v38 =	vor.u32 s15, v3;
	[tilespmem:$0x1FFE0] =	vst v59;
	v59 =	vmul.f32 v59, v59;
	v0 =	vadd.f32 v45, v0  }
0x198: {  	v12 =	vmul.f32 v12, v1;
	v1 =	vld.idx.msk [tilespmem:v11+s20+$0x0], $0xffff  }
0x199: {  	v11 =	vor.u32 s17, v3;
	[tilespmem:$0x1FFD0] =	vst v48;
	v48 =	vmul.f32 v48, v48;
	v0 =	vadd.f32 v59, v0  }
0x19a: {  	v12 =	vmul.f32 v13, v12;
	v59 =	vmul.f32 v16, v14;
	v46 =	vld.idx.msk [tilespmem:v46+s16+$0x0], $0xffff  }
0x19b: {  	[tilespmem:$0x1FFB0] =	vst v42;
	v42 =	vor.u32 s13, v2;
	v16 =	vmul.f32 v52, v52;
	v0 =	vadd.f32 v48, v0  }
0x19c: {  	s19 =	spop (v2sf);
	v38 =	vld.idx.msk [tilespmem:v38+s18+$0x0], $0xffff;
	v45 =	vmul.f32 v19, v17;
	v13 =	vmul.f32 v15, v59  }
0x19d: {  	p0 =	sgt.s32 s19, $0x7BFFF;
	s13 =	simm.s32 $0x40;
	v48 =	vmul.f32 v1, v1;
	v59 =	vor.u32 s15, v2;
	v0 =	vadd.f32 v16, v0  }
0x19e: {  	s19 =	sor.u32 $0x500, s12;
	s13 =	simm.s32 @!p0 $0x0;
	v14 =	vmul.f32 v18, v45;
	v18 =	vmul.f32 v24, v20;
	v45 =	vld.idx.msk [tilespmem:v11+s20+$0x0], $0xffff  }
0x19f: {  	s13 =	sor.u32 s19, s13;
	v11 =	vor.u32 s17, v2;
	v0 =	vadd.f32 v48, v0;
	v19 =	vmul.f32 v46, v46  }
0x1a0: {  	v10 =	vor.u32 s13, v54;
	v48 =	vld.idx.msk [tilespmem:v42+s16+$0x0], $0xffff  }
0x1a1: {  	s26 =	spop (v2sf);
	v24 =	vmul.f32 v38, v38;
	v20 =	vmul.f32 v21, v18;
	v0 =	vadd.f32 v19, v0  }
0x1a2: {  	p0 =	sgt.s32 s26, $0x7BFFF;
	s26 =	spop (v2sf);
	v21 =	vmul.f32 v30, v25;
	s15 =	simm.s32 $0x40;
	v30 =	vmul.f32 v40, v29;
	v40 =	vld.idx.msk [tilespmem:v59+s18+$0x0], $0xffff  }
0x1a3: {  	s15 =	simm.s32 @!p0 $0x0;
	p0 =	sgt.s32 s26, $0x7BFFF;
	s26 =	simm.s32 $0x40;
	v59 =	vmul.f32 v45, v45;
	v0 =	vadd.f32 v24, v0  }
0x1a4: {  	s26 =	simm.s32 @!p0 $0x0;
	v42 =	vld.idx.msk [tilespmem:v11+s20+$0x0], $0xffff  }
0x1a5: {  	s17 =	sor.u32 s19, s15;
	s15 =	sor.u32 s19, s26;
	v24 =	vmul.f32 v27, v30;
	v27 =	vmul.f32 v48, v48;
	v0 =	vadd.f32 v59, v0  }
0x1a6: {  	v30 =	vld.idx.msk [tilespmem:v10+s16+$0x0], $0xffff;
	v59 =	vor.u32 s15, v54  }
0x1a7: {  	[tilespmem:$0x1FFF0] =	vst v1;
	v1 =	vld [tilespmem:$0x1FBC0];
	v19 =	vmul.f32 v40, v40;
	v0 =	vadd.f32 v27, v0;
	_ =	sdelay $0x1  }
0x1a8: {  	v18 =	vmul.f32 v28, v22;
	v22 =	vmul.f32 v42, v42;
	v0 =	vadd.f32 v19, v0;
	_ =	sdelay $0x1  }
0x1a9: {  	v29 =	vld.idx.msk [tilespmem:v59+s20+$0x0], $0xffff;
	v59 =	vmul.f32 v30, v30;
	v0 =	vadd.f32 v22, v0  }
0x1aa: {  	v28 =	vmul.f32 v1, v62;
	v1 =	vld [tilespmem:$0x1FBE0]  }
0x1ab: {  	v12 =	vadd.f32 $0.0e+00, v12;
	v8 =	vadd.f32 v59, v0;
	v0 =	vld [tilespmem:$0x1FBD0];
	_ =	sdelay $0x1  }
0x1ac: {  	v58 =	vmul.f32 v61, v58;
	v12 =	vadd.f32 v13, v12;
	v25 =	vmul.f32 v23, v21;
	_ =	sdelay $0x1  }
0x1ad: {  	v61 =	vmul.f32 v60, v58;
	v12 =	vadd.f32 v14, v12;
	v25 =	vadd.f32 $0.0e+00, v25  }
0x1ae: {  	v13 =	vmul.f32 v26, v18;
	v58 =	vmul.f32 v1, v0;
	v0 =	vld [tilespmem:$0x1FBF0]  }
0x1af: {  	v21 =	vmul.f32 v56, v55;
	v20 =	vadd.f32 v20, v12;
	v12 =	vadd.f32 v24, v25;
	_ =	sdelay $0x1  }
0x1b0: {  	v14 =	vmul.f32 v57, v21;
	v12 =	vadd.f32 v13, v12  }
0x1b1: {  	v1 =	vld [tilespmem:$0x1FC10]  }
0x1b2: {  	v9 =	vadd.f32 v14, v12;
	v14 =	vmul.f32 v0, v58;
	v0 =	vld [tilespmem:$0x1FC00];
	_ =	sdelay $0x4  }
0x1b3: {  	v57 =	vmul.f32 v63, v28;
	v63 =	vmul.f32 v1, v0;
	v0 =	vld [tilespmem:$0x1FC20];
	_ =	sdelay $0x3  }
0x1b4: {  	v1 =	vld [tilespmem:$0x1FC40]  }
0x1b5: {  	v13 =	vadd.f32 $0.0e+00, v61;
	v61 =	vmul.f32 v0, v63;
	v0 =	vld [tilespmem:$0x1FC30];
	_ =	sdelay $0x2  }
0x1b6: {  	v56 =	vor.u32 s13, v3;
	_ =	sdelay $0x1  }
0x1b7: {  	v62 =	vmul.f32 v1, v0;
	v0 =	vld [tilespmem:$0x1FC50];
	_ =	sdelay $0x1  }
0x1b8: {  	v16 =	vor.u32 s17, v54  }
0x1b9: {  	v28 =	vld.idx.msk [tilespmem:v56+s16+$0x0], $0xffff  }
0x1ba: {  	v1 =	vld [tilespmem:$0x1FC70]  }
0x1bb: {  	v56 =	vmul.f32 v0, v62;
	v0 =	vld [tilespmem:$0x1FC60]  }
0x1bc: {  	v10 =	vor.u32 s13, v4  }
0x1bd: {  	v23 =	vor.u32 s17, v4;
	v26 =	vld.idx.msk [tilespmem:v16+s18+$0x0], $0xffff  }
0x1be: {  	v60 =	vor.u32 s17, v3;
	_ =	sdelay $0x1  }
0x1bf: {  	v12 =	vadd.f32 v57, v13;
	v57 =	vmul.f32 v1, v0;
	v0 =	vld [tilespmem:$0x1FC80]  }
0x1c0: {  	v24 =	vld.idx.msk [tilespmem:v10+s16+$0x0], $0xffff  }
0x1c1: {  	v21 =	vld.idx.msk [tilespmem:v23+s18+$0x0], $0xffff;
	v55 =	vmul.f32 v26, v26  }
0x1c2: {  	v27 =	vld.idx.msk [tilespmem:v60+s18+$0x0], $0xffff  }
0x1c3: {  	v8 =	vadd.f32 v55, v8;
	v59 =	vmul.f32 v29, v29;
	v1 =	vld [tilespmem:$0x1FCA0]  }
0x1c4: {  	v60 =	vmul.f32 v0, v57;
	v0 =	vld [tilespmem:$0x1FC90]  }
0x1c5: {  	v25 =	vmul.f32 v24, v24;
	v8 =	vadd.f32 v59, v8  }
0x1c6: {  	(v2sf) =	vpush v7, $0xB;
	v11 =	vor.u32 s15, v4  }
0x1c7: {  	v8 =	vadd.f32 v25, v8;
	v12 =	vadd.f32 v14, v12;
	v63 =	vmul.f32 v21, v21  }
0x1c8: {  	(v2sf) =	vpush v6, $0xB  }
0x1c9: {  	v10 =	vadd.f32 v63, v8;
	v8 =	vadd.f32 v61, v12;
	v61 =	vmul.f32 v1, v0;
	v0 =	vld [tilespmem:$0x1FCB0];
	_ =	sdelay $0x2  }
0x1ca: {  	v23 =	vld.idx.msk [tilespmem:v11+s20+$0x0], $0xffff  }
0x1cb: {  	v55 =	vor.u32 s15, v3;
	v1 =	vld [tilespmem:$0x1FCD0]  }
0x1cc: {  	v13 =	vmul.f32 v0, v61;
	v0 =	vld [tilespmem:$0x1FCC0];
	_ =	sdelay $0x1  }
0x1cd: {  	v22 =	vor.u32 s13, v2  }
0x1ce: {  	v59 =	vor.u32 s17, v2  }
0x1cf: {  	v25 =	vld.idx.msk [tilespmem:v55+s20+$0x0], $0xffff;
	v58 =	vmul.f32 v23, v23  }
0x1d0: {  	v55 =	vmul.f32 v1, v0;
	v0 =	vld [tilespmem:$0x1FCE0]  }
0x1d1: {  	v10 =	vadd.f32 v58, v10;
	v62 =	vmul.f32 v28, v28  }
0x1d2: {  	v22 =	vld.idx.msk [tilespmem:v22+s16+$0x0], $0xffff  }
0x1d3: {  	s19 =	spop (v2sf);
	v17 =	vld.idx.msk [tilespmem:v59+s18+$0x0], $0xffff;
	v14 =	vadd.f32 $0.0e+00, v56;
	v10 =	vadd.f32 v62, v10;
	v56 =	vmul.f32 v27, v27  }
0x1d4: {  	p0 =	sgt.s32 s19, $0x7BFFF;
	s13 =	simm.s32 $0x40;
	v1 =	vld [tilespmem:$0x1FD00]  }
0x1d5: {  	s26 =	spop (v2sf);
	s19 =	sor.u32 $0x580, s12;
	s13 =	simm.s32 @!p0 $0x0;
	v59 =	vmul.f32 v25, v25;
	v10 =	vadd.f32 v56, v10;
	v16 =	vmul.f32 v0, v55;
	v0 =	vld [tilespmem:$0x1FCF0]  }
0x1d6: {  	p0 =	sgt.s32 s26, $0x7BFFF;
	s17 =	simm.s32 $0x40;
	v63 =	vor.u32 s15, v2;
	s15 =	sor.u32 s19, s13  }
0x1d7: {  	s17 =	simm.s32 @!p0 $0x0;
	v62 =	vmul.f32 v22, v22;
	v10 =	vadd.f32 v59, v10;
	v57 =	vor.u32 s15, v54  }
0x1d8: {  	s17 =	sor.u32 s19, s17  }
0x1d9: {  	v10 =	vadd.f32 v62, v10;
	v62 =	vld [tilespmem:$0x1FD80];
	v12 =	vadd.f32 v60, v14;
	v60 =	vor.u32 s17, v54  }
0x1da: {  	v58 =	vmul.f32 v1, v0;
	v0 =	vld [tilespmem:$0x1FD10]  }
0x1db: {  	v14 =	vld.idx.msk [tilespmem:v63+s20+$0x0], $0xffff  }
0x1dc: {  	v19 =	vld.idx.msk [tilespmem:v57+s16+$0x0], $0xffff  }
0x1dd: {  	v57 =	vld [tilespmem:$0x1FD50]  }
0x1de: {  	v56 =	vmul.f32 v17, v17;
	v15 =	vld.idx.msk [tilespmem:v60+s18+$0x0], $0xffff  }
0x1df: {  	v61 =	vmul.f32 v0, v58;
	v58 =	vld [tilespmem:$0x1FD60]  }
0x1e0: {  	v10 =	vadd.f32 v56, v10;
	v59 =	vmul.f32 v14, v14;
	v60 =	vld [tilespmem:$0x1FDB0]  }
0x1e1: {  	v55 =	vadd.f32 $0.0e+00, v61;
	v61 =	vld [tilespmem:$0x1FD70]  }
0x1e2: {  	v10 =	vadd.f32 v59, v10;
	v59 =	vld [tilespmem:$0x1FDA0];
	v12 =	vadd.f32 v13, v12  }
0x1e3: {  	v1 =	vld [tilespmem:$0x1FD30]  }
0x1e4: {  	v16 =	vadd.f32 v16, v12;
	v12 =	vmul.f32 v58, v57;
	v57 =	vld [tilespmem:$0x1FD90]  }
0x1e5: {  	v0 =	vld [tilespmem:$0x1FD20]  }
0x1e6: {  	v12 =	vmul.f32 v61, v12;
	v61 =	vld [tilespmem:$0x1FDC0]  }
0x1e7: {  	v63 =	vld [tilespmem:$0x1FD40]  }
0x1e8: {  	v56 =	vld [tilespmem:$0x1FDD0]  }
0x1e9: {  	v58 =	vmul.f32 v57, v62  }
0x1ea: {  	v11 =	vmul.f32 v19, v19;
	v0 =	vmul.f32 v1, v0  }
0x1eb: {  	v62 =	vmul.f32 v59, v58;
	v58 =	vmul.f32 v61, v60  }
0x1ec: {  	v0 =	vmul.f32 v63, v0;
	v57 =	vld [tilespmem:$0x1FDE0]  }
0x1ed: {  	v10 =	vadd.f32 v11, v10;
	v59 =	vmul.f32 v15, v15;
	v60 =	vmul.f32 v56, v58;
	v58 =	vld [tilespmem:$0x1FDF0]  }
0x1ee: {  	v0 =	vadd.f32 v0, v55  }
0x1ef: {  	v10 =	vadd.f32 v59, v10;
	v59 =	vld [tilespmem:$0x1FE00]  }
0x1f0: {  	v0 =	vadd.f32 v12, v0  }
0x1f1: {  	v55 =	vld [tilespmem:$0x1FE10]  }
0x1f2: {  	v0 =	vadd.f32 v62, v0;
	v62 =	vld [tilespmem:$0x1FE20];
	v12 =	vmul.f32 v58, v57;
	_ =	sdelay $0x1  }
0x1f3: {  	v12 =	vmul.f32 v59, v12;
	v59 =	vld [tilespmem:$0x1FE30];
	_ =	sdelay $0x1  }
0x1f4: {  	v56 =	vld [tilespmem:$0x1FE50]  }
0x1f5: {  	v62 =	vmul.f32 v62, v55;
	v55 =	vld [tilespmem:$0x1FE40]  }
0x1f6: {  	(v2sf) =	vpush v5, $0xB  }
0x1f7: {  	v62 =	vmul.f32 v59, v62;
	v59 =	vld [tilespmem:$0x1FE60];
	_ =	sdelay $0x1  }
0x1f8: {  	v60 =	vadd.f32 $0.0e+00, v60  }
0x1f9: {  	v56 =	vmul.f32 v56, v55  }
0x1fa: {  	v60 =	vadd.f32 v12, v60;
	v12 =	vld [tilespmem:$0x1FE70]  }
0x1fb: {  	v56 =	vmul.f32 v59, v56;
	v59 =	vld [tilespmem:$0x1FE80];
	_ =	sdelay $0x3  }
0x1fc: {  	v60 =	vadd.f32 v62, v60;
	v62 =	vld [tilespmem:$0x1FEA0]  }
0x1fd: {  	v12 =	vmul.f32 v59, v12;
	v59 =	vld [tilespmem:$0x1FE90];
	_ =	sdelay $0x3  }
0x1fe: {  	s26 =	spop (v2sf)  }
0x1ff: {  	p0 =	sgt.s32 s26, $0x7BFFF;
	s13 =	simm.s32 $0x40;
	v62 =	vmul.f32 v62, v59;
	v59 =	vld [tilespmem:$0x1FEB0]  }
0x200: {  	s13 =	simm.s32 @!p0 $0x0  }
0x201: {  	s13 =	sor.u32 s19, s13  }
0x202: {  	v1 =	vor.u32 s13, v54  }
0x203: {  	v13 =	vor.u32 s15, v4  }
0x204: {  	(v2sf) =	vpush v7, $0xC;
	v53 =	vmul.f32 v53, v59;
	v59 =	vld [tilespmem:$0x1FEC0];
	_ =	sdelay $0x1  }
0x205: {  	(v2sf) =	vpush v6, $0xC;
	v63 =	vor.u32 s17, v4  }
0x206: {  	v18 =	vld.idx.msk [tilespmem:v1+s20+$0x0], $0xffff  }
0x207: {  	(xrf2) =	vadd.scan.msk.f32 $0xffff, v20;
	(v2sf) =	vpush v5, $0xC;
	v1 =	vor.u32 s13, v4;
	v61 =	vld.idx.msk [tilespmem:v13+s16+$0x0], $0xffff  }
0x208: {  	(xrf2) =	vadd.scan.msk.f32 $0xffff, v9;
	v9 =	vmul.f32 v59, v12;
	v12 =	vadd.f32 v56, v60;
	v60 =	vld [tilespmem:$0x1FED0]  }
0x209: {  	v13 =	vor.u32 s15, v3  }
0x20a: {  	v63 =	vld.idx.msk [tilespmem:v63+s18+$0x0], $0xffff  }
0x20b: {  	v11 =	vmul.f32 v18, v18;
	v58 =	vor.u32 s17, v3  }
0x20c: {  	v1 =	vld.idx.msk [tilespmem:v1+s20+$0x0], $0xffff;
	v57 =	vor.u32 s13, v3  }
0x20d: {  	v10 =	vadd.f32 v11, v10;
	v11 =	vmul.f32 v61, v61;
	v56 =	vmul.f32 v60, v62;
	v60 =	vld [tilespmem:$0x1FEE0]  }
0x20e: {  	v13 =	vld.idx.msk [tilespmem:v13+s16+$0x0], $0xffff;
	v55 =	vor.u32 s15, v2  }
0x20f: {  	v11 =	vadd.f32 v11, v10;
	v10 =	vmul.f32 v63, v63  }
0x210: {  	v58 =	vld.idx.msk [tilespmem:v58+s18+$0x0], $0xffff  }
0x211: {  	v20 =	vor.u32 s17, v2;
	v10 =	vadd.f32 v10, v11;
	v11 =	vmul.f32 v1, v1;
	v57 =	vld.idx.msk [tilespmem:v57+s20+$0x0], $0xffff  }
0x212: {  	v32 =	vmul.f32 v32, v35;
	s19 =	spop (v2sf);
	v53 =	vmul.f32 v60, v53;
	v60 =	vld [tilespmem:$0x1FEF0]  }
0x213: {  	p0 =	sgt.s32 s19, $0x7BFFF;
	v10 =	vadd.f32 v11, v10;
	v11 =	vmul.f32 v13, v13;
	s15 =	simm.s32 $0x40;
	v59 =	vld.idx.msk [tilespmem:v55+s16+$0x0], $0xffff;
	v55 =	vor.u32 s13, v2  }
0x214: {  	v37 =	vmul.f32 v33, v37;
	s26 =	spop (v2sf);
	s19 =	sor.u32 $0x600, s12;
	s15 =	simm.s32 @!p0 $0x0  }
0x215: {  	v36 =	vmul.f32 v36, v32;
	s17 =	simm.s32 $0x40;
	v10 =	vadd.f32 v11, v10;
	p0 =	sgt.s32 s26, $0x7BFFF;
	v11 =	vmul.f32 v58, v58;
	s13 =	sor.u32 s19, s15  }
0x216: {  	v33 =	vld.idx.msk [tilespmem:v20+s18+$0x0], $0xffff;
	s26 =	spop (v2sf);
	s17 =	simm.s32 @!p0 $0x0;
	v20 =	vor.u32 s13, v54;
	v9 =	vadd.f32 $0.0e+00, v9;
	v62 =	vmul.f32 v57, v57  }
0x217: {  	(xrf2) =	vadd.scan.msk.f32 $0xffff, v8;
	p0 =	sgt.s32 s26, $0x7BFFF;
	s17 =	sor.u32 s19, s17;
	v10 =	vadd.f32 v11, v10;
	s15 =	simm.s32 $0x40;
	v51 =	vmul.f32 v51, v60;
	v60 =	vmul.f32 v43, v37  }
0x218: {  	(xrf2) =	vadd.scan.msk.f32 $0xffff, v16;
	s15 =	simm.s32 @!p0 $0x0;
	v32 =	vld.idx.msk [tilespmem:v55+s20+$0x0], $0xffff;
	v55 =	vor.u32 s13, v4;
	v8 =	vadd.f32 v56, v9;
	v43 =	vor.u32 s17, v54  }
0x219: {  	s15 =	sor.u32 s19, s15;
	v10 =	vadd.f32 v62, v10;
	v62 =	vmul.f32 v59, v59;
	v9 =	vadd.f32 $0.0e+00, v60;
	v60 =	vld [tilespmem:$0x1FF00]  }
0x21a: {  	v31 =	vmul.f32 v31, v34;
	v16 =	vor.u32 s15, v54  }
0x21b: {  	vm0 =	vmmov $0x1;
	v34 =	vld.idx.msk [tilespmem:v20+s16+$0x0], $0xffff;
	v56 =	vmul.f32 v33, v33;
	v10 =	vadd.f32 v62, v10  }
0x21c: {  	vm14 =	vmmov $0x3;
	vm15 =	vmmov $0x7;
	(xrf2) =	vadd.scan.msk.f32 $0xffff, v0;
	v0 =	vmul.f32 v39, v31  }
0x21d: {  	v10 =	vadd.f32 v56, v10;
	v56 =	vmul.f32 v32, v32;
	v35 =	vld.idx.msk [tilespmem:v43+s18+$0x0], $0xffff;
	v43 =	vor.u32 s17, v4  }
0x21e: {  	v8 =	vadd.f32 v53, v8;
	v37 =	vld.idx.msk [tilespmem:v55+s16+$0x0], $0xffff;
	v55 =	vor.u32 s15, v4;
	v62 =	vmul.f32 v60, v51  }
0x21f: {  	v31 =	vor.u32 s13, v3;
	v9 =	vadd.f32 v36, v9;
	v36 =	vld.idx.msk [tilespmem:v16+s20+$0x0], $0xffff;
	v51, _, _ =	vpop (xrf2);
	v60 =	vadd.f32 v56, v10  }
0x220: {  	v53, _, _ =	vpop (xrf2);
	v20 =	vbroadcast v51, $0xF;
	v8 =	vadd.f32 v62, v8;
	v62 =	vmul.f32 v34, v34  }
0x221: {  	v0 =	vadd.f32 v0, v9;
	(xrf2) =	vadd.scan.msk.f32 $0xffff, v12;
	v51 =	vmul.f32 v41, v49;
	v11 =	vbroadcast v53, $0xF;
	v53, _, _ =	vpop (xrf2)  }
0x222: {  	v56 =	vbroadcast v53, $0xF;
	v39 =	vld.idx.msk [tilespmem:v43+s18+$0x0], $0xffff;
	v41, _, _ =	vpop (xrf2);
	v9 =	vadd.f32 v62, v60;
	v60 =	vmul.f32 v35, v35  }
0x223: {  	(v2sf) =	vpush v7, $0xD;
	v62 =	vmul.f32 v44, v51;
	v44 =	vbroadcast v41, $0xF;
	v41 =	vld.idx.msk [tilespmem:v55+s20+$0x0], $0xffff  }
0x224: {  	v43 =	vmul.f32 v36, v36;
	v11 =	vsel vm0, v20, v11;
	v55 =	vld [tilespmem:$0x1FF10];
	v9 =	vadd.f32 v60, v9  }
0x225: {  	vm4 =	vmmov $0xf;
	(v2sf) =	vpush v6, $0xD;
	v10 =	vsel vm14, v11, v56;
	v56 =	vld [tilespmem:$0x1FF20]  }
0x226: {  	v51 =	vmul.f32 v37, v37;
	v0 =	vadd.f32 v62, v0;
	v9 =	vadd.f32 v43, v9  }
0x227: {  	(v2sf) =	vpush v5, $0xD;
	(xrf2) =	vadd.scan.msk.f32 $0xffff, v8;
	v49, _, _ =	vpop (xrf2);
	v11 =	vor.u32 s17, v3;
	v8 =	vsel vm15, v10, v44;
	v43 =	vld.idx.msk [tilespmem:v31+s16+$0x0], $0xffff  }
0x228: {  	(xrf2) =	vadd.scan.msk.f32 $0xffff, v0;
	v0 =	vbroadcast v49, $0xF;
	v53 =	vmul.f32 v39, v39;
	v9 =	vadd.f32 v51, v9  }
0x229: {  	v10 =	vor.u32 s15, v3;
	v62 =	vmul.f32 v47, v50;
	v50 =	vmul.f32 v41, v41;
	v51 =	vld [tilespmem:$0x1FF30]  }
0x22a: {  	v0 =	vsel vm4, v8, v0;
	v8 =	vmul.f32 v56, v55;
	v56 =	vld [tilespmem:$0x1FF50];
	v9 =	vadd.f32 v53, v9  }
0x22b: {  	v20 =	vor.u32 s13, v2;
	v60, _, _ =	vpop (xrf2);
	v53 =	vld [tilespmem:$0x1FF40]  }
0x22c: {  	v49 =	vbroadcast v60, $0xF;
	v60 =	vld [tilespmem:$0x1FF60];
	v55 =	vmul.f32 v43, v43;
	v9 =	vadd.f32 v50, v9  }
0x22d: {  	v44 =	vld.idx.msk [tilespmem:v11+s18+$0x0], $0xffff  }
0x22e: {  	v9 =	vadd.f32 v55, v9;
	v55 =	vld [tilespmem:$0x1FF70]  }
0x22f: {  	v47 =	vld.idx.msk [tilespmem:v10+s20+$0x0], $0xffff;
	v8 =	vmul.f32 v51, v8  }
0x230: {  	v16 =	vor.u32 s17, v2  }
0x231: {  	v31 =	vld.idx.msk [tilespmem:v20+s16+$0x0], $0xffff;
	v12 =	vmul.f32 v53, v62;
	v62 =	vmul.f32 v60, v56;
	v8 =	vadd.f32 $0.0e+00, v8  }
0x232: {  	v53 =	vmul.f32 v44, v44  }
0x233: {  	v8 =	vadd.f32 v12, v8;
	v12 =	vmul.f32 v55, v62;
	v62 =	vld [tilespmem:$0x1FF80]  }
0x234: {  	vm5 =	vmmov $0x1f;
	s26 =	spop (v2sf);
	v10, _, _ =	vpop (xrf2);
	v60 =	vmul.f32 v47, v47;
	v9 =	vadd.f32 v53, v9;
	v55 =	vld [tilespmem:$0x1FF90]  }
0x235: {  	p0 =	sgt.s32 s26, $0x7BFFF;
	s13 =	simm.s32 $0x40;
	v0 =	vsel vm5, v0, v49;
	v50 =	vor.u32 s15, v2;
	v49 =	vld.idx.msk [tilespmem:v16+s18+$0x0], $0xffff;
	v10 =	vbroadcast v10, $0xF;
	v56, _, _ =	vpop (xrf2)  }
0x236: {  	s19 =	sor.u32 $0x680, s12;
	s13 =	simm.s32 @!p0 $0x0;
	s17 =	spop (v2sf);
	v16 =	vbroadcast v56, $0xF;
	v56 =	vmul.f32 v31, v31;
	v9 =	vadd.f32 v60, v9;
	v60 =	vld [tilespmem:$0x1FFA0]  }
0x237: {  	vm6 =	vmmov $0x3f;
	p0 =	sgt.s32 s17, $0x7BFFF;
	s13 =	sor.u32 s19, s13;
	s15 =	simm.s32 $0x40  }
0x238: {  	s26 =	spop (v2sf);
	s15 =	simm.s32 @!p0 $0x0;
	v0 =	vsel vm6, v0, v10;
	v10 =	vor.u32 s13, v54;
	v9 =	vadd.f32 v56, v9;
	v56 =	vld [tilespmem:$0x1FFC0]  }
0x239: {  	p0 =	sgt.s32 s26, $0x7BFFF;
	s26 =	simm.s32 $0x40;
	s15 =	sor.u32 s19, s15;
	v20 =	vmul.f32 v55, v62;
	v55 =	vld [tilespmem:$0x1FFB0]  }
0x23a: {  	vm7 =	vmmov $0x7f;
	s26 =	simm.s32 @!p0 $0x0;
	v50 =	vld.idx.msk [tilespmem:v50+s20+$0x0], $0xffff;
	v53 =	vor.u32 s15, v54  }
0x23b: {  	s26 =	sor.u32 s19, s26;
	v0 =	vsel vm7, v0, v16;
	v16 =	vmul.f32 v60, v20;
	v60 =	vld [tilespmem:$0x1FFD0]  }
0x23c: {  	v8 =	vadd.f32 v12, v8;
	v12 =	vor.u32 s26, v54  }
0x23d: {  	v46 =	vmul.f32 v38, v46;
	v51 =	vld.idx.msk [tilespmem:v10+s16+$0x0], $0xffff;
	v62 =	vmul.f32 v49, v49  }
0x23e: {  	(v2sf) =	vpush v7, $0xE;
	v20 =	vor.u32 s13, v4;
	v10 =	vmul.f32 v56, v55;
	v56 =	vld [tilespmem:$0x1FFE0]  }
0x23f: {  	v30 =	vmul.f32 v26, v30;
	(v2sf) =	vpush v6, $0xE;
	v11 =	vadd.f32 v62, v9;
	v9 =	vld.idx.msk [tilespmem:v53+s18+$0x0], $0xffff  }
0x240: {  	v62 =	vmul.f32 v50, v50;
	v53 =	vor.u32 s15, v4;
	v52 =	vmul.f32 v52, v60;
	v60 =	vld [tilespmem:$0x1FFF0]  }
0x241: {  	v45 =	vmul.f32 v45, v46;
	v29 =	vmul.f32 v29, v30;
	(v2sf) =	vpush v5, $0xE;
	v38 =	vld.idx.msk [tilespmem:v12+s20+$0x0], $0xffff  }
0x242: {  	v11 =	vadd.f32 v62, v11;
	v62 =	vmul.f32 v51, v51;
	v55 =	vor.u32 s26, v4  }
0x243: {  	v27 =	vmul.f32 v27, v28;
	v26 =	vld.idx.msk [tilespmem:v20+s16+$0x0], $0xffff;
	v10 =	vmul.f32 v56, v10  }
0x244: {  	v11 =	vadd.f32 v62, v11;
	v46 =	vmul.f32 v9, v9;
	v20 =	vor.u32 s13, v3  }
0x245: {  	v56 =	vmul.f32 v21, v24;
	v24 =	vld.idx.msk [tilespmem:v53+s18+$0x0], $0xffff;
	v52 =	vmul.f32 v60, v52;
	v10 =	vadd.f32 $0.0e+00, v10  }
0x246: {  	v62 =	vor.u32 s15, v3;
	v11 =	vadd.f32 v46, v11;
	v60 =	vmul.f32 v38, v38  }
0x247: {  	v29 =	vadd.f32 $0.0e+00, v29;
	v10 =	vadd.f32 v52, v10;
	v52 =	vmul.f32 v23, v56;
	v23 =	vld.idx.msk [tilespmem:v55+s20+$0x0], $0xffff  }
0x248: {  	v25 =	vmul.f32 v25, v27;
	v53 =	vmul.f32 v26, v26;
	v11 =	vadd.f32 v60, v11  }
0x249: {  	v17 =	vmul.f32 v17, v22;
	v21 =	vadd.f32 v16, v8;
	v8 =	vld.idx.msk [tilespmem:v20+s16+$0x0], $0xffff;
	v56 =	vor.u32 s26, v3  }
0x24a: {  	v55 =	vmul.f32 v40, v48;
	v60 =	vmul.f32 v24, v24;
	v11 =	vadd.f32 v53, v11  }
0x24b: {  	v14 =	vmul.f32 v14, v17;
	v15 =	vmul.f32 v15, v19;
	v22 =	vld.idx.msk [tilespmem:v62+s18+$0x0], $0xffff;
	v62 =	vor.u32 s13, v2  }
0x24c: {  	v40 =	vmul.f32 v42, v55;
	v11 =	vadd.f32 v60, v11;
	v42 =	vmul.f32 v23, v23  }
0x24d: {  	s17 =	spop (v2sf);
	(v2sf) =	vpush v7, $0xF;
	v10 =	vadd.f32 v45, v10;
	v45 =	vor.u32 s15, v2  }
0x24e: {  	v15 =	vmul.f32 v18, v15;
	p0 =	sgt.s32 s17, $0x7BFFF;
	s19 =	spop (v2sf);
	s13 =	simm.s32 $0x40;
	v48 =	vmul.f32 v8, v8;
	v46 =	vadd.f32 v42, v11;
	v11 =	vld.idx.msk [tilespmem:v56+s20+$0x0], $0xffff  }
0x24f: {  	v13 =	vmul.f32 v58, v13;
	s17 =	sor.u32 $0x700, s12;
	s13 =	simm.s32 @!p0 $0x0;
	p0 =	sgt.s32 s19, $0x7BFFF;
	v16 =	vadd.f32 v52, v29;
	v52 =	vor.u32 s26, v2  }
0x250: {  	s19 =	sor.u32 s17, s13;
	v53 =	vmul.f32 v22, v22;
	v12 =	vld.idx.msk [tilespmem:v62+s16+$0x0], $0xffff;
	s15 =	simm.s32 $0x40;
	s26 =	spop (v2sf);
	v17 =	vadd.f32 v40, v10;
	v10 =	vadd.f32 v48, v46  }
0x251: {  	(v2sf) =	vpush v6, $0xF;
	v9 =	vmul.f32 v9, v51;
	v55 =	vor.u32 s19, v54;
	s15 =	simm.s32 @!p0 $0x0;
	p0 =	sgt.s32 s26, $0x7BFFF;
	s26 =	simm.s32 $0x40  }
0x252: {  	v13 =	vmul.f32 v57, v13;
	v16 =	vadd.f32 v25, v16;
	s13 =	sor.u32 s17, s15;
	s26 =	simm.s32 @!p0 $0x0;
	v7 =	vadd.f32 v53, v10;
	v10 =	vld.idx.msk [tilespmem:v45+s18+$0x0], $0xffff  }
0x253: {  	v9 =	vmul.f32 v38, v9;
	v60 =	vor.u32 s13, v54;
	s15 =	sor.u32 s17, s26;
	v58 =	vmul.f32 v11, v11  }
0x254: {  	v24 =	vmul.f32 v24, v26;
	v14 =	vadd.f32 v14, v16;
	v62 =	vor.u32 s15, v54;
	v16 =	vld.idx.msk [tilespmem:v52+s20+$0x0], $0xffff  }
0x255: {  	v56 =	vmul.f32 v63, v61;
	v61 =	vmul.f32 v12, v12;
	v7 =	vadd.f32 v58, v7  }
0x256: {  	(v2sf) =	vpush v5, $0xF;
	v63 =	vmul.f32 v33, v59;
	v33 =	vmul.f32 v35, v34;
	v6 =	vld.idx.msk [tilespmem:v55+s16+$0x0], $0xffff  }
0x257: {  	v35 =	vor.u32 s19, v4;
	v7 =	vadd.f32 v61, v7;
	v34 =	vmul.f32 v10, v10  }
0x258: {  	v15 =	vadd.f32 $0.0e+00, v15;
	v8 =	vmul.f32 v22, v8;
	v23 =	vmul.f32 v23, v24;
	v5 =	vld.idx.msk [tilespmem:v60+s18+$0x0], $0xffff  }
0x259: {  	v46 =	vor.u32 s13, v4;
	v45 =	vmul.f32 v16, v16;
	v7 =	vadd.f32 v34, v7  }
0x25a: {  	v9 =	vadd.f32 $0.0e+00, v9;
	v42 =	vmul.f32 v39, v37;
	v1 =	vmul.f32 v1, v56;
	v19 =	vld.idx.msk [tilespmem:v62+s20+$0x0], $0xffff  }
0x25b: {  	v53 =	vor.u32 s15, v4;
	v52 =	vmul.f32 v6, v6;
	v7 =	vadd.f32 v45, v7  }
0x25c: {  	s17 =	spop (v2sf);
	v38 =	vor.u32 s13, v2;
	v40 =	vmul.f32 v36, v33;
	v20 =	vmul.f32 v41, v42;
	v25 =	vld.idx.msk [tilespmem:v35+s16+$0x0], $0xffff  }
0x25d: {  	p0 =	sgt.s32 s17, $0x7BFFF;
	s17 =	simm.s32 $0x40;
	v58 =	vor.u32 s19, v3;
	v57 =	vmul.f32 v5, v5;
	v7 =	vadd.f32 v52, v7  }
0x25e: {  	s12 =	sor.u32 $0x780, s12;
	s17 =	simm.s32 @!p0 $0x0;
	v9 =	vadd.f32 v23, v9;
	v48 =	vmul.f32 v44, v43;
	v56 =	vmul.f32 v49, v31;
	v27 =	vld.idx.msk [tilespmem:v46+s18+$0x0], $0xffff  }
0x25f: {  	s17 =	sor.u32 s12, s17;
	v60 =	vmul.f32 v19, v19;
	v61 =	vor.u32 s13, v3;
	v7 =	vadd.f32 v57, v7  }
0x260: {  	v42 =	vor.u32 s17, v54;
	v1 =	vadd.f32 v1, v15;
	v15 =	vmul.f32 v32, v63;
	v29 =	vld.idx.msk [tilespmem:v53+s20+$0x0], $0xffff  }
0x261: {  	v63 =	vor.u32 s15, v3;
	v36 =	vmul.f32 v25, v25;
	v7 =	vadd.f32 v60, v7  }
0x262: {  	v55 =	vmul.f32 v47, v48;
	v1 =	vadd.f32 v13, v1;
	v13 =	vadd.f32 $0.0e+00, v40;
	v37 =	vld.idx.msk [tilespmem:v58+s16+$0x0], $0xffff  }
0x263: {  	s26 =	spop (v2sf);
	v62 =	vor.u32 s19, v2;
	v39 =	vmul.f32 v27, v27;
	v7 =	vadd.f32 v36, v7  }
0x264: {  	p0 =	sgt.s32 s26, $0x7BFFF;
	v59 =	vmul.f32 v50, v56;
	v40 =	vor.u32 s15, v2;
	s19 =	simm.s32 $0x40;
	v13 =	vadd.f32 v20, v13;
	v41 =	vld.idx.msk [tilespmem:v61+s18+$0x0], $0xffff  }
0x265: {  	v48 =	vor.u32 s17, v4;
	v28 =	vld.idx.msk [tilespmem:v42+s16+$0x0], $0xffff;
	s19 =	simm.s32 @!p0 $0x0;
	s26 =	spop (v2sf);
	v43 =	vmul.f32 v29, v29;
	v7 =	vadd.f32 v39, v7  }
0x266: {  	v8 =	vmul.f32 v11, v8;
	v32 =	vld.idx.msk [tilespmem:v63+s20+$0x0], $0xffff;
	v13 =	vadd.f32 v55, v13;
	v55 =	vor.u32 s17, v3;
	p0 =	sgt.s32 s26, $0x7BFFF;
	s26 =	sor.u32 s12, s19  }
0x267: {  	v20 =	vld.idx.msk [tilespmem:v38+s18+$0x0], $0xffff;
	s13 =	simm.s32 $0x40;
	v44 =	vor.u32 s26, v54;
	v47 =	vmul.f32 v37, v37;
	v7 =	vadd.f32 v43, v7  }
0x268: {  	v8 =	vadd.f32 v8, v9;
	v5 =	vmul.f32 v5, v6;
	s13 =	simm.s32 @!p0 $0x0;
	v50 =	vor.u32 s26, v4;
	v45 =	vld.idx.msk [tilespmem:v62+s16+$0x0], $0xffff  }
0x269: {  	v49 =	vld.idx.msk [tilespmem:v40+s20+$0x0], $0xffff;
	v63 =	vor.u32 s26, v2;
	s12 =	sor.u32 s12, s13;
	v51 =	vmul.f32 v41, v41;
	v7 =	vadd.f32 v47, v7  }
0x26a: {  	v13 =	vadd.f32 v59, v13;
	v59 =	vld.idx.msk [tilespmem:v48+s16+$0x0], $0xffff;
	v46 =	vor.u32 s12, v54;
	v4 =	vor.u32 s12, v4  }
0x26b: {  	v56 =	vmul.f32 v32, v32;
	v52 =	vmul.f32 v10, v12;
	v12 =	vld.idx.msk [tilespmem:v55+s16+$0x0], $0xffff;
	v7 =	vadd.f32 v51, v7  }
0x26c: {  	v1 =	vadd.f32 v15, v1;
	v5 =	vmul.f32 v19, v5;
	v53 =	vld.idx.msk [tilespmem:v44+s18+$0x0], $0xffff;
	v57 =	vor.u32 s26, v3  }
0x26d: {  	v62 =	vor.u32 s17, v2;
	v61 =	vld.idx.msk [tilespmem:v50+s18+$0x0], $0xffff;
	v60 =	vmul.f32 v45, v45;
	v7 =	vadd.f32 v56, v7  }
0x26e: {  	(xrf2) =	vadd.scan.msk.f32 $0xffff, v21;
	v58 =	vmul.f32 v27, v25;
	v3 =	vor.u32 s12, v3;
	v9 =	vmul.f32 v16, v52;
	v16 =	vld.idx.msk [tilespmem:v63+s18+$0x0], $0xffff  }
0x26f: {  	(xrf2) =	vadd.scan.msk.f32 $0xffff, v17;
	v5 =	vadd.f32 $0.0e+00, v5;
	v27 =	vmul.f32 v20, v20;
	v24 =	vld.idx.msk [tilespmem:v46+s20+$0x0], $0xffff;
	v7 =	vadd.f32 v60, v7  }
0x270: {  	(xrf2) =	vadd.scan.msk.f32 $0xffff, v14;
	v6 =	vmul.f32 v29, v58;
	v2 =	vor.u32 s12, v2;
	v33 =	vmul.f32 v49, v49;
	v4 =	vld.idx.msk [tilespmem:v4+s20+$0x0], $0xffff  }
0x271: {  	v29 =	vmul.f32 v41, v37;
	v37 =	vmul.f32 v20, v45;
	v31 =	vld.idx.msk [tilespmem:v57+s18+$0x0], $0xffff;
	v7 =	vadd.f32 v27, v7  }
0x272: {  	v38 =	vmul.f32 v28, v28;
	v5 =	vadd.f32 v6, v5;
	v36 =	vld.idx.msk [tilespmem:v62+s16+$0x0], $0xffff;
	v35 =	vmul.f32 v53, v28  }
0x273: {  	v34 =	vmul.f32 v32, v29;
	v11 =	vmul.f32 v49, v37;
	v3 =	vld.idx.msk [tilespmem:v3+s20+$0x0], $0xffff;
	v7 =	vadd.f32 v33, v7  }
0x274: {  	(xrf2) =	vadd.scan.msk.f32 $0xffff, v1;
	v8 =	vadd.f32 v9, v8;
	v40 =	vmul.f32 v61, v59;
	v39 =	vmul.f32 v24, v35  }
0x275: {  	v2 =	vld.idx.msk [tilespmem:v2+s20+$0x0], $0xffff;
	v41 =	vmul.f32 v53, v53;
	v1 =	vadd.f32 v34, v5;
	v7 =	vadd.f32 v38, v7  }
0x276: {  	(xrf2) =	vadd.scan.msk.f32 $0xffff, v13;
	v6 =	vmul.f32 v4, v40;
	v5 =	vadd.f32 $0.0e+00, v39;
	v42 =	vmul.f32 v31, v12  }
0x277: {  	v1 =	vadd.f32 v11, v1;
	v43 =	vmul.f32 v24, v24;
	v7 =	vadd.f32 v41, v7  }
0x278: {  	v44, _, _ =	vpop (xrf2);
	(xrf2) =	vadd.scan.msk.f32 $0xffff, v8;
	v46 =	vmul.f32 v16, v36;
	v5 =	vadd.f32 v6, v5;
	v45 =	vmul.f32 v3, v42  }
0x279: {  	v48 =	vmul.f32 v59, v59;
	v7 =	vadd.f32 v43, v7  }
0x27a: {  	vm8 =	vmmov $0xff;
	v49, _, _ =	vpop (xrf2);
	(xrf2) =	vadd.scan.msk.f32 $0xffff, v1;
	v50 =	vmul.f32 v2, v46;
	v1 =	vadd.f32 v45, v5  }
0x27b: {  	vm9 =	vmmov $0x1ff;
	v53 =	vmul.f32 v61, v61;
	v7 =	vadd.f32 v48, v7  }
0x27c: {  	vm10 =	vmmov $0x3ff;
	v47 =	vbroadcast v44, $0xF;
	v1 =	vadd.f32 v50, v1  }
0x27d: {  	v52, _, _ =	vpop (xrf2);
	v4 =	vmul.f32 v4, v4;
	v51 =	vbroadcast v49, $0xF;
	v5 =	vadd.f32 v53, v7  }
0x27e: {  	v58 =	vmul.f32 v12, v12;
	v55 =	vbroadcast v52, $0xF;
	v0 =	vsel vm8, v0, v47;
	v56, _, _ =	vpop (xrf2);
	(xrf2) =	vadd.scan.msk.f32 $0xffff, v1  }
0x27f: {  	v0 =	vsel vm9, v0, v51;
	v1 =	vbroadcast v56, $0xF;
	v4 =	vadd.f32 v4, v5  }
0x280: {  	vm11 =	vmmov $0x7ff;
	v0 =	vsel vm10, v0, v55;
	v57, _, _ =	vpop (xrf2);
	v60 =	vmul.f32 v31, v31  }
0x281: {  	v0 =	vsel vm11, v0, v1;
	v1 =	vbroadcast v57, $0xF;
	v4 =	vadd.f32 v58, v4  }
0x282: {  	vm12 =	vmmov $0xfff;
	v3 =	vmul.f32 v3, v3;
	v59, _, _ =	vpop (xrf2)  }
0x283: {  	v0 =	vsel vm12, v0, v1;
	v1 =	vbroadcast v59, $0xF;
	v4 =	vadd.f32 v60, v4  }
0x284: {  	vm13 =	vmmov $0x1fff;
	v62 =	vmul.f32 v36, v36;
	v61, _, _ =	vpop (xrf2)  }
0x285: {  	v0 =	vsel vm13, v0, v1;
	v1 =	vbroadcast v61, $0xF;
	v3 =	vadd.f32 v3, v4  }
0x286: {  	s31 =	sadd.s32 $0x40, s31;
	vm14 =	vmmov $0x3fff  }
0x287: {  	p0 =	sne.s32 s31, $0x800;
	v0 =	vsel vm14, v0, v1;
	v1 =	vadd.f32 v62, v3;
	v3 =	vmul.f32 v16, v16  }
.Ltmp3:
0x288: {  	vm15 =	vmmov $0x7fff;
	v63, _, _ =	vpop (xrf2);
	(pc) =	sbr.rel @!p0 .LBB2_11-.Ltmp3, $4  }
0x289: {  	v2 =	vmul.f32 v2, v2;
	v0 =	vsel vm15, v0, v63;
	v1 =	vadd.f32 v3, v1  }
0x28a: {  	v3 =	vsub.f32 $0.0e+00, v0  }
0x28b: {  	v0 =	vadd.f32 v2, v1  }
0x28c: {  	s0 =	sadd.s32 $0x1, s0;
	s30 =	sadd.s32 $0x10, s30;
	[tilespmem:s3+$0x18C00] =	vst v3  }
.LBB2_2:
0x28d: {  	s3 =	sand.u32 $0x7, s0  }
0x28e: {  	p0 =	sne.s32 s3, $0x0  }
.Ltmp4:
0x28f: {  	_ = 	snop;
	(pc) =	sbr.rel @p0 .LBB2_10-.Ltmp4, $1  }
0x290: {  	_ =	sdelay $0x3  }
0x291: {  	p1 =	sgt.u32 s0, $0x17  }
.Ltmp5:
0x292: {  	_ = 	snop;
	(pc) =	sbr.rel @p1 .LBB2_7-.Ltmp5, $3  }
0x293: {  	_ =	sdelay $0x1  }
0x294: {  	s3 =	sand.u32 $0x8, s0  }
0x295: {  	p0 =	sne.s32 s3, $0x0  }
.Ltmp6:
0x296: {  	(pc) =	sbr.rel @p0 .LBB2_6-.Ltmp6, $1  }
0x297: {  	_ =	sdelay $0x3  }
0x298: {  	s12 =	sshra.s32 s31, $0x2  }
0x299: {  	s13 =	sadd.s32 $0x680, s12  }
0x29a: {  	[tilespmem:s21], [sflag:$0x2] =	stream.indirect.gather [hbm4b:s1+s14], $0x80, s13, s14, $0xb8;
	[tilespmem:$0x18E80] =	vst v63  }
.Ltmp7:
0x29b: {  	_ = 	snop;
	(pc) =	sbr.rel .LBB2_8-.Ltmp7, $4  }
0x29c: {  	s26 =	sadd.s32 $0xA80, s12  }
0x29d: {  	[tilespmem:s22], [sflag:$0x2] =	stream.indirect.gather [hbm4b:s1+s14], $0x80, s26, s14, $0xb8;
	[tilespmem:$0x18E80] =	vst v63  }
0x29e: {  	s12 =	sadd.s32 $0x880, s12  }
0x29f: {  	[tilespmem:s23], [sflag:$0x2] =	stream.indirect.gather [hbm4b:s2+s14], $0x80, s12, s14, $0xb8;
	[tilespmem:$0x18E80] =	vst v63  }
.LBB2_7:
.Ltmp8:
0x2a0: {  	(pc) =	sbr.rel @p0 .LBB2_9-.Ltmp8, $1  }
0x2a1: {  	_ =	sdelay $0x3  }
.LBB2_8:
0x2a2: {  	_ =	swait.ge [sflag:s24], $0x4000  }
0x2a3: {  	[sflag:s24] =	ssyncset.done $0x0  }
0x2a4: {  	[sflag:s24] =	ssyncadd.s32 $0xFFFFC000  }
0x2a5: {  	p0 =	seq.s32 s3, $0x0;
	_ =	swait.ge [sflag:s24], $0x4000  }
.Ltmp9:
0x2a6: {  	[sflag:s24] =	ssyncset.done $0x0;
	(pc) =	sbr.rel @p0 .LBB2_10-.Ltmp9, $4  }
.Ltmp10:
0x2a7: {  	[sflag:s24] =	ssyncadd.s32 $0xFFFFC000;
	(pc) =	sbr.rel @!p0 .LBB2_9-.Ltmp10, $4  }
0x2a8: {  	_ =	swait.ge [sflag:s24], $0x4000  }
0x2a9: {  	[sflag:s24] =	ssyncset.done $0x0  }
0x2aa: {  	[sflag:s24] =	ssyncadd.s32 $0xFFFFC000  }
0x2ab: {  	_ = 	snop  }
.LBB2_12:
0x2ac: {  	_ =	sfence.sel $0x180000  }
0x2ad: {  	[bflag:$0x0] =	sbarrier.arrive $0xFFFF  }
0x2ae: {  	_ =	strace $0x90000047  }
0x2af: {  	s0 =	stileid.u32;
	[bflag:$0x2] =	sbarrier.arrive $0xFFFF  }
0x2b0: {  	p0 =	sne.s32 s0, $0x0;
	s0 =	rddreg [dreg:$0x7]  }
0x2b1: {  	s0 =	sadd.s32 @!p0 $0x100000, s0  }
0x2b2: {  	[sflag:s0] =	ssyncadd.tile.s32 @!p0 $0x1;
	_ =	shalt  }
.Lfunc_end2:
_tile_overlayer_lowered:
.L_overlay_start_2:
0x2b3: {  	(tag) =	ssettag $0x2  }
0x2b4: {  	s0 =	rddreg [dreg:$0x0];
	s2 =	stileid.u32  }
0x2b5: {  	s1 =	rddreg [dreg:$0x1];
	p0 =	sne.s32 s2, $0x0  }
0x2b6: {  	s3 =	rddreg [dreg:$0x2];
	[bflag:$0x3] =	sbarrier.arrive $0xFFFF;
	s2 =	simm.s32 @!p0 $0x1C03  }
0x2b7: {  	[timem:s3], [sflag:s2] =	dma.local @!p0 [hbm:s0], s1  }
0x2b8: {  	s0 =	simm.s32 @!p0 $0x3  }
0x2b9: {  	_ =	swait.ge @!p0 [sflag:s0], s1  }
0x2ba: {  	s1 =	ssub.s32 @!p0 $0x0, s1;
	[sflag:s0] =	ssyncset.done @!p0 $0x0  }
0x2bb: {  	[sflag:s0] =	ssyncadd.s32 @!p0 s1  }
0x2bc: {  	[bflag:$0x3] =	sbarrier.arrive $0xFFFF  }
0x2bd: {  	_ =	shalt  }

</sc_bundles>
